<compile_context>
chip_gen: v7x
topology: tpu7x:2x2x1
jax: 0.10.2.dev20260603
libtpu: 0.0.44.dev20260713+nightly
codegen_flags: <defaults>
</compile_context>

<pallas_src>
import functools

import jax
import jax.numpy as jnp
from jax import lax
from jax.experimental import pallas as pl
from jax.experimental.pallas import tpu as pltpu
from jax.experimental.pallas import tpu_sc as plsc

N = 10000
K = 16
E = 320000
D = 128

_NC = 2
_NS = 16
_NW = _NC * _NS
_L = 16

_INTERPRET_TC = False



def _sc_gather(table, idx):
    M = idx.shape[0]
    m = M // _NW
    C = 128
    nfull, rem = divmod(m, C)
    mesh = plsc.VectorSubcoreMesh(core_axis_name="c", subcore_axis_name="s")

    NB = 3
    assert nfull % NB == 0

    @functools.partial(
        pl.kernel,
        out_type=jax.ShapeDtypeStruct((M, D), jnp.float32),
        mesh=mesh,
        scratch_types=[
            [pltpu.VMEM((C,), jnp.int32)] * NB,
            pltpu.VMEM((max(rem, 8),), jnp.int32),
            [pltpu.VMEM((C, D), jnp.float32)] * NB,
            [pltpu.SemaphoreType.DMA] * NB,
        ],
    )
    def k(table_hbm, idx_hbm, out_hbm, idxs, idx_r, rows, sems):
        wid = lax.axis_index("s") * _NC + lax.axis_index("c")
        base = wid * m

        def load_start(c, j):
            pltpu.sync_copy(idx_hbm.at[pl.ds(base + c * C, C)], idxs[j])
            pltpu.async_copy(table_hbm.at[idxs[j]], rows[j], sems[j])

        def finish(c, j):
            pltpu.make_async_copy(table_hbm.at[idxs[j]], rows[j], sems[j]).wait()
            pltpu.sync_copy(rows[j], out_hbm.at[pl.ds(base + c * C, C)])

        for j in range(NB):
            load_start(j, j)

        def body(t, carry):
            for j in range(NB):
                finish(NB * t + j, j)
                load_start(NB * t + NB + j, j)
            return carry

        lax.fori_loop(0, nfull // NB - 1, body, 0)
        for j in range(NB):
            finish(nfull - NB + j, j)

        if rem:
            off = base + nfull * C
            pltpu.sync_copy(idx_hbm.at[pl.ds(off, rem)], idx_r)
            pltpu.async_copy(table_hbm.at[idx_r],
                             rows[0].at[pl.ds(0, rem)], sems[0]).wait()
            pltpu.sync_copy(rows[0].at[pl.ds(0, rem)], out_hbm.at[pl.ds(off, rem)])

    return k(table, idx)


def _sc_scatter(table, ei):
    d = D
    C = 128
    nchunks = E // C
    nfull = nchunks // _NW
    nextra = nchunks - nfull * _NW
    ZR = 128
    STEP, WIN = 624, 640
    mesh = plsc.VectorSubcoreMesh(core_axis_name="c", subcore_axis_name="s")

    NB = 2
    assert nfull % NB == 0
    assert E == nchunks * C

    @functools.partial(
        pl.kernel,
        out_type=jax.ShapeDtypeStruct((_NC, N, d), jnp.float32),
        mesh=mesh,
        scratch_types=[
            [pltpu.VMEM((2, C), jnp.int32)] * NB,
            [pltpu.VMEM((C, d), jnp.float32)] * NB,
            pltpu.VMEM_SHARED((N, d), jnp.float32),
            [pltpu.SemaphoreType.DMA] * NB,
        ],
    )
    def k(table_hbm, ei_hbm, out_hbm, eis, rows, agg_sh, sems):
        cid = lax.axis_index("c")
        sid = lax.axis_index("s")
        wid = sid * _NC + cid
        base = wid * (nfull * C)

        def zbody(i, carry):
            for j in range(d // _L):
                rows[0][i, pl.ds(j * _L, _L)] = jnp.zeros((_L,), jnp.float32)
            return carry

        lax.fori_loop(0, ZR, zbody, 0)
        for q in range(WIN // ZR):
            pltpu.sync_copy(rows[0], agg_sh.at[pl.ds(sid * STEP + q * ZR, ZR)])
        plsc.subcore_barrier()

        def load_start(c, j):
            off = base + c * C
            pltpu.sync_copy(ei_hbm.at[:, pl.ds(off, C)], eis[j])
            pltpu.async_copy(table_hbm.at[eis[j].at[0]], rows[j], sems[j])

        def finish(j):
            pltpu.make_async_copy(table_hbm.at[eis[j].at[0]], rows[j],
                                  sems[j]).wait()
            pltpu.sync_copy(rows[j], agg_sh.at[eis[j].at[1]], add=True)

        for j in range(NB):
            load_start(j, j)

        def body(t, carry):
            for j in range(NB):
                finish(j)
                load_start(NB * t + NB + j, j)
            return carry

        lax.fori_loop(0, nfull // NB - 1, body, 0)
        for j in range(NB):
            finish(j)

        @pl.when(wid < nextra)
        def _extra():
            off = (nfull * _NW + wid) * C
            pltpu.sync_copy(ei_hbm.at[:, pl.ds(off, C)], eis[0])
            pltpu.async_copy(table_hbm.at[eis[0].at[0]], rows[0],
                             sems[0]).wait()
            pltpu.sync_copy(rows[0], agg_sh.at[eis[0].at[1]], add=True)

        plsc.subcore_barrier()

        pltpu.sync_copy(agg_sh.at[pl.ds(sid * STEP, WIN)],
                        out_hbm.at[cid, pl.ds(sid * STEP, WIN)])

    return k(table, ei)


CW = 128


def _sc_gather_count(table, idx, dst):
    M = idx.shape[0]
    m = M // _NW
    C = 128
    gfull, grem = divmod(m, C)
    GW = (gfull + 1) // 2 * 2
    glast = gfull - 1
    e = E // _NW
    cfull, crem = divmod(e, C)
    assert cfull == 4 * ((GW - 2) // 2) + 2
    ZR = 128
    STEP, WIN = 624, 640
    mesh = plsc.VectorSubcoreMesh(core_axis_name="c", subcore_axis_name="s")

    @functools.partial(
        pl.kernel,
        out_type=(jax.ShapeDtypeStruct((M, D), jnp.float32),
                  jax.ShapeDtypeStruct((_NC, N, CW), jnp.float32)),
        mesh=mesh,
        scratch_types=[
            [pltpu.VMEM((C,), jnp.int32)] * 2,
            [pltpu.VMEM((C, D), jnp.float32)] * 2,
            [pltpu.VMEM((C,), jnp.int32)] * 2,
            pltpu.VMEM((max(crem, 8),), jnp.int32),
            pltpu.VMEM((max(grem, 8),), jnp.int32),
            pltpu.VMEM((C, CW), jnp.float32),
            pltpu.VMEM_SHARED((N, CW), jnp.float32),
            [pltpu.SemaphoreType.DMA] * 2,
            [pltpu.SemaphoreType.DMA] * 2,
        ],
    )
    def k(table_hbm, idx_hbm, dst_hbm, out_hbm, cnt_hbm,
          idxs, rows, dsts, dst_r, idx_r, ones_v, cnt_sh, gsems, csems):
        cid = lax.axis_index("c")
        sid = lax.axis_index("s")
        wid = sid * _NC + cid
        gbase = wid * m
        cbase = wid * e

        def zbody(i, carry):
            for j in range(D // _L):
                rows[0][i, pl.ds(j * _L, _L)] = jnp.zeros((_L,), jnp.float32)
            for j in range(CW // _L):
                ones_v[i, pl.ds(j * _L, _L)] = jnp.ones((_L,), jnp.float32)
            return carry

        lax.fori_loop(0, ZR, zbody, 0)
        for q in range(WIN // ZR):
            pltpu.sync_copy(rows[0], cnt_sh.at[pl.ds(sid * STEP + q * ZR, ZR)])
        plsc.subcore_barrier()

        def goff(c):
            return gbase + jnp.minimum(c, glast) * C

        def g_start(c, j):
            pltpu.sync_copy(idx_hbm.at[pl.ds(goff(c), C)], idxs[j])
            pltpu.async_copy(table_hbm.at[idxs[j]], rows[j], gsems[j])

        def g_finish(c, j):
            pltpu.make_async_copy(table_hbm.at[idxs[j]], rows[j],
                                  gsems[j]).wait()
            pltpu.sync_copy(rows[j], out_hbm.at[pl.ds(goff(c), C)])

        def c_start(c, j):
            pltpu.sync_copy(dst_hbm.at[pl.ds(cbase + c * C, C)], dsts[j])
            pltpu.async_copy(ones_v, cnt_sh.at[dsts[j]], csems[j], add=True)

        def c_wait(j):
            pltpu.make_async_copy(ones_v, cnt_sh.at[dsts[j]],
                                  csems[j]).wait()

        g_start(0, 0)
        g_start(1, 1)
        c_start(0, 0)
        c_start(1, 1)

        def body(t, carry):
            g_finish(2 * t, 0)
            g_start(2 * t + 2, 0)
            c_wait(0)
            c_start(4 * t + 2, 0)
            c_wait(1)
            c_start(4 * t + 3, 1)
            g_finish(2 * t + 1, 1)
            g_start(2 * t + 3, 1)
            c_wait(0)
            c_start(4 * t + 4, 0)
            c_wait(1)
            c_start(4 * t + 5, 1)
            return carry

        lax.fori_loop(0, (GW - 2) // 2, body, 0)
        g_finish(GW - 2, 0)
        g_finish(GW - 1, 1)
        c_wait(0)
        c_wait(1)

        if grem:
            off = gbase + gfull * C
            pltpu.sync_copy(idx_hbm.at[pl.ds(off, grem)], idx_r)
            pltpu.async_copy(table_hbm.at[idx_r],
                             rows[0].at[pl.ds(0, grem)], gsems[0]).wait()
            pltpu.sync_copy(rows[0].at[pl.ds(0, grem)],
                            out_hbm.at[pl.ds(off, grem)])
        if crem:
            off = cbase + cfull * C
            pltpu.sync_copy(dst_hbm.at[pl.ds(off, crem)], dst_r)
            pltpu.async_copy(ones_v.at[pl.ds(0, crem)],
                             cnt_sh.at[dst_r], csems[0], add=True).wait()
        plsc.subcore_barrier()

        pltpu.sync_copy(cnt_sh.at[pl.ds(sid * STEP, WIN)],
                        cnt_hbm.at[cid, pl.ds(sid * STEP, WIN)])

    return k(table, idx, dst)



_B = 512


def _row_grid():
    return (N + _B - 1) // _B


def _vspec(dl=D):
    return pl.BlockSpec((_B, dl), lambda i: (i, 0))


def _wspec(shape=(D, D)):
    return pl.BlockSpec(shape, lambda i: (0,) * len(shape))


def _dot(a, b):
    return jnp.dot(a, b, preferred_element_type=jnp.float32)


def _stage1(x, W1t, b1, W2t, b2, Wr1t):

    def body(x_ref, W1_ref, b1_ref, W2_ref, b2_ref, Wr_ref, h_ref, hr_ref):
        h = _dot(_dot(x_ref[...], W1_ref[...]) + b1_ref[...], W2_ref[...]) + b2_ref[...]
        h_ref[...] = h
        hr_ref[...] = _dot(h, Wr_ref[...])

    return pl.pallas_call(
        body,
        grid=(_row_grid(),),
        in_specs=[_vspec(), _wspec(), _wspec((1, D)), _wspec(), _wspec((1, D)),
                  _wspec()],
        out_specs=[_vspec(), _vspec()],
        out_shape=[jax.ShapeDtypeStruct((N, D), jnp.float32),
                   jax.ShapeDtypeStruct((N, D), jnp.float32)],
        interpret=_INTERPRET_TC,
    )(x, W1t, b1, W2t, b2, Wr1t)


def _z_block(ga_ref, k, dmax_ref, selfb, dc1w_ref, dc1b_ref, dc2w_ref, dc2b,
             Wh_ref, bh_ref):
    d = dmax_ref[k][:, None]
    hd = jax.nn.relu(d * dc1w_ref[...] + dc1b_ref[...])
    dm = _dot(hd, dc2w_ref[...]) + dc2b
    msg = jnp.concatenate([ga_ref[k] * dm, selfb], axis=1)
    return jax.nn.relu(_dot(msg, Wh_ref[...]) + bh_ref[...])


def _combine1(ga1, dmax_t, h, dc1w, dc1b, dc2w, dc2b, Wh1t, bh1):

    def body(ga_ref, dmax_ref, h_ref, dc1w_ref, dc1b_ref, dc2w_ref, dc2b_ref,
             Wh_ref, bh_ref, xp_ref):
        selfb = h_ref[...]
        acc = jnp.zeros((_B, D), jnp.float32)
        for k in range(K):
            acc = acc + _z_block(ga_ref, k, dmax_ref, selfb, dc1w_ref,
                                 dc1b_ref, dc2w_ref, dc2b_ref[0, 0],
                                 Wh_ref, bh_ref)
        xp_ref[...] = acc * (1.0 / K)

    return pl.pallas_call(
        body,
        grid=(_row_grid(),),
        in_specs=[pl.BlockSpec((K, _B, D), lambda i: (0, i, 0)),
                  pl.BlockSpec((K, _B), lambda i: (0, i)),
                  _vspec(),
                  _wspec((1, D)), _wspec((1, D)), _wspec((D, 1)),
                  pl.BlockSpec(memory_space=pltpu.SMEM),
                  _wspec((2 * D, D)), _wspec((1, D))],
        out_specs=[_vspec()],
        out_shape=[jax.ShapeDtypeStruct((N, D), jnp.float32)],
        interpret=_INTERPRET_TC,
    )(ga1, dmax_t, h, dc1w, dc1b, dc2w, dc2b, Wh1t, bh1)[0]


def _combine2(ga2, dmax_t, xp, dc1w, dc1b, dc2w, dc2b, Wh2t, bh2, wp, bp):

    def body(ga_ref, dmax_ref, xp_ref, dc1w_ref, dc1b_ref, dc2w_ref, dc2b_ref,
             Wh_ref, bh_ref, wp_ref, bp_ref, out_ref):
        selfb = xp_ref[...]
        cols = []
        for k in range(K):
            z = _z_block(ga_ref, k, dmax_ref, selfb, dc1w_ref, dc1b_ref,
                         dc2w_ref, dc2b_ref[0, 0], Wh_ref, bh_ref)
            cols.append(_dot(z, wp_ref[...]) + bp_ref[0, 0])
        pos = jnp.concatenate(cols, axis=1)
        nrm = jnp.sqrt(jnp.sum(pos * pos, axis=1, keepdims=True))
        out_ref[...] = pos / jnp.maximum(nrm, 1e-12)

    return pl.pallas_call(
        body,
        grid=(_row_grid(),),
        in_specs=[pl.BlockSpec((K, _B, D), lambda i: (0, i, 0)),
                  pl.BlockSpec((K, _B), lambda i: (0, i)),
                  _vspec(),
                  _wspec((1, D)), _wspec((1, D)), _wspec((D, 1)),
                  pl.BlockSpec(memory_space=pltpu.SMEM),
                  _wspec((2 * D, D)), _wspec((1, D)),
                  _wspec((D, 1)),
                  pl.BlockSpec(memory_space=pltpu.SMEM)],
        out_specs=[_vspec(K)],
        out_shape=[jax.ShapeDtypeStruct((N, K), jnp.float32)],
        interpret=_INTERPRET_TC,
    )(ga2, dmax_t, xp, dc1w, dc1b, dc2w, dc2b, Wh2t, bh2, wp, bp)[0]


def _sagefin1(parts, cparts, hr, Wl1t, bl1, Wr2t):

    def body(p_ref, c_ref, hr_ref, Wl_ref, bl_ref, Wr2_ref,
             xs_ref, xr2_ref, invc_ref):
        agg = p_ref[0] + p_ref[1]
        cnt = c_ref[0][:, :1] + c_ref[1][:, :1]
        inv = 1.0 / jnp.maximum(cnt, 1.0)
        mean = agg * inv
        xs = _dot(mean, Wl_ref[...]) + bl_ref[...] + hr_ref[...]
        xs_ref[...] = xs
        xr2_ref[...] = _dot(xs, Wr2_ref[...])
        invc_ref[...] = inv

    return pl.pallas_call(
        body,
        grid=(_row_grid(),),
        in_specs=[pl.BlockSpec((_NC, _B, D), lambda i: (0, i, 0)),
                  pl.BlockSpec((_NC, _B, CW), lambda i: (0, i, 0)),
                  _vspec(), _wspec(), _wspec((1, D)), _wspec()],
        out_specs=[_vspec(), _vspec(), _vspec(1)],
        out_shape=[jax.ShapeDtypeStruct((N, D), jnp.float32),
                   jax.ShapeDtypeStruct((N, D), jnp.float32),
                   jax.ShapeDtypeStruct((N, 1), jnp.float32)],
        interpret=_INTERPRET_TC,
    )(parts, cparts, hr, Wl1t, bl1, Wr2t)


def _sagefin2(parts, invc, xr2, Wl2t, bl2):
    def body(p_ref, invc_ref, xr2_ref, Wl_ref, bl_ref, out_ref):
        mean = (p_ref[0] + p_ref[1]) * invc_ref[...]
        v = _dot(mean, Wl_ref[...]) + bl_ref[...] + xr2_ref[...]
        nrm = jnp.sqrt(jnp.sum(v * v, axis=1, keepdims=True))
        out_ref[...] = v / jnp.maximum(nrm, 1e-12)

    return pl.pallas_call(
        body,
        grid=(_row_grid(),),
        in_specs=[pl.BlockSpec((_NC, _B, D), lambda i: (0, i, 0)),
                  _vspec(1), _vspec(), _wspec(), _wspec((1, D))],
        out_specs=[_vspec()],
        out_shape=[jax.ShapeDtypeStruct((N, D), jnp.float32)],
        interpret=_INTERPRET_TC,
    )(parts, invc, xr2, Wl2t, bl2)[0]



def kernel(x, edge_index, dists_max, dists_argmax, params):
    p = params
    c1, c2, s1, s2 = p['c1'], p['c2'], p['s1'], p['s2']

    def row(v):
        return v.reshape(1, -1)

    W1t, W2t = p['W1'].T, p['W2'].T

    dst = edge_index[1]
    idxT = dists_argmax.T.reshape(-1)
    dmax_t = dists_max.T

    h, hr = _stage1(x, W1t, row(p['b1']), W2t, row(p['b2']), s1['Wr'].T)

    parts1 = _sc_scatter(h, edge_index)
    ga1, cparts = _sc_gather_count(h, idxT, dst)
    ga1 = ga1.reshape(K, N, D)

    xp = _combine1(
        ga1, dmax_t, h,
        row(c1['dc1W'][:, 0]), row(c1['dc1b']), c1['dc2W'].T,
        c1['dc2b'].reshape(1, 1),
        c1['Wh'].T, row(c1['bh']))

    xs, xr2, invc = _sagefin1(parts1, cparts, hr, s1['Wl'].T, row(s1['bl']),
                              s2['Wr'].T)

    ga2 = _sc_gather(xp, idxT).reshape(K, N, D)
    xpos = _combine2(
        ga2, dmax_t, xp,
        row(c2['dc1W'][:, 0]), row(c2['dc1b']), c2['dc2W'].T,
        c2['dc2b'].reshape(1, 1),
        c2['Wh'].T, row(c2['bh']),
        c2['Wp'].T, c2['bp'].reshape(1, 1))

    parts2 = _sc_scatter(xs, edge_index)
    xsage = _sagefin2(parts2, invc, xr2, s2['Wl'].T, row(s2['bl']))

    return jnp.concatenate([xpos, xsage], axis=-1)

# --- scband reference (transcript-rebuilt; emitter-appended) ---
"""Pipeline reference for scband-pgnn-plus-64003602645179 (READ-ONLY COPY).

The authoritative reference and input builder live on the scoring server;
editing this copy changes nothing except your own understanding.
"""

import jax, jax.numpy as jnp
import numpy as np

N = 10000
K = 16
E = 320000
DIN = 128
DF = 128
DH = 128
DOUT = 128


def _lin(x, W, b=None):
    y = x @ W.T
    return y + b if b is not None else y


def _pgnn(feature, dists_max, dists_argmax, p):
    # trainable distance transform: Nonlinear(1, hidden, 1)
    d = dists_max[..., None]
    hd = jax.nn.relu(_lin(d, p['dc1W'], p['dc1b']))
    dm = _lin(hd, p['dc2W'], p['dc2b'])[..., 0]
    n, k = dists_argmax.shape
    f = feature.shape[1]
    subset = feature[dists_argmax.reshape(-1)].reshape(n, k, f)
    messages = subset * dm[..., None]
    self_feat = jnp.broadcast_to(feature[:, None, :], (n, k, f))
    messages = jnp.concatenate([messages, self_feat], axis=-1)
    messages = jax.nn.relu(_lin(messages, p['Wh'], p['bh']))
    out_pos = _lin(messages, p['Wp'], p['bp'])[..., 0]
    out_struct = jnp.mean(messages, axis=1)
    return out_pos, out_struct


def _sage(x, edge_index, p):
    # PyG SAGEConv with mean aggregation: lin_l(mean_{j in N(i)} x_j) + lin_r(x_i)
    src, dst = edge_index[0], edge_index[1]
    agg = jax.ops.segment_sum(x[src], dst, num_segments=x.shape[0])
    cnt = jax.ops.segment_sum(jnp.ones((src.shape[0],), x.dtype), dst, num_segments=x.shape[0])
    mean = agg / jnp.maximum(cnt, 1.0)[:, None]
    return _lin(mean, p['Wl'], p['bl']) + _lin(x, p['Wr'])


def _l2norm(x):
    return x / jnp.maximum(jnp.linalg.norm(x, axis=-1, keepdims=True), 1e-12)


def setup_inputs(seed: int = 0) -> dict:
    key = jax.random.key(seed)
    ks = jax.random.split(key, 20)

    def ini(i, shape):
        return jax.random.normal(ks[i], shape, jnp.float32) * 0.05

    x = jax.random.normal(ks[0], (N, DIN), jnp.float32)
    edge_index = jax.random.randint(ks[1], (2, E), 0, N)
    dists_max = jax.random.uniform(ks[2], (N, K), jnp.float32)
    dists_argmax = jax.random.randint(ks[3], (N, K), 0, N)
    params = {
        'W1': ini(4, (DF, DIN)), 'b1': jnp.zeros((DF,), jnp.float32),
        'W2': ini(5, (DH, DF)), 'b2': jnp.zeros((DH,), jnp.float32),
        'c1': {'dc1W': ini(6, (DH, 1)), 'dc1b': jnp.zeros((DH,), jnp.float32),
               'dc2W': ini(7, (1, DH)), 'dc2b': jnp.zeros((1,), jnp.float32),
               'Wh': ini(8, (DH, 2 * DH)), 'bh': jnp.zeros((DH,), jnp.float32),
               'Wp': ini(9, (1, DH)), 'bp': jnp.zeros((1,), jnp.float32)},
        's1': {'Wl': ini(10, (DH, DH)), 'bl': jnp.zeros((DH,), jnp.float32), 'Wr': ini(11, (DH, DH))},
        'c2': {'dc1W': ini(12, (DOUT, 1)), 'dc1b': jnp.zeros((DOUT,), jnp.float32),
               'dc2W': ini(13, (1, DOUT)), 'dc2b': jnp.zeros((1,), jnp.float32),
               'Wh': ini(14, (DOUT, 2 * DH)), 'bh': jnp.zeros((DOUT,), jnp.float32),
               'Wp': ini(15, (1, DOUT)), 'bp': jnp.zeros((1,), jnp.float32)},
        's2': {'Wl': ini(16, (DOUT, DH)), 'bl': jnp.zeros((DOUT,), jnp.float32), 'Wr': ini(17, (DOUT, DH))},
    }
    return {'x': x, 'edge_index': edge_index, 'dists_max': dists_max,
            'dists_argmax': dists_argmax, 'params': params}


def reference(x, edge_index, dists_max, dists_argmax, params):
    # feature_pre: two stacked linears (no activation between, as in torch code)
    h = _lin(_lin(x, params['W1'], params['b1']), params['W2'], params['b2'])
    x_position, x_p = _pgnn(h, dists_max, dists_argmax, params['c1'])
    x_sage = _sage(h, edge_index, params['s1'])
    # layer_num == 2: hidden loop skipped, dropout never applied
    x_position, x_p = _pgnn(x_p, dists_max, dists_argmax, params['c2'])
    x_position = _l2norm(x_position)
    x_sage = _sage(x_sage, edge_index, params['s2'])
    x_sage = _l2norm(x_sage)
    return jnp.concatenate([x_position, x_sage], axis=-1)

if __name__ == "__main__":
    import jax
    _d = setup_inputs()
    print(jax.jit(kernel)(*tuple(_d.values())))

</pallas_src>

<mosaic_0001>
#map = affine_map<(d0, d1) -> (0, 0)>
#map1 = affine_map<(d0, d1) -> (0, 0, 0)>
module attributes {stable_mosaic.version = 14 : i64} {
  func.func @k(%arg0: i32, %arg1: i32, %arg2: memref<10000x128xf32, #tpu.memory_space<hbm>>, %arg3: memref<2x320000xi32, #tpu.memory_space<hbm>>, %arg4: memref<2x10000x128xf32, #tpu.memory_space<hbm>>, %arg5: memref<2x128xi32, #tpu.memory_space<vmem>>, %arg6: memref<2x128xi32, #tpu.memory_space<vmem>>, %arg7: memref<128x128xf32, #tpu.memory_space<vmem>>, %arg8: memref<128x128xf32, #tpu.memory_space<vmem>>, %arg9: memref<10000x128xf32, #tpu.memory_space<vmem_shared>>, %arg10: memref<!tpu.dma_semaphore, #tpu.memory_space<semaphore_mem>>, %arg11: memref<!tpu.dma_semaphore, #tpu.memory_space<semaphore_mem>>) attributes {dimension_semantics = [#tpu.dimension_semantics<core_parallel>, #tpu.dimension_semantics<subcore_parallel>], iteration_bounds = array<i64: 2, 16>, scalar_prefetch = 0 : i64, scratch_operands = 7 : i64, tpu.core_type = #tpu.core_type<sc_vector_subcore>, window_params = [{transform_indices = #map}, {transform_indices = #map}, {transform_indices = #map1}]} {
    %mul3A = arith.constant 2 : i32
    %mul3A_0 = arith.muli %arg1, %mul3A : i32
    %add3A = arith.addi %mul3A_0, %arg0 : i32
    %mul3A_1 = arith.constant 9984 : i32
    %mul3A_2 = arith.muli %add3A, %mul3A_1 : i32
    %scan3A = arith.constant 0 : i32
    %scan3A_3 = arith.constant 0 : i32
    %scan3A_4 = arith.constant 128 : i32
    %scan3A_5 = arith.addi %scan3A_3, %scan3A_4 : i32
    %scan3A_6 = arith.constant 1 : i32
    scf.for %scan3A_72 = %scan3A_3 to %scan3A_5 step %scan3A_6  : i32 {
      %broadcast_in_dim3A = arith.constant 0.000000e+00 : f32
      %broadcast_in_dim3A_73 = vector.broadcast %broadcast_in_dim3A : f32 to vector<16xf32>
      %swap3A = arith.index_cast %scan3A_72 : i32 to index
      %swap3A_74 = arith.constant 0 : index
      %swap3A_75 = tpu.vector_load %arg7[%swap3A, %swap3A_74] {strides = array<i32>} : memref<128x128xf32, #tpu.memory_space<vmem>>, vector<1x16xf32>,
      %swap3A_76 = vector.shape_cast %swap3A_75 : vector<1x16xf32> to vector<16xf32>
      %swap3A_77 = vector.shape_cast %broadcast_in_dim3A_73 : vector<16xf32> to vector<1x16xf32>
      tpu.vector_store %arg7[%swap3A, %swap3A_74], %swap3A_77 {strides = array<i32>} : memref<128x128xf32, #tpu.memory_space<vmem>>, vector<1x16xf32>,
      %broadcast_in_dim3A_78 = arith.constant 0.000000e+00 : f32
      %broadcast_in_dim3A_79 = vector.broadcast %broadcast_in_dim3A_78 : f32 to vector<16xf32>
      %swap3A_80 = arith.index_cast %scan3A_72 : i32 to index
      %swap3A_81 = arith.constant 16 : index
      %swap3A_82 = tpu.vector_load %arg7[%swap3A_80, %swap3A_81] {strides = array<i32>} : memref<128x128xf32, #tpu.memory_space<vmem>>, vector<1x16xf32>,
      %swap3A_83 = vector.shape_cast %swap3A_82 : vector<1x16xf32> to vector<16xf32>
      %swap3A_84 = vector.shape_cast %broadcast_in_dim3A_79 : vector<16xf32> to vector<1x16xf32>
      tpu.vector_store %arg7[%swap3A_80, %swap3A_81], %swap3A_84 {strides = array<i32>} : memref<128x128xf32, #tpu.memory_space<vmem>>, vector<1x16xf32>,
      %broadcast_in_dim3A_85 = arith.constant 0.000000e+00 : f32
      %broadcast_in_dim3A_86 = vector.broadcast %broadcast_in_dim3A_85 : f32 to vector<16xf32>
      %swap3A_87 = arith.index_cast %scan3A_72 : i32 to index
      %swap3A_88 = arith.constant 32 : index
      %swap3A_89 = tpu.vector_load %arg7[%swap3A_87, %swap3A_88] {strides = array<i32>} : memref<128x128xf32, #tpu.memory_space<vmem>>, vector<1x16xf32>,
      %swap3A_90 = vector.shape_cast %swap3A_89 : vector<1x16xf32> to vector<16xf32>
      %swap3A_91 = vector.shape_cast %broadcast_in_dim3A_86 : vector<16xf32> to vector<1x16xf32>
      tpu.vector_store %arg7[%swap3A_87, %swap3A_88], %swap3A_91 {strides = array<i32>} : memref<128x128xf32, #tpu.memory_space<vmem>>, vector<1x16xf32>,
      %broadcast_in_dim3A_92 = arith.constant 0.000000e+00 : f32
      %broadcast_in_dim3A_93 = vector.broadcast %broadcast_in_dim3A_92 : f32 to vector<16xf32>
      %swap3A_94 = arith.index_cast %scan3A_72 : i32 to index
      %swap3A_95 = arith.constant 48 : index
      %swap3A_96 = tpu.vector_load %arg7[%swap3A_94, %swap3A_95] {strides = array<i32>} : memref<128x128xf32, #tpu.memory_space<vmem>>, vector<1x16xf32>,
      %swap3A_97 = vector.shape_cast %swap3A_96 : vector<1x16xf32> to vector<16xf32>
      %swap3A_98 = vector.shape_cast %broadcast_in_dim3A_93 : vector<16xf32> to vector<1x16xf32>
      tpu.vector_store %arg7[%swap3A_94, %swap3A_95], %swap3A_98 {strides = array<i32>} : memref<128x128xf32, #tpu.memory_space<vmem>>, vector<1x16xf32>,
      %broadcast_in_dim3A_99 = arith.constant 0.000000e+00 : f32
      %broadcast_in_dim3A_100 = vector.broadcast %broadcast_in_dim3A_99 : f32 to vector<16xf32>
      %swap3A_101 = arith.index_cast %scan3A_72 : i32 to index
      %swap3A_102 = arith.constant 64 : index
      %swap3A_103 = tpu.vector_load %arg7[%swap3A_101, %swap3A_102] {strides = array<i32>} : memref<128x128xf32, #tpu.memory_space<vmem>>, vector<1x16xf32>,
      %swap3A_104 = vector.shape_cast %swap3A_103 : vector<1x16xf32> to vector<16xf32>
      %swap3A_105 = vector.shape_cast %broadcast_in_dim3A_100 : vector<16xf32> to vector<1x16xf32>
      tpu.vector_store %arg7[%swap3A_101, %swap3A_102], %swap3A_105 {strides = array<i32>} : memref<128x128xf32, #tpu.memory_space<vmem>>, vector<1x16xf32>,
      %broadcast_in_dim3A_106 = arith.constant 0.000000e+00 : f32
      %broadcast_in_dim3A_107 = vector.broadcast %broadcast_in_dim3A_106 : f32 to vector<16xf32>
      %swap3A_108 = arith.index_cast %scan3A_72 : i32 to index
      %swap3A_109 = arith.constant 80 : index
      %swap3A_110 = tpu.vector_load %arg7[%swap3A_108, %swap3A_109] {strides = array<i32>} : memref<128x128xf32, #tpu.memory_space<vmem>>, vector<1x16xf32>,
      %swap3A_111 = vector.shape_cast %swap3A_110 : vector<1x16xf32> to vector<16xf32>
      %swap3A_112 = vector.shape_cast %broadcast_in_dim3A_107 : vector<16xf32> to vector<1x16xf32>
      tpu.vector_store %arg7[%swap3A_108, %swap3A_109], %swap3A_112 {strides = array<i32>} : memref<128x128xf32, #tpu.memory_space<vmem>>, vector<1x16xf32>,
      %broadcast_in_dim3A_113 = arith.constant 0.000000e+00 : f32
      %broadcast_in_dim3A_114 = vector.broadcast %broadcast_in_dim3A_113 : f32 to vector<16xf32>
      %swap3A_115 = arith.index_cast %scan3A_72 : i32 to index
      %swap3A_116 = arith.constant 96 : index
      %swap3A_117 = tpu.vector_load %arg7[%swap3A_115, %swap3A_116] {strides = array<i32>} : memref<128x128xf32, #tpu.memory_space<vmem>>, vector<1x16xf32>,
      %swap3A_118 = vector.shape_cast %swap3A_117 : vector<1x16xf32> to vector<16xf32>
      %swap3A_119 = vector.shape_cast %broadcast_in_dim3A_114 : vector<16xf32> to vector<1x16xf32>
      tpu.vector_store %arg7[%swap3A_115, %swap3A_116], %swap3A_119 {strides = array<i32>} : memref<128x128xf32, #tpu.memory_space<vmem>>, vector<1x16xf32>,
      %broadcast_in_dim3A_120 = arith.constant 0.000000e+00 : f32
      %broadcast_in_dim3A_121 = vector.broadcast %broadcast_in_dim3A_120 : f32 to vector<16xf32>
      %swap3A_122 = arith.index_cast %scan3A_72 : i32 to index
      %swap3A_123 = arith.constant 112 : index
      %swap3A_124 = tpu.vector_load %arg7[%swap3A_122, %swap3A_123] {strides = array<i32>} : memref<128x128xf32, #tpu.memory_space<vmem>>, vector<1x16xf32>,
      %swap3A_125 = vector.shape_cast %swap3A_124 : vector<1x16xf32> to vector<16xf32>
      %swap3A_126 = vector.shape_cast %broadcast_in_dim3A_121 : vector<16xf32> to vector<1x16xf32>
      tpu.vector_store %arg7[%swap3A_122, %swap3A_123], %swap3A_126 {strides = array<i32>} : memref<128x128xf32, #tpu.memory_space<vmem>>, vector<1x16xf32>,
    }
    %scan3A_7 = arith.constant 128 : i32
    %mul3A_8 = arith.constant 624 : i32
    %mul3A_9 = arith.muli %arg1, %mul3A_8 : i32
    %add3A_10 = arith.constant 0 : i32
    %add3A_11 = arith.addi %mul3A_9, %add3A_10 : i32
    "tpu.region"() ({
      %run_scoped3A_72 = tpu.sem_alloc : memref<!tpu.dma_semaphore, #tpu.memory_space<semaphore_mem>>
      %dma_start3A_73 = arith.constant 0 : i32
      %dma_start3A_74 = tpu.memref_slice %arg9[%add3A_11, %dma_start3A_73] : memref<10000x128xf32, #tpu.memory_space<vmem_shared>> -> memref<128x128xf32, #tpu.memory_space<vmem_shared>>
      %dma_start3A_75 = arith.constant 0 : i32
      %dma_start3A_76 = tpu.memref_slice %arg9[%add3A_11, %dma_start3A_75] : memref<10000x128xf32, #tpu.memory_space<vmem_shared>> -> memref<128x128xf32, #tpu.memory_space<vmem_shared>>
      tpu.enqueue_dma source(%arg7 : memref<128x128xf32, #tpu.memory_space<vmem>>) target(%dma_start3A_76 : memref<128x128xf32, #tpu.memory_space<vmem_shared>>) target_semaphore(%run_scoped3A_72 : memref<!tpu.dma_semaphore, #tpu.memory_space<semaphore_mem>>)
      %dma_wait3A_77 = arith.constant 0 : i32
      %dma_wait3A_78 = tpu.memref_slice %arg9[%add3A_11, %dma_wait3A_77] : memref<10000x128xf32, #tpu.memory_space<vmem_shared>> -> memref<128x128xf32, #tpu.memory_space<vmem_shared>>
      %dma_wait3A_79 = arith.constant 0 : i32
      %dma_wait3A_80 = tpu.memref_slice %arg9[%add3A_11, %dma_wait3A_79] : memref<10000x128xf32, #tpu.memory_space<vmem_shared>> -> memref<128x128xf32, #tpu.memory_space<vmem_shared>>
      tpu.wait_dma2 semaphore(%run_scoped3A_72 : memref<!tpu.dma_semaphore, #tpu.memory_space<semaphore_mem>>) src(%arg7 : memref<128x128xf32, #tpu.memory_space<vmem>>) dst(%dma_wait3A_80 : memref<128x128xf32, #tpu.memory_space<vmem_shared>>)
      tpu.yield
    }) : () -> ()
    %mul3A_12 = arith.constant 624 : i32
    %mul3A_13 = arith.muli %arg1, %mul3A_12 : i32
    %add3A_14 = arith.constant 128 : i32
    %add3A_15 = arith.addi %mul3A_13, %add3A_14 : i32
    "tpu.region"() ({
      %run_scoped3A_72 = tpu.sem_alloc : memref<!tpu.dma_semaphore, #tpu.memory_space<semaphore_mem>>
      %dma_start3A_73 = arith.constant 0 : i32
      %dma_start3A_74 = tpu.memref_slice %arg9[%add3A_15, %dma_start3A_73] : memref<10000x128xf32, #tpu.memory_space<vmem_shared>> -> memref<128x128xf32, #tpu.memory_space<vmem_shared>>
      %dma_start3A_75 = arith.constant 0 : i32
      %dma_start3A_76 = tpu.memref_slice %arg9[%add3A_15, %dma_start3A_75] : memref<10000x128xf32, #tpu.memory_space<vmem_shared>> -> memref<128x128xf32, #tpu.memory_space<vmem_shared>>
      tpu.enqueue_dma source(%arg7 : memref<128x128xf32, #tpu.memory_space<vmem>>) target(%dma_start3A_76 : memref<128x128xf32, #tpu.memory_space<vmem_shared>>) target_semaphore(%run_scoped3A_72 : memref<!tpu.dma_semaphore, #tpu.memory_space<semaphore_mem>>)
      %dma_wait3A_77 = arith.constant 0 : i32
      %dma_wait3A_78 = tpu.memref_slice %arg9[%add3A_15, %dma_wait3A_77] : memref<10000x128xf32, #tpu.memory_space<vmem_shared>> -> memref<128x128xf32, #tpu.memory_space<vmem_shared>>
      %dma_wait3A_79 = arith.constant 0 : i32
      %dma_wait3A_80 = tpu.memref_slice %arg9[%add3A_15, %dma_wait3A_79] : memref<10000x128xf32, #tpu.memory_space<vmem_shared>> -> memref<128x128xf32, #tpu.memory_space<vmem_shared>>
      tpu.wait_dma2 semaphore(%run_scoped3A_72 : memref<!tpu.dma_semaphore, #tpu.memory_space<semaphore_mem>>) src(%arg7 : memref<128x128xf32, #tpu.memory_space<vmem>>) dst(%dma_wait3A_80 : memref<128x128xf32, #tpu.memory_space<vmem_shared>>)
      tpu.yield
    }) : () -> ()
    %mul3A_16 = arith.constant 624 : i32
    %mul3A_17 = arith.muli %arg1, %mul3A_16 : i32
    %add3A_18 = arith.constant 256 : i32
    %add3A_19 = arith.addi %mul3A_17, %add3A_18 : i32
    "tpu.region"() ({
      %run_scoped3A_72 = tpu.sem_alloc : memref<!tpu.dma_semaphore, #tpu.memory_space<semaphore_mem>>
      %dma_start3A_73 = arith.constant 0 : i32
      %dma_start3A_74 = tpu.memref_slice %arg9[%add3A_19, %dma_start3A_73] : memref<10000x128xf32, #tpu.memory_space<vmem_shared>> -> memref<128x128xf32, #tpu.memory_space<vmem_shared>>
      %dma_start3A_75 = arith.constant 0 : i32
      %dma_start3A_76 = tpu.memref_slice %arg9[%add3A_19, %dma_start3A_75] : memref<10000x128xf32, #tpu.memory_space<vmem_shared>> -> memref<128x128xf32, #tpu.memory_space<vmem_shared>>
      tpu.enqueue_dma source(%arg7 : memref<128x128xf32, #tpu.memory_space<vmem>>) target(%dma_start3A_76 : memref<128x128xf32, #tpu.memory_space<vmem_shared>>) target_semaphore(%run_scoped3A_72 : memref<!tpu.dma_semaphore, #tpu.memory_space<semaphore_mem>>)
      %dma_wait3A_77 = arith.constant 0 : i32
      %dma_wait3A_78 = tpu.memref_slice %arg9[%add3A_19, %dma_wait3A_77] : memref<10000x128xf32, #tpu.memory_space<vmem_shared>> -> memref<128x128xf32, #tpu.memory_space<vmem_shared>>
      %dma_wait3A_79 = arith.constant 0 : i32
      %dma_wait3A_80 = tpu.memref_slice %arg9[%add3A_19, %dma_wait3A_79] : memref<10000x128xf32, #tpu.memory_space<vmem_shared>> -> memref<128x128xf32, #tpu.memory_space<vmem_shared>>
      tpu.wait_dma2 semaphore(%run_scoped3A_72 : memref<!tpu.dma_semaphore, #tpu.memory_space<semaphore_mem>>) src(%arg7 : memref<128x128xf32, #tpu.memory_space<vmem>>) dst(%dma_wait3A_80 : memref<128x128xf32, #tpu.memory_space<vmem_shared>>)
      tpu.yield
    }) : () -> ()
    %mul3A_20 = arith.constant 624 : i32
    %mul3A_21 = arith.muli %arg1, %mul3A_20 : i32
    %add3A_22 = arith.constant 384 : i32
    %add3A_23 = arith.addi %mul3A_21, %add3A_22 : i32
    "tpu.region"() ({
      %run_scoped3A_72 = tpu.sem_alloc : memref<!tpu.dma_semaphore, #tpu.memory_space<semaphore_mem>>
      %dma_start3A_73 = arith.constant 0 : i32
      %dma_start3A_74 = tpu.memref_slice %arg9[%add3A_23, %dma_start3A_73] : memref<10000x128xf32, #tpu.memory_space<vmem_shared>> -> memref<128x128xf32, #tpu.memory_space<vmem_shared>>
      %dma_start3A_75 = arith.constant 0 : i32
      %dma_start3A_76 = tpu.memref_slice %arg9[%add3A_23, %dma_start3A_75] : memref<10000x128xf32, #tpu.memory_space<vmem_shared>> -> memref<128x128xf32, #tpu.memory_space<vmem_shared>>
      tpu.enqueue_dma source(%arg7 : memref<128x128xf32, #tpu.memory_space<vmem>>) target(%dma_start3A_76 : memref<128x128xf32, #tpu.memory_space<vmem_shared>>) target_semaphore(%run_scoped3A_72 : memref<!tpu.dma_semaphore, #tpu.memory_space<semaphore_mem>>)
      %dma_wait3A_77 = arith.constant 0 : i32
      %dma_wait3A_78 = tpu.memref_slice %arg9[%add3A_23, %dma_wait3A_77] : memref<10000x128xf32, #tpu.memory_space<vmem_shared>> -> memref<128x128xf32, #tpu.memory_space<vmem_shared>>
      %dma_wait3A_79 = arith.constant 0 : i32
      %dma_wait3A_80 = tpu.memref_slice %arg9[%add3A_23, %dma_wait3A_79] : memref<10000x128xf32, #tpu.memory_space<vmem_shared>> -> memref<128x128xf32, #tpu.memory_space<vmem_shared>>
      tpu.wait_dma2 semaphore(%run_scoped3A_72 : memref<!tpu.dma_semaphore, #tpu.memory_space<semaphore_mem>>) src(%arg7 : memref<128x128xf32, #tpu.memory_space<vmem>>) dst(%dma_wait3A_80 : memref<128x128xf32, #tpu.memory_space<vmem_shared>>)
      tpu.yield
    }) : () -> ()
    %mul3A_24 = arith.constant 624 : i32
    %mul3A_25 = arith.muli %arg1, %mul3A_24 : i32
    %add3A_26 = arith.constant 512 : i32
    %add3A_27 = arith.addi %mul3A_25, %add3A_26 : i32
    "tpu.region"() ({
      %run_scoped3A_72 = tpu.sem_alloc : memref<!tpu.dma_semaphore, #tpu.memory_space<semaphore_mem>>
      %dma_start3A_73 = arith.constant 0 : i32
      %dma_start3A_74 = tpu.memref_slice %arg9[%add3A_27, %dma_start3A_73] : memref<10000x128xf32, #tpu.memory_space<vmem_shared>> -> memref<128x128xf32, #tpu.memory_space<vmem_shared>>
      %dma_start3A_75 = arith.constant 0 : i32
      %dma_start3A_76 = tpu.memref_slice %arg9[%add3A_27, %dma_start3A_75] : memref<10000x128xf32, #tpu.memory_space<vmem_shared>> -> memref<128x128xf32, #tpu.memory_space<vmem_shared>>
      tpu.enqueue_dma source(%arg7 : memref<128x128xf32, #tpu.memory_space<vmem>>) target(%dma_start3A_76 : memref<128x128xf32, #tpu.memory_space<vmem_shared>>) target_semaphore(%run_scoped3A_72 : memref<!tpu.dma_semaphore, #tpu.memory_space<semaphore_mem>>)
      %dma_wait3A_77 = arith.constant 0 : i32
      %dma_wait3A_78 = tpu.memref_slice %arg9[%add3A_27, %dma_wait3A_77] : memref<10000x128xf32, #tpu.memory_space<vmem_shared>> -> memref<128x128xf32, #tpu.memory_space<vmem_shared>>
      %dma_wait3A_79 = arith.constant 0 : i32
      %dma_wait3A_80 = tpu.memref_slice %arg9[%add3A_27, %dma_wait3A_79] : memref<10000x128xf32, #tpu.memory_space<vmem_shared>> -> memref<128x128xf32, #tpu.memory_space<vmem_shared>>
      tpu.wait_dma2 semaphore(%run_scoped3A_72 : memref<!tpu.dma_semaphore, #tpu.memory_space<semaphore_mem>>) src(%arg7 : memref<128x128xf32, #tpu.memory_space<vmem>>) dst(%dma_wait3A_80 : memref<128x128xf32, #tpu.memory_space<vmem_shared>>)
      tpu.yield
    }) : () -> ()
    %barrier3A = arith.constant 0 : index
    tpu.barrier barrier_id(%barrier3A)
    %add3A_28 = arith.constant 0 : i32
    %add3A_29 = arith.addi %mul3A_2, %add3A_28 : i32
    "tpu.region"() ({
      %run_scoped3A_72 = tpu.sem_alloc : memref<!tpu.dma_semaphore, #tpu.memory_space<semaphore_mem>>
      %dma_start3A_73 = arith.constant 0 : i32
      %dma_start3A_74 = tpu.memref_slice %arg3[%dma_start3A_73, %add3A_29] : memref<2x320000xi32, #tpu.memory_space<hbm>> -> memref<2x128xi32, #tpu.memory_space<hbm>>
      %dma_start3A_75 = arith.constant 0 : i32
      %dma_start3A_76 = tpu.memref_slice %arg3[%dma_start3A_75, %add3A_29] : memref<2x320000xi32, #tpu.memory_space<hbm>> -> memref<2x128xi32, #tpu.memory_space<hbm>>
      tpu.enqueue_dma source(%dma_start3A_76 : memref<2x128xi32, #tpu.memory_space<hbm>>) target(%arg5 : memref<2x128xi32, #tpu.memory_space<vmem>>) target_semaphore(%run_scoped3A_72 : memref<!tpu.dma_semaphore, #tpu.memory_space<semaphore_mem>>)
      %dma_wait3A_77 = arith.constant 0 : i32
      %dma_wait3A_78 = tpu.memref_slice %arg3[%dma_wait3A_77, %add3A_29] : memref<2x320000xi32, #tpu.memory_space<hbm>> -> memref<2x128xi32, #tpu.memory_space<hbm>>
      %dma_wait3A_79 = arith.constant 0 : i32
      %dma_wait3A_80 = tpu.memref_slice %arg3[%dma_wait3A_79, %add3A_29] : memref<2x320000xi32, #tpu.memory_space<hbm>> -> memref<2x128xi32, #tpu.memory_space<hbm>>
      tpu.wait_dma2 semaphore(%run_scoped3A_72 : memref<!tpu.dma_semaphore, #tpu.memory_space<semaphore_mem>>) src(%dma_wait3A_80 : memref<2x128xi32, #tpu.memory_space<hbm>>) dst(%arg5 : memref<2x128xi32, #tpu.memory_space<vmem>>)
      tpu.yield
    }) : () -> ()
    %dma_start3A = arith.constant 0 : i32
    %dma_start3A_30 = arith.constant 0 : i32
    %dma_start3A_31 = tpu.memref_slice %arg5[%dma_start3A, %dma_start3A_30] : memref<2x128xi32, #tpu.memory_space<vmem>> -> memref<1x128xi32, #tpu.memory_space<vmem>>
    %dma_start3A_32 = tpu.memref_squeeze %dma_start3A_31 : memref<1x128xi32, #tpu.memory_space<vmem>> -> memref<128xi32, #tpu.memory_space<vmem>>
    %dma_start3A_33 = arith.constant 0 : i32
    %dma_start3A_34 = arith.constant 0 : i32
    %dma_start3A_35 = tpu.memref_slice %arg2[%dma_start3A_33, %dma_start3A_34] : memref<10000x128xf32, #tpu.memory_space<hbm>> -> memref<10000x128xf32, #tpu.memory_space<hbm>>
    tpu.enqueue_indirect_dma source(%dma_start3A_35 : memref<10000x128xf32, #tpu.memory_space<hbm>>) target(%arg7 : memref<128x128xf32, #tpu.memory_space<vmem>>) offsets(%dma_start3A_32 : memref<128xi32, #tpu.memory_space<vmem>>) semaphore(%arg10 : memref<!tpu.dma_semaphore, #tpu.memory_space<semaphore_mem>>)
    %add3A_36 = arith.constant 128 : i32
    %add3A_37 = arith.addi %mul3A_2, %add3A_36 : i32
    "tpu.region"() ({
      %run_scoped3A_72 = tpu.sem_alloc : memref<!tpu.dma_semaphore, #tpu.memory_space<semaphore_mem>>
      %dma_start3A_73 = arith.constant 0 : i32
      %dma_start3A_74 = tpu.memref_slice %arg3[%dma_start3A_73, %add3A_37] : memref<2x320000xi32, #tpu.memory_space<hbm>> -> memref<2x128xi32, #tpu.memory_space<hbm>>
      %dma_start3A_75 = arith.constant 0 : i32
      %dma_start3A_76 = tpu.memref_slice %arg3[%dma_start3A_75, %add3A_37] : memref<2x320000xi32, #tpu.memory_space<hbm>> -> memref<2x128xi32, #tpu.memory_space<hbm>>
      tpu.enqueue_dma source(%dma_start3A_76 : memref<2x128xi32, #tpu.memory_space<hbm>>) target(%arg6 : memref<2x128xi32, #tpu.memory_space<vmem>>) target_semaphore(%run_scoped3A_72 : memref<!tpu.dma_semaphore, #tpu.memory_space<semaphore_mem>>)
      %dma_wait3A_77 = arith.constant 0 : i32
      %dma_wait3A_78 = tpu.memref_slice %arg3[%dma_wait3A_77, %add3A_37] : memref<2x320000xi32, #tpu.memory_space<hbm>> -> memref<2x128xi32, #tpu.memory_space<hbm>>
      %dma_wait3A_79 = arith.constant 0 : i32
      %dma_wait3A_80 = tpu.memref_slice %arg3[%dma_wait3A_79, %add3A_37] : memref<2x320000xi32, #tpu.memory_space<hbm>> -> memref<2x128xi32, #tpu.memory_space<hbm>>
      tpu.wait_dma2 semaphore(%run_scoped3A_72 : memref<!tpu.dma_semaphore, #tpu.memory_space<semaphore_mem>>) src(%dma_wait3A_80 : memref<2x128xi32, #tpu.memory_space<hbm>>) dst(%arg6 : memref<2x128xi32, #tpu.memory_space<vmem>>)
      tpu.yield
    }) : () -> ()
    %dma_start3A_38 = arith.constant 0 : i32
    %dma_start3A_39 = arith.constant 0 : i32
    %dma_start3A_40 = tpu.memref_slice %arg6[%dma_start3A_38, %dma_start3A_39] : memref<2x128xi32, #tpu.memory_space<vmem>> -> memref<1x128xi32, #tpu.memory_space<vmem>>
    %dma_start3A_41 = tpu.memref_squeeze %dma_start3A_40 : memref<1x128xi32, #tpu.memory_space<vmem>> -> memref<128xi32, #tpu.memory_space<vmem>>
    %dma_start3A_42 = arith.constant 0 : i32
    %dma_start3A_43 = arith.constant 0 : i32
    %dma_start3A_44 = tpu.memref_slice %arg2[%dma_start3A_42, %dma_start3A_43] : memref<10000x128xf32, #tpu.memory_space<hbm>> -> memref<10000x128xf32, #tpu.memory_space<hbm>>
    tpu.enqueue_indirect_dma source(%dma_start3A_44 : memref<10000x128xf32, #tpu.memory_space<hbm>>) target(%arg8 : memref<128x128xf32, #tpu.memory_space<vmem>>) offsets(%dma_start3A_41 : memref<128xi32, #tpu.memory_space<vmem>>) semaphore(%arg11 : memref<!tpu.dma_semaphore, #tpu.memory_space<semaphore_mem>>)
    %scan3A_45 = arith.constant 0 : i32
    %scan3A_46 = arith.constant 0 : i32
    %scan3A_47 = arith.constant 38 : i32
    %scan3A_48 = arith.addi %scan3A_46, %scan3A_47 : i32
    %scan3A_49 = arith.constant 1 : i32
    scf.for %scan3A_72 = %scan3A_46 to %scan3A_48 step %scan3A_49  : i32 {
      %dma_wait3A_73 = arith.constant 0 : i32
      %dma_wait3A_74 = arith.constant 0 : i32
      %dma_wait3A_75 = tpu.memref_slice %arg5[%dma_wait3A_73, %dma_wait3A_74] : memref<2x128xi32, #tpu.memory_space<vmem>> -> memref<1x128xi32, #tpu.memory_space<vmem>>
      %dma_wait3A_76 = tpu.memref_squeeze %dma_wait3A_75 : memref<1x128xi32, #tpu.memory_space<vmem>> -> memref<128xi32, #tpu.memory_space<vmem>>
      %dma_wait3A_77 = arith.constant 0 : i32
      %dma_wait3A_78 = arith.constant 0 : i32
      %dma_wait3A_79 = tpu.memref_slice %arg2[%dma_wait3A_77, %dma_wait3A_78] : memref<10000x128xf32, #tpu.memory_space<hbm>> -> memref<10000x128xf32, #tpu.memory_space<hbm>>
      tpu.wait_indirect_dma semaphore(%arg10 : memref<!tpu.dma_semaphore, #tpu.memory_space<semaphore_mem>>) src(%dma_wait3A_79 : memref<10000x128xf32, #tpu.memory_space<hbm>>) dst(%arg7 : memref<128x128xf32, #tpu.memory_space<vmem>>)
      %run_scoped3A_80 = arith.constant 1 : i32
      "tpu.region"() ({
        %run_scoped3A_121 = tpu.sem_alloc : memref<!tpu.dma_semaphore, #tpu.memory_space<semaphore_mem>>
        %dma_start3A_122 = arith.constant 0 : i32
        %dma_start3A_123 = tpu.memref_slice %arg5[%run_scoped3A_80, %dma_start3A_122] : memref<2x128xi32, #tpu.memory_space<vmem>> -> memref<1x128xi32, #tpu.memory_space<vmem>>
        %dma_start3A_124 = tpu.memref_squeeze %dma_start3A_123 : memref<1x128xi32, #tpu.memory_space<vmem>> -> memref<128xi32, #tpu.memory_space<vmem>>
        %dma_start3A_125 = arith.constant 0 : i32
        %dma_start3A_126 = arith.constant 0 : i32
        %dma_start3A_127 = tpu.memref_slice %arg9[%dma_start3A_125, %dma_start3A_126] : memref<10000x128xf32, #tpu.memory_space<vmem_shared>> -> memref<10000x128xf32, #tpu.memory_space<vmem_shared>>
        tpu.enqueue_indirect_dma source(%arg7 : memref<128x128xf32, #tpu.memory_space<vmem>>) target(%dma_start3A_127 : memref<10000x128xf32, #tpu.memory_space<vmem_shared>>) offsets(%dma_start3A_124 : memref<128xi32, #tpu.memory_space<vmem>>) semaphore(%run_scoped3A_121 : memref<!tpu.dma_semaphore, #tpu.memory_space<semaphore_mem>>) {add = true}
        %dma_wait3A_128 = arith.constant 0 : i32
        %dma_wait3A_129 = tpu.memref_slice %arg5[%run_scoped3A_80, %dma_wait3A_128] : memref<2x128xi32, #tpu.memory_space<vmem>> -> memref<1x128xi32, #tpu.memory_space<vmem>>
        %dma_wait3A_130 = tpu.memref_squeeze %dma_wait3A_129 : memref<1x128xi32, #tpu.memory_space<vmem>> -> memref<128xi32, #tpu.memory_space<vmem>>
        %dma_wait3A_131 = arith.constant 0 : i32
        %dma_wait3A_132 = arith.constant 0 : i32
        %dma_wait3A_133 = tpu.memref_slice %arg9[%dma_wait3A_131, %dma_wait3A_132] : memref<10000x128xf32, #tpu.memory_space<vmem_shared>> -> memref<10000x128xf32, #tpu.memory_space<vmem_shared>>
        tpu.wait_indirect_dma semaphore(%run_scoped3A_121 : memref<!tpu.dma_semaphore, #tpu.memory_space<semaphore_mem>>) src(%arg7 : memref<128x128xf32, #tpu.memory_space<vmem>>) dst(%dma_wait3A_133 : memref<10000x128xf32, #tpu.memory_space<vmem_shared>>)
        tpu.yield
      }) : () -> ()
      %mul3A_81 = arith.constant 2 : i32
      %mul3A_82 = arith.muli %mul3A_81, %scan3A_72 : i32
      %add3A_83 = arith.constant 2 : i32
      %add3A_84 = arith.addi %mul3A_82, %add3A_83 : i32
      %add3A_85 = arith.constant 0 : i32
      %add3A_86 = arith.addi %add3A_84, %add3A_85 : i32
      %mul3A_87 = arith.constant 128 : i32
      %mul3A_88 = arith.muli %add3A_86, %mul3A_87 : i32
      %add3A_89 = arith.addi %mul3A_2, %mul3A_88 : i32
      "tpu.region"() ({
        %run_scoped3A_121 = tpu.sem_alloc : memref<!tpu.dma_semaphore, #tpu.memory_space<semaphore_mem>>
        %dma_start3A_122 = arith.constant 0 : i32
        %dma_start3A_123 = tpu.memref_slice %arg3[%dma_start3A_122, %add3A_89] : memref<2x320000xi32, #tpu.memory_space<hbm>> -> memref<2x128xi32, #tpu.memory_space<hbm>>
        %dma_start3A_124 = arith.constant 0 : i32
        %dma_start3A_125 = tpu.memref_slice %arg3[%dma_start3A_124, %add3A_89] : memref<2x320000xi32, #tpu.memory_space<hbm>> -> memref<2x128xi32, #tpu.memory_space<hbm>>
        tpu.enqueue_dma source(%dma_start3A_125 : memref<2x128xi32, #tpu.memory_space<hbm>>) target(%arg5 : memref<2x128xi32, #tpu.memory_space<vmem>>) target_semaphore(%run_scoped3A_121 : memref<!tpu.dma_semaphore, #tpu.memory_space<semaphore_mem>>)
        %dma_wait3A_126 = arith.constant 0 : i32
        %dma_wait3A_127 = tpu.memref_slice %arg3[%dma_wait3A_126, %add3A_89] : memref<2x320000xi32, #tpu.memory_space<hbm>> -> memref<2x128xi32, #tpu.memory_space<hbm>>
        %dma_wait3A_128 = arith.constant 0 : i32
        %dma_wait3A_129 = tpu.memref_slice %arg3[%dma_wait3A_128, %add3A_89] : memref<2x320000xi32, #tpu.memory_space<hbm>> -> memref<2x128xi32, #tpu.memory_space<hbm>>
        tpu.wait_dma2 semaphore(%run_scoped3A_121 : memref<!tpu.dma_semaphore, #tpu.memory_space<semaphore_mem>>) src(%dma_wait3A_129 : memref<2x128xi32, #tpu.memory_space<hbm>>) dst(%arg5 : memref<2x128xi32, #tpu.memory_space<vmem>>)
        tpu.yield
      }) : () -> ()
      %dma_start3A_90 = arith.constant 0 : i32
      %dma_start3A_91 = arith.constant 0 : i32
      %dma_start3A_92 = tpu.memref_slice %arg5[%dma_start3A_90, %dma_start3A_91] : memref<2x128xi32, #tpu.memory_space<vmem>> -> memref<1x128xi32, #tpu.memory_space<vmem>>
      %dma_start3A_93 = tpu.memref_squeeze %dma_start3A_92 : memref<1x128xi32, #tpu.memory_space<vmem>> -> memref<128xi32, #tpu.memory_space<vmem>>
      %dma_start3A_94 = arith.constant 0 : i32
      %dma_start3A_95 = arith.constant 0 : i32
      %dma_start3A_96 = tpu.memref_slice %arg2[%dma_start3A_94, %dma_start3A_95] : memref<10000x128xf32, #tpu.memory_space<hbm>> -> memref<10000x128xf32, #tpu.memory_space<hbm>>
      tpu.enqueue_indirect_dma source(%dma_start3A_96 : memref<10000x128xf32, #tpu.memory_space<hbm>>) target(%arg7 : memref<128x128xf32, #tpu.memory_space<vmem>>) offsets(%dma_start3A_93 : memref<128xi32, #tpu.memory_space<vmem>>) semaphore(%arg10 : memref<!tpu.dma_semaphore, #tpu.memory_space<semaphore_mem>>)
      %dma_wait3A_97 = arith.constant 0 : i32
      %dma_wait3A_98 = arith.constant 0 : i32
      %dma_wait3A_99 = tpu.memref_slice %arg6[%dma_wait3A_97, %dma_wait3A_98] : memref<2x128xi32, #tpu.memory_space<vmem>> -> memref<1x128xi32, #tpu.memory_space<vmem>>
      %dma_wait3A_100 = tpu.memref_squeeze %dma_wait3A_99 : memref<1x128xi32, #tpu.memory_space<vmem>> -> memref<128xi32, #tpu.memory_space<vmem>>
      %dma_wait3A_101 = arith.constant 0 : i32
      %dma_wait3A_102 = arith.constant 0 : i32
      %dma_wait3A_103 = tpu.memref_slice %arg2[%dma_wait3A_101, %dma_wait3A_102] : memref<10000x128xf32, #tpu.memory_space<hbm>> -> memref<10000x128xf32, #tpu.memory_space<hbm>>
      tpu.wait_indirect_dma semaphore(%arg11 : memref<!tpu.dma_semaphore, #tpu.memory_space<semaphore_mem>>) src(%dma_wait3A_103 : memref<10000x128xf32, #tpu.memory_space<hbm>>) dst(%arg8 : memref<128x128xf32, #tpu.memory_space<vmem>>)
      %run_scoped3A_104 = arith.constant 1 : i32
      "tpu.region"() ({
        %run_scoped3A_121 = tpu.sem_alloc : memref<!tpu.dma_semaphore, #tpu.memory_space<semaphore_mem>>
        %dma_start3A_122 = arith.constant 0 : i32
        %dma_start3A_123 = tpu.memref_slice %arg6[%run_scoped3A_104, %dma_start3A_122] : memref<2x128xi32, #tpu.memory_space<vmem>> -> memref<1x128xi32, #tpu.memory_space<vmem>>
        %dma_start3A_124 = tpu.memref_squeeze %dma_start3A_123 : memref<1x128xi32, #tpu.memory_space<vmem>> -> memref<128xi32, #tpu.memory_space<vmem>>
        %dma_start3A_125 = arith.constant 0 : i32
        %dma_start3A_126 = arith.constant 0 : i32
        %dma_start3A_127 = tpu.memref_slice %arg9[%dma_start3A_125, %dma_start3A_126] : memref<10000x128xf32, #tpu.memory_space<vmem_shared>> -> memref<10000x128xf32, #tpu.memory_space<vmem_shared>>
        tpu.enqueue_indirect_dma source(%arg8 : memref<128x128xf32, #tpu.memory_space<vmem>>) target(%dma_start3A_127 : memref<10000x128xf32, #tpu.memory_space<vmem_shared>>) offsets(%dma_start3A_124 : memref<128xi32, #tpu.memory_space<vmem>>) semaphore(%run_scoped3A_121 : memref<!tpu.dma_semaphore, #tpu.memory_space<semaphore_mem>>) {add = true}
        %dma_wait3A_128 = arith.constant 0 : i32
        %dma_wait3A_129 = tpu.memref_slice %arg6[%run_scoped3A_104, %dma_wait3A_128] : memref<2x128xi32, #tpu.memory_space<vmem>> -> memref<1x128xi32, #tpu.memory_space<vmem>>
        %dma_wait3A_130 = tpu.memref_squeeze %dma_wait3A_129 : memref<1x128xi32, #tpu.memory_space<vmem>> -> memref<128xi32, #tpu.memory_space<vmem>>
        %dma_wait3A_131 = arith.constant 0 : i32
        %dma_wait3A_132 = arith.constant 0 : i32
        %dma_wait3A_133 = tpu.memref_slice %arg9[%dma_wait3A_131, %dma_wait3A_132] : memref<10000x128xf32, #tpu.memory_space<vmem_shared>> -> memref<10000x128xf32, #tpu.memory_space<vmem_shared>>
        tpu.wait_indirect_dma semaphore(%run_scoped3A_121 : memref<!tpu.dma_semaphore, #tpu.memory_space<semaphore_mem>>) src(%arg8 : memref<128x128xf32, #tpu.memory_space<vmem>>) dst(%dma_wait3A_133 : memref<10000x128xf32, #tpu.memory_space<vmem_shared>>)
        tpu.yield
      }) : () -> ()
      %mul3A_105 = arith.constant 2 : i32
      %mul3A_106 = arith.muli %mul3A_105, %scan3A_72 : i32
      %add3A_107 = arith.constant 2 : i32
      %add3A_108 = arith.addi %mul3A_106, %add3A_107 : i32
      %add3A_109 = arith.constant 1 : i32
      %add3A_110 = arith.addi %add3A_108, %add3A_109 : i32
      %mul3A_111 = arith.constant 128 : i32
      %mul3A_112 = arith.muli %add3A_110, %mul3A_111 : i32
      %add3A_113 = arith.addi %mul3A_2, %mul3A_112 : i32
      "tpu.region"() ({
        %run_scoped3A_121 = tpu.sem_alloc : memref<!tpu.dma_semaphore, #tpu.memory_space<semaphore_mem>>
        %dma_start3A_122 = arith.constant 0 : i32
        %dma_start3A_123 = tpu.memref_slice %arg3[%dma_start3A_122, %add3A_113] : memref<2x320000xi32, #tpu.memory_space<hbm>> -> memref<2x128xi32, #tpu.memory_space<hbm>>
        %dma_start3A_124 = arith.constant 0 : i32
        %dma_start3A_125 = tpu.memref_slice %arg3[%dma_start3A_124, %add3A_113] : memref<2x320000xi32, #tpu.memory_space<hbm>> -> memref<2x128xi32, #tpu.memory_space<hbm>>
        tpu.enqueue_dma source(%dma_start3A_125 : memref<2x128xi32, #tpu.memory_space<hbm>>) target(%arg6 : memref<2x128xi32, #tpu.memory_space<vmem>>) target_semaphore(%run_scoped3A_121 : memref<!tpu.dma_semaphore, #tpu.memory_space<semaphore_mem>>)
        %dma_wait3A_126 = arith.constant 0 : i32
        %dma_wait3A_127 = tpu.memref_slice %arg3[%dma_wait3A_126, %add3A_113] : memref<2x320000xi32, #tpu.memory_space<hbm>> -> memref<2x128xi32, #tpu.memory_space<hbm>>
        %dma_wait3A_128 = arith.constant 0 : i32
        %dma_wait3A_129 = tpu.memref_slice %arg3[%dma_wait3A_128, %add3A_113] : memref<2x320000xi32, #tpu.memory_space<hbm>> -> memref<2x128xi32, #tpu.memory_space<hbm>>
        tpu.wait_dma2 semaphore(%run_scoped3A_121 : memref<!tpu.dma_semaphore, #tpu.memory_space<semaphore_mem>>) src(%dma_wait3A_129 : memref<2x128xi32, #tpu.memory_space<hbm>>) dst(%arg6 : memref<2x128xi32, #tpu.memory_space<vmem>>)
        tpu.yield
      }) : () -> ()
      %dma_start3A_114 = arith.constant 0 : i32
      %dma_start3A_115 = arith.constant 0 : i32
      %dma_start3A_116 = tpu.memref_slice %arg6[%dma_start3A_114, %dma_start3A_115] : memref<2x128xi32, #tpu.memory_space<vmem>> -> memref<1x128xi32, #tpu.memory_space<vmem>>
      %dma_start3A_117 = tpu.memref_squeeze %dma_start3A_116 : memref<1x128xi32, #tpu.memory_space<vmem>> -> memref<128xi32, #tpu.memory_space<vmem>>
      %dma_start3A_118 = arith.constant 0 : i32
      %dma_start3A_119 = arith.constant 0 : i32
      %dma_start3A_120 = tpu.memref_slice %arg2[%dma_start3A_118, %dma_start3A_119] : memref<10000x128xf32, #tpu.memory_space<hbm>> -> memref<10000x128xf32, #tpu.memory_space<hbm>>
      tpu.enqueue_indirect_dma source(%dma_start3A_120 : memref<10000x128xf32, #tpu.memory_space<hbm>>) target(%arg8 : memref<128x128xf32, #tpu.memory_space<vmem>>) offsets(%dma_start3A_117 : memref<128xi32, #tpu.memory_space<vmem>>) semaphore(%arg11 : memref<!tpu.dma_semaphore, #tpu.memory_space<semaphore_mem>>)
    }
    %scan3A_50 = arith.constant 38 : i32
    %dma_wait3A = arith.constant 0 : i32
    %dma_wait3A_51 = arith.constant 0 : i32
    %dma_wait3A_52 = tpu.memref_slice %arg5[%dma_wait3A, %dma_wait3A_51] : memref<2x128xi32, #tpu.memory_space<vmem>> -> memref<1x128xi32, #tpu.memory_space<vmem>>
    %dma_wait3A_53 = tpu.memref_squeeze %dma_wait3A_52 : memref<1x128xi32, #tpu.memory_space<vmem>> -> memref<128xi32, #tpu.memory_space<vmem>>
    %dma_wait3A_54 = arith.constant 0 : i32
    %dma_wait3A_55 = arith.constant 0 : i32
    %dma_wait3A_56 = tpu.memref_slice %arg2[%dma_wait3A_54, %dma_wait3A_55] : memref<10000x128xf32, #tpu.memory_space<hbm>> -> memref<10000x128xf32, #tpu.memory_space<hbm>>
    tpu.wait_indirect_dma semaphore(%arg10 : memref<!tpu.dma_semaphore, #tpu.memory_space<semaphore_mem>>) src(%dma_wait3A_56 : memref<10000x128xf32, #tpu.memory_space<hbm>>) dst(%arg7 : memref<128x128xf32, #tpu.memory_space<vmem>>)
    %run_scoped3A = arith.constant 1 : i32
    "tpu.region"() ({
      %run_scoped3A_72 = tpu.sem_alloc : memref<!tpu.dma_semaphore, #tpu.memory_space<semaphore_mem>>
      %dma_start3A_73 = arith.constant 0 : i32
      %dma_start3A_74 = tpu.memref_slice %arg5[%run_scoped3A, %dma_start3A_73] : memref<2x128xi32, #tpu.memory_space<vmem>> -> memref<1x128xi32, #tpu.memory_space<vmem>>
      %dma_start3A_75 = tpu.memref_squeeze %dma_start3A_74 : memref<1x128xi32, #tpu.memory_space<vmem>> -> memref<128xi32, #tpu.memory_space<vmem>>
      %dma_start3A_76 = arith.constant 0 : i32
      %dma_start3A_77 = arith.constant 0 : i32
      %dma_start3A_78 = tpu.memref_slice %arg9[%dma_start3A_76, %dma_start3A_77] : memref<10000x128xf32, #tpu.memory_space<vmem_shared>> -> memref<10000x128xf32, #tpu.memory_space<vmem_shared>>
      tpu.enqueue_indirect_dma source(%arg7 : memref<128x128xf32, #tpu.memory_space<vmem>>) target(%dma_start3A_78 : memref<10000x128xf32, #tpu.memory_space<vmem_shared>>) offsets(%dma_start3A_75 : memref<128xi32, #tpu.memory_space<vmem>>) semaphore(%run_scoped3A_72 : memref<!tpu.dma_semaphore, #tpu.memory_space<semaphore_mem>>) {add = true}
      %dma_wait3A_79 = arith.constant 0 : i32
      %dma_wait3A_80 = tpu.memref_slice %arg5[%run_scoped3A, %dma_wait3A_79] : memref<2x128xi32, #tpu.memory_space<vmem>> -> memref<1x128xi32, #tpu.memory_space<vmem>>
      %dma_wait3A_81 = tpu.memref_squeeze %dma_wait3A_80 : memref<1x128xi32, #tpu.memory_space<vmem>> -> memref<128xi32, #tpu.memory_space<vmem>>
      %dma_wait3A_82 = arith.constant 0 : i32
      %dma_wait3A_83 = arith.constant 0 : i32
      %dma_wait3A_84 = tpu.memref_slice %arg9[%dma_wait3A_82, %dma_wait3A_83] : memref<10000x128xf32, #tpu.memory_space<vmem_shared>> -> memref<10000x128xf32, #tpu.memory_space<vmem_shared>>
      tpu.wait_indirect_dma semaphore(%run_scoped3A_72 : memref<!tpu.dma_semaphore, #tpu.memory_space<semaphore_mem>>) src(%arg7 : memref<128x128xf32, #tpu.memory_space<vmem>>) dst(%dma_wait3A_84 : memref<10000x128xf32, #tpu.memory_space<vmem_shared>>)
      tpu.yield
    }) : () -> ()
    %dma_wait3A_57 = arith.constant 0 : i32
    %dma_wait3A_58 = arith.constant 0 : i32
    %dma_wait3A_59 = tpu.memref_slice %arg6[%dma_wait3A_57, %dma_wait3A_58] : memref<2x128xi32, #tpu.memory_space<vmem>> -> memref<1x128xi32, #tpu.memory_space<vmem>>
    %dma_wait3A_60 = tpu.memref_squeeze %dma_wait3A_59 : memref<1x128xi32, #tpu.memory_space<vmem>> -> memref<128xi32, #tpu.memory_space<vmem>>
    %dma_wait3A_61 = arith.constant 0 : i32
    %dma_wait3A_62 = arith.constant 0 : i32
    %dma_wait3A_63 = tpu.memref_slice %arg2[%dma_wait3A_61, %dma_wait3A_62] : memref<10000x128xf32, #tpu.memory_space<hbm>> -> memref<10000x128xf32, #tpu.memory_space<hbm>>
    tpu.wait_indirect_dma semaphore(%arg11 : memref<!tpu.dma_semaphore, #tpu.memory_space<semaphore_mem>>) src(%dma_wait3A_63 : memref<10000x128xf32, #tpu.memory_space<hbm>>) dst(%arg8 : memref<128x128xf32, #tpu.memory_space<vmem>>)
    %run_scoped3A_64 = arith.constant 1 : i32
    "tpu.region"() ({
      %run_scoped3A_72 = tpu.sem_alloc : memref<!tpu.dma_semaphore, #tpu.memory_space<semaphore_mem>>
      %dma_start3A_73 = arith.constant 0 : i32
      %dma_start3A_74 = tpu.memref_slice %arg6[%run_scoped3A_64, %dma_start3A_73] : memref<2x128xi32, #tpu.memory_space<vmem>> -> memref<1x128xi32, #tpu.memory_space<vmem>>
      %dma_start3A_75 = tpu.memref_squeeze %dma_start3A_74 : memref<1x128xi32, #tpu.memory_space<vmem>> -> memref<128xi32, #tpu.memory_space<vmem>>
      %dma_start3A_76 = arith.constant 0 : i32
      %dma_start3A_77 = arith.constant 0 : i32
      %dma_start3A_78 = tpu.memref_slice %arg9[%dma_start3A_76, %dma_start3A_77] : memref<10000x128xf32, #tpu.memory_space<vmem_shared>> -> memref<10000x128xf32, #tpu.memory_space<vmem_shared>>
      tpu.enqueue_indirect_dma source(%arg8 : memref<128x128xf32, #tpu.memory_space<vmem>>) target(%dma_start3A_78 : memref<10000x128xf32, #tpu.memory_space<vmem_shared>>) offsets(%dma_start3A_75 : memref<128xi32, #tpu.memory_space<vmem>>) semaphore(%run_scoped3A_72 : memref<!tpu.dma_semaphore, #tpu.memory_space<semaphore_mem>>) {add = true}
      %dma_wait3A_79 = arith.constant 0 : i32
      %dma_wait3A_80 = tpu.memref_slice %arg6[%run_scoped3A_64, %dma_wait3A_79] : memref<2x128xi32, #tpu.memory_space<vmem>> -> memref<1x128xi32, #tpu.memory_space<vmem>>
      %dma_wait3A_81 = tpu.memref_squeeze %dma_wait3A_80 : memref<1x128xi32, #tpu.memory_space<vmem>> -> memref<128xi32, #tpu.memory_space<vmem>>
      %dma_wait3A_82 = arith.constant 0 : i32
      %dma_wait3A_83 = arith.constant 0 : i32
      %dma_wait3A_84 = tpu.memref_slice %arg9[%dma_wait3A_82, %dma_wait3A_83] : memref<10000x128xf32, #tpu.memory_space<vmem_shared>> -> memref<10000x128xf32, #tpu.memory_space<vmem_shared>>
      tpu.wait_indirect_dma semaphore(%run_scoped3A_72 : memref<!tpu.dma_semaphore, #tpu.memory_space<semaphore_mem>>) src(%arg8 : memref<128x128xf32, #tpu.memory_space<vmem>>) dst(%dma_wait3A_84 : memref<10000x128xf32, #tpu.memory_space<vmem_shared>>)
      tpu.yield
    }) : () -> ()
    %lt3A = arith.constant 4 : i32
    %lt3A_65 = arith.cmpi slt, %add3A, %lt3A : i32
    %convert_element_type3A = arith.extui %lt3A_65 : i1 to i32
    %cond3A = arith.constant 0 : i32
    %cond3A_66 = arith.cmpi ne, %convert_element_type3A, %cond3A : i32
    scf.if %cond3A_66 {
      %add3A_72 = arith.constant 2496 : i32
      %add3A_73 = arith.addi %add3A_72, %add3A : i32
      %mul3A_74 = arith.constant 128 : i32
      %mul3A_75 = arith.muli %add3A_73, %mul3A_74 : i32
      "tpu.region"() ({
        %run_scoped3A_91 = tpu.sem_alloc : memref<!tpu.dma_semaphore, #tpu.memory_space<semaphore_mem>>
        %dma_start3A_92 = arith.constant 0 : i32
        %dma_start3A_93 = tpu.memref_slice %arg3[%dma_start3A_92, %mul3A_75] : memref<2x320000xi32, #tpu.memory_space<hbm>> -> memref<2x128xi32, #tpu.memory_space<hbm>>
        %dma_start3A_94 = arith.constant 0 : i32
        %dma_start3A_95 = tpu.memref_slice %arg3[%dma_start3A_94, %mul3A_75] : memref<2x320000xi32, #tpu.memory_space<hbm>> -> memref<2x128xi32, #tpu.memory_space<hbm>>
        tpu.enqueue_dma source(%dma_start3A_95 : memref<2x128xi32, #tpu.memory_space<hbm>>) target(%arg5 : memref<2x128xi32, #tpu.memory_space<vmem>>) target_semaphore(%run_scoped3A_91 : memref<!tpu.dma_semaphore, #tpu.memory_space<semaphore_mem>>)
        %dma_wait3A_96 = arith.constant 0 : i32
        %dma_wait3A_97 = tpu.memref_slice %arg3[%dma_wait3A_96, %mul3A_75] : memref<2x320000xi32, #tpu.memory_space<hbm>> -> memref<2x128xi32, #tpu.memory_space<hbm>>
        %dma_wait3A_98 = arith.constant 0 : i32
        %dma_wait3A_99 = tpu.memref_slice %arg3[%dma_wait3A_98, %mul3A_75] : memref<2x320000xi32, #tpu.memory_space<hbm>> -> memref<2x128xi32, #tpu.memory_space<hbm>>
        tpu.wait_dma2 semaphore(%run_scoped3A_91 : memref<!tpu.dma_semaphore, #tpu.memory_space<semaphore_mem>>) src(%dma_wait3A_99 : memref<2x128xi32, #tpu.memory_space<hbm>>) dst(%arg5 : memref<2x128xi32, #tpu.memory_space<vmem>>)
        tpu.yield
      }) : () -> ()
      %dma_start3A_76 = arith.constant 0 : i32
      %dma_start3A_77 = arith.constant 0 : i32
      %dma_start3A_78 = tpu.memref_slice %arg5[%dma_start3A_76, %dma_start3A_77] : memref<2x128xi32, #tpu.memory_space<vmem>> -> memref<1x128xi32, #tpu.memory_space<vmem>>
      %dma_start3A_79 = tpu.memref_squeeze %dma_start3A_78 : memref<1x128xi32, #tpu.memory_space<vmem>> -> memref<128xi32, #tpu.memory_space<vmem>>
      %dma_start3A_80 = arith.constant 0 : i32
      %dma_start3A_81 = arith.constant 0 : i32
      %dma_start3A_82 = tpu.memref_slice %arg2[%dma_start3A_80, %dma_start3A_81] : memref<10000x128xf32, #tpu.memory_space<hbm>> -> memref<10000x128xf32, #tpu.memory_space<hbm>>
      tpu.enqueue_indirect_dma source(%dma_start3A_82 : memref<10000x128xf32, #tpu.memory_space<hbm>>) target(%arg7 : memref<128x128xf32, #tpu.memory_space<vmem>>) offsets(%dma_start3A_79 : memref<128xi32, #tpu.memory_space<vmem>>) semaphore(%arg10 : memref<!tpu.dma_semaphore, #tpu.memory_space<semaphore_mem>>)
      %dma_wait3A_83 = arith.constant 0 : i32
      %dma_wait3A_84 = arith.constant 0 : i32
      %dma_wait3A_85 = tpu.memref_slice %arg5[%dma_wait3A_83, %dma_wait3A_84] : memref<2x128xi32, #tpu.memory_space<vmem>> -> memref<1x128xi32, #tpu.memory_space<vmem>>
      %dma_wait3A_86 = tpu.memref_squeeze %dma_wait3A_85 : memref<1x128xi32, #tpu.memory_space<vmem>> -> memref<128xi32, #tpu.memory_space<vmem>>
      %dma_wait3A_87 = arith.constant 0 : i32
      %dma_wait3A_88 = arith.constant 0 : i32
      %dma_wait3A_89 = tpu.memref_slice %arg2[%dma_wait3A_87, %dma_wait3A_88] : memref<10000x128xf32, #tpu.memory_space<hbm>> -> memref<10000x128xf32, #tpu.memory_space<hbm>>
      tpu.wait_indirect_dma semaphore(%arg10 : memref<!tpu.dma_semaphore, #tpu.memory_space<semaphore_mem>>) src(%dma_wait3A_89 : memref<10000x128xf32, #tpu.memory_space<hbm>>) dst(%arg7 : memref<128x128xf32, #tpu.memory_space<vmem>>)
      %run_scoped3A_90 = arith.constant 1 : i32
      "tpu.region"() ({
        %run_scoped3A_91 = tpu.sem_alloc : memref<!tpu.dma_semaphore, #tpu.memory_space<semaphore_mem>>
        %dma_start3A_92 = arith.constant 0 : i32
        %dma_start3A_93 = tpu.memref_slice %arg5[%run_scoped3A_90, %dma_start3A_92] : memref<2x128xi32, #tpu.memory_space<vmem>> -> memref<1x128xi32, #tpu.memory_space<vmem>>
        %dma_start3A_94 = tpu.memref_squeeze %dma_start3A_93 : memref<1x128xi32, #tpu.memory_space<vmem>> -> memref<128xi32, #tpu.memory_space<vmem>>
        %dma_start3A_95 = arith.constant 0 : i32
        %dma_start3A_96 = arith.constant 0 : i32
        %dma_start3A_97 = tpu.memref_slice %arg9[%dma_start3A_95, %dma_start3A_96] : memref<10000x128xf32, #tpu.memory_space<vmem_shared>> -> memref<10000x128xf32, #tpu.memory_space<vmem_shared>>
        tpu.enqueue_indirect_dma source(%arg7 : memref<128x128xf32, #tpu.memory_space<vmem>>) target(%dma_start3A_97 : memref<10000x128xf32, #tpu.memory_space<vmem_shared>>) offsets(%dma_start3A_94 : memref<128xi32, #tpu.memory_space<vmem>>) semaphore(%run_scoped3A_91 : memref<!tpu.dma_semaphore, #tpu.memory_space<semaphore_mem>>) {add = true}
        %dma_wait3A_98 = arith.constant 0 : i32
        %dma_wait3A_99 = tpu.memref_slice %arg5[%run_scoped3A_90, %dma_wait3A_98] : memref<2x128xi32, #tpu.memory_space<vmem>> -> memref<1x128xi32, #tpu.memory_space<vmem>>
        %dma_wait3A_100 = tpu.memref_squeeze %dma_wait3A_99 : memref<1x128xi32, #tpu.memory_space<vmem>> -> memref<128xi32, #tpu.memory_space<vmem>>
        %dma_wait3A_101 = arith.constant 0 : i32
        %dma_wait3A_102 = arith.constant 0 : i32
        %dma_wait3A_103 = tpu.memref_slice %arg9[%dma_wait3A_101, %dma_wait3A_102] : memref<10000x128xf32, #tpu.memory_space<vmem_shared>> -> memref<10000x128xf32, #tpu.memory_space<vmem_shared>>
        tpu.wait_indirect_dma semaphore(%run_scoped3A_91 : memref<!tpu.dma_semaphore, #tpu.memory_space<semaphore_mem>>) src(%arg7 : memref<128x128xf32, #tpu.memory_space<vmem>>) dst(%dma_wait3A_103 : memref<10000x128xf32, #tpu.memory_space<vmem_shared>>)
        tpu.yield
      }) : () -> ()
    } else {
    }
    %barrier3A_67 = arith.constant 0 : index
    tpu.barrier barrier_id(%barrier3A_67)
    %mul3A_68 = arith.constant 624 : i32
    %mul3A_69 = arith.muli %arg1, %mul3A_68 : i32
    %mul3A_70 = arith.constant 624 : i32
    %mul3A_71 = arith.muli %arg1, %mul3A_70 : i32
    "tpu.region"() ({
      %run_scoped3A_72 = tpu.sem_alloc : memref<!tpu.dma_semaphore, #tpu.memory_space<semaphore_mem>>
      %dma_start3A_73 = arith.constant 0 : i32
      %dma_start3A_74 = tpu.memref_slice %arg4[%arg0, %mul3A_71, %dma_start3A_73] : memref<2x10000x128xf32, #tpu.memory_space<hbm>> -> memref<1x640x128xf32, #tpu.memory_space<hbm>>
      %dma_start3A_75 = tpu.memref_squeeze %dma_start3A_74 : memref<1x640x128xf32, #tpu.memory_space<hbm>> -> memref<640x128xf32, #tpu.memory_space<hbm>>
      %dma_start3A_76 = arith.constant 0 : i32
      %dma_start3A_77 = tpu.memref_slice %arg9[%mul3A_69, %dma_start3A_76] : memref<10000x128xf32, #tpu.memory_space<vmem_shared>> -> memref<640x128xf32, #tpu.memory_space<vmem_shared>>
      tpu.enqueue_dma source(%dma_start3A_77 : memref<640x128xf32, #tpu.memory_space<vmem_shared>>) target(%dma_start3A_75 : memref<640x128xf32, #tpu.memory_space<hbm>>) target_semaphore(%run_scoped3A_72 : memref<!tpu.dma_semaphore, #tpu.memory_space<semaphore_mem>>)
      %dma_wait3A_78 = arith.constant 0 : i32
      %dma_wait3A_79 = tpu.memref_slice %arg4[%arg0, %mul3A_71, %dma_wait3A_78] : memref<2x10000x128xf32, #tpu.memory_space<hbm>> -> memref<1x640x128xf32, #tpu.memory_space<hbm>>
      %dma_wait3A_80 = tpu.memref_squeeze %dma_wait3A_79 : memref<1x640x128xf32, #tpu.memory_space<hbm>> -> memref<640x128xf32, #tpu.memory_space<hbm>>
      %dma_wait3A_81 = arith.constant 0 : i32
      %dma_wait3A_82 = tpu.memref_slice %arg9[%mul3A_69, %dma_wait3A_81] : memref<10000x128xf32, #tpu.memory_space<vmem_shared>> -> memref<640x128xf32, #tpu.memory_space<vmem_shared>>
      tpu.wait_dma2 semaphore(%run_scoped3A_72 : memref<!tpu.dma_semaphore, #tpu.memory_space<semaphore_mem>>) src(%dma_wait3A_82 : memref<640x128xf32, #tpu.memory_space<vmem_shared>>) dst(%dma_wait3A_80 : memref<640x128xf32, #tpu.memory_space<hbm>>)
      tpu.yield
    }) : () -> ()
    return
  }
}

#map = affine_map<(d0, d1) -> (0, 0)>
#map1 = affine_map<(d0, d1) -> (0)>
module attributes {stable_mosaic.version = 14 : i64} {
  func.func @k(%arg0: i32, %arg1: i32, %arg2: memref<10000x128xf32, #tpu.memory_space<hbm>>, %arg3: memref<160000xi32, #tpu.memory_space<hbm>>, %arg4: memref<160000x128xf32, #tpu.memory_space<hbm>>, %arg5: memref<128xi32, #tpu.memory_space<vmem>>, %arg6: memref<128xi32, #tpu.memory_space<vmem>>, %arg7: memref<128xi32, #tpu.memory_space<vmem>>, %arg8: memref<8xi32, #tpu.memory_space<vmem>>, %arg9: memref<128x128xf32, #tpu.memory_space<vmem>>, %arg10: memref<128x128xf32, #tpu.memory_space<vmem>>, %arg11: memref<128x128xf32, #tpu.memory_space<vmem>>, %arg12: memref<!tpu.dma_semaphore, #tpu.memory_space<semaphore_mem>>, %arg13: memref<!tpu.dma_semaphore, #tpu.memory_space<semaphore_mem>>, %arg14: memref<!tpu.dma_semaphore, #tpu.memory_space<semaphore_mem>>) attributes {dimension_semantics = [#tpu.dimension_semantics<core_parallel>, #tpu.dimension_semantics<subcore_parallel>], iteration_bounds = array<i64: 2, 16>, scalar_prefetch = 0 : i64, scratch_operands = 10 : i64, tpu.core_type = #tpu.core_type<sc_vector_subcore>, window_params = [{transform_indices = #map}, {transform_indices = #map1}, {transform_indices = #map}]} {
    %mul3A = arith.constant 2 : i32
    %mul3A_0 = arith.muli %arg1, %mul3A : i32
    %add3A = arith.addi %mul3A_0, %arg0 : i32
    %mul3A_1 = arith.constant 5000 : i32
    %mul3A_2 = arith.muli %add3A, %mul3A_1 : i32
    %add3A_3 = arith.constant 0 : i32
    %add3A_4 = arith.addi %mul3A_2, %add3A_3 : i32
    "tpu.region"() ({
      %run_scoped3A = tpu.sem_alloc : memref<!tpu.dma_semaphore, #tpu.memory_space<semaphore_mem>>
      %dma_start3A_50 = tpu.memref_slice %arg3[%add3A_4] : memref<160000xi32, #tpu.memory_space<hbm>> -> memref<128xi32, #tpu.memory_space<hbm>>
      %dma_start3A_51 = tpu.memref_slice %arg3[%add3A_4] : memref<160000xi32, #tpu.memory_space<hbm>> -> memref<128xi32, #tpu.memory_space<hbm>>
      tpu.enqueue_dma source(%dma_start3A_51 : memref<128xi32, #tpu.memory_space<hbm>>) target(%arg5 : memref<128xi32, #tpu.memory_space<vmem>>) target_semaphore(%run_scoped3A : memref<!tpu.dma_semaphore, #tpu.memory_space<semaphore_mem>>)
      %dma_wait3A_52 = tpu.memref_slice %arg3[%add3A_4] : memref<160000xi32, #tpu.memory_space<hbm>> -> memref<128xi32, #tpu.memory_space<hbm>>
      %dma_wait3A_53 = tpu.memref_slice %arg3[%add3A_4] : memref<160000xi32, #tpu.memory_space<hbm>> -> memref<128xi32, #tpu.memory_space<hbm>>
      tpu.wait_dma2 semaphore(%run_scoped3A : memref<!tpu.dma_semaphore, #tpu.memory_space<semaphore_mem>>) src(%dma_wait3A_53 : memref<128xi32, #tpu.memory_space<hbm>>) dst(%arg5 : memref<128xi32, #tpu.memory_space<vmem>>)
      tpu.yield
    }) : () -> ()
    %dma_start3A = arith.constant 0 : i32
    %dma_start3A_5 = arith.constant 0 : i32
    %dma_start3A_6 = tpu.memref_slice %arg2[%dma_start3A, %dma_start3A_5] : memref<10000x128xf32, #tpu.memory_space<hbm>> -> memref<10000x128xf32, #tpu.memory_space<hbm>>
    tpu.enqueue_indirect_dma source(%dma_start3A_6 : memref<10000x128xf32, #tpu.memory_space<hbm>>) target(%arg9 : memref<128x128xf32, #tpu.memory_space<vmem>>) offsets(%arg5 : memref<128xi32, #tpu.memory_space<vmem>>) semaphore(%arg12 : memref<!tpu.dma_semaphore, #tpu.memory_space<semaphore_mem>>)
    %add3A_7 = arith.constant 128 : i32
    %add3A_8 = arith.addi %mul3A_2, %add3A_7 : i32
    "tpu.region"() ({
      %run_scoped3A = tpu.sem_alloc : memref<!tpu.dma_semaphore, #tpu.memory_space<semaphore_mem>>
      %dma_start3A_50 = tpu.memref_slice %arg3[%add3A_8] : memref<160000xi32, #tpu.memory_space<hbm>> -> memref<128xi32, #tpu.memory_space<hbm>>
      %dma_start3A_51 = tpu.memref_slice %arg3[%add3A_8] : memref<160000xi32, #tpu.memory_space<hbm>> -> memref<128xi32, #tpu.memory_space<hbm>>
      tpu.enqueue_dma source(%dma_start3A_51 : memref<128xi32, #tpu.memory_space<hbm>>) target(%arg6 : memref<128xi32, #tpu.memory_space<vmem>>) target_semaphore(%run_scoped3A : memref<!tpu.dma_semaphore, #tpu.memory_space<semaphore_mem>>)
      %dma_wait3A_52 = tpu.memref_slice %arg3[%add3A_8] : memref<160000xi32, #tpu.memory_space<hbm>> -> memref<128xi32, #tpu.memory_space<hbm>>
      %dma_wait3A_53 = tpu.memref_slice %arg3[%add3A_8] : memref<160000xi32, #tpu.memory_space<hbm>> -> memref<128xi32, #tpu.memory_space<hbm>>
      tpu.wait_dma2 semaphore(%run_scoped3A : memref<!tpu.dma_semaphore, #tpu.memory_space<semaphore_mem>>) src(%dma_wait3A_53 : memref<128xi32, #tpu.memory_space<hbm>>) dst(%arg6 : memref<128xi32, #tpu.memory_space<vmem>>)
      tpu.yield
    }) : () -> ()
    %dma_start3A_9 = arith.constant 0 : i32
    %dma_start3A_10 = arith.constant 0 : i32
    %dma_start3A_11 = tpu.memref_slice %arg2[%dma_start3A_9, %dma_start3A_10] : memref<10000x128xf32, #tpu.memory_space<hbm>> -> memref<10000x128xf32, #tpu.memory_space<hbm>>
    tpu.enqueue_indirect_dma source(%dma_start3A_11 : memref<10000x128xf32, #tpu.memory_space<hbm>>) target(%arg10 : memref<128x128xf32, #tpu.memory_space<vmem>>) offsets(%arg6 : memref<128xi32, #tpu.memory_space<vmem>>) semaphore(%arg13 : memref<!tpu.dma_semaphore, #tpu.memory_space<semaphore_mem>>)
    %add3A_12 = arith.constant 256 : i32
    %add3A_13 = arith.addi %mul3A_2, %add3A_12 : i32
    "tpu.region"() ({
      %run_scoped3A = tpu.sem_alloc : memref<!tpu.dma_semaphore, #tpu.memory_space<semaphore_mem>>
      %dma_start3A_50 = tpu.memref_slice %arg3[%add3A_13] : memref<160000xi32, #tpu.memory_space<hbm>> -> memref<128xi32, #tpu.memory_space<hbm>>
      %dma_start3A_51 = tpu.memref_slice %arg3[%add3A_13] : memref<160000xi32, #tpu.memory_space<hbm>> -> memref<128xi32, #tpu.memory_space<hbm>>
      tpu.enqueue_dma source(%dma_start3A_51 : memref<128xi32, #tpu.memory_space<hbm>>) target(%arg7 : memref<128xi32, #tpu.memory_space<vmem>>) target_semaphore(%run_scoped3A : memref<!tpu.dma_semaphore, #tpu.memory_space<semaphore_mem>>)
      %dma_wait3A_52 = tpu.memref_slice %arg3[%add3A_13] : memref<160000xi32, #tpu.memory_space<hbm>> -> memref<128xi32, #tpu.memory_space<hbm>>
      %dma_wait3A_53 = tpu.memref_slice %arg3[%add3A_13] : memref<160000xi32, #tpu.memory_space<hbm>> -> memref<128xi32, #tpu.memory_space<hbm>>
      tpu.wait_dma2 semaphore(%run_scoped3A : memref<!tpu.dma_semaphore, #tpu.memory_space<semaphore_mem>>) src(%dma_wait3A_53 : memref<128xi32, #tpu.memory_space<hbm>>) dst(%arg7 : memref<128xi32, #tpu.memory_space<vmem>>)
      tpu.yield
    }) : () -> ()
    %dma_start3A_14 = arith.constant 0 : i32
    %dma_start3A_15 = arith.constant 0 : i32
    %dma_start3A_16 = tpu.memref_slice %arg2[%dma_start3A_14, %dma_start3A_15] : memref<10000x128xf32, #tpu.memory_space<hbm>> -> memref<10000x128xf32, #tpu.memory_space<hbm>>
    tpu.enqueue_indirect_dma source(%dma_start3A_16 : memref<10000x128xf32, #tpu.memory_space<hbm>>) target(%arg11 : memref<128x128xf32, #tpu.memory_space<vmem>>) offsets(%arg7 : memref<128xi32, #tpu.memory_space<vmem>>) semaphore(%arg14 : memref<!tpu.dma_semaphore, #tpu.memory_space<semaphore_mem>>)
    %scan3A = arith.constant 0 : i32
    %scan3A_17 = arith.constant 0 : i32
    %scan3A_18 = arith.constant 12 : i32
    %scan3A_19 = arith.addi %scan3A_17, %scan3A_18 : i32
    %scan3A_20 = arith.constant 1 : i32
    scf.for %scan3A_50 = %scan3A_17 to %scan3A_19 step %scan3A_20  : i32 {
      %mul3A_51 = arith.constant 3 : i32
      %mul3A_52 = arith.muli %mul3A_51, %scan3A_50 : i32
      %add3A_53 = arith.constant 0 : i32
      %add3A_54 = arith.addi %mul3A_52, %add3A_53 : i32
      %dma_wait3A_55 = arith.constant 0 : i32
      %dma_wait3A_56 = arith.constant 0 : i32
      %dma_wait3A_57 = tpu.memref_slice %arg2[%dma_wait3A_55, %dma_wait3A_56] : memref<10000x128xf32, #tpu.memory_space<hbm>> -> memref<10000x128xf32, #tpu.memory_space<hbm>>
      tpu.wait_indirect_dma semaphore(%arg12 : memref<!tpu.dma_semaphore, #tpu.memory_space<semaphore_mem>>) src(%dma_wait3A_57 : memref<10000x128xf32, #tpu.memory_space<hbm>>) dst(%arg9 : memref<128x128xf32, #tpu.memory_space<vmem>>)
      %mul3A_58 = arith.constant 128 : i32
      %mul3A_59 = arith.muli %add3A_54, %mul3A_58 : i32
      %add3A_60 = arith.addi %mul3A_2, %mul3A_59 : i32
      "tpu.region"() ({
        %run_scoped3A = tpu.sem_alloc : memref<!tpu.dma_semaphore, #tpu.memory_space<semaphore_mem>>
        %dma_start3A_117 = arith.constant 0 : i32
        %dma_start3A_118 = tpu.memref_slice %arg4[%add3A_60, %dma_start3A_117] : memref<160000x128xf32, #tpu.memory_space<hbm>> -> memref<128x128xf32, #tpu.memory_space<hbm>>
        %dma_start3A_119 = arith.constant 0 : i32
        %dma_start3A_120 = tpu.memref_slice %arg4[%add3A_60, %dma_start3A_119] : memref<160000x128xf32, #tpu.memory_space<hbm>> -> memref<128x128xf32, #tpu.memory_space<hbm>>
        tpu.enqueue_dma source(%arg9 : memref<128x128xf32, #tpu.memory_space<vmem>>) target(%dma_start3A_120 : memref<128x128xf32, #tpu.memory_space<hbm>>) target_semaphore(%run_scoped3A : memref<!tpu.dma_semaphore, #tpu.memory_space<semaphore_mem>>)
        %dma_wait3A_121 = arith.constant 0 : i32
        %dma_wait3A_122 = tpu.memref_slice %arg4[%add3A_60, %dma_wait3A_121] : memref<160000x128xf32, #tpu.memory_space<hbm>> -> memref<128x128xf32, #tpu.memory_space<hbm>>
        %dma_wait3A_123 = arith.constant 0 : i32
        %dma_wait3A_124 = tpu.memref_slice %arg4[%add3A_60, %dma_wait3A_123] : memref<160000x128xf32, #tpu.memory_space<hbm>> -> memref<128x128xf32, #tpu.memory_space<hbm>>
        tpu.wait_dma2 semaphore(%run_scoped3A : memref<!tpu.dma_semaphore, #tpu.memory_space<semaphore_mem>>) src(%arg9 : memref<128x128xf32, #tpu.memory_space<vmem>>) dst(%dma_wait3A_124 : memref<128x128xf32, #tpu.memory_space<hbm>>)
        tpu.yield
      }) : () -> ()
      %mul3A_61 = arith.constant 3 : i32
      %mul3A_62 = arith.muli %mul3A_61, %scan3A_50 : i32
      %add3A_63 = arith.constant 3 : i32
      %add3A_64 = arith.addi %mul3A_62, %add3A_63 : i32
      %add3A_65 = arith.constant 0 : i32
      %add3A_66 = arith.addi %add3A_64, %add3A_65 : i32
      %mul3A_67 = arith.constant 128 : i32
      %mul3A_68 = arith.muli %add3A_66, %mul3A_67 : i32
      %add3A_69 = arith.addi %mul3A_2, %mul3A_68 : i32
      "tpu.region"() ({
        %run_scoped3A = tpu.sem_alloc : memref<!tpu.dma_semaphore, #tpu.memory_space<semaphore_mem>>
        %dma_start3A_117 = tpu.memref_slice %arg3[%add3A_69] : memref<160000xi32, #tpu.memory_space<hbm>> -> memref<128xi32, #tpu.memory_space<hbm>>
        %dma_start3A_118 = tpu.memref_slice %arg3[%add3A_69] : memref<160000xi32, #tpu.memory_space<hbm>> -> memref<128xi32, #tpu.memory_space<hbm>>
        tpu.enqueue_dma source(%dma_start3A_118 : memref<128xi32, #tpu.memory_space<hbm>>) target(%arg5 : memref<128xi32, #tpu.memory_space<vmem>>) target_semaphore(%run_scoped3A : memref<!tpu.dma_semaphore, #tpu.memory_space<semaphore_mem>>)
        %dma_wait3A_119 = tpu.memref_slice %arg3[%add3A_69] : memref<160000xi32, #tpu.memory_space<hbm>> -> memref<128xi32, #tpu.memory_space<hbm>>
        %dma_wait3A_120 = tpu.memref_slice %arg3[%add3A_69] : memref<160000xi32, #tpu.memory_space<hbm>> -> memref<128xi32, #tpu.memory_space<hbm>>
        tpu.wait_dma2 semaphore(%run_scoped3A : memref<!tpu.dma_semaphore, #tpu.memory_space<semaphore_mem>>) src(%dma_wait3A_120 : memref<128xi32, #tpu.memory_space<hbm>>) dst(%arg5 : memref<128xi32, #tpu.memory_space<vmem>>)
        tpu.yield
      }) : () -> ()
      %dma_start3A_70 = arith.constant 0 : i32
      %dma_start3A_71 = arith.constant 0 : i32
      %dma_start3A_72 = tpu.memref_slice %arg2[%dma_start3A_70, %dma_start3A_71] : memref<10000x128xf32, #tpu.memory_space<hbm>> -> memref<10000x128xf32, #tpu.memory_space<hbm>>
      tpu.enqueue_indirect_dma source(%dma_start3A_72 : memref<10000x128xf32, #tpu.memory_space<hbm>>) target(%arg9 : memref<128x128xf32, #tpu.memory_space<vmem>>) offsets(%arg5 : memref<128xi32, #tpu.memory_space<vmem>>) semaphore(%arg12 : memref<!tpu.dma_semaphore, #tpu.memory_space<semaphore_mem>>)
      %mul3A_73 = arith.constant 3 : i32
      %mul3A_74 = arith.muli %mul3A_73, %scan3A_50 : i32
      %add3A_75 = arith.constant 1 : i32
      %add3A_76 = arith.addi %mul3A_74, %add3A_75 : i32
      %dma_wait3A_77 = arith.constant 0 : i32
      %dma_wait3A_78 = arith.constant 0 : i32
      %dma_wait3A_79 = tpu.memref_slice %arg2[%dma_wait3A_77, %dma_wait3A_78] : memref<10000x128xf32, #tpu.memory_space<hbm>> -> memref<10000x128xf32, #tpu.memory_space<hbm>>
      tpu.wait_indirect_dma semaphore(%arg13 : memref<!tpu.dma_semaphore, #tpu.memory_space<semaphore_mem>>) src(%dma_wait3A_79 : memref<10000x128xf32, #tpu.memory_space<hbm>>) dst(%arg10 : memref<128x128xf32, #tpu.memory_space<vmem>>)
      %mul3A_80 = arith.constant 128 : i32
      %mul3A_81 = arith.muli %add3A_76, %mul3A_80 : i32
      %add3A_82 = arith.addi %mul3A_2, %mul3A_81 : i32
      "tpu.region"() ({
        %run_scoped3A = tpu.sem_alloc : memref<!tpu.dma_semaphore, #tpu.memory_space<semaphore_mem>>
        %dma_start3A_117 = arith.constant 0 : i32
        %dma_start3A_118 = tpu.memref_slice %arg4[%add3A_82, %dma_start3A_117] : memref<160000x128xf32, #tpu.memory_space<hbm>> -> memref<128x128xf32, #tpu.memory_space<hbm>>
        %dma_start3A_119 = arith.constant 0 : i32
        %dma_start3A_120 = tpu.memref_slice %arg4[%add3A_82, %dma_start3A_119] : memref<160000x128xf32, #tpu.memory_space<hbm>> -> memref<128x128xf32, #tpu.memory_space<hbm>>
        tpu.enqueue_dma source(%arg10 : memref<128x128xf32, #tpu.memory_space<vmem>>) target(%dma_start3A_120 : memref<128x128xf32, #tpu.memory_space<hbm>>) target_semaphore(%run_scoped3A : memref<!tpu.dma_semaphore, #tpu.memory_space<semaphore_mem>>)
        %dma_wait3A_121 = arith.constant 0 : i32
        %dma_wait3A_122 = tpu.memref_slice %arg4[%add3A_82, %dma_wait3A_121] : memref<160000x128xf32, #tpu.memory_space<hbm>> -> memref<128x128xf32, #tpu.memory_space<hbm>>
        %dma_wait3A_123 = arith.constant 0 : i32
        %dma_wait3A_124 = tpu.memref_slice %arg4[%add3A_82, %dma_wait3A_123] : memref<160000x128xf32, #tpu.memory_space<hbm>> -> memref<128x128xf32, #tpu.memory_space<hbm>>
        tpu.wait_dma2 semaphore(%run_scoped3A : memref<!tpu.dma_semaphore, #tpu.memory_space<semaphore_mem>>) src(%arg10 : memref<128x128xf32, #tpu.memory_space<vmem>>) dst(%dma_wait3A_124 : memref<128x128xf32, #tpu.memory_space<hbm>>)
        tpu.yield
      }) : () -> ()
      %mul3A_83 = arith.constant 3 : i32
      %mul3A_84 = arith.muli %mul3A_83, %scan3A_50 : i32
      %add3A_85 = arith.constant 3 : i32
      %add3A_86 = arith.addi %mul3A_84, %add3A_85 : i32
      %add3A_87 = arith.constant 1 : i32
      %add3A_88 = arith.addi %add3A_86, %add3A_87 : i32
      %mul3A_89 = arith.constant 128 : i32
      %mul3A_90 = arith.muli %add3A_88, %mul3A_89 : i32
      %add3A_91 = arith.addi %mul3A_2, %mul3A_90 : i32
      "tpu.region"() ({
        %run_scoped3A = tpu.sem_alloc : memref<!tpu.dma_semaphore, #tpu.memory_space<semaphore_mem>>
        %dma_start3A_117 = tpu.memref_slice %arg3[%add3A_91] : memref<160000xi32, #tpu.memory_space<hbm>> -> memref<128xi32, #tpu.memory_space<hbm>>
        %dma_start3A_118 = tpu.memref_slice %arg3[%add3A_91] : memref<160000xi32, #tpu.memory_space<hbm>> -> memref<128xi32, #tpu.memory_space<hbm>>
        tpu.enqueue_dma source(%dma_start3A_118 : memref<128xi32, #tpu.memory_space<hbm>>) target(%arg6 : memref<128xi32, #tpu.memory_space<vmem>>) target_semaphore(%run_scoped3A : memref<!tpu.dma_semaphore, #tpu.memory_space<semaphore_mem>>)
        %dma_wait3A_119 = tpu.memref_slice %arg3[%add3A_91] : memref<160000xi32, #tpu.memory_space<hbm>> -> memref<128xi32, #tpu.memory_space<hbm>>
        %dma_wait3A_120 = tpu.memref_slice %arg3[%add3A_91] : memref<160000xi32, #tpu.memory_space<hbm>> -> memref<128xi32, #tpu.memory_space<hbm>>
        tpu.wait_dma2 semaphore(%run_scoped3A : memref<!tpu.dma_semaphore, #tpu.memory_space<semaphore_mem>>) src(%dma_wait3A_120 : memref<128xi32, #tpu.memory_space<hbm>>) dst(%arg6 : memref<128xi32, #tpu.memory_space<vmem>>)
        tpu.yield
      }) : () -> ()
      %dma_start3A_92 = arith.constant 0 : i32
      %dma_start3A_93 = arith.constant 0 : i32
      %dma_start3A_94 = tpu.memref_slice %arg2[%dma_start3A_92, %dma_start3A_93] : memref<10000x128xf32, #tpu.memory_space<hbm>> -> memref<10000x128xf32, #tpu.memory_space<hbm>>
      tpu.enqueue_indirect_dma source(%dma_start3A_94 : memref<10000x128xf32, #tpu.memory_space<hbm>>) target(%arg10 : memref<128x128xf32, #tpu.memory_space<vmem>>) offsets(%arg6 : memref<128xi32, #tpu.memory_space<vmem>>) semaphore(%arg13 : memref<!tpu.dma_semaphore, #tpu.memory_space<semaphore_mem>>)
      %mul3A_95 = arith.constant 3 : i32
      %mul3A_96 = arith.muli %mul3A_95, %scan3A_50 : i32
      %add3A_97 = arith.constant 2 : i32
      %add3A_98 = arith.addi %mul3A_96, %add3A_97 : i32
      %dma_wait3A_99 = arith.constant 0 : i32
      %dma_wait3A_100 = arith.constant 0 : i32
      %dma_wait3A_101 = tpu.memref_slice %arg2[%dma_wait3A_99, %dma_wait3A_100] : memref<10000x128xf32, #tpu.memory_space<hbm>> -> memref<10000x128xf32, #tpu.memory_space<hbm>>
      tpu.wait_indirect_dma semaphore(%arg14 : memref<!tpu.dma_semaphore, #tpu.memory_space<semaphore_mem>>) src(%dma_wait3A_101 : memref<10000x128xf32, #tpu.memory_space<hbm>>) dst(%arg11 : memref<128x128xf32, #tpu.memory_space<vmem>>)
      %mul3A_102 = arith.constant 128 : i32
      %mul3A_103 = arith.muli %add3A_98, %mul3A_102 : i32
      %add3A_104 = arith.addi %mul3A_2, %mul3A_103 : i32
      "tpu.region"() ({
        %run_scoped3A = tpu.sem_alloc : memref<!tpu.dma_semaphore, #tpu.memory_space<semaphore_mem>>
        %dma_start3A_117 = arith.constant 0 : i32
        %dma_start3A_118 = tpu.memref_slice %arg4[%add3A_104, %dma_start3A_117] : memref<160000x128xf32, #tpu.memory_space<hbm>> -> memref<128x128xf32, #tpu.memory_space<hbm>>
        %dma_start3A_119 = arith.constant 0 : i32
        %dma_start3A_120 = tpu.memref_slice %arg4[%add3A_104, %dma_start3A_119] : memref<160000x128xf32, #tpu.memory_space<hbm>> -> memref<128x128xf32, #tpu.memory_space<hbm>>
        tpu.enqueue_dma source(%arg11 : memref<128x128xf32, #tpu.memory_space<vmem>>) target(%dma_start3A_120 : memref<128x128xf32, #tpu.memory_space<hbm>>) target_semaphore(%run_scoped3A : memref<!tpu.dma_semaphore, #tpu.memory_space<semaphore_mem>>)
        %dma_wait3A_121 = arith.constant 0 : i32
        %dma_wait3A_122 = tpu.memref_slice %arg4[%add3A_104, %dma_wait3A_121] : memref<160000x128xf32, #tpu.memory_space<hbm>> -> memref<128x128xf32, #tpu.memory_space<hbm>>
        %dma_wait3A_123 = arith.constant 0 : i32
        %dma_wait3A_124 = tpu.memref_slice %arg4[%add3A_104, %dma_wait3A_123] : memref<160000x128xf32, #tpu.memory_space<hbm>> -> memref<128x128xf32, #tpu.memory_space<hbm>>
        tpu.wait_dma2 semaphore(%run_scoped3A : memref<!tpu.dma_semaphore, #tpu.memory_space<semaphore_mem>>) src(%arg11 : memref<128x128xf32, #tpu.memory_space<vmem>>) dst(%dma_wait3A_124 : memref<128x128xf32, #tpu.memory_space<hbm>>)
        tpu.yield
      }) : () -> ()
      %mul3A_105 = arith.constant 3 : i32
      %mul3A_106 = arith.muli %mul3A_105, %scan3A_50 : i32
      %add3A_107 = arith.constant 3 : i32
      %add3A_108 = arith.addi %mul3A_106, %add3A_107 : i32
      %add3A_109 = arith.constant 2 : i32
      %add3A_110 = arith.addi %add3A_108, %add3A_109 : i32
      %mul3A_111 = arith.constant 128 : i32
      %mul3A_112 = arith.muli %add3A_110, %mul3A_111 : i32
      %add3A_113 = arith.addi %mul3A_2, %mul3A_112 : i32
      "tpu.region"() ({
        %run_scoped3A = tpu.sem_alloc : memref<!tpu.dma_semaphore, #tpu.memory_space<semaphore_mem>>
        %dma_start3A_117 = tpu.memref_slice %arg3[%add3A_113] : memref<160000xi32, #tpu.memory_space<hbm>> -> memref<128xi32, #tpu.memory_space<hbm>>
        %dma_start3A_118 = tpu.memref_slice %arg3[%add3A_113] : memref<160000xi32, #tpu.memory_space<hbm>> -> memref<128xi32, #tpu.memory_space<hbm>>
        tpu.enqueue_dma source(%dma_start3A_118 : memref<128xi32, #tpu.memory_space<hbm>>) target(%arg7 : memref<128xi32, #tpu.memory_space<vmem>>) target_semaphore(%run_scoped3A : memref<!tpu.dma_semaphore, #tpu.memory_space<semaphore_mem>>)
        %dma_wait3A_119 = tpu.memref_slice %arg3[%add3A_113] : memref<160000xi32, #tpu.memory_space<hbm>> -> memref<128xi32, #tpu.memory_space<hbm>>
        %dma_wait3A_120 = tpu.memref_slice %arg3[%add3A_113] : memref<160000xi32, #tpu.memory_space<hbm>> -> memref<128xi32, #tpu.memory_space<hbm>>
        tpu.wait_dma2 semaphore(%run_scoped3A : memref<!tpu.dma_semaphore, #tpu.memory_space<semaphore_mem>>) src(%dma_wait3A_120 : memref<128xi32, #tpu.memory_space<hbm>>) dst(%arg7 : memref<128xi32, #tpu.memory_space<vmem>>)
        tpu.yield
      }) : () -> ()
      %dma_start3A_114 = arith.constant 0 : i32
      %dma_start3A_115 = arith.constant 0 : i32
      %dma_start3A_116 = tpu.memref_slice %arg2[%dma_start3A_114, %dma_start3A_115] : memref<10000x128xf32, #tpu.memory_space<hbm>> -> memref<10000x128xf32, #tpu.memory_space<hbm>>
      tpu.enqueue_indirect_dma source(%dma_start3A_116 : memref<10000x128xf32, #tpu.memory_space<hbm>>) target(%arg11 : memref<128x128xf32, #tpu.memory_space<vmem>>) offsets(%arg7 : memref<128xi32, #tpu.memory_space<vmem>>) semaphore(%arg14 : memref<!tpu.dma_semaphore, #tpu.memory_space<semaphore_mem>>)
    }
    %scan3A_21 = arith.constant 12 : i32
    %dma_wait3A = arith.constant 0 : i32
    %dma_wait3A_22 = arith.constant 0 : i32
    %dma_wait3A_23 = tpu.memref_slice %arg2[%dma_wait3A, %dma_wait3A_22] : memref<10000x128xf32, #tpu.memory_space<hbm>> -> memref<10000x128xf32, #tpu.memory_space<hbm>>
    tpu.wait_indirect_dma semaphore(%arg12 : memref<!tpu.dma_semaphore, #tpu.memory_space<semaphore_mem>>) src(%dma_wait3A_23 : memref<10000x128xf32, #tpu.memory_space<hbm>>) dst(%arg9 : memref<128x128xf32, #tpu.memory_space<vmem>>)
    %add3A_24 = arith.constant 4608 : i32
    %add3A_25 = arith.addi %mul3A_2, %add3A_24 : i32
    "tpu.region"() ({
      %run_scoped3A = tpu.sem_alloc : memref<!tpu.dma_semaphore, #tpu.memory_space<semaphore_mem>>
      %dma_start3A_50 = arith.constant 0 : i32
      %dma_start3A_51 = tpu.memref_slice %arg4[%add3A_25, %dma_start3A_50] : memref<160000x128xf32, #tpu.memory_space<hbm>> -> memref<128x128xf32, #tpu.memory_space<hbm>>
      %dma_start3A_52 = arith.constant 0 : i32
      %dma_start3A_53 = tpu.memref_slice %arg4[%add3A_25, %dma_start3A_52] : memref<160000x128xf32, #tpu.memory_space<hbm>> -> memref<128x128xf32, #tpu.memory_space<hbm>>
      tpu.enqueue_dma source(%arg9 : memref<128x128xf32, #tpu.memory_space<vmem>>) target(%dma_start3A_53 : memref<128x128xf32, #tpu.memory_space<hbm>>) target_semaphore(%run_scoped3A : memref<!tpu.dma_semaphore, #tpu.memory_space<semaphore_mem>>)
      %dma_wait3A_54 = arith.constant 0 : i32
      %dma_wait3A_55 = tpu.memref_slice %arg4[%add3A_25, %dma_wait3A_54] : memref<160000x128xf32, #tpu.memory_space<hbm>> -> memref<128x128xf32, #tpu.memory_space<hbm>>
      %dma_wait3A_56 = arith.constant 0 : i32
      %dma_wait3A_57 = tpu.memref_slice %arg4[%add3A_25, %dma_wait3A_56] : memref<160000x128xf32, #tpu.memory_space<hbm>> -> memref<128x128xf32, #tpu.memory_space<hbm>>
      tpu.wait_dma2 semaphore(%run_scoped3A : memref<!tpu.dma_semaphore, #tpu.memory_space<semaphore_mem>>) src(%arg9 : memref<128x128xf32, #tpu.memory_space<vmem>>) dst(%dma_wait3A_57 : memref<128x128xf32, #tpu.memory_space<hbm>>)
      tpu.yield
    }) : () -> ()
    %dma_wait3A_26 = arith.constant 0 : i32
    %dma_wait3A_27 = arith.constant 0 : i32
    %dma_wait3A_28 = tpu.memref_slice %arg2[%dma_wait3A_26, %dma_wait3A_27] : memref<10000x128xf32, #tpu.memory_space<hbm>> -> memref<10000x128xf32, #tpu.memory_space<hbm>>
    tpu.wait_indirect_dma semaphore(%arg13 : memref<!tpu.dma_semaphore, #tpu.memory_space<semaphore_mem>>) src(%dma_wait3A_28 : memref<10000x128xf32, #tpu.memory_space<hbm>>) dst(%arg10 : memref<128x128xf32, #tpu.memory_space<vmem>>)
    %add3A_29 = arith.constant 4736 : i32
    %add3A_30 = arith.addi %mul3A_2, %add3A_29 : i32
    "tpu.region"() ({
      %run_scoped3A = tpu.sem_alloc : memref<!tpu.dma_semaphore, #tpu.memory_space<semaphore_mem>>
      %dma_start3A_50 = arith.constant 0 : i32
      %dma_start3A_51 = tpu.memref_slice %arg4[%add3A_30, %dma_start3A_50] : memref<160000x128xf32, #tpu.memory_space<hbm>> -> memref<128x128xf32, #tpu.memory_space<hbm>>
      %dma_start3A_52 = arith.constant 0 : i32
      %dma_start3A_53 = tpu.memref_slice %arg4[%add3A_30, %dma_start3A_52] : memref<160000x128xf32, #tpu.memory_space<hbm>> -> memref<128x128xf32, #tpu.memory_space<hbm>>
      tpu.enqueue_dma source(%arg10 : memref<128x128xf32, #tpu.memory_space<vmem>>) target(%dma_start3A_53 : memref<128x128xf32, #tpu.memory_space<hbm>>) target_semaphore(%run_scoped3A : memref<!tpu.dma_semaphore, #tpu.memory_space<semaphore_mem>>)
      %dma_wait3A_54 = arith.constant 0 : i32
      %dma_wait3A_55 = tpu.memref_slice %arg4[%add3A_30, %dma_wait3A_54] : memref<160000x128xf32, #tpu.memory_space<hbm>> -> memref<128x128xf32, #tpu.memory_space<hbm>>
      %dma_wait3A_56 = arith.constant 0 : i32
      %dma_wait3A_57 = tpu.memref_slice %arg4[%add3A_30, %dma_wait3A_56] : memref<160000x128xf32, #tpu.memory_space<hbm>> -> memref<128x128xf32, #tpu.memory_space<hbm>>
      tpu.wait_dma2 semaphore(%run_scoped3A : memref<!tpu.dma_semaphore, #tpu.memory_space<semaphore_mem>>) src(%arg10 : memref<128x128xf32, #tpu.memory_space<vmem>>) dst(%dma_wait3A_57 : memref<128x128xf32, #tpu.memory_space<hbm>>)
      tpu.yield
    }) : () -> ()
    %dma_wait3A_31 = arith.constant 0 : i32
    %dma_wait3A_32 = arith.constant 0 : i32
    %dma_wait3A_33 = tpu.memref_slice %arg2[%dma_wait3A_31, %dma_wait3A_32] : memref<10000x128xf32, #tpu.memory_space<hbm>> -> memref<10000x128xf32, #tpu.memory_space<hbm>>
    tpu.wait_indirect_dma semaphore(%arg14 : memref<!tpu.dma_semaphore, #tpu.memory_space<semaphore_mem>>) src(%dma_wait3A_33 : memref<10000x128xf32, #tpu.memory_space<hbm>>) dst(%arg11 : memref<128x128xf32, #tpu.memory_space<vmem>>)
    %add3A_34 = arith.constant 4864 : i32
    %add3A_35 = arith.addi %mul3A_2, %add3A_34 : i32
    "tpu.region"() ({
      %run_scoped3A = tpu.sem_alloc : memref<!tpu.dma_semaphore, #tpu.memory_space<semaphore_mem>>
      %dma_start3A_50 = arith.constant 0 : i32
      %dma_start3A_51 = tpu.memref_slice %arg4[%add3A_35, %dma_start3A_50] : memref<160000x128xf32, #tpu.memory_space<hbm>> -> memref<128x128xf32, #tpu.memory_space<hbm>>
      %dma_start3A_52 = arith.constant 0 : i32
      %dma_start3A_53 = tpu.memref_slice %arg4[%add3A_35, %dma_start3A_52] : memref<160000x128xf32, #tpu.memory_space<hbm>> -> memref<128x128xf32, #tpu.memory_space<hbm>>
      tpu.enqueue_dma source(%arg11 : memref<128x128xf32, #tpu.memory_space<vmem>>) target(%dma_start3A_53 : memref<128x128xf32, #tpu.memory_space<hbm>>) target_semaphore(%run_scoped3A : memref<!tpu.dma_semaphore, #tpu.memory_space<semaphore_mem>>)
      %dma_wait3A_54 = arith.constant 0 : i32
      %dma_wait3A_55 = tpu.memref_slice %arg4[%add3A_35, %dma_wait3A_54] : memref<160000x128xf32, #tpu.memory_space<hbm>> -> memref<128x128xf32, #tpu.memory_space<hbm>>
      %dma_wait3A_56 = arith.constant 0 : i32
      %dma_wait3A_57 = tpu.memref_slice %arg4[%add3A_35, %dma_wait3A_56] : memref<160000x128xf32, #tpu.memory_space<hbm>> -> memref<128x128xf32, #tpu.memory_space<hbm>>
      tpu.wait_dma2 semaphore(%run_scoped3A : memref<!tpu.dma_semaphore, #tpu.memory_space<semaphore_mem>>) src(%arg11 : memref<128x128xf32, #tpu.memory_space<vmem>>) dst(%dma_wait3A_57 : memref<128x128xf32, #tpu.memory_space<hbm>>)
      tpu.yield
    }) : () -> ()
    %add3A_36 = arith.constant 4992 : i32
    %add3A_37 = arith.addi %mul3A_2, %add3A_36 : i32
    "tpu.region"() ({
      %run_scoped3A = tpu.sem_alloc : memref<!tpu.dma_semaphore, #tpu.memory_space<semaphore_mem>>
      %dma_start3A_50 = tpu.memref_slice %arg3[%add3A_37] : memref<160000xi32, #tpu.memory_space<hbm>> -> memref<8xi32, #tpu.memory_space<hbm>>
      %dma_start3A_51 = tpu.memref_slice %arg3[%add3A_37] : memref<160000xi32, #tpu.memory_space<hbm>> -> memref<8xi32, #tpu.memory_space<hbm>>
      tpu.enqueue_dma source(%dma_start3A_51 : memref<8xi32, #tpu.memory_space<hbm>>) target(%arg8 : memref<8xi32, #tpu.memory_space<vmem>>) target_semaphore(%run_scoped3A : memref<!tpu.dma_semaphore, #tpu.memory_space<semaphore_mem>>)
      %dma_wait3A_52 = tpu.memref_slice %arg3[%add3A_37] : memref<160000xi32, #tpu.memory_space<hbm>> -> memref<8xi32, #tpu.memory_space<hbm>>
      %dma_wait3A_53 = tpu.memref_slice %arg3[%add3A_37] : memref<160000xi32, #tpu.memory_space<hbm>> -> memref<8xi32, #tpu.memory_space<hbm>>
      tpu.wait_dma2 semaphore(%run_scoped3A : memref<!tpu.dma_semaphore, #tpu.memory_space<semaphore_mem>>) src(%dma_wait3A_53 : memref<8xi32, #tpu.memory_space<hbm>>) dst(%arg8 : memref<8xi32, #tpu.memory_space<vmem>>)
      tpu.yield
    }) : () -> ()
    %dma_start3A_38 = arith.constant 0 : i32
    %dma_start3A_39 = arith.constant 0 : i32
    %dma_start3A_40 = tpu.memref_slice %arg9[%dma_start3A_38, %dma_start3A_39] : memref<128x128xf32, #tpu.memory_space<vmem>> -> memref<8x128xf32, #tpu.memory_space<vmem>>
    %dma_start3A_41 = arith.constant 0 : i32
    %dma_start3A_42 = arith.constant 0 : i32
    %dma_start3A_43 = tpu.memref_slice %arg2[%dma_start3A_41, %dma_start3A_42] : memref<10000x128xf32, #tpu.memory_space<hbm>> -> memref<10000x128xf32, #tpu.memory_space<hbm>>
    tpu.enqueue_indirect_dma source(%dma_start3A_43 : memref<10000x128xf32, #tpu.memory_space<hbm>>) target(%dma_start3A_40 : memref<8x128xf32, #tpu.memory_space<vmem>>) offsets(%arg8 : memref<8xi32, #tpu.memory_space<vmem>>) semaphore(%arg12 : memref<!tpu.dma_semaphore, #tpu.memory_space<semaphore_mem>>)
    %dma_wait3A_44 = arith.constant 0 : i32
    %dma_wait3A_45 = arith.constant 0 : i32
    %dma_wait3A_46 = tpu.memref_slice %arg9[%dma_wait3A_44, %dma_wait3A_45] : memref<128x128xf32, #tpu.memory_space<vmem>> -> memref<8x128xf32, #tpu.memory_space<vmem>>
    %dma_wait3A_47 = arith.constant 0 : i32
    %dma_wait3A_48 = arith.constant 0 : i32
    %dma_wait3A_49 = tpu.memref_slice %arg2[%dma_wait3A_47, %dma_wait3A_48] : memref<10000x128xf32, #tpu.memory_space<hbm>> -> memref<10000x128xf32, #tpu.memory_space<hbm>>
    tpu.wait_indirect_dma semaphore(%arg12 : memref<!tpu.dma_semaphore, #tpu.memory_space<semaphore_mem>>) src(%dma_wait3A_49 : memref<10000x128xf32, #tpu.memory_space<hbm>>) dst(%dma_wait3A_46 : memref<8x128xf32, #tpu.memory_space<vmem>>)
    "tpu.region"() ({
      %run_scoped3A = tpu.sem_alloc : memref<!tpu.dma_semaphore, #tpu.memory_space<semaphore_mem>>
      %dma_start3A_50 = arith.constant 0 : i32
      %dma_start3A_51 = arith.constant 0 : i32
      %dma_start3A_52 = tpu.memref_slice %arg9[%dma_start3A_50, %dma_start3A_51] : memref<128x128xf32, #tpu.memory_space<vmem>> -> memref<8x128xf32, #tpu.memory_space<vmem>>
      %dma_start3A_53 = arith.constant 0 : i32
      %dma_start3A_54 = tpu.memref_slice %arg4[%add3A_37, %dma_start3A_53] : memref<160000x128xf32, #tpu.memory_space<hbm>> -> memref<8x128xf32, #tpu.memory_space<hbm>>
      %dma_start3A_55 = arith.constant 0 : i32
      %dma_start3A_56 = tpu.memref_slice %arg4[%add3A_37, %dma_start3A_55] : memref<160000x128xf32, #tpu.memory_space<hbm>> -> memref<8x128xf32, #tpu.memory_space<hbm>>
      %dma_start3A_57 = arith.constant 0 : i32
      %dma_start3A_58 = arith.constant 0 : i32
      %dma_start3A_59 = tpu.memref_slice %arg9[%dma_start3A_57, %dma_start3A_58] : memref<128x128xf32, #tpu.memory_space<vmem>> -> memref<8x128xf32, #tpu.memory_space<vmem>>
      tpu.enqueue_dma source(%dma_start3A_59 : memref<8x128xf32, #tpu.memory_space<vmem>>) target(%dma_start3A_56 : memref<8x128xf32, #tpu.memory_space<hbm>>) target_semaphore(%run_scoped3A : memref<!tpu.dma_semaphore, #tpu.memory_space<semaphore_mem>>)
      %dma_wait3A_60 = arith.constant 0 : i32
      %dma_wait3A_61 = arith.constant 0 : i32
      %dma_wait3A_62 = tpu.memref_slice %arg9[%dma_wait3A_60, %dma_wait3A_61] : memref<128x128xf32, #tpu.memory_space<vmem>> -> memref<8x128xf32, #tpu.memory_space<vmem>>
      %dma_wait3A_63 = arith.constant 0 : i32
      %dma_wait3A_64 = tpu.memref_slice %arg4[%add3A_37, %dma_wait3A_63] : memref<160000x128xf32, #tpu.memory_space<hbm>> -> memref<8x128xf32, #tpu.memory_space<hbm>>
      %dma_wait3A_65 = arith.constant 0 : i32
      %dma_wait3A_66 = tpu.memref_slice %arg4[%add3A_37, %dma_wait3A_65] : memref<160000x128xf32, #tpu.memory_space<hbm>> -> memref<8x128xf32, #tpu.memory_space<hbm>>
      %dma_wait3A_67 = arith.constant 0 : i32
      %dma_wait3A_68 = arith.constant 0 : i32
      %dma_wait3A_69 = tpu.memref_slice %arg9[%dma_wait3A_67, %dma_wait3A_68] : memref<128x128xf32, #tpu.memory_space<vmem>> -> memref<8x128xf32, #tpu.memory_space<vmem>>
      tpu.wait_dma2 semaphore(%run_scoped3A : memref<!tpu.dma_semaphore, #tpu.memory_space<semaphore_mem>>) src(%dma_wait3A_69 : memref<8x128xf32, #tpu.memory_space<vmem>>) dst(%dma_wait3A_66 : memref<8x128xf32, #tpu.memory_space<hbm>>)
      tpu.yield
    }) : () -> ()
    return
  }
}

#map = affine_map<(d0, d1) -> (0, 0)>
#map1 = affine_map<(d0, d1) -> (0)>
#map2 = affine_map<(d0, d1) -> (0, 0, 0)>
module attributes {stable_mosaic.version = 14 : i64} {
  func.func @k(%arg0: i32, %arg1: i32, %arg2: memref<10000x128xf32, #tpu.memory_space<hbm>>, %arg3: memref<160000xi32, #tpu.memory_space<hbm>>, %arg4: memref<320000xi32, #tpu.memory_space<hbm>>, %arg5: memref<160000x128xf32, #tpu.memory_space<hbm>>, %arg6: memref<2x10000x128xf32, #tpu.memory_space<hbm>>, %arg7: memref<128xi32, #tpu.memory_space<vmem>>, %arg8: memref<128xi32, #tpu.memory_space<vmem>>, %arg9: memref<128x128xf32, #tpu.memory_space<vmem>>, %arg10: memref<128x128xf32, #tpu.memory_space<vmem>>, %arg11: memref<128xi32, #tpu.memory_space<vmem>>, %arg12: memref<128xi32, #tpu.memory_space<vmem>>, %arg13: memref<16xi32, #tpu.memory_space<vmem>>, %arg14: memref<8xi32, #tpu.memory_space<vmem>>, %arg15: memref<128x128xf32, #tpu.memory_space<vmem>>, %arg16: memref<10000x128xf32, #tpu.memory_space<vmem_shared>>, %arg17: memref<!tpu.dma_semaphore, #tpu.memory_space<semaphore_mem>>, %arg18: memref<!tpu.dma_semaphore, #tpu.memory_space<semaphore_mem>>, %arg19: memref<!tpu.dma_semaphore, #tpu.memory_space<semaphore_mem>>, %arg20: memref<!tpu.dma_semaphore, #tpu.memory_space<semaphore_mem>>) attributes {dimension_semantics = [#tpu.dimension_semantics<core_parallel>, #tpu.dimension_semantics<subcore_parallel>], iteration_bounds = array<i64: 2, 16>, scalar_prefetch = 0 : i64, scratch_operands = 14 : i64, tpu.core_type = #tpu.core_type<sc_vector_subcore>, window_params = [{transform_indices = #map}, {transform_indices = #map1}, {transform_indices = #map1}, {transform_indices = #map}, {transform_indices = #map2}]} {
    %mul3A = arith.constant 2 : i32
    %mul3A_0 = arith.muli %arg1, %mul3A : i32
    %add3A = arith.addi %mul3A_0, %arg0 : i32
    %mul3A_1 = arith.constant 5000 : i32
    %mul3A_2 = arith.muli %add3A, %mul3A_1 : i32
    %mul3A_3 = arith.constant 10000 : i32
    %mul3A_4 = arith.muli %add3A, %mul3A_3 : i32
    %scan3A = arith.constant 0 : i32
    %scan3A_5 = arith.constant 0 : i32
    %scan3A_6 = arith.constant 128 : i32
    %scan3A_7 = arith.addi %scan3A_5, %scan3A_6 : i32
    %scan3A_8 = arith.constant 1 : i32
    scf.for %scan3A_118 = %scan3A_5 to %scan3A_7 step %scan3A_8  : i32 {
      %broadcast_in_dim3A = arith.constant 0.000000e+00 : f32
      %broadcast_in_dim3A_119 = vector.broadcast %broadcast_in_dim3A : f32 to vector<16xf32>
      %swap3A = arith.index_cast %scan3A_118 : i32 to index
      %swap3A_120 = arith.constant 0 : index
      %swap3A_121 = tpu.vector_load %arg9[%swap3A, %swap3A_120] {strides = array<i32>} : memref<128x128xf32, #tpu.memory_space<vmem>>, vector<1x16xf32>,
      %swap3A_122 = vector.shape_cast %swap3A_121 : vector<1x16xf32> to vector<16xf32>
      %swap3A_123 = vector.shape_cast %broadcast_in_dim3A_119 : vector<16xf32> to vector<1x16xf32>
      tpu.vector_store %arg9[%swap3A, %swap3A_120], %swap3A_123 {strides = array<i32>} : memref<128x128xf32, #tpu.memory_space<vmem>>, vector<1x16xf32>,
      %broadcast_in_dim3A_124 = arith.constant 0.000000e+00 : f32
      %broadcast_in_dim3A_125 = vector.broadcast %broadcast_in_dim3A_124 : f32 to vector<16xf32>
      %swap3A_126 = arith.index_cast %scan3A_118 : i32 to index
      %swap3A_127 = arith.constant 16 : index
      %swap3A_128 = tpu.vector_load %arg9[%swap3A_126, %swap3A_127] {strides = array<i32>} : memref<128x128xf32, #tpu.memory_space<vmem>>, vector<1x16xf32>,
      %swap3A_129 = vector.shape_cast %swap3A_128 : vector<1x16xf32> to vector<16xf32>
      %swap3A_130 = vector.shape_cast %broadcast_in_dim3A_125 : vector<16xf32> to vector<1x16xf32>
      tpu.vector_store %arg9[%swap3A_126, %swap3A_127], %swap3A_130 {strides = array<i32>} : memref<128x128xf32, #tpu.memory_space<vmem>>, vector<1x16xf32>,
      %broadcast_in_dim3A_131 = arith.constant 0.000000e+00 : f32
      %broadcast_in_dim3A_132 = vector.broadcast %broadcast_in_dim3A_131 : f32 to vector<16xf32>
      %swap3A_133 = arith.index_cast %scan3A_118 : i32 to index
      %swap3A_134 = arith.constant 32 : index
      %swap3A_135 = tpu.vector_load %arg9[%swap3A_133, %swap3A_134] {strides = array<i32>} : memref<128x128xf32, #tpu.memory_space<vmem>>, vector<1x16xf32>,
      %swap3A_136 = vector.shape_cast %swap3A_135 : vector<1x16xf32> to vector<16xf32>
      %swap3A_137 = vector.shape_cast %broadcast_in_dim3A_132 : vector<16xf32> to vector<1x16xf32>
      tpu.vector_store %arg9[%swap3A_133, %swap3A_134], %swap3A_137 {strides = array<i32>} : memref<128x128xf32, #tpu.memory_space<vmem>>, vector<1x16xf32>,
      %broadcast_in_dim3A_138 = arith.constant 0.000000e+00 : f32
      %broadcast_in_dim3A_139 = vector.broadcast %broadcast_in_dim3A_138 : f32 to vector<16xf32>
      %swap3A_140 = arith.index_cast %scan3A_118 : i32 to index
      %swap3A_141 = arith.constant 48 : index
      %swap3A_142 = tpu.vector_load %arg9[%swap3A_140, %swap3A_141] {strides = array<i32>} : memref<128x128xf32, #tpu.memory_space<vmem>>, vector<1x16xf32>,
      %swap3A_143 = vector.shape_cast %swap3A_142 : vector<1x16xf32> to vector<16xf32>
      %swap3A_144 = vector.shape_cast %broadcast_in_dim3A_139 : vector<16xf32> to vector<1x16xf32>
      tpu.vector_store %arg9[%swap3A_140, %swap3A_141], %swap3A_144 {strides = array<i32>} : memref<128x128xf32, #tpu.memory_space<vmem>>, vector<1x16xf32>,
      %broadcast_in_dim3A_145 = arith.constant 0.000000e+00 : f32
      %broadcast_in_dim3A_146 = vector.broadcast %broadcast_in_dim3A_145 : f32 to vector<16xf32>
      %swap3A_147 = arith.index_cast %scan3A_118 : i32 to index
      %swap3A_148 = arith.constant 64 : index
      %swap3A_149 = tpu.vector_load %arg9[%swap3A_147, %swap3A_148] {strides = array<i32>} : memref<128x128xf32, #tpu.memory_space<vmem>>, vector<1x16xf32>,
      %swap3A_150 = vector.shape_cast %swap3A_149 : vector<1x16xf32> to vector<16xf32>
      %swap3A_151 = vector.shape_cast %broadcast_in_dim3A_146 : vector<16xf32> to vector<1x16xf32>
      tpu.vector_store %arg9[%swap3A_147, %swap3A_148], %swap3A_151 {strides = array<i32>} : memref<128x128xf32, #tpu.memory_space<vmem>>, vector<1x16xf32>,
      %broadcast_in_dim3A_152 = arith.constant 0.000000e+00 : f32
      %broadcast_in_dim3A_153 = vector.broadcast %broadcast_in_dim3A_152 : f32 to vector<16xf32>
      %swap3A_154 = arith.index_cast %scan3A_118 : i32 to index
      %swap3A_155 = arith.constant 80 : index
      %swap3A_156 = tpu.vector_load %arg9[%swap3A_154, %swap3A_155] {strides = array<i32>} : memref<128x128xf32, #tpu.memory_space<vmem>>, vector<1x16xf32>,
      %swap3A_157 = vector.shape_cast %swap3A_156 : vector<1x16xf32> to vector<16xf32>
      %swap3A_158 = vector.shape_cast %broadcast_in_dim3A_153 : vector<16xf32> to vector<1x16xf32>
      tpu.vector_store %arg9[%swap3A_154, %swap3A_155], %swap3A_158 {strides = array<i32>} : memref<128x128xf32, #tpu.memory_space<vmem>>, vector<1x16xf32>,
      %broadcast_in_dim3A_159 = arith.constant 0.000000e+00 : f32
      %broadcast_in_dim3A_160 = vector.broadcast %broadcast_in_dim3A_159 : f32 to vector<16xf32>
      %swap3A_161 = arith.index_cast %scan3A_118 : i32 to index
      %swap3A_162 = arith.constant 96 : index
      %swap3A_163 = tpu.vector_load %arg9[%swap3A_161, %swap3A_162] {strides = array<i32>} : memref<128x128xf32, #tpu.memory_space<vmem>>, vector<1x16xf32>,
      %swap3A_164 = vector.shape_cast %swap3A_163 : vector<1x16xf32> to vector<16xf32>
      %swap3A_165 = vector.shape_cast %broadcast_in_dim3A_160 : vector<16xf32> to vector<1x16xf32>
      tpu.vector_store %arg9[%swap3A_161, %swap3A_162], %swap3A_165 {strides = array<i32>} : memref<128x128xf32, #tpu.memory_space<vmem>>, vector<1x16xf32>,
      %broadcast_in_dim3A_166 = arith.constant 0.000000e+00 : f32
      %broadcast_in_dim3A_167 = vector.broadcast %broadcast_in_dim3A_166 : f32 to vector<16xf32>
      %swap3A_168 = arith.index_cast %scan3A_118 : i32 to index
      %swap3A_169 = arith.constant 112 : index
      %swap3A_170 = tpu.vector_load %arg9[%swap3A_168, %swap3A_169] {strides = array<i32>} : memref<128x128xf32, #tpu.memory_space<vmem>>, vector<1x16xf32>,
      %swap3A_171 = vector.shape_cast %swap3A_170 : vector<1x16xf32> to vector<16xf32>
      %swap3A_172 = vector.shape_cast %broadcast_in_dim3A_167 : vector<16xf32> to vector<1x16xf32>
      tpu.vector_store %arg9[%swap3A_168, %swap3A_169], %swap3A_172 {strides = array<i32>} : memref<128x128xf32, #tpu.memory_space<vmem>>, vector<1x16xf32>,
      %broadcast_in_dim3A_173 = arith.constant 1.000000e+00 : f32
      %broadcast_in_dim3A_174 = vector.broadcast %broadcast_in_dim3A_173 : f32 to vector<16xf32>
      %swap3A_175 = arith.index_cast %scan3A_118 : i32 to index
      %swap3A_176 = arith.constant 0 : index
      %swap3A_177 = tpu.vector_load %arg15[%swap3A_175, %swap3A_176] {strides = array<i32>} : memref<128x128xf32, #tpu.memory_space<vmem>>, vector<1x16xf32>,
      %swap3A_178 = vector.shape_cast %swap3A_177 : vector<1x16xf32> to vector<16xf32>
      %swap3A_179 = vector.shape_cast %broadcast_in_dim3A_174 : vector<16xf32> to vector<1x16xf32>
      tpu.vector_store %arg15[%swap3A_175, %swap3A_176], %swap3A_179 {strides = array<i32>} : memref<128x128xf32, #tpu.memory_space<vmem>>, vector<1x16xf32>,
      %broadcast_in_dim3A_180 = arith.constant 1.000000e+00 : f32
      %broadcast_in_dim3A_181 = vector.broadcast %broadcast_in_dim3A_180 : f32 to vector<16xf32>
      %swap3A_182 = arith.index_cast %scan3A_118 : i32 to index
      %swap3A_183 = arith.constant 16 : index
      %swap3A_184 = tpu.vector_load %arg15[%swap3A_182, %swap3A_183] {strides = array<i32>} : memref<128x128xf32, #tpu.memory_space<vmem>>, vector<1x16xf32>,
      %swap3A_185 = vector.shape_cast %swap3A_184 : vector<1x16xf32> to vector<16xf32>
      %swap3A_186 = vector.shape_cast %broadcast_in_dim3A_181 : vector<16xf32> to vector<1x16xf32>
      tpu.vector_store %arg15[%swap3A_182, %swap3A_183], %swap3A_186 {strides = array<i32>} : memref<128x128xf32, #tpu.memory_space<vmem>>, vector<1x16xf32>,
      %broadcast_in_dim3A_187 = arith.constant 1.000000e+00 : f32
      %broadcast_in_dim3A_188 = vector.broadcast %broadcast_in_dim3A_187 : f32 to vector<16xf32>
      %swap3A_189 = arith.index_cast %scan3A_118 : i32 to index
      %swap3A_190 = arith.constant 32 : index
      %swap3A_191 = tpu.vector_load %arg15[%swap3A_189, %swap3A_190] {strides = array<i32>} : memref<128x128xf32, #tpu.memory_space<vmem>>, vector<1x16xf32>,
      %swap3A_192 = vector.shape_cast %swap3A_191 : vector<1x16xf32> to vector<16xf32>
      %swap3A_193 = vector.shape_cast %broadcast_in_dim3A_188 : vector<16xf32> to vector<1x16xf32>
      tpu.vector_store %arg15[%swap3A_189, %swap3A_190], %swap3A_193 {strides = array<i32>} : memref<128x128xf32, #tpu.memory_space<vmem>>, vector<1x16xf32>,
      %broadcast_in_dim3A_194 = arith.constant 1.000000e+00 : f32
      %broadcast_in_dim3A_195 = vector.broadcast %broadcast_in_dim3A_194 : f32 to vector<16xf32>
      %swap3A_196 = arith.index_cast %scan3A_118 : i32 to index
      %swap3A_197 = arith.constant 48 : index
      %swap3A_198 = tpu.vector_load %arg15[%swap3A_196, %swap3A_197] {strides = array<i32>} : memref<128x128xf32, #tpu.memory_space<vmem>>, vector<1x16xf32>,
      %swap3A_199 = vector.shape_cast %swap3A_198 : vector<1x16xf32> to vector<16xf32>
      %swap3A_200 = vector.shape_cast %broadcast_in_dim3A_195 : vector<16xf32> to vector<1x16xf32>
      tpu.vector_store %arg15[%swap3A_196, %swap3A_197], %swap3A_200 {strides = array<i32>} : memref<128x128xf32, #tpu.memory_space<vmem>>, vector<1x16xf32>,
      %broadcast_in_dim3A_201 = arith.constant 1.000000e+00 : f32
      %broadcast_in_dim3A_202 = vector.broadcast %broadcast_in_dim3A_201 : f32 to vector<16xf32>
      %swap3A_203 = arith.index_cast %scan3A_118 : i32 to index
      %swap3A_204 = arith.constant 64 : index
      %swap3A_205 = tpu.vector_load %arg15[%swap3A_203, %swap3A_204] {strides = array<i32>} : memref<128x128xf32, #tpu.memory_space<vmem>>, vector<1x16xf32>,
      %swap3A_206 = vector.shape_cast %swap3A_205 : vector<1x16xf32> to vector<16xf32>
      %swap3A_207 = vector.shape_cast %broadcast_in_dim3A_202 : vector<16xf32> to vector<1x16xf32>
      tpu.vector_store %arg15[%swap3A_203, %swap3A_204], %swap3A_207 {strides = array<i32>} : memref<128x128xf32, #tpu.memory_space<vmem>>, vector<1x16xf32>,
      %broadcast_in_dim3A_208 = arith.constant 1.000000e+00 : f32
      %broadcast_in_dim3A_209 = vector.broadcast %broadcast_in_dim3A_208 : f32 to vector<16xf32>
      %swap3A_210 = arith.index_cast %scan3A_118 : i32 to index
      %swap3A_211 = arith.constant 80 : index
      %swap3A_212 = tpu.vector_load %arg15[%swap3A_210, %swap3A_211] {strides = array<i32>} : memref<128x128xf32, #tpu.memory_space<vmem>>, vector<1x16xf32>,
      %swap3A_213 = vector.shape_cast %swap3A_212 : vector<1x16xf32> to vector<16xf32>
      %swap3A_214 = vector.shape_cast %broadcast_in_dim3A_209 : vector<16xf32> to vector<1x16xf32>
      tpu.vector_store %arg15[%swap3A_210, %swap3A_211], %swap3A_214 {strides = array<i32>} : memref<128x128xf32, #tpu.memory_space<vmem>>, vector<1x16xf32>,
      %broadcast_in_dim3A_215 = arith.constant 1.000000e+00 : f32
      %broadcast_in_dim3A_216 = vector.broadcast %broadcast_in_dim3A_215 : f32 to vector<16xf32>
      %swap3A_217 = arith.index_cast %scan3A_118 : i32 to index
      %swap3A_218 = arith.constant 96 : index
      %swap3A_219 = tpu.vector_load %arg15[%swap3A_217, %swap3A_218] {strides = array<i32>} : memref<128x128xf32, #tpu.memory_space<vmem>>, vector<1x16xf32>,
      %swap3A_220 = vector.shape_cast %swap3A_219 : vector<1x16xf32> to vector<16xf32>
      %swap3A_221 = vector.shape_cast %broadcast_in_dim3A_216 : vector<16xf32> to vector<1x16xf32>
      tpu.vector_store %arg15[%swap3A_217, %swap3A_218], %swap3A_221 {strides = array<i32>} : memref<128x128xf32, #tpu.memory_space<vmem>>, vector<1x16xf32>,
      %broadcast_in_dim3A_222 = arith.constant 1.000000e+00 : f32
      %broadcast_in_dim3A_223 = vector.broadcast %broadcast_in_dim3A_222 : f32 to vector<16xf32>
      %swap3A_224 = arith.index_cast %scan3A_118 : i32 to index
      %swap3A_225 = arith.constant 112 : index
      %swap3A_226 = tpu.vector_load %arg15[%swap3A_224, %swap3A_225] {strides = array<i32>} : memref<128x128xf32, #tpu.memory_space<vmem>>, vector<1x16xf32>,
      %swap3A_227 = vector.shape_cast %swap3A_226 : vector<1x16xf32> to vector<16xf32>
      %swap3A_228 = vector.shape_cast %broadcast_in_dim3A_223 : vector<16xf32> to vector<1x16xf32>
      tpu.vector_store %arg15[%swap3A_224, %swap3A_225], %swap3A_228 {strides = array<i32>} : memref<128x128xf32, #tpu.memory_space<vmem>>, vector<1x16xf32>,
    }
    %scan3A_9 = arith.constant 128 : i32
    %mul3A_10 = arith.constant 624 : i32
    %mul3A_11 = arith.muli %arg1, %mul3A_10 : i32
    %add3A_12 = arith.constant 0 : i32
    %add3A_13 = arith.addi %mul3A_11, %add3A_12 : i32
    "tpu.region"() ({
      %run_scoped3A = tpu.sem_alloc : memref<!tpu.dma_semaphore, #tpu.memory_space<semaphore_mem>>
      %dma_start3A_118 = arith.constant 0 : i32
      %dma_start3A_119 = tpu.memref_slice %arg16[%add3A_13, %dma_start3A_118] : memref<10000x128xf32, #tpu.memory_space<vmem_shared>> -> memref<128x128xf32, #tpu.memory_space<vmem_shared>>
      %dma_start3A_120 = arith.constant 0 : i32
      %dma_start3A_121 = tpu.memref_slice %arg16[%add3A_13, %dma_start3A_120] : memref<10000x128xf32, #tpu.memory_space<vmem_shared>> -> memref<128x128xf32, #tpu.memory_space<vmem_shared>>
      tpu.enqueue_dma source(%arg9 : memref<128x128xf32, #tpu.memory_space<vmem>>) target(%dma_start3A_121 : memref<128x128xf32, #tpu.memory_space<vmem_shared>>) target_semaphore(%run_scoped3A : memref<!tpu.dma_semaphore, #tpu.memory_space<semaphore_mem>>)
      %dma_wait3A_122 = arith.constant 0 : i32
      %dma_wait3A_123 = tpu.memref_slice %arg16[%add3A_13, %dma_wait3A_122] : memref<10000x128xf32, #tpu.memory_space<vmem_shared>> -> memref<128x128xf32, #tpu.memory_space<vmem_shared>>
      %dma_wait3A_124 = arith.constant 0 : i32
      %dma_wait3A_125 = tpu.memref_slice %arg16[%add3A_13, %dma_wait3A_124] : memref<10000x128xf32, #tpu.memory_space<vmem_shared>> -> memref<128x128xf32, #tpu.memory_space<vmem_shared>>
      tpu.wait_dma2 semaphore(%run_scoped3A : memref<!tpu.dma_semaphore, #tpu.memory_space<semaphore_mem>>) src(%arg9 : memref<128x128xf32, #tpu.memory_space<vmem>>) dst(%dma_wait3A_125 : memref<128x128xf32, #tpu.memory_space<vmem_shared>>)
      tpu.yield
    }) : () -> ()
    %mul3A_14 = arith.constant 624 : i32
    %mul3A_15 = arith.muli %arg1, %mul3A_14 : i32
    %add3A_16 = arith.constant 128 : i32
    %add3A_17 = arith.addi %mul3A_15, %add3A_16 : i32
    "tpu.region"() ({
      %run_scoped3A = tpu.sem_alloc : memref<!tpu.dma_semaphore, #tpu.memory_space<semaphore_mem>>
      %dma_start3A_118 = arith.constant 0 : i32
      %dma_start3A_119 = tpu.memref_slice %arg16[%add3A_17, %dma_start3A_118] : memref<10000x128xf32, #tpu.memory_space<vmem_shared>> -> memref<128x128xf32, #tpu.memory_space<vmem_shared>>
      %dma_start3A_120 = arith.constant 0 : i32
      %dma_start3A_121 = tpu.memref_slice %arg16[%add3A_17, %dma_start3A_120] : memref<10000x128xf32, #tpu.memory_space<vmem_shared>> -> memref<128x128xf32, #tpu.memory_space<vmem_shared>>
      tpu.enqueue_dma source(%arg9 : memref<128x128xf32, #tpu.memory_space<vmem>>) target(%dma_start3A_121 : memref<128x128xf32, #tpu.memory_space<vmem_shared>>) target_semaphore(%run_scoped3A : memref<!tpu.dma_semaphore, #tpu.memory_space<semaphore_mem>>)
      %dma_wait3A_122 = arith.constant 0 : i32
      %dma_wait3A_123 = tpu.memref_slice %arg16[%add3A_17, %dma_wait3A_122] : memref<10000x128xf32, #tpu.memory_space<vmem_shared>> -> memref<128x128xf32, #tpu.memory_space<vmem_shared>>
      %dma_wait3A_124 = arith.constant 0 : i32
      %dma_wait3A_125 = tpu.memref_slice %arg16[%add3A_17, %dma_wait3A_124] : memref<10000x128xf32, #tpu.memory_space<vmem_shared>> -> memref<128x128xf32, #tpu.memory_space<vmem_shared>>
      tpu.wait_dma2 semaphore(%run_scoped3A : memref<!tpu.dma_semaphore, #tpu.memory_space<semaphore_mem>>) src(%arg9 : memref<128x128xf32, #tpu.memory_space<vmem>>) dst(%dma_wait3A_125 : memref<128x128xf32, #tpu.memory_space<vmem_shared>>)
      tpu.yield
    }) : () -> ()
    %mul3A_18 = arith.constant 624 : i32
    %mul3A_19 = arith.muli %arg1, %mul3A_18 : i32
    %add3A_20 = arith.constant 256 : i32
    %add3A_21 = arith.addi %mul3A_19, %add3A_20 : i32
    "tpu.region"() ({
      %run_scoped3A = tpu.sem_alloc : memref<!tpu.dma_semaphore, #tpu.memory_space<semaphore_mem>>
      %dma_start3A_118 = arith.constant 0 : i32
      %dma_start3A_119 = tpu.memref_slice %arg16[%add3A_21, %dma_start3A_118] : memref<10000x128xf32, #tpu.memory_space<vmem_shared>> -> memref<128x128xf32, #tpu.memory_space<vmem_shared>>
      %dma_start3A_120 = arith.constant 0 : i32
      %dma_start3A_121 = tpu.memref_slice %arg16[%add3A_21, %dma_start3A_120] : memref<10000x128xf32, #tpu.memory_space<vmem_shared>> -> memref<128x128xf32, #tpu.memory_space<vmem_shared>>
      tpu.enqueue_dma source(%arg9 : memref<128x128xf32, #tpu.memory_space<vmem>>) target(%dma_start3A_121 : memref<128x128xf32, #tpu.memory_space<vmem_shared>>) target_semaphore(%run_scoped3A : memref<!tpu.dma_semaphore, #tpu.memory_space<semaphore_mem>>)
      %dma_wait3A_122 = arith.constant 0 : i32
      %dma_wait3A_123 = tpu.memref_slice %arg16[%add3A_21, %dma_wait3A_122] : memref<10000x128xf32, #tpu.memory_space<vmem_shared>> -> memref<128x128xf32, #tpu.memory_space<vmem_shared>>
      %dma_wait3A_124 = arith.constant 0 : i32
      %dma_wait3A_125 = tpu.memref_slice %arg16[%add3A_21, %dma_wait3A_124] : memref<10000x128xf32, #tpu.memory_space<vmem_shared>> -> memref<128x128xf32, #tpu.memory_space<vmem_shared>>
      tpu.wait_dma2 semaphore(%run_scoped3A : memref<!tpu.dma_semaphore, #tpu.memory_space<semaphore_mem>>) src(%arg9 : memref<128x128xf32, #tpu.memory_space<vmem>>) dst(%dma_wait3A_125 : memref<128x128xf32, #tpu.memory_space<vmem_shared>>)
      tpu.yield
    }) : () -> ()
    %mul3A_22 = arith.constant 624 : i32
    %mul3A_23 = arith.muli %arg1, %mul3A_22 : i32
    %add3A_24 = arith.constant 384 : i32
    %add3A_25 = arith.addi %mul3A_23, %add3A_24 : i32
    "tpu.region"() ({
      %run_scoped3A = tpu.sem_alloc : memref<!tpu.dma_semaphore, #tpu.memory_space<semaphore_mem>>
      %dma_start3A_118 = arith.constant 0 : i32
      %dma_start3A_119 = tpu.memref_slice %arg16[%add3A_25, %dma_start3A_118] : memref<10000x128xf32, #tpu.memory_space<vmem_shared>> -> memref<128x128xf32, #tpu.memory_space<vmem_shared>>
      %dma_start3A_120 = arith.constant 0 : i32
      %dma_start3A_121 = tpu.memref_slice %arg16[%add3A_25, %dma_start3A_120] : memref<10000x128xf32, #tpu.memory_space<vmem_shared>> -> memref<128x128xf32, #tpu.memory_space<vmem_shared>>
      tpu.enqueue_dma source(%arg9 : memref<128x128xf32, #tpu.memory_space<vmem>>) target(%dma_start3A_121 : memref<128x128xf32, #tpu.memory_space<vmem_shared>>) target_semaphore(%run_scoped3A : memref<!tpu.dma_semaphore, #tpu.memory_space<semaphore_mem>>)
      %dma_wait3A_122 = arith.constant 0 : i32
      %dma_wait3A_123 = tpu.memref_slice %arg16[%add3A_25, %dma_wait3A_122] : memref<10000x128xf32, #tpu.memory_space<vmem_shared>> -> memref<128x128xf32, #tpu.memory_space<vmem_shared>>
      %dma_wait3A_124 = arith.constant 0 : i32
      %dma_wait3A_125 = tpu.memref_slice %arg16[%add3A_25, %dma_wait3A_124] : memref<10000x128xf32, #tpu.memory_space<vmem_shared>> -> memref<128x128xf32, #tpu.memory_space<vmem_shared>>
      tpu.wait_dma2 semaphore(%run_scoped3A : memref<!tpu.dma_semaphore, #tpu.memory_space<semaphore_mem>>) src(%arg9 : memref<128x128xf32, #tpu.memory_space<vmem>>) dst(%dma_wait3A_125 : memref<128x128xf32, #tpu.memory_space<vmem_shared>>)
      tpu.yield
    }) : () -> ()
    %mul3A_26 = arith.constant 624 : i32
    %mul3A_27 = arith.muli %arg1, %mul3A_26 : i32
    %add3A_28 = arith.constant 512 : i32
    %add3A_29 = arith.addi %mul3A_27, %add3A_28 : i32
    "tpu.region"() ({
      %run_scoped3A = tpu.sem_alloc : memref<!tpu.dma_semaphore, #tpu.memory_space<semaphore_mem>>
      %dma_start3A_118 = arith.constant 0 : i32
      %dma_start3A_119 = tpu.memref_slice %arg16[%add3A_29, %dma_start3A_118] : memref<10000x128xf32, #tpu.memory_space<vmem_shared>> -> memref<128x128xf32, #tpu.memory_space<vmem_shared>>
      %dma_start3A_120 = arith.constant 0 : i32
      %dma_start3A_121 = tpu.memref_slice %arg16[%add3A_29, %dma_start3A_120] : memref<10000x128xf32, #tpu.memory_space<vmem_shared>> -> memref<128x128xf32, #tpu.memory_space<vmem_shared>>
      tpu.enqueue_dma source(%arg9 : memref<128x128xf32, #tpu.memory_space<vmem>>) target(%dma_start3A_121 : memref<128x128xf32, #tpu.memory_space<vmem_shared>>) target_semaphore(%run_scoped3A : memref<!tpu.dma_semaphore, #tpu.memory_space<semaphore_mem>>)
      %dma_wait3A_122 = arith.constant 0 : i32
      %dma_wait3A_123 = tpu.memref_slice %arg16[%add3A_29, %dma_wait3A_122] : memref<10000x128xf32, #tpu.memory_space<vmem_shared>> -> memref<128x128xf32, #tpu.memory_space<vmem_shared>>
      %dma_wait3A_124 = arith.constant 0 : i32
      %dma_wait3A_125 = tpu.memref_slice %arg16[%add3A_29, %dma_wait3A_124] : memref<10000x128xf32, #tpu.memory_space<vmem_shared>> -> memref<128x128xf32, #tpu.memory_space<vmem_shared>>
      tpu.wait_dma2 semaphore(%run_scoped3A : memref<!tpu.dma_semaphore, #tpu.memory_space<semaphore_mem>>) src(%arg9 : memref<128x128xf32, #tpu.memory_space<vmem>>) dst(%dma_wait3A_125 : memref<128x128xf32, #tpu.memory_space<vmem_shared>>)
      tpu.yield
    }) : () -> ()
    %barrier3A = arith.constant 0 : index
    tpu.barrier barrier_id(%barrier3A)
    %min3A = arith.constant 0 : i32
    %min3A_30 = arith.constant 38 : i32
    %min3A_31 = arith.minsi %min3A, %min3A_30 : i32
    %mul3A_32 = arith.constant 128 : i32
    %mul3A_33 = arith.muli %min3A_31, %mul3A_32 : i32
    %add3A_34 = arith.addi %mul3A_2, %mul3A_33 : i32
    "tpu.region"() ({
      %run_scoped3A = tpu.sem_alloc : memref<!tpu.dma_semaphore, #tpu.memory_space<semaphore_mem>>
      %dma_start3A_118 = tpu.memref_slice %arg3[%add3A_34] : memref<160000xi32, #tpu.memory_space<hbm>> -> memref<128xi32, #tpu.memory_space<hbm>>
      %dma_start3A_119 = tpu.memref_slice %arg3[%add3A_34] : memref<160000xi32, #tpu.memory_space<hbm>> -> memref<128xi32, #tpu.memory_space<hbm>>
      tpu.enqueue_dma source(%dma_start3A_119 : memref<128xi32, #tpu.memory_space<hbm>>) target(%arg7 : memref<128xi32, #tpu.memory_space<vmem>>) target_semaphore(%run_scoped3A : memref<!tpu.dma_semaphore, #tpu.memory_space<semaphore_mem>>)
      %dma_wait3A_120 = tpu.memref_slice %arg3[%add3A_34] : memref<160000xi32, #tpu.memory_space<hbm>> -> memref<128xi32, #tpu.memory_space<hbm>>
      %dma_wait3A_121 = tpu.memref_slice %arg3[%add3A_34] : memref<160000xi32, #tpu.memory_space<hbm>> -> memref<128xi32, #tpu.memory_space<hbm>>
      tpu.wait_dma2 semaphore(%run_scoped3A : memref<!tpu.dma_semaphore, #tpu.memory_space<semaphore_mem>>) src(%dma_wait3A_121 : memref<128xi32, #tpu.memory_space<hbm>>) dst(%arg7 : memref<128xi32, #tpu.memory_space<vmem>>)
      tpu.yield
    }) : () -> ()
    %dma_start3A = arith.constant 0 : i32
    %dma_start3A_35 = arith.constant 0 : i32
    %dma_start3A_36 = tpu.memref_slice %arg2[%dma_start3A, %dma_start3A_35] : memref<10000x128xf32, #tpu.memory_space<hbm>> -> memref<10000x128xf32, #tpu.memory_space<hbm>>
    tpu.enqueue_indirect_dma source(%dma_start3A_36 : memref<10000x128xf32, #tpu.memory_space<hbm>>) target(%arg9 : memref<128x128xf32, #tpu.memory_space<vmem>>) offsets(%arg7 : memref<128xi32, #tpu.memory_space<vmem>>) semaphore(%arg17 : memref<!tpu.dma_semaphore, #tpu.memory_space<semaphore_mem>>)
    %min3A_37 = arith.constant 1 : i32
    %min3A_38 = arith.constant 38 : i32
    %min3A_39 = arith.minsi %min3A_37, %min3A_38 : i32
    %mul3A_40 = arith.constant 128 : i32
    %mul3A_41 = arith.muli %min3A_39, %mul3A_40 : i32
    %add3A_42 = arith.addi %mul3A_2, %mul3A_41 : i32
    "tpu.region"() ({
      %run_scoped3A = tpu.sem_alloc : memref<!tpu.dma_semaphore, #tpu.memory_space<semaphore_mem>>
      %dma_start3A_118 = tpu.memref_slice %arg3[%add3A_42] : memref<160000xi32, #tpu.memory_space<hbm>> -> memref<128xi32, #tpu.memory_space<hbm>>
      %dma_start3A_119 = tpu.memref_slice %arg3[%add3A_42] : memref<160000xi32, #tpu.memory_space<hbm>> -> memref<128xi32, #tpu.memory_space<hbm>>
      tpu.enqueue_dma source(%dma_start3A_119 : memref<128xi32, #tpu.memory_space<hbm>>) target(%arg8 : memref<128xi32, #tpu.memory_space<vmem>>) target_semaphore(%run_scoped3A : memref<!tpu.dma_semaphore, #tpu.memory_space<semaphore_mem>>)
      %dma_wait3A_120 = tpu.memref_slice %arg3[%add3A_42] : memref<160000xi32, #tpu.memory_space<hbm>> -> memref<128xi32, #tpu.memory_space<hbm>>
      %dma_wait3A_121 = tpu.memref_slice %arg3[%add3A_42] : memref<160000xi32, #tpu.memory_space<hbm>> -> memref<128xi32, #tpu.memory_space<hbm>>
      tpu.wait_dma2 semaphore(%run_scoped3A : memref<!tpu.dma_semaphore, #tpu.memory_space<semaphore_mem>>) src(%dma_wait3A_121 : memref<128xi32, #tpu.memory_space<hbm>>) dst(%arg8 : memref<128xi32, #tpu.memory_space<vmem>>)
      tpu.yield
    }) : () -> ()
    %dma_start3A_43 = arith.constant 0 : i32
    %dma_start3A_44 = arith.constant 0 : i32
    %dma_start3A_45 = tpu.memref_slice %arg2[%dma_start3A_43, %dma_start3A_44] : memref<10000x128xf32, #tpu.memory_space<hbm>> -> memref<10000x128xf32, #tpu.memory_space<hbm>>
    tpu.enqueue_indirect_dma source(%dma_start3A_45 : memref<10000x128xf32, #tpu.memory_space<hbm>>) target(%arg10 : memref<128x128xf32, #tpu.memory_space<vmem>>) offsets(%arg8 : memref<128xi32, #tpu.memory_space<vmem>>) semaphore(%arg18 : memref<!tpu.dma_semaphore, #tpu.memory_space<semaphore_mem>>)
    %add3A_46 = arith.constant 0 : i32
    %add3A_47 = arith.addi %mul3A_4, %add3A_46 : i32
    "tpu.region"() ({
      %run_scoped3A = tpu.sem_alloc : memref<!tpu.dma_semaphore, #tpu.memory_space<semaphore_mem>>
      %dma_start3A_118 = tpu.memref_slice %arg4[%add3A_47] : memref<320000xi32, #tpu.memory_space<hbm>> -> memref<128xi32, #tpu.memory_space<hbm>>
      %dma_start3A_119 = tpu.memref_slice %arg4[%add3A_47] : memref<320000xi32, #tpu.memory_space<hbm>> -> memref<128xi32, #tpu.memory_space<hbm>>
      tpu.enqueue_dma source(%dma_start3A_119 : memref<128xi32, #tpu.memory_space<hbm>>) target(%arg11 : memref<128xi32, #tpu.memory_space<vmem>>) target_semaphore(%run_scoped3A : memref<!tpu.dma_semaphore, #tpu.memory_space<semaphore_mem>>)
      %dma_wait3A_120 = tpu.memref_slice %arg4[%add3A_47] : memref<320000xi32, #tpu.memory_space<hbm>> -> memref<128xi32, #tpu.memory_space<hbm>>
      %dma_wait3A_121 = tpu.memref_slice %arg4[%add3A_47] : memref<320000xi32, #tpu.memory_space<hbm>> -> memref<128xi32, #tpu.memory_space<hbm>>
      tpu.wait_dma2 semaphore(%run_scoped3A : memref<!tpu.dma_semaphore, #tpu.memory_space<semaphore_mem>>) src(%dma_wait3A_121 : memref<128xi32, #tpu.memory_space<hbm>>) dst(%arg11 : memref<128xi32, #tpu.memory_space<vmem>>)
      tpu.yield
    }) : () -> ()
    %dma_start3A_48 = arith.constant 0 : i32
    %dma_start3A_49 = arith.constant 0 : i32
    %dma_start3A_50 = tpu.memref_slice %arg16[%dma_start3A_48, %dma_start3A_49] : memref<10000x128xf32, #tpu.memory_space<vmem_shared>> -> memref<10000x128xf32, #tpu.memory_space<vmem_shared>>
    tpu.enqueue_indirect_dma source(%arg15 : memref<128x128xf32, #tpu.memory_space<vmem>>) target(%dma_start3A_50 : memref<10000x128xf32, #tpu.memory_space<vmem_shared>>) offsets(%arg11 : memref<128xi32, #tpu.memory_space<vmem>>) semaphore(%arg19 : memref<!tpu.dma_semaphore, #tpu.memory_space<semaphore_mem>>) {add = true}
    %add3A_51 = arith.constant 128 : i32
    %add3A_52 = arith.addi %mul3A_4, %add3A_51 : i32
    "tpu.region"() ({
      %run_scoped3A = tpu.sem_alloc : memref<!tpu.dma_semaphore, #tpu.memory_space<semaphore_mem>>
      %dma_start3A_118 = tpu.memref_slice %arg4[%add3A_52] : memref<320000xi32, #tpu.memory_space<hbm>> -> memref<128xi32, #tpu.memory_space<hbm>>
      %dma_start3A_119 = tpu.memref_slice %arg4[%add3A_52] : memref<320000xi32, #tpu.memory_space<hbm>> -> memref<128xi32, #tpu.memory_space<hbm>>
      tpu.enqueue_dma source(%dma_start3A_119 : memref<128xi32, #tpu.memory_space<hbm>>) target(%arg12 : memref<128xi32, #tpu.memory_space<vmem>>) target_semaphore(%run_scoped3A : memref<!tpu.dma_semaphore, #tpu.memory_space<semaphore_mem>>)
      %dma_wait3A_120 = tpu.memref_slice %arg4[%add3A_52] : memref<320000xi32, #tpu.memory_space<hbm>> -> memref<128xi32, #tpu.memory_space<hbm>>
      %dma_wait3A_121 = tpu.memref_slice %arg4[%add3A_52] : memref<320000xi32, #tpu.memory_space<hbm>> -> memref<128xi32, #tpu.memory_space<hbm>>
      tpu.wait_dma2 semaphore(%run_scoped3A : memref<!tpu.dma_semaphore, #tpu.memory_space<semaphore_mem>>) src(%dma_wait3A_121 : memref<128xi32, #tpu.memory_space<hbm>>) dst(%arg12 : memref<128xi32, #tpu.memory_space<vmem>>)
      tpu.yield
    }) : () -> ()
    %dma_start3A_53 = arith.constant 0 : i32
    %dma_start3A_54 = arith.constant 0 : i32
    %dma_start3A_55 = tpu.memref_slice %arg16[%dma_start3A_53, %dma_start3A_54] : memref<10000x128xf32, #tpu.memory_space<vmem_shared>> -> memref<10000x128xf32, #tpu.memory_space<vmem_shared>>
    tpu.enqueue_indirect_dma source(%arg15 : memref<128x128xf32, #tpu.memory_space<vmem>>) target(%dma_start3A_55 : memref<10000x128xf32, #tpu.memory_space<vmem_shared>>) offsets(%arg12 : memref<128xi32, #tpu.memory_space<vmem>>) semaphore(%arg20 : memref<!tpu.dma_semaphore, #tpu.memory_space<semaphore_mem>>) {add = true}
    %scan3A_56 = arith.constant 0 : i32
    %scan3A_57 = arith.constant 0 : i32
    %scan3A_58 = arith.constant 19 : i32
    %scan3A_59 = arith.addi %scan3A_57, %scan3A_58 : i32
    %scan3A_60 = arith.constant 1 : i32
    scf.for %scan3A_118 = %scan3A_57 to %scan3A_59 step %scan3A_60  : i32 {
      %mul3A_119 = arith.constant 2 : i32
      %mul3A_120 = arith.muli %mul3A_119, %scan3A_118 : i32
      %dma_wait3A_121 = arith.constant 0 : i32
      %dma_wait3A_122 = arith.constant 0 : i32
      %dma_wait3A_123 = tpu.memref_slice %arg2[%dma_wait3A_121, %dma_wait3A_122] : memref<10000x128xf32, #tpu.memory_space<hbm>> -> memref<10000x128xf32, #tpu.memory_space<hbm>>
      tpu.wait_indirect_dma semaphore(%arg17 : memref<!tpu.dma_semaphore, #tpu.memory_space<semaphore_mem>>) src(%dma_wait3A_123 : memref<10000x128xf32, #tpu.memory_space<hbm>>) dst(%arg9 : memref<128x128xf32, #tpu.memory_space<vmem>>)
      %min3A_124 = arith.constant 38 : i32
      %min3A_125 = arith.minsi %mul3A_120, %min3A_124 : i32
      %mul3A_126 = arith.constant 128 : i32
      %mul3A_127 = arith.muli %min3A_125, %mul3A_126 : i32
      %add3A_128 = arith.addi %mul3A_2, %mul3A_127 : i32
      "tpu.region"() ({
        %run_scoped3A = tpu.sem_alloc : memref<!tpu.dma_semaphore, #tpu.memory_space<semaphore_mem>>
        %dma_start3A_217 = arith.constant 0 : i32
        %dma_start3A_218 = tpu.memref_slice %arg5[%add3A_128, %dma_start3A_217] : memref<160000x128xf32, #tpu.memory_space<hbm>> -> memref<128x128xf32, #tpu.memory_space<hbm>>
        %dma_start3A_219 = arith.constant 0 : i32
        %dma_start3A_220 = tpu.memref_slice %arg5[%add3A_128, %dma_start3A_219] : memref<160000x128xf32, #tpu.memory_space<hbm>> -> memref<128x128xf32, #tpu.memory_space<hbm>>
        tpu.enqueue_dma source(%arg9 : memref<128x128xf32, #tpu.memory_space<vmem>>) target(%dma_start3A_220 : memref<128x128xf32, #tpu.memory_space<hbm>>) target_semaphore(%run_scoped3A : memref<!tpu.dma_semaphore, #tpu.memory_space<semaphore_mem>>)
        %dma_wait3A_221 = arith.constant 0 : i32
        %dma_wait3A_222 = tpu.memref_slice %arg5[%add3A_128, %dma_wait3A_221] : memref<160000x128xf32, #tpu.memory_space<hbm>> -> memref<128x128xf32, #tpu.memory_space<hbm>>
        %dma_wait3A_223 = arith.constant 0 : i32
        %dma_wait3A_224 = tpu.memref_slice %arg5[%add3A_128, %dma_wait3A_223] : memref<160000x128xf32, #tpu.memory_space<hbm>> -> memref<128x128xf32, #tpu.memory_space<hbm>>
        tpu.wait_dma2 semaphore(%run_scoped3A : memref<!tpu.dma_semaphore, #tpu.memory_space<semaphore_mem>>) src(%arg9 : memref<128x128xf32, #tpu.memory_space<vmem>>) dst(%dma_wait3A_224 : memref<128x128xf32, #tpu.memory_space<hbm>>)
        tpu.yield
      }) : () -> ()
      %mul3A_129 = arith.constant 2 : i32
      %mul3A_130 = arith.muli %mul3A_129, %scan3A_118 : i32
      %add3A_131 = arith.constant 2 : i32
      %add3A_132 = arith.addi %mul3A_130, %add3A_131 : i32
      %min3A_133 = arith.constant 38 : i32
      %min3A_134 = arith.minsi %add3A_132, %min3A_133 : i32
      %mul3A_135 = arith.constant 128 : i32
      %mul3A_136 = arith.muli %min3A_134, %mul3A_135 : i32
      %add3A_137 = arith.addi %mul3A_2, %mul3A_136 : i32
      "tpu.region"() ({
        %run_scoped3A = tpu.sem_alloc : memref<!tpu.dma_semaphore, #tpu.memory_space<semaphore_mem>>
        %dma_start3A_217 = tpu.memref_slice %arg3[%add3A_137] : memref<160000xi32, #tpu.memory_space<hbm>> -> memref<128xi32, #tpu.memory_space<hbm>>
        %dma_start3A_218 = tpu.memref_slice %arg3[%add3A_137] : memref<160000xi32, #tpu.memory_space<hbm>> -> memref<128xi32, #tpu.memory_space<hbm>>
        tpu.enqueue_dma source(%dma_start3A_218 : memref<128xi32, #tpu.memory_space<hbm>>) target(%arg7 : memref<128xi32, #tpu.memory_space<vmem>>) target_semaphore(%run_scoped3A : memref<!tpu.dma_semaphore, #tpu.memory_space<semaphore_mem>>)
        %dma_wait3A_219 = tpu.memref_slice %arg3[%add3A_137] : memref<160000xi32, #tpu.memory_space<hbm>> -> memref<128xi32, #tpu.memory_space<hbm>>
        %dma_wait3A_220 = tpu.memref_slice %arg3[%add3A_137] : memref<160000xi32, #tpu.memory_space<hbm>> -> memref<128xi32, #tpu.memory_space<hbm>>
        tpu.wait_dma2 semaphore(%run_scoped3A : memref<!tpu.dma_semaphore, #tpu.memory_space<semaphore_mem>>) src(%dma_wait3A_220 : memref<128xi32, #tpu.memory_space<hbm>>) dst(%arg7 : memref<128xi32, #tpu.memory_space<vmem>>)
        tpu.yield
      }) : () -> ()
      %dma_start3A_138 = arith.constant 0 : i32
      %dma_start3A_139 = arith.constant 0 : i32
      %dma_start3A_140 = tpu.memref_slice %arg2[%dma_start3A_138, %dma_start3A_139] : memref<10000x128xf32, #tpu.memory_space<hbm>> -> memref<10000x128xf32, #tpu.memory_space<hbm>>
      tpu.enqueue_indirect_dma source(%dma_start3A_140 : memref<10000x128xf32, #tpu.memory_space<hbm>>) target(%arg9 : memref<128x128xf32, #tpu.memory_space<vmem>>) offsets(%arg7 : memref<128xi32, #tpu.memory_space<vmem>>) semaphore(%arg17 : memref<!tpu.dma_semaphore, #tpu.memory_space<semaphore_mem>>)
      %dma_wait3A_141 = arith.constant 0 : i32
      %dma_wait3A_142 = arith.constant 0 : i32
      %dma_wait3A_143 = tpu.memref_slice %arg16[%dma_wait3A_141, %dma_wait3A_142] : memref<10000x128xf32, #tpu.memory_space<vmem_shared>> -> memref<10000x128xf32, #tpu.memory_space<vmem_shared>>
      tpu.wait_indirect_dma semaphore(%arg19 : memref<!tpu.dma_semaphore, #tpu.memory_space<semaphore_mem>>) src(%arg15 : memref<128x128xf32, #tpu.memory_space<vmem>>) dst(%dma_wait3A_143 : memref<10000x128xf32, #tpu.memory_space<vmem_shared>>)
      %mul3A_144 = arith.constant 4 : i32
      %mul3A_145 = arith.muli %mul3A_144, %scan3A_118 : i32
      %add3A_146 = arith.constant 2 : i32
      %add3A_147 = arith.addi %mul3A_145, %add3A_146 : i32
      %mul3A_148 = arith.constant 128 : i32
      %mul3A_149 = arith.muli %add3A_147, %mul3A_148 : i32
      %add3A_150 = arith.addi %mul3A_4, %mul3A_149 : i32
      "tpu.region"() ({
        %run_scoped3A = tpu.sem_alloc : memref<!tpu.dma_semaphore, #tpu.memory_space<semaphore_mem>>
        %dma_start3A_217 = tpu.memref_slice %arg4[%add3A_150] : memref<320000xi32, #tpu.memory_space<hbm>> -> memref<128xi32, #tpu.memory_space<hbm>>
        %dma_start3A_218 = tpu.memref_slice %arg4[%add3A_150] : memref<320000xi32, #tpu.memory_space<hbm>> -> memref<128xi32, #tpu.memory_space<hbm>>
        tpu.enqueue_dma source(%dma_start3A_218 : memref<128xi32, #tpu.memory_space<hbm>>) target(%arg11 : memref<128xi32, #tpu.memory_space<vmem>>) target_semaphore(%run_scoped3A : memref<!tpu.dma_semaphore, #tpu.memory_space<semaphore_mem>>)
        %dma_wait3A_219 = tpu.memref_slice %arg4[%add3A_150] : memref<320000xi32, #tpu.memory_space<hbm>> -> memref<128xi32, #tpu.memory_space<hbm>>
        %dma_wait3A_220 = tpu.memref_slice %arg4[%add3A_150] : memref<320000xi32, #tpu.memory_space<hbm>> -> memref<128xi32, #tpu.memory_space<hbm>>
        tpu.wait_dma2 semaphore(%run_scoped3A : memref<!tpu.dma_semaphore, #tpu.memory_space<semaphore_mem>>) src(%dma_wait3A_220 : memref<128xi32, #tpu.memory_space<hbm>>) dst(%arg11 : memref<128xi32, #tpu.memory_space<vmem>>)
        tpu.yield
      }) : () -> ()
      %dma_start3A_151 = arith.constant 0 : i32
      %dma_start3A_152 = arith.constant 0 : i32
      %dma_start3A_153 = tpu.memref_slice %arg16[%dma_start3A_151, %dma_start3A_152] : memref<10000x128xf32, #tpu.memory_space<vmem_shared>> -> memref<10000x128xf32, #tpu.memory_space<vmem_shared>>
      tpu.enqueue_indirect_dma source(%arg15 : memref<128x128xf32, #tpu.memory_space<vmem>>) target(%dma_start3A_153 : memref<10000x128xf32, #tpu.memory_space<vmem_shared>>) offsets(%arg11 : memref<128xi32, #tpu.memory_space<vmem>>) semaphore(%arg19 : memref<!tpu.dma_semaphore, #tpu.memory_space<semaphore_mem>>) {add = true}
      %dma_wait3A_154 = arith.constant 0 : i32
      %dma_wait3A_155 = arith.constant 0 : i32
      %dma_wait3A_156 = tpu.memref_slice %arg16[%dma_wait3A_154, %dma_wait3A_155] : memref<10000x128xf32, #tpu.memory_space<vmem_shared>> -> memref<10000x128xf32, #tpu.memory_space<vmem_shared>>
      tpu.wait_indirect_dma semaphore(%arg20 : memref<!tpu.dma_semaphore, #tpu.memory_space<semaphore_mem>>) src(%arg15 : memref<128x128xf32, #tpu.memory_space<vmem>>) dst(%dma_wait3A_156 : memref<10000x128xf32, #tpu.memory_space<vmem_shared>>)
      %mul3A_157 = arith.constant 4 : i32
      %mul3A_158 = arith.muli %mul3A_157, %scan3A_118 : i32
      %add3A_159 = arith.constant 3 : i32
      %add3A_160 = arith.addi %mul3A_158, %add3A_159 : i32
      %mul3A_161 = arith.constant 128 : i32
      %mul3A_162 = arith.muli %add3A_160, %mul3A_161 : i32
      %add3A_163 = arith.addi %mul3A_4, %mul3A_162 : i32
      "tpu.region"() ({
        %run_scoped3A = tpu.sem_alloc : memref<!tpu.dma_semaphore, #tpu.memory_space<semaphore_mem>>
        %dma_start3A_217 = tpu.memref_slice %arg4[%add3A_163] : memref<320000xi32, #tpu.memory_space<hbm>> -> memref<128xi32, #tpu.memory_space<hbm>>
        %dma_start3A_218 = tpu.memref_slice %arg4[%add3A_163] : memref<320000xi32, #tpu.memory_space<hbm>> -> memref<128xi32, #tpu.memory_space<hbm>>
        tpu.enqueue_dma source(%dma_start3A_218 : memref<128xi32, #tpu.memory_space<hbm>>) target(%arg12 : memref<128xi32, #tpu.memory_space<vmem>>) target_semaphore(%run_scoped3A : memref<!tpu.dma_semaphore, #tpu.memory_space<semaphore_mem>>)
        %dma_wait3A_219 = tpu.memref_slice %arg4[%add3A_163] : memref<320000xi32, #tpu.memory_space<hbm>> -> memref<128xi32, #tpu.memory_space<hbm>>
        %dma_wait3A_220 = tpu.memref_slice %arg4[%add3A_163] : memref<320000xi32, #tpu.memory_space<hbm>> -> memref<128xi32, #tpu.memory_space<hbm>>
        tpu.wait_dma2 semaphore(%run_scoped3A : memref<!tpu.dma_semaphore, #tpu.memory_space<semaphore_mem>>) src(%dma_wait3A_220 : memref<128xi32, #tpu.memory_space<hbm>>) dst(%arg12 : memref<128xi32, #tpu.memory_space<vmem>>)
        tpu.yield
      }) : () -> ()
      %dma_start3A_164 = arith.constant 0 : i32
      %dma_start3A_165 = arith.constant 0 : i32
      %dma_start3A_166 = tpu.memref_slice %arg16[%dma_start3A_164, %dma_start3A_165] : memref<10000x128xf32, #tpu.memory_space<vmem_shared>> -> memref<10000x128xf32, #tpu.memory_space<vmem_shared>>
      tpu.enqueue_indirect_dma source(%arg15 : memref<128x128xf32, #tpu.memory_space<vmem>>) target(%dma_start3A_166 : memref<10000x128xf32, #tpu.memory_space<vmem_shared>>) offsets(%arg12 : memref<128xi32, #tpu.memory_space<vmem>>) semaphore(%arg20 : memref<!tpu.dma_semaphore, #tpu.memory_space<semaphore_mem>>) {add = true}
      %mul3A_167 = arith.constant 2 : i32
      %mul3A_168 = arith.muli %mul3A_167, %scan3A_118 : i32
      %add3A_169 = arith.constant 1 : i32
      %add3A_170 = arith.addi %mul3A_168, %add3A_169 : i32
      %dma_wait3A_171 = arith.constant 0 : i32
      %dma_wait3A_172 = arith.constant 0 : i32
      %dma_wait3A_173 = tpu.memref_slice %arg2[%dma_wait3A_171, %dma_wait3A_172] : memref<10000x128xf32, #tpu.memory_space<hbm>> -> memref<10000x128xf32, #tpu.memory_space<hbm>>
      tpu.wait_indirect_dma semaphore(%arg18 : memref<!tpu.dma_semaphore, #tpu.memory_space<semaphore_mem>>) src(%dma_wait3A_173 : memref<10000x128xf32, #tpu.memory_space<hbm>>) dst(%arg10 : memref<128x128xf32, #tpu.memory_space<vmem>>)
      %min3A_174 = arith.constant 38 : i32
      %min3A_175 = arith.minsi %add3A_170, %min3A_174 : i32
      %mul3A_176 = arith.constant 128 : i32
      %mul3A_177 = arith.muli %min3A_175, %mul3A_176 : i32
      %add3A_178 = arith.addi %mul3A_2, %mul3A_177 : i32
      "tpu.region"() ({
        %run_scoped3A = tpu.sem_alloc : memref<!tpu.dma_semaphore, #tpu.memory_space<semaphore_mem>>
        %dma_start3A_217 = arith.constant 0 : i32
        %dma_start3A_218 = tpu.memref_slice %arg5[%add3A_178, %dma_start3A_217] : memref<160000x128xf32, #tpu.memory_space<hbm>> -> memref<128x128xf32, #tpu.memory_space<hbm>>
        %dma_start3A_219 = arith.constant 0 : i32
        %dma_start3A_220 = tpu.memref_slice %arg5[%add3A_178, %dma_start3A_219] : memref<160000x128xf32, #tpu.memory_space<hbm>> -> memref<128x128xf32, #tpu.memory_space<hbm>>
        tpu.enqueue_dma source(%arg10 : memref<128x128xf32, #tpu.memory_space<vmem>>) target(%dma_start3A_220 : memref<128x128xf32, #tpu.memory_space<hbm>>) target_semaphore(%run_scoped3A : memref<!tpu.dma_semaphore, #tpu.memory_space<semaphore_mem>>)
        %dma_wait3A_221 = arith.constant 0 : i32
        %dma_wait3A_222 = tpu.memref_slice %arg5[%add3A_178, %dma_wait3A_221] : memref<160000x128xf32, #tpu.memory_space<hbm>> -> memref<128x128xf32, #tpu.memory_space<hbm>>
        %dma_wait3A_223 = arith.constant 0 : i32
        %dma_wait3A_224 = tpu.memref_slice %arg5[%add3A_178, %dma_wait3A_223] : memref<160000x128xf32, #tpu.memory_space<hbm>> -> memref<128x128xf32, #tpu.memory_space<hbm>>
        tpu.wait_dma2 semaphore(%run_scoped3A : memref<!tpu.dma_semaphore, #tpu.memory_space<semaphore_mem>>) src(%arg10 : memref<128x128xf32, #tpu.memory_space<vmem>>) dst(%dma_wait3A_224 : memref<128x128xf32, #tpu.memory_space<hbm>>)
        tpu.yield
      }) : () -> ()
      %mul3A_179 = arith.constant 2 : i32
      %mul3A_180 = arith.muli %mul3A_179, %scan3A_118 : i32
      %add3A_181 = arith.constant 3 : i32
      %add3A_182 = arith.addi %mul3A_180, %add3A_181 : i32
      %min3A_183 = arith.constant 38 : i32
      %min3A_184 = arith.minsi %add3A_182, %min3A_183 : i32
      %mul3A_185 = arith.constant 128 : i32
      %mul3A_186 = arith.muli %min3A_184, %mul3A_185 : i32
      %add3A_187 = arith.addi %mul3A_2, %mul3A_186 : i32
      "tpu.region"() ({
        %run_scoped3A = tpu.sem_alloc : memref<!tpu.dma_semaphore, #tpu.memory_space<semaphore_mem>>
        %dma_start3A_217 = tpu.memref_slice %arg3[%add3A_187] : memref<160000xi32, #tpu.memory_space<hbm>> -> memref<128xi32, #tpu.memory_space<hbm>>
        %dma_start3A_218 = tpu.memref_slice %arg3[%add3A_187] : memref<160000xi32, #tpu.memory_space<hbm>> -> memref<128xi32, #tpu.memory_space<hbm>>
        tpu.enqueue_dma source(%dma_start3A_218 : memref<128xi32, #tpu.memory_space<hbm>>) target(%arg8 : memref<128xi32, #tpu.memory_space<vmem>>) target_semaphore(%run_scoped3A : memref<!tpu.dma_semaphore, #tpu.memory_space<semaphore_mem>>)
        %dma_wait3A_219 = tpu.memref_slice %arg3[%add3A_187] : memref<160000xi32, #tpu.memory_space<hbm>> -> memref<128xi32, #tpu.memory_space<hbm>>
        %dma_wait3A_220 = tpu.memref_slice %arg3[%add3A_187] : memref<160000xi32, #tpu.memory_space<hbm>> -> memref<128xi32, #tpu.memory_space<hbm>>
        tpu.wait_dma2 semaphore(%run_scoped3A : memref<!tpu.dma_semaphore, #tpu.memory_space<semaphore_mem>>) src(%dma_wait3A_220 : memref<128xi32, #tpu.memory_space<hbm>>) dst(%arg8 : memref<128xi32, #tpu.memory_space<vmem>>)
        tpu.yield
      }) : () -> ()
      %dma_start3A_188 = arith.constant 0 : i32
      %dma_start3A_189 = arith.constant 0 : i32
      %dma_start3A_190 = tpu.memref_slice %arg2[%dma_start3A_188, %dma_start3A_189] : memref<10000x128xf32, #tpu.memory_space<hbm>> -> memref<10000x128xf32, #tpu.memory_space<hbm>>
      tpu.enqueue_indirect_dma source(%dma_start3A_190 : memref<10000x128xf32, #tpu.memory_space<hbm>>) target(%arg10 : memref<128x128xf32, #tpu.memory_space<vmem>>) offsets(%arg8 : memref<128xi32, #tpu.memory_space<vmem>>) semaphore(%arg18 : memref<!tpu.dma_semaphore, #tpu.memory_space<semaphore_mem>>)
      %dma_wait3A_191 = arith.constant 0 : i32
      %dma_wait3A_192 = arith.constant 0 : i32
      %dma_wait3A_193 = tpu.memref_slice %arg16[%dma_wait3A_191, %dma_wait3A_192] : memref<10000x128xf32, #tpu.memory_space<vmem_shared>> -> memref<10000x128xf32, #tpu.memory_space<vmem_shared>>
      tpu.wait_indirect_dma semaphore(%arg19 : memref<!tpu.dma_semaphore, #tpu.memory_space<semaphore_mem>>) src(%arg15 : memref<128x128xf32, #tpu.memory_space<vmem>>) dst(%dma_wait3A_193 : memref<10000x128xf32, #tpu.memory_space<vmem_shared>>)
      %mul3A_194 = arith.constant 4 : i32
      %mul3A_195 = arith.muli %mul3A_194, %scan3A_118 : i32
      %add3A_196 = arith.constant 4 : i32
      %add3A_197 = arith.addi %mul3A_195, %add3A_196 : i32
      %mul3A_198 = arith.constant 128 : i32
      %mul3A_199 = arith.muli %add3A_197, %mul3A_198 : i32
      %add3A_200 = arith.addi %mul3A_4, %mul3A_199 : i32
      "tpu.region"() ({
        %run_scoped3A = tpu.sem_alloc : memref<!tpu.dma_semaphore, #tpu.memory_space<semaphore_mem>>
        %dma_start3A_217 = tpu.memref_slice %arg4[%add3A_200] : memref<320000xi32, #tpu.memory_space<hbm>> -> memref<128xi32, #tpu.memory_space<hbm>>
        %dma_start3A_218 = tpu.memref_slice %arg4[%add3A_200] : memref<320000xi32, #tpu.memory_space<hbm>> -> memref<128xi32, #tpu.memory_space<hbm>>
        tpu.enqueue_dma source(%dma_start3A_218 : memref<128xi32, #tpu.memory_space<hbm>>) target(%arg11 : memref<128xi32, #tpu.memory_space<vmem>>) target_semaphore(%run_scoped3A : memref<!tpu.dma_semaphore, #tpu.memory_space<semaphore_mem>>)
        %dma_wait3A_219 = tpu.memref_slice %arg4[%add3A_200] : memref<320000xi32, #tpu.memory_space<hbm>> -> memref<128xi32, #tpu.memory_space<hbm>>
        %dma_wait3A_220 = tpu.memref_slice %arg4[%add3A_200] : memref<320000xi32, #tpu.memory_space<hbm>> -> memref<128xi32, #tpu.memory_space<hbm>>
        tpu.wait_dma2 semaphore(%run_scoped3A : memref<!tpu.dma_semaphore, #tpu.memory_space<semaphore_mem>>) src(%dma_wait3A_220 : memref<128xi32, #tpu.memory_space<hbm>>) dst(%arg11 : memref<128xi32, #tpu.memory_space<vmem>>)
        tpu.yield
      }) : () -> ()
      %dma_start3A_201 = arith.constant 0 : i32
      %dma_start3A_202 = arith.constant 0 : i32
      %dma_start3A_203 = tpu.memref_slice %arg16[%dma_start3A_201, %dma_start3A_202] : memref<10000x128xf32, #tpu.memory_space<vmem_shared>> -> memref<10000x128xf32, #tpu.memory_space<vmem_shared>>
      tpu.enqueue_indirect_dma source(%arg15 : memref<128x128xf32, #tpu.memory_space<vmem>>) target(%dma_start3A_203 : memref<10000x128xf32, #tpu.memory_space<vmem_shared>>) offsets(%arg11 : memref<128xi32, #tpu.memory_space<vmem>>) semaphore(%arg19 : memref<!tpu.dma_semaphore, #tpu.memory_space<semaphore_mem>>) {add = true}
      %dma_wait3A_204 = arith.constant 0 : i32
      %dma_wait3A_205 = arith.constant 0 : i32
      %dma_wait3A_206 = tpu.memref_slice %arg16[%dma_wait3A_204, %dma_wait3A_205] : memref<10000x128xf32, #tpu.memory_space<vmem_shared>> -> memref<10000x128xf32, #tpu.memory_space<vmem_shared>>
      tpu.wait_indirect_dma semaphore(%arg20 : memref<!tpu.dma_semaphore, #tpu.memory_space<semaphore_mem>>) src(%arg15 : memref<128x128xf32, #tpu.memory_space<vmem>>) dst(%dma_wait3A_206 : memref<10000x128xf32, #tpu.memory_space<vmem_shared>>)
      %mul3A_207 = arith.constant 4 : i32
      %mul3A_208 = arith.muli %mul3A_207, %scan3A_118 : i32
      %add3A_209 = arith.constant 5 : i32
      %add3A_210 = arith.addi %mul3A_208, %add3A_209 : i32
      %mul3A_211 = arith.constant 128 : i32
      %mul3A_212 = arith.muli %add3A_210, %mul3A_211 : i32
      %add3A_213 = arith.addi %mul3A_4, %mul3A_212 : i32
      "tpu.region"() ({
        %run_scoped3A = tpu.sem_alloc : memref<!tpu.dma_semaphore, #tpu.memory_space<semaphore_mem>>
        %dma_start3A_217 = tpu.memref_slice %arg4[%add3A_213] : memref<320000xi32, #tpu.memory_space<hbm>> -> memref<128xi32, #tpu.memory_space<hbm>>
        %dma_start3A_218 = tpu.memref_slice %arg4[%add3A_213] : memref<320000xi32, #tpu.memory_space<hbm>> -> memref<128xi32, #tpu.memory_space<hbm>>
        tpu.enqueue_dma source(%dma_start3A_218 : memref<128xi32, #tpu.memory_space<hbm>>) target(%arg12 : memref<128xi32, #tpu.memory_space<vmem>>) target_semaphore(%run_scoped3A : memref<!tpu.dma_semaphore, #tpu.memory_space<semaphore_mem>>)
        %dma_wait3A_219 = tpu.memref_slice %arg4[%add3A_213] : memref<320000xi32, #tpu.memory_space<hbm>> -> memref<128xi32, #tpu.memory_space<hbm>>
        %dma_wait3A_220 = tpu.memref_slice %arg4[%add3A_213] : memref<320000xi32, #tpu.memory_space<hbm>> -> memref<128xi32, #tpu.memory_space<hbm>>
        tpu.wait_dma2 semaphore(%run_scoped3A : memref<!tpu.dma_semaphore, #tpu.memory_space<semaphore_mem>>) src(%dma_wait3A_220 : memref<128xi32, #tpu.memory_space<hbm>>) dst(%arg12 : memref<128xi32, #tpu.memory_space<vmem>>)
        tpu.yield
      }) : () -> ()
      %dma_start3A_214 = arith.constant 0 : i32
      %dma_start3A_215 = arith.constant 0 : i32
      %dma_start3A_216 = tpu.memref_slice %arg16[%dma_start3A_214, %dma_start3A_215] : memref<10000x128xf32, #tpu.memory_space<vmem_shared>> -> memref<10000x128xf32, #tpu.memory_space<vmem_shared>>
      tpu.enqueue_indirect_dma source(%arg15 : memref<128x128xf32, #tpu.memory_space<vmem>>) target(%dma_start3A_216 : memref<10000x128xf32, #tpu.memory_space<vmem_shared>>) offsets(%arg12 : memref<128xi32, #tpu.memory_space<vmem>>) semaphore(%arg20 : memref<!tpu.dma_semaphore, #tpu.memory_space<semaphore_mem>>) {add = true}
    }
    %scan3A_61 = arith.constant 19 : i32
    %dma_wait3A = arith.constant 0 : i32
    %dma_wait3A_62 = arith.constant 0 : i32
    %dma_wait3A_63 = tpu.memref_slice %arg2[%dma_wait3A, %dma_wait3A_62] : memref<10000x128xf32, #tpu.memory_space<hbm>> -> memref<10000x128xf32, #tpu.memory_space<hbm>>
    tpu.wait_indirect_dma semaphore(%arg17 : memref<!tpu.dma_semaphore, #tpu.memory_space<semaphore_mem>>) src(%dma_wait3A_63 : memref<10000x128xf32, #tpu.memory_space<hbm>>) dst(%arg9 : memref<128x128xf32, #tpu.memory_space<vmem>>)
    %min3A_64 = arith.constant 38 : i32
    %min3A_65 = arith.constant 38 : i32
    %min3A_66 = arith.minsi %min3A_64, %min3A_65 : i32
    %mul3A_67 = arith.constant 128 : i32
    %mul3A_68 = arith.muli %min3A_66, %mul3A_67 : i32
    %add3A_69 = arith.addi %mul3A_2, %mul3A_68 : i32
    "tpu.region"() ({
      %run_scoped3A = tpu.sem_alloc : memref<!tpu.dma_semaphore, #tpu.memory_space<semaphore_mem>>
      %dma_start3A_118 = arith.constant 0 : i32
      %dma_start3A_119 = tpu.memref_slice %arg5[%add3A_69, %dma_start3A_118] : memref<160000x128xf32, #tpu.memory_space<hbm>> -> memref<128x128xf32, #tpu.memory_space<hbm>>
      %dma_start3A_120 = arith.constant 0 : i32
      %dma_start3A_121 = tpu.memref_slice %arg5[%add3A_69, %dma_start3A_120] : memref<160000x128xf32, #tpu.memory_space<hbm>> -> memref<128x128xf32, #tpu.memory_space<hbm>>
      tpu.enqueue_dma source(%arg9 : memref<128x128xf32, #tpu.memory_space<vmem>>) target(%dma_start3A_121 : memref<128x128xf32, #tpu.memory_space<hbm>>) target_semaphore(%run_scoped3A : memref<!tpu.dma_semaphore, #tpu.memory_space<semaphore_mem>>)
      %dma_wait3A_122 = arith.constant 0 : i32
      %dma_wait3A_123 = tpu.memref_slice %arg5[%add3A_69, %dma_wait3A_122] : memref<160000x128xf32, #tpu.memory_space<hbm>> -> memref<128x128xf32, #tpu.memory_space<hbm>>
      %dma_wait3A_124 = arith.constant 0 : i32
      %dma_wait3A_125 = tpu.memref_slice %arg5[%add3A_69, %dma_wait3A_124] : memref<160000x128xf32, #tpu.memory_space<hbm>> -> memref<128x128xf32, #tpu.memory_space<hbm>>
      tpu.wait_dma2 semaphore(%run_scoped3A : memref<!tpu.dma_semaphore, #tpu.memory_space<semaphore_mem>>) src(%arg9 : memref<128x128xf32, #tpu.memory_space<vmem>>) dst(%dma_wait3A_125 : memref<128x128xf32, #tpu.memory_space<hbm>>)
      tpu.yield
    }) : () -> ()
    %dma_wait3A_70 = arith.constant 0 : i32
    %dma_wait3A_71 = arith.constant 0 : i32
    %dma_wait3A_72 = tpu.memref_slice %arg2[%dma_wait3A_70, %dma_wait3A_71] : memref<10000x128xf32, #tpu.memory_space<hbm>> -> memref<10000x128xf32, #tpu.memory_space<hbm>>
    tpu.wait_indirect_dma semaphore(%arg18 : memref<!tpu.dma_semaphore, #tpu.memory_space<semaphore_mem>>) src(%dma_wait3A_72 : memref<10000x128xf32, #tpu.memory_space<hbm>>) dst(%arg10 : memref<128x128xf32, #tpu.memory_space<vmem>>)
    %min3A_73 = arith.constant 39 : i32
    %min3A_74 = arith.constant 38 : i32
    %min3A_75 = arith.minsi %min3A_73, %min3A_74 : i32
    %mul3A_76 = arith.constant 128 : i32
    %mul3A_77 = arith.muli %min3A_75, %mul3A_76 : i32
    %add3A_78 = arith.addi %mul3A_2, %mul3A_77 : i32
    "tpu.region"() ({
      %run_scoped3A = tpu.sem_alloc : memref<!tpu.dma_semaphore, #tpu.memory_space<semaphore_mem>>
      %dma_start3A_118 = arith.constant 0 : i32
      %dma_start3A_119 = tpu.memref_slice %arg5[%add3A_78, %dma_start3A_118] : memref<160000x128xf32, #tpu.memory_space<hbm>> -> memref<128x128xf32, #tpu.memory_space<hbm>>
      %dma_start3A_120 = arith.constant 0 : i32
      %dma_start3A_121 = tpu.memref_slice %arg5[%add3A_78, %dma_start3A_120] : memref<160000x128xf32, #tpu.memory_space<hbm>> -> memref<128x128xf32, #tpu.memory_space<hbm>>
      tpu.enqueue_dma source(%arg10 : memref<128x128xf32, #tpu.memory_space<vmem>>) target(%dma_start3A_121 : memref<128x128xf32, #tpu.memory_space<hbm>>) target_semaphore(%run_scoped3A : memref<!tpu.dma_semaphore, #tpu.memory_space<semaphore_mem>>)
      %dma_wait3A_122 = arith.constant 0 : i32
      %dma_wait3A_123 = tpu.memref_slice %arg5[%add3A_78, %dma_wait3A_122] : memref<160000x128xf32, #tpu.memory_space<hbm>> -> memref<128x128xf32, #tpu.memory_space<hbm>>
      %dma_wait3A_124 = arith.constant 0 : i32
      %dma_wait3A_125 = tpu.memref_slice %arg5[%add3A_78, %dma_wait3A_124] : memref<160000x128xf32, #tpu.memory_space<hbm>> -> memref<128x128xf32, #tpu.memory_space<hbm>>
      tpu.wait_dma2 semaphore(%run_scoped3A : memref<!tpu.dma_semaphore, #tpu.memory_space<semaphore_mem>>) src(%arg10 : memref<128x128xf32, #tpu.memory_space<vmem>>) dst(%dma_wait3A_125 : memref<128x128xf32, #tpu.memory_space<hbm>>)
      tpu.yield
    }) : () -> ()
    %dma_wait3A_79 = arith.constant 0 : i32
    %dma_wait3A_80 = arith.constant 0 : i32
    %dma_wait3A_81 = tpu.memref_slice %arg16[%dma_wait3A_79, %dma_wait3A_80] : memref<10000x128xf32, #tpu.memory_space<vmem_shared>> -> memref<10000x128xf32, #tpu.memory_space<vmem_shared>>
    tpu.wait_indirect_dma semaphore(%arg19 : memref<!tpu.dma_semaphore, #tpu.memory_space<semaphore_mem>>) src(%arg15 : memref<128x128xf32, #tpu.memory_space<vmem>>) dst(%dma_wait3A_81 : memref<10000x128xf32, #tpu.memory_space<vmem_shared>>)
    %dma_wait3A_82 = arith.constant 0 : i32
    %dma_wait3A_83 = arith.constant 0 : i32
    %dma_wait3A_84 = tpu.memref_slice %arg16[%dma_wait3A_82, %dma_wait3A_83] : memref<10000x128xf32, #tpu.memory_space<vmem_shared>> -> memref<10000x128xf32, #tpu.memory_space<vmem_shared>>
    tpu.wait_indirect_dma semaphore(%arg20 : memref<!tpu.dma_semaphore, #tpu.memory_space<semaphore_mem>>) src(%arg15 : memref<128x128xf32, #tpu.memory_space<vmem>>) dst(%dma_wait3A_84 : memref<10000x128xf32, #tpu.memory_space<vmem_shared>>)
    %add3A_85 = arith.constant 4992 : i32
    %add3A_86 = arith.addi %mul3A_2, %add3A_85 : i32
    "tpu.region"() ({
      %run_scoped3A = tpu.sem_alloc : memref<!tpu.dma_semaphore, #tpu.memory_space<semaphore_mem>>
      %dma_start3A_118 = tpu.memref_slice %arg3[%add3A_86] : memref<160000xi32, #tpu.memory_space<hbm>> -> memref<8xi32, #tpu.memory_space<hbm>>
      %dma_start3A_119 = tpu.memref_slice %arg3[%add3A_86] : memref<160000xi32, #tpu.memory_space<hbm>> -> memref<8xi32, #tpu.memory_space<hbm>>
      tpu.enqueue_dma source(%dma_start3A_119 : memref<8xi32, #tpu.memory_space<hbm>>) target(%arg14 : memref<8xi32, #tpu.memory_space<vmem>>) target_semaphore(%run_scoped3A : memref<!tpu.dma_semaphore, #tpu.memory_space<semaphore_mem>>)
      %dma_wait3A_120 = tpu.memref_slice %arg3[%add3A_86] : memref<160000xi32, #tpu.memory_space<hbm>> -> memref<8xi32, #tpu.memory_space<hbm>>
      %dma_wait3A_121 = tpu.memref_slice %arg3[%add3A_86] : memref<160000xi32, #tpu.memory_space<hbm>> -> memref<8xi32, #tpu.memory_space<hbm>>
      tpu.wait_dma2 semaphore(%run_scoped3A : memref<!tpu.dma_semaphore, #tpu.memory_space<semaphore_mem>>) src(%dma_wait3A_121 : memref<8xi32, #tpu.memory_space<hbm>>) dst(%arg14 : memref<8xi32, #tpu.memory_space<vmem>>)
      tpu.yield
    }) : () -> ()
    %dma_start3A_87 = arith.constant 0 : i32
    %dma_start3A_88 = arith.constant 0 : i32
    %dma_start3A_89 = tpu.memref_slice %arg9[%dma_start3A_87, %dma_start3A_88] : memref<128x128xf32, #tpu.memory_space<vmem>> -> memref<8x128xf32, #tpu.memory_space<vmem>>
    %dma_start3A_90 = arith.constant 0 : i32
    %dma_start3A_91 = arith.constant 0 : i32
    %dma_start3A_92 = tpu.memref_slice %arg2[%dma_start3A_90, %dma_start3A_91] : memref<10000x128xf32, #tpu.memory_space<hbm>> -> memref<10000x128xf32, #tpu.memory_space<hbm>>
    tpu.enqueue_indirect_dma source(%dma_start3A_92 : memref<10000x128xf32, #tpu.memory_space<hbm>>) target(%dma_start3A_89 : memref<8x128xf32, #tpu.memory_space<vmem>>) offsets(%arg14 : memref<8xi32, #tpu.memory_space<vmem>>) semaphore(%arg17 : memref<!tpu.dma_semaphore, #tpu.memory_space<semaphore_mem>>)
    %dma_wait3A_93 = arith.constant 0 : i32
    %dma_wait3A_94 = arith.constant 0 : i32
    %dma_wait3A_95 = tpu.memref_slice %arg9[%dma_wait3A_93, %dma_wait3A_94] : memref<128x128xf32, #tpu.memory_space<vmem>> -> memref<8x128xf32, #tpu.memory_space<vmem>>
    %dma_wait3A_96 = arith.constant 0 : i32
    %dma_wait3A_97 = arith.constant 0 : i32
    %dma_wait3A_98 = tpu.memref_slice %arg2[%dma_wait3A_96, %dma_wait3A_97] : memref<10000x128xf32, #tpu.memory_space<hbm>> -> memref<10000x128xf32, #tpu.memory_space<hbm>>
    tpu.wait_indirect_dma semaphore(%arg17 : memref<!tpu.dma_semaphore, #tpu.memory_space<semaphore_mem>>) src(%dma_wait3A_98 : memref<10000x128xf32, #tpu.memory_space<hbm>>) dst(%dma_wait3A_95 : memref<8x128xf32, #tpu.memory_space<vmem>>)
    "tpu.region"() ({
      %run_scoped3A = tpu.sem_alloc : memref<!tpu.dma_semaphore, #tpu.memory_space<semaphore_mem>>
      %dma_start3A_118 = arith.constant 0 : i32
      %dma_start3A_119 = arith.constant 0 : i32
      %dma_start3A_120 = tpu.memref_slice %arg9[%dma_start3A_118, %dma_start3A_119] : memref<128x128xf32, #tpu.memory_space<vmem>> -> memref<8x128xf32, #tpu.memory_space<vmem>>
      %dma_start3A_121 = arith.constant 0 : i32
      %dma_start3A_122 = tpu.memref_slice %arg5[%add3A_86, %dma_start3A_121] : memref<160000x128xf32, #tpu.memory_space<hbm>> -> memref<8x128xf32, #tpu.memory_space<hbm>>
      %dma_start3A_123 = arith.constant 0 : i32
      %dma_start3A_124 = tpu.memref_slice %arg5[%add3A_86, %dma_start3A_123] : memref<160000x128xf32, #tpu.memory_space<hbm>> -> memref<8x128xf32, #tpu.memory_space<hbm>>
      %dma_start3A_125 = arith.constant 0 : i32
      %dma_start3A_126 = arith.constant 0 : i32
      %dma_start3A_127 = tpu.memref_slice %arg9[%dma_start3A_125, %dma_start3A_126] : memref<128x128xf32, #tpu.memory_space<vmem>> -> memref<8x128xf32, #tpu.memory_space<vmem>>
      tpu.enqueue_dma source(%dma_start3A_127 : memref<8x128xf32, #tpu.memory_space<vmem>>) target(%dma_start3A_124 : memref<8x128xf32, #tpu.memory_space<hbm>>) target_semaphore(%run_scoped3A : memref<!tpu.dma_semaphore, #tpu.memory_space<semaphore_mem>>)
      %dma_wait3A_128 = arith.constant 0 : i32
      %dma_wait3A_129 = arith.constant 0 : i32
      %dma_wait3A_130 = tpu.memref_slice %arg9[%dma_wait3A_128, %dma_wait3A_129] : memref<128x128xf32, #tpu.memory_space<vmem>> -> memref<8x128xf32, #tpu.memory_space<vmem>>
      %dma_wait3A_131 = arith.constant 0 : i32
      %dma_wait3A_132 = tpu.memref_slice %arg5[%add3A_86, %dma_wait3A_131] : memref<160000x128xf32, #tpu.memory_space<hbm>> -> memref<8x128xf32, #tpu.memory_space<hbm>>
      %dma_wait3A_133 = arith.constant 0 : i32
      %dma_wait3A_134 = tpu.memref_slice %arg5[%add3A_86, %dma_wait3A_133] : memref<160000x128xf32, #tpu.memory_space<hbm>> -> memref<8x128xf32, #tpu.memory_space<hbm>>
      %dma_wait3A_135 = arith.constant 0 : i32
      %dma_wait3A_136 = arith.constant 0 : i32
      %dma_wait3A_137 = tpu.memref_slice %arg9[%dma_wait3A_135, %dma_wait3A_136] : memref<128x128xf32, #tpu.memory_space<vmem>> -> memref<8x128xf32, #tpu.memory_space<vmem>>
      tpu.wait_dma2 semaphore(%run_scoped3A : memref<!tpu.dma_semaphore, #tpu.memory_space<semaphore_mem>>) src(%dma_wait3A_137 : memref<8x128xf32, #tpu.memory_space<vmem>>) dst(%dma_wait3A_134 : memref<8x128xf32, #tpu.memory_space<hbm>>)
      tpu.yield
    }) : () -> ()
    %add3A_99 = arith.constant 9984 : i32
    %add3A_100 = arith.addi %mul3A_4, %add3A_99 : i32
    "tpu.region"() ({
      %run_scoped3A = tpu.sem_alloc : memref<!tpu.dma_semaphore, #tpu.memory_space<semaphore_mem>>
      %dma_start3A_118 = tpu.memref_slice %arg4[%add3A_100] : memref<320000xi32, #tpu.memory_space<hbm>> -> memref<16xi32, #tpu.memory_space<hbm>>
      %dma_start3A_119 = tpu.memref_slice %arg4[%add3A_100] : memref<320000xi32, #tpu.memory_space<hbm>> -> memref<16xi32, #tpu.memory_space<hbm>>
      tpu.enqueue_dma source(%dma_start3A_119 : memref<16xi32, #tpu.memory_space<hbm>>) target(%arg13 : memref<16xi32, #tpu.memory_space<vmem>>) target_semaphore(%run_scoped3A : memref<!tpu.dma_semaphore, #tpu.memory_space<semaphore_mem>>)
      %dma_wait3A_120 = tpu.memref_slice %arg4[%add3A_100] : memref<320000xi32, #tpu.memory_space<hbm>> -> memref<16xi32, #tpu.memory_space<hbm>>
      %dma_wait3A_121 = tpu.memref_slice %arg4[%add3A_100] : memref<320000xi32, #tpu.memory_space<hbm>> -> memref<16xi32, #tpu.memory_space<hbm>>
      tpu.wait_dma2 semaphore(%run_scoped3A : memref<!tpu.dma_semaphore, #tpu.memory_space<semaphore_mem>>) src(%dma_wait3A_121 : memref<16xi32, #tpu.memory_space<hbm>>) dst(%arg13 : memref<16xi32, #tpu.memory_space<vmem>>)
      tpu.yield
    }) : () -> ()
    %dma_start3A_101 = arith.constant 0 : i32
    %dma_start3A_102 = arith.constant 0 : i32
    %dma_start3A_103 = tpu.memref_slice %arg15[%dma_start3A_101, %dma_start3A_102] : memref<128x128xf32, #tpu.memory_space<vmem>> -> memref<16x128xf32, #tpu.memory_space<vmem>>
    %dma_start3A_104 = arith.constant 0 : i32
    %dma_start3A_105 = arith.constant 0 : i32
    %dma_start3A_106 = tpu.memref_slice %arg16[%dma_start3A_104, %dma_start3A_105] : memref<10000x128xf32, #tpu.memory_space<vmem_shared>> -> memref<10000x128xf32, #tpu.memory_space<vmem_shared>>
    tpu.enqueue_indirect_dma source(%dma_start3A_103 : memref<16x128xf32, #tpu.memory_space<vmem>>) target(%dma_start3A_106 : memref<10000x128xf32, #tpu.memory_space<vmem_shared>>) offsets(%arg13 : memref<16xi32, #tpu.memory_space<vmem>>) semaphore(%arg19 : memref<!tpu.dma_semaphore, #tpu.memory_space<semaphore_mem>>) {add = true}
    %dma_wait3A_107 = arith.constant 0 : i32
    %dma_wait3A_108 = arith.constant 0 : i32
    %dma_wait3A_109 = tpu.memref_slice %arg15[%dma_wait3A_107, %dma_wait3A_108] : memref<128x128xf32, #tpu.memory_space<vmem>> -> memref<16x128xf32, #tpu.memory_space<vmem>>
    %dma_wait3A_110 = arith.constant 0 : i32
    %dma_wait3A_111 = arith.constant 0 : i32
    %dma_wait3A_112 = tpu.memref_slice %arg16[%dma_wait3A_110, %dma_wait3A_111] : memref<10000x128xf32, #tpu.memory_space<vmem_shared>> -> memref<10000x128xf32, #tpu.memory_space<vmem_shared>>
    tpu.wait_indirect_dma semaphore(%arg19 : memref<!tpu.dma_semaphore, #tpu.memory_space<semaphore_mem>>) src(%dma_wait3A_109 : memref<16x128xf32, #tpu.memory_space<vmem>>) dst(%dma_wait3A_112 : memref<10000x128xf32, #tpu.memory_space<vmem_shared>>)
    %barrier3A_113 = arith.constant 0 : index
    tpu.barrier barrier_id(%barrier3A_113)
    %mul3A_114 = arith.constant 624 : i32
    %mul3A_115 = arith.muli %arg1, %mul3A_114 : i32
    %mul3A_116 = arith.constant 624 : i32
    %mul3A_117 = arith.muli %arg1, %mul3A_116 : i32
    "tpu.region"() ({
      %run_scoped3A = tpu.sem_alloc : memref<!tpu.dma_semaphore, #tpu.memory_space<semaphore_mem>>
      %dma_start3A_118 = arith.constant 0 : i32
      %dma_start3A_119 = tpu.memref_slice %arg6[%arg0, %mul3A_117, %dma_start3A_118] : memref<2x10000x128xf32, #tpu.memory_space<hbm>> -> memref<1x640x128xf32, #tpu.memory_space<hbm>>
      %dma_start3A_120 = tpu.memref_squeeze %dma_start3A_119 : memref<1x640x128xf32, #tpu.memory_space<hbm>> -> memref<640x128xf32, #tpu.memory_space<hbm>>
      %dma_start3A_121 = arith.constant 0 : i32
      %dma_start3A_122 = tpu.memref_slice %arg16[%mul3A_115, %dma_start3A_121] : memref<10000x128xf32, #tpu.memory_space<vmem_shared>> -> memref<640x128xf32, #tpu.memory_space<vmem_shared>>
      tpu.enqueue_dma source(%dma_start3A_122 : memref<640x128xf32, #tpu.memory_space<vmem_shared>>) target(%dma_start3A_120 : memref<640x128xf32, #tpu.memory_space<hbm>>) target_semaphore(%run_scoped3A : memref<!tpu.dma_semaphore, #tpu.memory_space<semaphore_mem>>)
      %dma_wait3A_123 = arith.constant 0 : i32
      %dma_wait3A_124 = tpu.memref_slice %arg6[%arg0, %mul3A_117, %dma_wait3A_123] : memref<2x10000x128xf32, #tpu.memory_space<hbm>> -> memref<1x640x128xf32, #tpu.memory_space<hbm>>
      %dma_wait3A_125 = tpu.memref_squeeze %dma_wait3A_124 : memref<1x640x128xf32, #tpu.memory_space<hbm>> -> memref<640x128xf32, #tpu.memory_space<hbm>>
      %dma_wait3A_126 = arith.constant 0 : i32
      %dma_wait3A_127 = tpu.memref_slice %arg16[%mul3A_115, %dma_wait3A_126] : memref<10000x128xf32, #tpu.memory_space<vmem_shared>> -> memref<640x128xf32, #tpu.memory_space<vmem_shared>>
      tpu.wait_dma2 semaphore(%run_scoped3A : memref<!tpu.dma_semaphore, #tpu.memory_space<semaphore_mem>>) src(%dma_wait3A_127 : memref<640x128xf32, #tpu.memory_space<vmem_shared>>) dst(%dma_wait3A_125 : memref<640x128xf32, #tpu.memory_space<hbm>>)
      tpu.yield
    }) : () -> ()
    return
  }
}

#map = affine_map<(d0, d1) -> (0, 0)>
#map1 = affine_map<(d0, d1) -> (0, 0, 0)>
module attributes {stable_mosaic.version = 14 : i64} {
  func.func @k(%arg0: i32, %arg1: i32, %arg2: memref<10000x128xf32, #tpu.memory_space<hbm>>, %arg3: memref<2x320000xi32, #tpu.memory_space<hbm>>, %arg4: memref<2x10000x128xf32, #tpu.memory_space<hbm>>, %arg5: memref<2x128xi32, #tpu.memory_space<vmem>>, %arg6: memref<2x128xi32, #tpu.memory_space<vmem>>, %arg7: memref<128x128xf32, #tpu.memory_space<vmem>>, %arg8: memref<128x128xf32, #tpu.memory_space<vmem>>, %arg9: memref<10000x128xf32, #tpu.memory_space<vmem_shared>>, %arg10: memref<!tpu.dma_semaphore, #tpu.memory_space<semaphore_mem>>, %arg11: memref<!tpu.dma_semaphore, #tpu.memory_space<semaphore_mem>>) attributes {dimension_semantics = [#tpu.dimension_semantics<core_parallel>, #tpu.dimension_semantics<subcore_parallel>], iteration_bounds = array<i64: 2, 16>, scalar_prefetch = 0 : i64, scratch_operands = 7 : i64, tpu.core_type = #tpu.core_type<sc_vector_subcore>, window_params = [{transform_indices = #map}, {transform_indices = #map}, {transform_indices = #map1}]} {
    %mul3A = arith.constant 2 : i32
    %mul3A_0 = arith.muli %arg1, %mul3A : i32
    %add3A = arith.addi %mul3A_0, %arg0 : i32
    %mul3A_1 = arith.constant 9984 : i32
    %mul3A_2 = arith.muli %add3A, %mul3A_1 : i32
    %scan3A = arith.constant 0 : i32
    %scan3A_3 = arith.constant 0 : i32
    %scan3A_4 = arith.constant 128 : i32
    %scan3A_5 = arith.addi %scan3A_3, %scan3A_4 : i32
    %scan3A_6 = arith.constant 1 : i32
    scf.for %scan3A_72 = %scan3A_3 to %scan3A_5 step %scan3A_6  : i32 {
      %broadcast_in_dim3A = arith.constant 0.000000e+00 : f32
      %broadcast_in_dim3A_73 = vector.broadcast %broadcast_in_dim3A : f32 to vector<16xf32>
      %swap3A = arith.index_cast %scan3A_72 : i32 to index
      %swap3A_74 = arith.constant 0 : index
      %swap3A_75 = tpu.vector_load %arg7[%swap3A, %swap3A_74] {strides = array<i32>} : memref<128x128xf32, #tpu.memory_space<vmem>>, vector<1x16xf32>,
      %swap3A_76 = vector.shape_cast %swap3A_75 : vector<1x16xf32> to vector<16xf32>
      %swap3A_77 = vector.shape_cast %broadcast_in_dim3A_73 : vector<16xf32> to vector<1x16xf32>
      tpu.vector_store %arg7[%swap3A, %swap3A_74], %swap3A_77 {strides = array<i32>} : memref<128x128xf32, #tpu.memory_space<vmem>>, vector<1x16xf32>,
      %broadcast_in_dim3A_78 = arith.constant 0.000000e+00 : f32
      %broadcast_in_dim3A_79 = vector.broadcast %broadcast_in_dim3A_78 : f32 to vector<16xf32>
      %swap3A_80 = arith.index_cast %scan3A_72 : i32 to index
      %swap3A_81 = arith.constant 16 : index
      %swap3A_82 = tpu.vector_load %arg7[%swap3A_80, %swap3A_81] {strides = array<i32>} : memref<128x128xf32, #tpu.memory_space<vmem>>, vector<1x16xf32>,
      %swap3A_83 = vector.shape_cast %swap3A_82 : vector<1x16xf32> to vector<16xf32>
      %swap3A_84 = vector.shape_cast %broadcast_in_dim3A_79 : vector<16xf32> to vector<1x16xf32>
      tpu.vector_store %arg7[%swap3A_80, %swap3A_81], %swap3A_84 {strides = array<i32>} : memref<128x128xf32, #tpu.memory_space<vmem>>, vector<1x16xf32>,
      %broadcast_in_dim3A_85 = arith.constant 0.000000e+00 : f32
      %broadcast_in_dim3A_86 = vector.broadcast %broadcast_in_dim3A_85 : f32 to vector<16xf32>
      %swap3A_87 = arith.index_cast %scan3A_72 : i32 to index
      %swap3A_88 = arith.constant 32 : index
      %swap3A_89 = tpu.vector_load %arg7[%swap3A_87, %swap3A_88] {strides = array<i32>} : memref<128x128xf32, #tpu.memory_space<vmem>>, vector<1x16xf32>,
      %swap3A_90 = vector.shape_cast %swap3A_89 : vector<1x16xf32> to vector<16xf32>
      %swap3A_91 = vector.shape_cast %broadcast_in_dim3A_86 : vector<16xf32> to vector<1x16xf32>
      tpu.vector_store %arg7[%swap3A_87, %swap3A_88], %swap3A_91 {strides = array<i32>} : memref<128x128xf32, #tpu.memory_space<vmem>>, vector<1x16xf32>,
      %broadcast_in_dim3A_92 = arith.constant 0.000000e+00 : f32
      %broadcast_in_dim3A_93 = vector.broadcast %broadcast_in_dim3A_92 : f32 to vector<16xf32>
      %swap3A_94 = arith.index_cast %scan3A_72 : i32 to index
      %swap3A_95 = arith.constant 48 : index
      %swap3A_96 = tpu.vector_load %arg7[%swap3A_94, %swap3A_95] {strides = array<i32>} : memref<128x128xf32, #tpu.memory_space<vmem>>, vector<1x16xf32>,
      %swap3A_97 = vector.shape_cast %swap3A_96 : vector<1x16xf32> to vector<16xf32>
      %swap3A_98 = vector.shape_cast %broadcast_in_dim3A_93 : vector<16xf32> to vector<1x16xf32>
      tpu.vector_store %arg7[%swap3A_94, %swap3A_95], %swap3A_98 {strides = array<i32>} : memref<128x128xf32, #tpu.memory_space<vmem>>, vector<1x16xf32>,
      %broadcast_in_dim3A_99 = arith.constant 0.000000e+00 : f32
      %broadcast_in_dim3A_100 = vector.broadcast %broadcast_in_dim3A_99 : f32 to vector<16xf32>
      %swap3A_101 = arith.index_cast %scan3A_72 : i32 to index
      %swap3A_102 = arith.constant 64 : index
      %swap3A_103 = tpu.vector_load %arg7[%swap3A_101, %swap3A_102] {strides = array<i32>} : memref<128x128xf32, #tpu.memory_space<vmem>>, vector<1x16xf32>,
      %swap3A_104 = vector.shape_cast %swap3A_103 : vector<1x16xf32> to vector<16xf32>
      %swap3A_105 = vector.shape_cast %broadcast_in_dim3A_100 : vector<16xf32> to vector<1x16xf32>
      tpu.vector_store %arg7[%swap3A_101, %swap3A_102], %swap3A_105 {strides = array<i32>} : memref<128x128xf32, #tpu.memory_space<vmem>>, vector<1x16xf32>,
      %broadcast_in_dim3A_106 = arith.constant 0.000000e+00 : f32
      %broadcast_in_dim3A_107 = vector.broadcast %broadcast_in_dim3A_106 : f32 to vector<16xf32>
      %swap3A_108 = arith.index_cast %scan3A_72 : i32 to index
      %swap3A_109 = arith.constant 80 : index
      %swap3A_110 = tpu.vector_load %arg7[%swap3A_108, %swap3A_109] {strides = array<i32>} : memref<128x128xf32, #tpu.memory_space<vmem>>, vector<1x16xf32>,
      %swap3A_111 = vector.shape_cast %swap3A_110 : vector<1x16xf32> to vector<16xf32>
      %swap3A_112 = vector.shape_cast %broadcast_in_dim3A_107 : vector<16xf32> to vector<1x16xf32>
      tpu.vector_store %arg7[%swap3A_108, %swap3A_109], %swap3A_112 {strides = array<i32>} : memref<128x128xf32, #tpu.memory_space<vmem>>, vector<1x16xf32>,
      %broadcast_in_dim3A_113 = arith.constant 0.000000e+00 : f32
      %broadcast_in_dim3A_114 = vector.broadcast %broadcast_in_dim3A_113 : f32 to vector<16xf32>
      %swap3A_115 = arith.index_cast %scan3A_72 : i32 to index
      %swap3A_116 = arith.constant 96 : index
      %swap3A_117 = tpu.vector_load %arg7[%swap3A_115, %swap3A_116] {strides = array<i32>} : memref<128x128xf32, #tpu.memory_space<vmem>>, vector<1x16xf32>,
      %swap3A_118 = vector.shape_cast %swap3A_117 : vector<1x16xf32> to vector<16xf32>
      %swap3A_119 = vector.shape_cast %broadcast_in_dim3A_114 : vector<16xf32> to vector<1x16xf32>
      tpu.vector_store %arg7[%swap3A_115, %swap3A_116], %swap3A_119 {strides = array<i32>} : memref<128x128xf32, #tpu.memory_space<vmem>>, vector<1x16xf32>,
      %broadcast_in_dim3A_120 = arith.constant 0.000000e+00 : f32
      %broadcast_in_dim3A_121 = vector.broadcast %broadcast_in_dim3A_120 : f32 to vector<16xf32>
      %swap3A_122 = arith.index_cast %scan3A_72 : i32 to index
      %swap3A_123 = arith.constant 112 : index
      %swap3A_124 = tpu.vector_load %arg7[%swap3A_122, %swap3A_123] {strides = array<i32>} : memref<128x128xf32, #tpu.memory_space<vmem>>, vector<1x16xf32>,
      %swap3A_125 = vector.shape_cast %swap3A_124 : vector<1x16xf32> to vector<16xf32>
      %swap3A_126 = vector.shape_cast %broadcast_in_dim3A_121 : vector<16xf32> to vector<1x16xf32>
      tpu.vector_store %arg7[%swap3A_122, %swap3A_123], %swap3A_126 {strides = array<i32>} : memref<128x128xf32, #tpu.memory_space<vmem>>, vector<1x16xf32>,
    }
    %scan3A_7 = arith.constant 128 : i32
    %mul3A_8 = arith.constant 624 : i32
    %mul3A_9 = arith.muli %arg1, %mul3A_8 : i32
    %add3A_10 = arith.constant 0 : i32
    %add3A_11 = arith.addi %mul3A_9, %add3A_10 : i32
    "tpu.region"() ({
      %run_scoped3A_72 = tpu.sem_alloc : memref<!tpu.dma_semaphore, #tpu.memory_space<semaphore_mem>>
      %dma_start3A_73 = arith.constant 0 : i32
      %dma_start3A_74 = tpu.memref_slice %arg9[%add3A_11, %dma_start3A_73] : memref<10000x128xf32, #tpu.memory_space<vmem_shared>> -> memref<128x128xf32, #tpu.memory_space<vmem_shared>>
      %dma_start3A_75 = arith.constant 0 : i32
      %dma_start3A_76 = tpu.memref_slice %arg9[%add3A_11, %dma_start3A_75] : memref<10000x128xf32, #tpu.memory_space<vmem_shared>> -> memref<128x128xf32, #tpu.memory_space<vmem_shared>>
      tpu.enqueue_dma source(%arg7 : memref<128x128xf32, #tpu.memory_space<vmem>>) target(%dma_start3A_76 : memref<128x128xf32, #tpu.memory_space<vmem_shared>>) target_semaphore(%run_scoped3A_72 : memref<!tpu.dma_semaphore, #tpu.memory_space<semaphore_mem>>)
      %dma_wait3A_77 = arith.constant 0 : i32
      %dma_wait3A_78 = tpu.memref_slice %arg9[%add3A_11, %dma_wait3A_77] : memref<10000x128xf32, #tpu.memory_space<vmem_shared>> -> memref<128x128xf32, #tpu.memory_space<vmem_shared>>
      %dma_wait3A_79 = arith.constant 0 : i32
      %dma_wait3A_80 = tpu.memref_slice %arg9[%add3A_11, %dma_wait3A_79] : memref<10000x128xf32, #tpu.memory_space<vmem_shared>> -> memref<128x128xf32, #tpu.memory_space<vmem_shared>>
      tpu.wait_dma2 semaphore(%run_scoped3A_72 : memref<!tpu.dma_semaphore, #tpu.memory_space<semaphore_mem>>) src(%arg7 : memref<128x128xf32, #tpu.memory_space<vmem>>) dst(%dma_wait3A_80 : memref<128x128xf32, #tpu.memory_space<vmem_shared>>)
      tpu.yield
    }) : () -> ()
    %mul3A_12 = arith.constant 624 : i32
    %mul3A_13 = arith.muli %arg1, %mul3A_12 : i32
    %add3A_14 = arith.constant 128 : i32
    %add3A_15 = arith.addi %mul3A_13, %add3A_14 : i32
    "tpu.region"() ({
      %run_scoped3A_72 = tpu.sem_alloc : memref<!tpu.dma_semaphore, #tpu.memory_space<semaphore_mem>>
      %dma_start3A_73 = arith.constant 0 : i32
      %dma_start3A_74 = tpu.memref_slice %arg9[%add3A_15, %dma_start3A_73] : memref<10000x128xf32, #tpu.memory_space<vmem_shared>> -> memref<128x128xf32, #tpu.memory_space<vmem_shared>>
      %dma_start3A_75 = arith.constant 0 : i32
      %dma_start3A_76 = tpu.memref_slice %arg9[%add3A_15, %dma_start3A_75] : memref<10000x128xf32, #tpu.memory_space<vmem_shared>> -> memref<128x128xf32, #tpu.memory_space<vmem_shared>>
      tpu.enqueue_dma source(%arg7 : memref<128x128xf32, #tpu.memory_space<vmem>>) target(%dma_start3A_76 : memref<128x128xf32, #tpu.memory_space<vmem_shared>>) target_semaphore(%run_scoped3A_72 : memref<!tpu.dma_semaphore, #tpu.memory_space<semaphore_mem>>)
      %dma_wait3A_77 = arith.constant 0 : i32
      %dma_wait3A_78 = tpu.memref_slice %arg9[%add3A_15, %dma_wait3A_77] : memref<10000x128xf32, #tpu.memory_space<vmem_shared>> -> memref<128x128xf32, #tpu.memory_space<vmem_shared>>
      %dma_wait3A_79 = arith.constant 0 : i32
      %dma_wait3A_80 = tpu.memref_slice %arg9[%add3A_15, %dma_wait3A_79] : memref<10000x128xf32, #tpu.memory_space<vmem_shared>> -> memref<128x128xf32, #tpu.memory_space<vmem_shared>>
      tpu.wait_dma2 semaphore(%run_scoped3A_72 : memref<!tpu.dma_semaphore, #tpu.memory_space<semaphore_mem>>) src(%arg7 : memref<128x128xf32, #tpu.memory_space<vmem>>) dst(%dma_wait3A_80 : memref<128x128xf32, #tpu.memory_space<vmem_shared>>)
      tpu.yield
    }) : () -> ()
    %mul3A_16 = arith.constant 624 : i32
    %mul3A_17 = arith.muli %arg1, %mul3A_16 : i32
    %add3A_18 = arith.constant 256 : i32
    %add3A_19 = arith.addi %mul3A_17, %add3A_18 : i32
    "tpu.region"() ({
      %run_scoped3A_72 = tpu.sem_alloc : memref<!tpu.dma_semaphore, #tpu.memory_space<semaphore_mem>>
      %dma_start3A_73 = arith.constant 0 : i32
      %dma_start3A_74 = tpu.memref_slice %arg9[%add3A_19, %dma_start3A_73] : memref<10000x128xf32, #tpu.memory_space<vmem_shared>> -> memref<128x128xf32, #tpu.memory_space<vmem_shared>>
      %dma_start3A_75 = arith.constant 0 : i32
      %dma_start3A_76 = tpu.memref_slice %arg9[%add3A_19, %dma_start3A_75] : memref<10000x128xf32, #tpu.memory_space<vmem_shared>> -> memref<128x128xf32, #tpu.memory_space<vmem_shared>>
      tpu.enqueue_dma source(%arg7 : memref<128x128xf32, #tpu.memory_space<vmem>>) target(%dma_start3A_76 : memref<128x128xf32, #tpu.memory_space<vmem_shared>>) target_semaphore(%run_scoped3A_72 : memref<!tpu.dma_semaphore, #tpu.memory_space<semaphore_mem>>)
      %dma_wait3A_77 = arith.constant 0 : i32
      %dma_wait3A_78 = tpu.memref_slice %arg9[%add3A_19, %dma_wait3A_77] : memref<10000x128xf32, #tpu.memory_space<vmem_shared>> -> memref<128x128xf32, #tpu.memory_space<vmem_shared>>
      %dma_wait3A_79 = arith.constant 0 : i32
      %dma_wait3A_80 = tpu.memref_slice %arg9[%add3A_19, %dma_wait3A_79] : memref<10000x128xf32, #tpu.memory_space<vmem_shared>> -> memref<128x128xf32, #tpu.memory_space<vmem_shared>>
      tpu.wait_dma2 semaphore(%run_scoped3A_72 : memref<!tpu.dma_semaphore, #tpu.memory_space<semaphore_mem>>) src(%arg7 : memref<128x128xf32, #tpu.memory_space<vmem>>) dst(%dma_wait3A_80 : memref<128x128xf32, #tpu.memory_space<vmem_shared>>)
      tpu.yield
    }) : () -> ()
    %mul3A_20 = arith.constant 624 : i32
    %mul3A_21 = arith.muli %arg1, %mul3A_20 : i32
    %add3A_22 = arith.constant 384 : i32
    %add3A_23 = arith.addi %mul3A_21, %add3A_22 : i32
    "tpu.region"() ({
      %run_scoped3A_72 = tpu.sem_alloc : memref<!tpu.dma_semaphore, #tpu.memory_space<semaphore_mem>>
      %dma_start3A_73 = arith.constant 0 : i32
      %dma_start3A_74 = tpu.memref_slice %arg9[%add3A_23, %dma_start3A_73] : memref<10000x128xf32, #tpu.memory_space<vmem_shared>> -> memref<128x128xf32, #tpu.memory_space<vmem_shared>>
      %dma_start3A_75 = arith.constant 0 : i32
      %dma_start3A_76 = tpu.memref_slice %arg9[%add3A_23, %dma_start3A_75] : memref<10000x128xf32, #tpu.memory_space<vmem_shared>> -> memref<128x128xf32, #tpu.memory_space<vmem_shared>>
      tpu.enqueue_dma source(%arg7 : memref<128x128xf32, #tpu.memory_space<vmem>>) target(%dma_start3A_76 : memref<128x128xf32, #tpu.memory_space<vmem_shared>>) target_semaphore(%run_scoped3A_72 : memref<!tpu.dma_semaphore, #tpu.memory_space<semaphore_mem>>)
      %dma_wait3A_77 = arith.constant 0 : i32
      %dma_wait3A_78 = tpu.memref_slice %arg9[%add3A_23, %dma_wait3A_77] : memref<10000x128xf32, #tpu.memory_space<vmem_shared>> -> memref<128x128xf32, #tpu.memory_space<vmem_shared>>
      %dma_wait3A_79 = arith.constant 0 : i32
      %dma_wait3A_80 = tpu.memref_slice %arg9[%add3A_23, %dma_wait3A_79] : memref<10000x128xf32, #tpu.memory_space<vmem_shared>> -> memref<128x128xf32, #tpu.memory_space<vmem_shared>>
      tpu.wait_dma2 semaphore(%run_scoped3A_72 : memref<!tpu.dma_semaphore, #tpu.memory_space<semaphore_mem>>) src(%arg7 : memref<128x128xf32, #tpu.memory_space<vmem>>) dst(%dma_wait3A_80 : memref<128x128xf32, #tpu.memory_space<vmem_shared>>)
      tpu.yield
    }) : () -> ()
    %mul3A_24 = arith.constant 624 : i32
    %mul3A_25 = arith.muli %arg1, %mul3A_24 : i32
    %add3A_26 = arith.constant 512 : i32
    %add3A_27 = arith.addi %mul3A_25, %add3A_26 : i32
    "tpu.region"() ({
      %run_scoped3A_72 = tpu.sem_alloc : memref<!tpu.dma_semaphore, #tpu.memory_space<semaphore_mem>>
      %dma_start3A_73 = arith.constant 0 : i32
      %dma_start3A_74 = tpu.memref_slice %arg9[%add3A_27, %dma_start3A_73] : memref<10000x128xf32, #tpu.memory_space<vmem_shared>> -> memref<128x128xf32, #tpu.memory_space<vmem_shared>>
      %dma_start3A_75 = arith.constant 0 : i32
      %dma_start3A_76 = tpu.memref_slice %arg9[%add3A_27, %dma_start3A_75] : memref<10000x128xf32, #tpu.memory_space<vmem_shared>> -> memref<128x128xf32, #tpu.memory_space<vmem_shared>>
      tpu.enqueue_dma source(%arg7 : memref<128x128xf32, #tpu.memory_space<vmem>>) target(%dma_start3A_76 : memref<128x128xf32, #tpu.memory_space<vmem_shared>>) target_semaphore(%run_scoped3A_72 : memref<!tpu.dma_semaphore, #tpu.memory_space<semaphore_mem>>)
      %dma_wait3A_77 = arith.constant 0 : i32
      %dma_wait3A_78 = tpu.memref_slice %arg9[%add3A_27, %dma_wait3A_77] : memref<10000x128xf32, #tpu.memory_space<vmem_shared>> -> memref<128x128xf32, #tpu.memory_space<vmem_shared>>
      %dma_wait3A_79 = arith.constant 0 : i32
      %dma_wait3A_80 = tpu.memref_slice %arg9[%add3A_27, %dma_wait3A_79] : memref<10000x128xf32, #tpu.memory_space<vmem_shared>> -> memref<128x128xf32, #tpu.memory_space<vmem_shared>>
      tpu.wait_dma2 semaphore(%run_scoped3A_72 : memref<!tpu.dma_semaphore, #tpu.memory_space<semaphore_mem>>) src(%arg7 : memref<128x128xf32, #tpu.memory_space<vmem>>) dst(%dma_wait3A_80 : memref<128x128xf32, #tpu.memory_space<vmem_shared>>)
      tpu.yield
    }) : () -> ()
    %barrier3A = arith.constant 0 : index
    tpu.barrier barrier_id(%barrier3A)
    %add3A_28 = arith.constant 0 : i32
    %add3A_29 = arith.addi %mul3A_2, %add3A_28 : i32
    "tpu.region"() ({
      %run_scoped3A_72 = tpu.sem_alloc : memref<!tpu.dma_semaphore, #tpu.memory_space<semaphore_mem>>
      %dma_start3A_73 = arith.constant 0 : i32
      %dma_start3A_74 = tpu.memref_slice %arg3[%dma_start3A_73, %add3A_29] : memref<2x320000xi32, #tpu.memory_space<hbm>> -> memref<2x128xi32, #tpu.memory_space<hbm>>
      %dma_start3A_75 = arith.constant 0 : i32
      %dma_start3A_76 = tpu.memref_slice %arg3[%dma_start3A_75, %add3A_29] : memref<2x320000xi32, #tpu.memory_space<hbm>> -> memref<2x128xi32, #tpu.memory_space<hbm>>
      tpu.enqueue_dma source(%dma_start3A_76 : memref<2x128xi32, #tpu.memory_space<hbm>>) target(%arg5 : memref<2x128xi32, #tpu.memory_space<vmem>>) target_semaphore(%run_scoped3A_72 : memref<!tpu.dma_semaphore, #tpu.memory_space<semaphore_mem>>)
      %dma_wait3A_77 = arith.constant 0 : i32
      %dma_wait3A_78 = tpu.memref_slice %arg3[%dma_wait3A_77, %add3A_29] : memref<2x320000xi32, #tpu.memory_space<hbm>> -> memref<2x128xi32, #tpu.memory_space<hbm>>
      %dma_wait3A_79 = arith.constant 0 : i32
      %dma_wait3A_80 = tpu.memref_slice %arg3[%dma_wait3A_79, %add3A_29] : memref<2x320000xi32, #tpu.memory_space<hbm>> -> memref<2x128xi32, #tpu.memory_space<hbm>>
      tpu.wait_dma2 semaphore(%run_scoped3A_72 : memref<!tpu.dma_semaphore, #tpu.memory_space<semaphore_mem>>) src(%dma_wait3A_80 : memref<2x128xi32, #tpu.memory_space<hbm>>) dst(%arg5 : memref<2x128xi32, #tpu.memory_space<vmem>>)
      tpu.yield
    }) : () -> ()
    %dma_start3A = arith.constant 0 : i32
    %dma_start3A_30 = arith.constant 0 : i32
    %dma_start3A_31 = tpu.memref_slice %arg5[%dma_start3A, %dma_start3A_30] : memref<2x128xi32, #tpu.memory_space<vmem>> -> memref<1x128xi32, #tpu.memory_space<vmem>>
    %dma_start3A_32 = tpu.memref_squeeze %dma_start3A_31 : memref<1x128xi32, #tpu.memory_space<vmem>> -> memref<128xi32, #tpu.memory_space<vmem>>
    %dma_start3A_33 = arith.constant 0 : i32
    %dma_start3A_34 = arith.constant 0 : i32
    %dma_start3A_35 = tpu.memref_slice %arg2[%dma_start3A_33, %dma_start3A_34] : memref<10000x128xf32, #tpu.memory_space<hbm>> -> memref<10000x128xf32, #tpu.memory_space<hbm>>
    tpu.enqueue_indirect_dma source(%dma_start3A_35 : memref<10000x128xf32, #tpu.memory_space<hbm>>) target(%arg7 : memref<128x128xf32, #tpu.memory_space<vmem>>) offsets(%dma_start3A_32 : memref<128xi32, #tpu.memory_space<vmem>>) semaphore(%arg10 : memref<!tpu.dma_semaphore, #tpu.memory_space<semaphore_mem>>)
    %add3A_36 = arith.constant 128 : i32
    %add3A_37 = arith.addi %mul3A_2, %add3A_36 : i32
    "tpu.region"() ({
      %run_scoped3A_72 = tpu.sem_alloc : memref<!tpu.dma_semaphore, #tpu.memory_space<semaphore_mem>>
      %dma_start3A_73 = arith.constant 0 : i32
      %dma_start3A_74 = tpu.memref_slice %arg3[%dma_start3A_73, %add3A_37] : memref<2x320000xi32, #tpu.memory_space<hbm>> -> memref<2x128xi32, #tpu.memory_space<hbm>>
      %dma_start3A_75 = arith.constant 0 : i32
      %dma_start3A_76 = tpu.memref_slice %arg3[%dma_start3A_75, %add3A_37] : memref<2x320000xi32, #tpu.memory_space<hbm>> -> memref<2x128xi32, #tpu.memory_space<hbm>>
      tpu.enqueue_dma source(%dma_start3A_76 : memref<2x128xi32, #tpu.memory_space<hbm>>) target(%arg6 : memref<2x128xi32, #tpu.memory_space<vmem>>) target_semaphore(%run_scoped3A_72 : memref<!tpu.dma_semaphore, #tpu.memory_space<semaphore_mem>>)
      %dma_wait3A_77 = arith.constant 0 : i32
      %dma_wait3A_78 = tpu.memref_slice %arg3[%dma_wait3A_77, %add3A_37] : memref<2x320000xi32, #tpu.memory_space<hbm>> -> memref<2x128xi32, #tpu.memory_space<hbm>>
      %dma_wait3A_79 = arith.constant 0 : i32
      %dma_wait3A_80 = tpu.memref_slice %arg3[%dma_wait3A_79, %add3A_37] : memref<2x320000xi32, #tpu.memory_space<hbm>> -> memref<2x128xi32, #tpu.memory_space<hbm>>
      tpu.wait_dma2 semaphore(%run_scoped3A_72 : memref<!tpu.dma_semaphore, #tpu.memory_space<semaphore_mem>>) src(%dma_wait3A_80 : memref<2x128xi32, #tpu.memory_space<hbm>>) dst(%arg6 : memref<2x128xi32, #tpu.memory_space<vmem>>)
      tpu.yield
    }) : () -> ()
    %dma_start3A_38 = arith.constant 0 : i32
    %dma_start3A_39 = arith.constant 0 : i32
    %dma_start3A_40 = tpu.memref_slice %arg6[%dma_start3A_38, %dma_start3A_39] : memref<2x128xi32, #tpu.memory_space<vmem>> -> memref<1x128xi32, #tpu.memory_space<vmem>>
    %dma_start3A_41 = tpu.memref_squeeze %dma_start3A_40 : memref<1x128xi32, #tpu.memory_space<vmem>> -> memref<128xi32, #tpu.memory_space<vmem>>
    %dma_start3A_42 = arith.constant 0 : i32
    %dma_start3A_43 = arith.constant 0 : i32
    %dma_start3A_44 = tpu.memref_slice %arg2[%dma_start3A_42, %dma_start3A_43] : memref<10000x128xf32, #tpu.memory_space<hbm>> -> memref<10000x128xf32, #tpu.memory_space<hbm>>
    tpu.enqueue_indirect_dma source(%dma_start3A_44 : memref<10000x128xf32, #tpu.memory_space<hbm>>) target(%arg8 : memref<128x128xf32, #tpu.memory_space<vmem>>) offsets(%dma_start3A_41 : memref<128xi32, #tpu.memory_space<vmem>>) semaphore(%arg11 : memref<!tpu.dma_semaphore, #tpu.memory_space<semaphore_mem>>)
    %scan3A_45 = arith.constant 0 : i32
    %scan3A_46 = arith.constant 0 : i32
    %scan3A_47 = arith.constant 38 : i32
    %scan3A_48 = arith.addi %scan3A_46, %scan3A_47 : i32
    %scan3A_49 = arith.constant 1 : i32
    scf.for %scan3A_72 = %scan3A_46 to %scan3A_48 step %scan3A_49  : i32 {
      %dma_wait3A_73 = arith.constant 0 : i32
      %dma_wait3A_74 = arith.constant 0 : i32
      %dma_wait3A_75 = tpu.memref_slice %arg5[%dma_wait3A_73, %dma_wait3A_74] : memref<2x128xi32, #tpu.memory_space<vmem>> -> memref<1x128xi32, #tpu.memory_space<vmem>>
      %dma_wait3A_76 = tpu.memref_squeeze %dma_wait3A_75 : memref<1x128xi32, #tpu.memory_space<vmem>> -> memref<128xi32, #tpu.memory_space<vmem>>
      %dma_wait3A_77 = arith.constant 0 : i32
      %dma_wait3A_78 = arith.constant 0 : i32
      %dma_wait3A_79 = tpu.memref_slice %arg2[%dma_wait3A_77, %dma_wait3A_78] : memref<10000x128xf32, #tpu.memory_space<hbm>> -> memref<10000x128xf32, #tpu.memory_space<hbm>>
      tpu.wait_indirect_dma semaphore(%arg10 : memref<!tpu.dma_semaphore, #tpu.memory_space<semaphore_mem>>) src(%dma_wait3A_79 : memref<10000x128xf32, #tpu.memory_space<hbm>>) dst(%arg7 : memref<128x128xf32, #tpu.memory_space<vmem>>)
      %run_scoped3A_80 = arith.constant 1 : i32
      "tpu.region"() ({
        %run_scoped3A_121 = tpu.sem_alloc : memref<!tpu.dma_semaphore, #tpu.memory_space<semaphore_mem>>
        %dma_start3A_122 = arith.constant 0 : i32
        %dma_start3A_123 = tpu.memref_slice %arg5[%run_scoped3A_80, %dma_start3A_122] : memref<2x128xi32, #tpu.memory_space<vmem>> -> memref<1x128xi32, #tpu.memory_space<vmem>>
        %dma_start3A_124 = tpu.memref_squeeze %dma_start3A_123 : memref<1x128xi32, #tpu.memory_space<vmem>> -> memref<128xi32, #tpu.memory_space<vmem>>
        %dma_start3A_125 = arith.constant 0 : i32
        %dma_start3A_126 = arith.constant 0 : i32
        %dma_start3A_127 = tpu.memref_slice %arg9[%dma_start3A_125, %dma_start3A_126] : memref<10000x128xf32, #tpu.memory_space<vmem_shared>> -> memref<10000x128xf32, #tpu.memory_space<vmem_shared>>
        tpu.enqueue_indirect_dma source(%arg7 : memref<128x128xf32, #tpu.memory_space<vmem>>) target(%dma_start3A_127 : memref<10000x128xf32, #tpu.memory_space<vmem_shared>>) offsets(%dma_start3A_124 : memref<128xi32, #tpu.memory_space<vmem>>) semaphore(%run_scoped3A_121 : memref<!tpu.dma_semaphore, #tpu.memory_space<semaphore_mem>>) {add = true}
        %dma_wait3A_128 = arith.constant 0 : i32
        %dma_wait3A_129 = tpu.memref_slice %arg5[%run_scoped3A_80, %dma_wait3A_128] : memref<2x128xi32, #tpu.memory_space<vmem>> -> memref<1x128xi32, #tpu.memory_space<vmem>>
        %dma_wait3A_130 = tpu.memref_squeeze %dma_wait3A_129 : memref<1x128xi32, #tpu.memory_space<vmem>> -> memref<128xi32, #tpu.memory_space<vmem>>
        %dma_wait3A_131 = arith.constant 0 : i32
        %dma_wait3A_132 = arith.constant 0 : i32
        %dma_wait3A_133 = tpu.memref_slice %arg9[%dma_wait3A_131, %dma_wait3A_132] : memref<10000x128xf32, #tpu.memory_space<vmem_shared>> -> memref<10000x128xf32, #tpu.memory_space<vmem_shared>>
        tpu.wait_indirect_dma semaphore(%run_scoped3A_121 : memref<!tpu.dma_semaphore, #tpu.memory_space<semaphore_mem>>) src(%arg7 : memref<128x128xf32, #tpu.memory_space<vmem>>) dst(%dma_wait3A_133 : memref<10000x128xf32, #tpu.memory_space<vmem_shared>>)
        tpu.yield
      }) : () -> ()
      %mul3A_81 = arith.constant 2 : i32
      %mul3A_82 = arith.muli %mul3A_81, %scan3A_72 : i32
      %add3A_83 = arith.constant 2 : i32
      %add3A_84 = arith.addi %mul3A_82, %add3A_83 : i32
      %add3A_85 = arith.constant 0 : i32
      %add3A_86 = arith.addi %add3A_84, %add3A_85 : i32
      %mul3A_87 = arith.constant 128 : i32
      %mul3A_88 = arith.muli %add3A_86, %mul3A_87 : i32
      %add3A_89 = arith.addi %mul3A_2, %mul3A_88 : i32
      "tpu.region"() ({
        %run_scoped3A_121 = tpu.sem_alloc : memref<!tpu.dma_semaphore, #tpu.memory_space<semaphore_mem>>
        %dma_start3A_122 = arith.constant 0 : i32
        %dma_start3A_123 = tpu.memref_slice %arg3[%dma_start3A_122, %add3A_89] : memref<2x320000xi32, #tpu.memory_space<hbm>> -> memref<2x128xi32, #tpu.memory_space<hbm>>
        %dma_start3A_124 = arith.constant 0 : i32
        %dma_start3A_125 = tpu.memref_slice %arg3[%dma_start3A_124, %add3A_89] : memref<2x320000xi32, #tpu.memory_space<hbm>> -> memref<2x128xi32, #tpu.memory_space<hbm>>
        tpu.enqueue_dma source(%dma_start3A_125 : memref<2x128xi32, #tpu.memory_space<hbm>>) target(%arg5 : memref<2x128xi32, #tpu.memory_space<vmem>>) target_semaphore(%run_scoped3A_121 : memref<!tpu.dma_semaphore, #tpu.memory_space<semaphore_mem>>)
        %dma_wait3A_126 = arith.constant 0 : i32
        %dma_wait3A_127 = tpu.memref_slice %arg3[%dma_wait3A_126, %add3A_89] : memref<2x320000xi32, #tpu.memory_space<hbm>> -> memref<2x128xi32, #tpu.memory_space<hbm>>
        %dma_wait3A_128 = arith.constant 0 : i32
        %dma_wait3A_129 = tpu.memref_slice %arg3[%dma_wait3A_128, %add3A_89] : memref<2x320000xi32, #tpu.memory_space<hbm>> -> memref<2x128xi32, #tpu.memory_space<hbm>>
        tpu.wait_dma2 semaphore(%run_scoped3A_121 : memref<!tpu.dma_semaphore, #tpu.memory_space<semaphore_mem>>) src(%dma_wait3A_129 : memref<2x128xi32, #tpu.memory_space<hbm>>) dst(%arg5 : memref<2x128xi32, #tpu.memory_space<vmem>>)
        tpu.yield
      }) : () -> ()
      %dma_start3A_90 = arith.constant 0 : i32
      %dma_start3A_91 = arith.constant 0 : i32
      %dma_start3A_92 = tpu.memref_slice %arg5[%dma_start3A_90, %dma_start3A_91] : memref<2x128xi32, #tpu.memory_space<vmem>> -> memref<1x128xi32, #tpu.memory_space<vmem>>
      %dma_start3A_93 = tpu.memref_squeeze %dma_start3A_92 : memref<1x128xi32, #tpu.memory_space<vmem>> -> memref<128xi32, #tpu.memory_space<vmem>>
      %dma_start3A_94 = arith.constant 0 : i32
      %dma_start3A_95 = arith.constant 0 : i32
      %dma_start3A_96 = tpu.memref_slice %arg2[%dma_start3A_94, %dma_start3A_95] : memref<10000x128xf32, #tpu.memory_space<hbm>> -> memref<10000x128xf32, #tpu.memory_space<hbm>>
      tpu.enqueue_indirect_dma source(%dma_start3A_96 : memref<10000x128xf32, #tpu.memory_space<hbm>>) target(%arg7 : memref<128x128xf32, #tpu.memory_space<vmem>>) offsets(%dma_start3A_93 : memref<128xi32, #tpu.memory_space<vmem>>) semaphore(%arg10 : memref<!tpu.dma_semaphore, #tpu.memory_space<semaphore_mem>>)
      %dma_wait3A_97 = arith.constant 0 : i32
      %dma_wait3A_98 = arith.constant 0 : i32
      %dma_wait3A_99 = tpu.memref_slice %arg6[%dma_wait3A_97, %dma_wait3A_98] : memref<2x128xi32, #tpu.memory_space<vmem>> -> memref<1x128xi32, #tpu.memory_space<vmem>>
      %dma_wait3A_100 = tpu.memref_squeeze %dma_wait3A_99 : memref<1x128xi32, #tpu.memory_space<vmem>> -> memref<128xi32, #tpu.memory_space<vmem>>
      %dma_wait3A_101 = arith.constant 0 : i32
      %dma_wait3A_102 = arith.constant 0 : i32
      %dma_wait3A_103 = tpu.memref_slice %arg2[%dma_wait3A_101, %dma_wait3A_102] : memref<10000x128xf32, #tpu.memory_space<hbm>> -> memref<10000x128xf32, #tpu.memory_space<hbm>>
      tpu.wait_indirect_dma semaphore(%arg11 : memref<!tpu.dma_semaphore, #tpu.memory_space<semaphore_mem>>) src(%dma_wait3A_103 : memref<10000x128xf32, #tpu.memory_space<hbm>>) dst(%arg8 : memref<128x128xf32, #tpu.memory_space<vmem>>)
      %run_scoped3A_104 = arith.constant 1 : i32
      "tpu.region"() ({
        %run_scoped3A_121 = tpu.sem_alloc : memref<!tpu.dma_semaphore, #tpu.memory_space<semaphore_mem>>
        %dma_start3A_122 = arith.constant 0 : i32
        %dma_start3A_123 = tpu.memref_slice %arg6[%run_scoped3A_104, %dma_start3A_122] : memref<2x128xi32, #tpu.memory_space<vmem>> -> memref<1x128xi32, #tpu.memory_space<vmem>>
        %dma_start3A_124 = tpu.memref_squeeze %dma_start3A_123 : memref<1x128xi32, #tpu.memory_space<vmem>> -> memref<128xi32, #tpu.memory_space<vmem>>
        %dma_start3A_125 = arith.constant 0 : i32
        %dma_start3A_126 = arith.constant 0 : i32
        %dma_start3A_127 = tpu.memref_slice %arg9[%dma_start3A_125, %dma_start3A_126] : memref<10000x128xf32, #tpu.memory_space<vmem_shared>> -> memref<10000x128xf32, #tpu.memory_space<vmem_shared>>
        tpu.enqueue_indirect_dma source(%arg8 : memref<128x128xf32, #tpu.memory_space<vmem>>) target(%dma_start3A_127 : memref<10000x128xf32, #tpu.memory_space<vmem_shared>>) offsets(%dma_start3A_124 : memref<128xi32, #tpu.memory_space<vmem>>) semaphore(%run_scoped3A_121 : memref<!tpu.dma_semaphore, #tpu.memory_space<semaphore_mem>>) {add = true}
        %dma_wait3A_128 = arith.constant 0 : i32
        %dma_wait3A_129 = tpu.memref_slice %arg6[%run_scoped3A_104, %dma_wait3A_128] : memref<2x128xi32, #tpu.memory_space<vmem>> -> memref<1x128xi32, #tpu.memory_space<vmem>>
        %dma_wait3A_130 = tpu.memref_squeeze %dma_wait3A_129 : memref<1x128xi32, #tpu.memory_space<vmem>> -> memref<128xi32, #tpu.memory_space<vmem>>
        %dma_wait3A_131 = arith.constant 0 : i32
        %dma_wait3A_132 = arith.constant 0 : i32
        %dma_wait3A_133 = tpu.memref_slice %arg9[%dma_wait3A_131, %dma_wait3A_132] : memref<10000x128xf32, #tpu.memory_space<vmem_shared>> -> memref<10000x128xf32, #tpu.memory_space<vmem_shared>>
        tpu.wait_indirect_dma semaphore(%run_scoped3A_121 : memref<!tpu.dma_semaphore, #tpu.memory_space<semaphore_mem>>) src(%arg8 : memref<128x128xf32, #tpu.memory_space<vmem>>) dst(%dma_wait3A_133 : memref<10000x128xf32, #tpu.memory_space<vmem_shared>>)
        tpu.yield
      }) : () -> ()
      %mul3A_105 = arith.constant 2 : i32
      %mul3A_106 = arith.muli %mul3A_105, %scan3A_72 : i32
      %add3A_107 = arith.constant 2 : i32
      %add3A_108 = arith.addi %mul3A_106, %add3A_107 : i32
      %add3A_109 = arith.constant 1 : i32
      %add3A_110 = arith.addi %add3A_108, %add3A_109 : i32
      %mul3A_111 = arith.constant 128 : i32
      %mul3A_112 = arith.muli %add3A_110, %mul3A_111 : i32
      %add3A_113 = arith.addi %mul3A_2, %mul3A_112 : i32
      "tpu.region"() ({
        %run_scoped3A_121 = tpu.sem_alloc : memref<!tpu.dma_semaphore, #tpu.memory_space<semaphore_mem>>
        %dma_start3A_122 = arith.constant 0 : i32
        %dma_start3A_123 = tpu.memref_slice %arg3[%dma_start3A_122, %add3A_113] : memref<2x320000xi32, #tpu.memory_space<hbm>> -> memref<2x128xi32, #tpu.memory_space<hbm>>
        %dma_start3A_124 = arith.constant 0 : i32
        %dma_start3A_125 = tpu.memref_slice %arg3[%dma_start3A_124, %add3A_113] : memref<2x320000xi32, #tpu.memory_space<hbm>> -> memref<2x128xi32, #tpu.memory_space<hbm>>
        tpu.enqueue_dma source(%dma_start3A_125 : memref<2x128xi32, #tpu.memory_space<hbm>>) target(%arg6 : memref<2x128xi32, #tpu.memory_space<vmem>>) target_semaphore(%run_scoped3A_121 : memref<!tpu.dma_semaphore, #tpu.memory_space<semaphore_mem>>)
        %dma_wait3A_126 = arith.constant 0 : i32
        %dma_wait3A_127 = tpu.memref_slice %arg3[%dma_wait3A_126, %add3A_113] : memref<2x320000xi32, #tpu.memory_space<hbm>> -> memref<2x128xi32, #tpu.memory_space<hbm>>
        %dma_wait3A_128 = arith.constant 0 : i32
        %dma_wait3A_129 = tpu.memref_slice %arg3[%dma_wait3A_128, %add3A_113] : memref<2x320000xi32, #tpu.memory_space<hbm>> -> memref<2x128xi32, #tpu.memory_space<hbm>>
        tpu.wait_dma2 semaphore(%run_scoped3A_121 : memref<!tpu.dma_semaphore, #tpu.memory_space<semaphore_mem>>) src(%dma_wait3A_129 : memref<2x128xi32, #tpu.memory_space<hbm>>) dst(%arg6 : memref<2x128xi32, #tpu.memory_space<vmem>>)
        tpu.yield
      }) : () -> ()
      %dma_start3A_114 = arith.constant 0 : i32
      %dma_start3A_115 = arith.constant 0 : i32
      %dma_start3A_116 = tpu.memref_slice %arg6[%dma_start3A_114, %dma_start3A_115] : memref<2x128xi32, #tpu.memory_space<vmem>> -> memref<1x128xi32, #tpu.memory_space<vmem>>
      %dma_start3A_117 = tpu.memref_squeeze %dma_start3A_116 : memref<1x128xi32, #tpu.memory_space<vmem>> -> memref<128xi32, #tpu.memory_space<vmem>>
      %dma_start3A_118 = arith.constant 0 : i32
      %dma_start3A_119 = arith.constant 0 : i32
      %dma_start3A_120 = tpu.memref_slice %arg2[%dma_start3A_118, %dma_start3A_119] : memref<10000x128xf32, #tpu.memory_space<hbm>> -> memref<10000x128xf32, #tpu.memory_space<hbm>>
      tpu.enqueue_indirect_dma source(%dma_start3A_120 : memref<10000x128xf32, #tpu.memory_space<hbm>>) target(%arg8 : memref<128x128xf32, #tpu.memory_space<vmem>>) offsets(%dma_start3A_117 : memref<128xi32, #tpu.memory_space<vmem>>) semaphore(%arg11 : memref<!tpu.dma_semaphore, #tpu.memory_space<semaphore_mem>>)
    }
    %scan3A_50 = arith.constant 38 : i32
    %dma_wait3A = arith.constant 0 : i32
    %dma_wait3A_51 = arith.constant 0 : i32
    %dma_wait3A_52 = tpu.memref_slice %arg5[%dma_wait3A, %dma_wait3A_51] : memref<2x128xi32, #tpu.memory_space<vmem>> -> memref<1x128xi32, #tpu.memory_space<vmem>>
    %dma_wait3A_53 = tpu.memref_squeeze %dma_wait3A_52 : memref<1x128xi32, #tpu.memory_space<vmem>> -> memref<128xi32, #tpu.memory_space<vmem>>
    %dma_wait3A_54 = arith.constant 0 : i32
    %dma_wait3A_55 = arith.constant 0 : i32
    %dma_wait3A_56 = tpu.memref_slice %arg2[%dma_wait3A_54, %dma_wait3A_55] : memref<10000x128xf32, #tpu.memory_space<hbm>> -> memref<10000x128xf32, #tpu.memory_space<hbm>>
    tpu.wait_indirect_dma semaphore(%arg10 : memref<!tpu.dma_semaphore, #tpu.memory_space<semaphore_mem>>) src(%dma_wait3A_56 : memref<10000x128xf32, #tpu.memory_space<hbm>>) dst(%arg7 : memref<128x128xf32, #tpu.memory_space<vmem>>)
    %run_scoped3A = arith.constant 1 : i32
    "tpu.region"() ({
      %run_scoped3A_72 = tpu.sem_alloc : memref<!tpu.dma_semaphore, #tpu.memory_space<semaphore_mem>>
      %dma_start3A_73 = arith.constant 0 : i32
      %dma_start3A_74 = tpu.memref_slice %arg5[%run_scoped3A, %dma_start3A_73] : memref<2x128xi32, #tpu.memory_space<vmem>> -> memref<1x128xi32, #tpu.memory_space<vmem>>
      %dma_start3A_75 = tpu.memref_squeeze %dma_start3A_74 : memref<1x128xi32, #tpu.memory_space<vmem>> -> memref<128xi32, #tpu.memory_space<vmem>>
      %dma_start3A_76 = arith.constant 0 : i32
      %dma_start3A_77 = arith.constant 0 : i32
      %dma_start3A_78 = tpu.memref_slice %arg9[%dma_start3A_76, %dma_start3A_77] : memref<10000x128xf32, #tpu.memory_space<vmem_shared>> -> memref<10000x128xf32, #tpu.memory_space<vmem_shared>>
      tpu.enqueue_indirect_dma source(%arg7 : memref<128x128xf32, #tpu.memory_space<vmem>>) target(%dma_start3A_78 : memref<10000x128xf32, #tpu.memory_space<vmem_shared>>) offsets(%dma_start3A_75 : memref<128xi32, #tpu.memory_space<vmem>>) semaphore(%run_scoped3A_72 : memref<!tpu.dma_semaphore, #tpu.memory_space<semaphore_mem>>) {add = true}
      %dma_wait3A_79 = arith.constant 0 : i32
      %dma_wait3A_80 = tpu.memref_slice %arg5[%run_scoped3A, %dma_wait3A_79] : memref<2x128xi32, #tpu.memory_space<vmem>> -> memref<1x128xi32, #tpu.memory_space<vmem>>
      %dma_wait3A_81 = tpu.memref_squeeze %dma_wait3A_80 : memref<1x128xi32, #tpu.memory_space<vmem>> -> memref<128xi32, #tpu.memory_space<vmem>>
      %dma_wait3A_82 = arith.constant 0 : i32
      %dma_wait3A_83 = arith.constant 0 : i32
      %dma_wait3A_84 = tpu.memref_slice %arg9[%dma_wait3A_82, %dma_wait3A_83] : memref<10000x128xf32, #tpu.memory_space<vmem_shared>> -> memref<10000x128xf32, #tpu.memory_space<vmem_shared>>
      tpu.wait_indirect_dma semaphore(%run_scoped3A_72 : memref<!tpu.dma_semaphore, #tpu.memory_space<semaphore_mem>>) src(%arg7 : memref<128x128xf32, #tpu.memory_space<vmem>>) dst(%dma_wait3A_84 : memref<10000x128xf32, #tpu.memory_space<vmem_shared>>)
      tpu.yield
    }) : () -> ()
    %dma_wait3A_57 = arith.constant 0 : i32
    %dma_wait3A_58 = arith.constant 0 : i32
    %dma_wait3A_59 = tpu.memref_slice %arg6[%dma_wait3A_57, %dma_wait3A_58] : memref<2x128xi32, #tpu.memory_space<vmem>> -> memref<1x128xi32, #tpu.memory_space<vmem>>
    %dma_wait3A_60 = tpu.memref_squeeze %dma_wait3A_59 : memref<1x128xi32, #tpu.memory_space<vmem>> -> memref<128xi32, #tpu.memory_space<vmem>>
    %dma_wait3A_61 = arith.constant 0 : i32
    %dma_wait3A_62 = arith.constant 0 : i32
    %dma_wait3A_63 = tpu.memref_slice %arg2[%dma_wait3A_61, %dma_wait3A_62] : memref<10000x128xf32, #tpu.memory_space<hbm>> -> memref<10000x128xf32, #tpu.memory_space<hbm>>
    tpu.wait_indirect_dma semaphore(%arg11 : memref<!tpu.dma_semaphore, #tpu.memory_space<semaphore_mem>>) src(%dma_wait3A_63 : memref<10000x128xf32, #tpu.memory_space<hbm>>) dst(%arg8 : memref<128x128xf32, #tpu.memory_space<vmem>>)
    %run_scoped3A_64 = arith.constant 1 : i32
    "tpu.region"() ({
      %run_scoped3A_72 = tpu.sem_alloc : memref<!tpu.dma_semaphore, #tpu.memory_space<semaphore_mem>>
      %dma_start3A_73 = arith.constant 0 : i32
      %dma_start3A_74 = tpu.memref_slice %arg6[%run_scoped3A_64, %dma_start3A_73] : memref<2x128xi32, #tpu.memory_space<vmem>> -> memref<1x128xi32, #tpu.memory_space<vmem>>
      %dma_start3A_75 = tpu.memref_squeeze %dma_start3A_74 : memref<1x128xi32, #tpu.memory_space<vmem>> -> memref<128xi32, #tpu.memory_space<vmem>>
      %dma_start3A_76 = arith.constant 0 : i32
      %dma_start3A_77 = arith.constant 0 : i32
      %dma_start3A_78 = tpu.memref_slice %arg9[%dma_start3A_76, %dma_start3A_77] : memref<10000x128xf32, #tpu.memory_space<vmem_shared>> -> memref<10000x128xf32, #tpu.memory_space<vmem_shared>>
      tpu.enqueue_indirect_dma source(%arg8 : memref<128x128xf32, #tpu.memory_space<vmem>>) target(%dma_start3A_78 : memref<10000x128xf32, #tpu.memory_space<vmem_shared>>) offsets(%dma_start3A_75 : memref<128xi32, #tpu.memory_space<vmem>>) semaphore(%run_scoped3A_72 : memref<!tpu.dma_semaphore, #tpu.memory_space<semaphore_mem>>) {add = true}
      %dma_wait3A_79 = arith.constant 0 : i32
      %dma_wait3A_80 = tpu.memref_slice %arg6[%run_scoped3A_64, %dma_wait3A_79] : memref<2x128xi32, #tpu.memory_space<vmem>> -> memref<1x128xi32, #tpu.memory_space<vmem>>
      %dma_wait3A_81 = tpu.memref_squeeze %dma_wait3A_80 : memref<1x128xi32, #tpu.memory_space<vmem>> -> memref<128xi32, #tpu.memory_space<vmem>>
      %dma_wait3A_82 = arith.constant 0 : i32
      %dma_wait3A_83 = arith.constant 0 : i32
      %dma_wait3A_84 = tpu.memref_slice %arg9[%dma_wait3A_82, %dma_wait3A_83] : memref<10000x128xf32, #tpu.memory_space<vmem_shared>> -> memref<10000x128xf32, #tpu.memory_space<vmem_shared>>
      tpu.wait_indirect_dma semaphore(%run_scoped3A_72 : memref<!tpu.dma_semaphore, #tpu.memory_space<semaphore_mem>>) src(%arg8 : memref<128x128xf32, #tpu.memory_space<vmem>>) dst(%dma_wait3A_84 : memref<10000x128xf32, #tpu.memory_space<vmem_shared>>)
      tpu.yield
    }) : () -> ()
    %lt3A = arith.constant 4 : i32
    %lt3A_65 = arith.cmpi slt, %add3A, %lt3A : i32
    %convert_element_type3A = arith.extui %lt3A_65 : i1 to i32
    %cond3A = arith.constant 0 : i32
    %cond3A_66 = arith.cmpi ne, %convert_element_type3A, %cond3A : i32
    scf.if %cond3A_66 {
      %add3A_72 = arith.constant 2496 : i32
      %add3A_73 = arith.addi %add3A_72, %add3A : i32
      %mul3A_74 = arith.constant 128 : i32
      %mul3A_75 = arith.muli %add3A_73, %mul3A_74 : i32
      "tpu.region"() ({
        %run_scoped3A_91 = tpu.sem_alloc : memref<!tpu.dma_semaphore, #tpu.memory_space<semaphore_mem>>
        %dma_start3A_92 = arith.constant 0 : i32
        %dma_start3A_93 = tpu.memref_slice %arg3[%dma_start3A_92, %mul3A_75] : memref<2x320000xi32, #tpu.memory_space<hbm>> -> memref<2x128xi32, #tpu.memory_space<hbm>>
        %dma_start3A_94 = arith.constant 0 : i32
        %dma_start3A_95 = tpu.memref_slice %arg3[%dma_start3A_94, %mul3A_75] : memref<2x320000xi32, #tpu.memory_space<hbm>> -> memref<2x128xi32, #tpu.memory_space<hbm>>
        tpu.enqueue_dma source(%dma_start3A_95 : memref<2x128xi32, #tpu.memory_space<hbm>>) target(%arg5 : memref<2x128xi32, #tpu.memory_space<vmem>>) target_semaphore(%run_scoped3A_91 : memref<!tpu.dma_semaphore, #tpu.memory_space<semaphore_mem>>)
        %dma_wait3A_96 = arith.constant 0 : i32
        %dma_wait3A_97 = tpu.memref_slice %arg3[%dma_wait3A_96, %mul3A_75] : memref<2x320000xi32, #tpu.memory_space<hbm>> -> memref<2x128xi32, #tpu.memory_space<hbm>>
        %dma_wait3A_98 = arith.constant 0 : i32
        %dma_wait3A_99 = tpu.memref_slice %arg3[%dma_wait3A_98, %mul3A_75] : memref<2x320000xi32, #tpu.memory_space<hbm>> -> memref<2x128xi32, #tpu.memory_space<hbm>>
        tpu.wait_dma2 semaphore(%run_scoped3A_91 : memref<!tpu.dma_semaphore, #tpu.memory_space<semaphore_mem>>) src(%dma_wait3A_99 : memref<2x128xi32, #tpu.memory_space<hbm>>) dst(%arg5 : memref<2x128xi32, #tpu.memory_space<vmem>>)
        tpu.yield
      }) : () -> ()
      %dma_start3A_76 = arith.constant 0 : i32
      %dma_start3A_77 = arith.constant 0 : i32
      %dma_start3A_78 = tpu.memref_slice %arg5[%dma_start3A_76, %dma_start3A_77] : memref<2x128xi32, #tpu.memory_space<vmem>> -> memref<1x128xi32, #tpu.memory_space<vmem>>
      %dma_start3A_79 = tpu.memref_squeeze %dma_start3A_78 : memref<1x128xi32, #tpu.memory_space<vmem>> -> memref<128xi32, #tpu.memory_space<vmem>>
      %dma_start3A_80 = arith.constant 0 : i32
      %dma_start3A_81 = arith.constant 0 : i32
      %dma_start3A_82 = tpu.memref_slice %arg2[%dma_start3A_80, %dma_start3A_81] : memref<10000x128xf32, #tpu.memory_space<hbm>> -> memref<10000x128xf32, #tpu.memory_space<hbm>>
      tpu.enqueue_indirect_dma source(%dma_start3A_82 : memref<10000x128xf32, #tpu.memory_space<hbm>>) target(%arg7 : memref<128x128xf32, #tpu.memory_space<vmem>>) offsets(%dma_start3A_79 : memref<128xi32, #tpu.memory_space<vmem>>) semaphore(%arg10 : memref<!tpu.dma_semaphore, #tpu.memory_space<semaphore_mem>>)
      %dma_wait3A_83 = arith.constant 0 : i32
      %dma_wait3A_84 = arith.constant 0 : i32
      %dma_wait3A_85 = tpu.memref_slice %arg5[%dma_wait3A_83, %dma_wait3A_84] : memref<2x128xi32, #tpu.memory_space<vmem>> -> memref<1x128xi32, #tpu.memory_space<vmem>>
      %dma_wait3A_86 = tpu.memref_squeeze %dma_wait3A_85 : memref<1x128xi32, #tpu.memory_space<vmem>> -> memref<128xi32, #tpu.memory_space<vmem>>
      %dma_wait3A_87 = arith.constant 0 : i32
      %dma_wait3A_88 = arith.constant 0 : i32
      %dma_wait3A_89 = tpu.memref_slice %arg2[%dma_wait3A_87, %dma_wait3A_88] : memref<10000x128xf32, #tpu.memory_space<hbm>> -> memref<10000x128xf32, #tpu.memory_space<hbm>>
      tpu.wait_indirect_dma semaphore(%arg10 : memref<!tpu.dma_semaphore, #tpu.memory_space<semaphore_mem>>) src(%dma_wait3A_89 : memref<10000x128xf32, #tpu.memory_space<hbm>>) dst(%arg7 : memref<128x128xf32, #tpu.memory_space<vmem>>)
      %run_scoped3A_90 = arith.constant 1 : i32
      "tpu.region"() ({
        %run_scoped3A_91 = tpu.sem_alloc : memref<!tpu.dma_semaphore, #tpu.memory_space<semaphore_mem>>
        %dma_start3A_92 = arith.constant 0 : i32
        %dma_start3A_93 = tpu.memref_slice %arg5[%run_scoped3A_90, %dma_start3A_92] : memref<2x128xi32, #tpu.memory_space<vmem>> -> memref<1x128xi32, #tpu.memory_space<vmem>>
        %dma_start3A_94 = tpu.memref_squeeze %dma_start3A_93 : memref<1x128xi32, #tpu.memory_space<vmem>> -> memref<128xi32, #tpu.memory_space<vmem>>
        %dma_start3A_95 = arith.constant 0 : i32
        %dma_start3A_96 = arith.constant 0 : i32
        %dma_start3A_97 = tpu.memref_slice %arg9[%dma_start3A_95, %dma_start3A_96] : memref<10000x128xf32, #tpu.memory_space<vmem_shared>> -> memref<10000x128xf32, #tpu.memory_space<vmem_shared>>
        tpu.enqueue_indirect_dma source(%arg7 : memref<128x128xf32, #tpu.memory_space<vmem>>) target(%dma_start3A_97 : memref<10000x128xf32, #tpu.memory_space<vmem_shared>>) offsets(%dma_start3A_94 : memref<128xi32, #tpu.memory_space<vmem>>) semaphore(%run_scoped3A_91 : memref<!tpu.dma_semaphore, #tpu.memory_space<semaphore_mem>>) {add = true}
        %dma_wait3A_98 = arith.constant 0 : i32
        %dma_wait3A_99 = tpu.memref_slice %arg5[%run_scoped3A_90, %dma_wait3A_98] : memref<2x128xi32, #tpu.memory_space<vmem>> -> memref<1x128xi32, #tpu.memory_space<vmem>>
        %dma_wait3A_100 = tpu.memref_squeeze %dma_wait3A_99 : memref<1x128xi32, #tpu.memory_space<vmem>> -> memref<128xi32, #tpu.memory_space<vmem>>
        %dma_wait3A_101 = arith.constant 0 : i32
        %dma_wait3A_102 = arith.constant 0 : i32
        %dma_wait3A_103 = tpu.memref_slice %arg9[%dma_wait3A_101, %dma_wait3A_102] : memref<10000x128xf32, #tpu.memory_space<vmem_shared>> -> memref<10000x128xf32, #tpu.memory_space<vmem_shared>>
        tpu.wait_indirect_dma semaphore(%run_scoped3A_91 : memref<!tpu.dma_semaphore, #tpu.memory_space<semaphore_mem>>) src(%arg7 : memref<128x128xf32, #tpu.memory_space<vmem>>) dst(%dma_wait3A_103 : memref<10000x128xf32, #tpu.memory_space<vmem_shared>>)
        tpu.yield
      }) : () -> ()
    } else {
    }
    %barrier3A_67 = arith.constant 0 : index
    tpu.barrier barrier_id(%barrier3A_67)
    %mul3A_68 = arith.constant 624 : i32
    %mul3A_69 = arith.muli %arg1, %mul3A_68 : i32
    %mul3A_70 = arith.constant 624 : i32
    %mul3A_71 = arith.muli %arg1, %mul3A_70 : i32
    "tpu.region"() ({
      %run_scoped3A_72 = tpu.sem_alloc : memref<!tpu.dma_semaphore, #tpu.memory_space<semaphore_mem>>
      %dma_start3A_73 = arith.constant 0 : i32
      %dma_start3A_74 = tpu.memref_slice %arg4[%arg0, %mul3A_71, %dma_start3A_73] : memref<2x10000x128xf32, #tpu.memory_space<hbm>> -> memref<1x640x128xf32, #tpu.memory_space<hbm>>
      %dma_start3A_75 = tpu.memref_squeeze %dma_start3A_74 : memref<1x640x128xf32, #tpu.memory_space<hbm>> -> memref<640x128xf32, #tpu.memory_space<hbm>>
      %dma_start3A_76 = arith.constant 0 : i32
      %dma_start3A_77 = tpu.memref_slice %arg9[%mul3A_69, %dma_start3A_76] : memref<10000x128xf32, #tpu.memory_space<vmem_shared>> -> memref<640x128xf32, #tpu.memory_space<vmem_shared>>
      tpu.enqueue_dma source(%dma_start3A_77 : memref<640x128xf32, #tpu.memory_space<vmem_shared>>) target(%dma_start3A_75 : memref<640x128xf32, #tpu.memory_space<hbm>>) target_semaphore(%run_scoped3A_72 : memref<!tpu.dma_semaphore, #tpu.memory_space<semaphore_mem>>)
      %dma_wait3A_78 = arith.constant 0 : i32
      %dma_wait3A_79 = tpu.memref_slice %arg4[%arg0, %mul3A_71, %dma_wait3A_78] : memref<2x10000x128xf32, #tpu.memory_space<hbm>> -> memref<1x640x128xf32, #tpu.memory_space<hbm>>
      %dma_wait3A_80 = tpu.memref_squeeze %dma_wait3A_79 : memref<1x640x128xf32, #tpu.memory_space<hbm>> -> memref<640x128xf32, #tpu.memory_space<hbm>>
      %dma_wait3A_81 = arith.constant 0 : i32
      %dma_wait3A_82 = tpu.memref_slice %arg9[%mul3A_69, %dma_wait3A_81] : memref<10000x128xf32, #tpu.memory_space<vmem_shared>> -> memref<640x128xf32, #tpu.memory_space<vmem_shared>>
      tpu.wait_dma2 semaphore(%run_scoped3A_72 : memref<!tpu.dma_semaphore, #tpu.memory_space<semaphore_mem>>) src(%dma_wait3A_82 : memref<640x128xf32, #tpu.memory_space<vmem_shared>>) dst(%dma_wait3A_80 : memref<640x128xf32, #tpu.memory_space<hbm>>)
      tpu.yield
    }) : () -> ()
    return
  }
}

module attributes {stable_mosaic.version = 14 : i64} {
  func.func @body(%arg0: i32, %arg1: memref<512x128xf32, #tpu.memory_space<vmem>>, %arg2: memref<128x128xf32, #tpu.memory_space<vmem>>, %arg3: memref<1x128xf32, #tpu.memory_space<vmem>>, %arg4: memref<128x128xf32, #tpu.memory_space<vmem>>, %arg5: memref<1x128xf32, #tpu.memory_space<vmem>>, %arg6: memref<128x128xf32, #tpu.memory_space<vmem>>, %arg7: memref<512x128xf32, #tpu.memory_space<vmem>>, %arg8: memref<512x128xf32, #tpu.memory_space<vmem>>) attributes {dimension_semantics = [#tpu.dimension_semantics<arbitrary>], iteration_bounds = array<i64: 20>, scalar_prefetch = 0 : i64, scratch_operands = 0 : i64, tpu.core_type = #tpu.core_type<tc>, window_params = [{transform_indices = @transform_0, window_bounds = array<i64: 512, 128>}, {pipeline_mode = #tpu.pipeline_mode<synchronous>, transform_indices = @transform_1, window_bounds = array<i64: 128, 128>}, {pipeline_mode = #tpu.pipeline_mode<synchronous>, transform_indices = @transform_2, window_bounds = array<i64: 1, 128>}, {pipeline_mode = #tpu.pipeline_mode<synchronous>, transform_indices = @transform_3, window_bounds = array<i64: 128, 128>}, {pipeline_mode = #tpu.pipeline_mode<synchronous>, transform_indices = @transform_4, window_bounds = array<i64: 1, 128>}, {pipeline_mode = #tpu.pipeline_mode<synchronous>, transform_indices = @transform_5, window_bounds = array<i64: 128, 128>}, {transform_indices = @transform_6, window_bounds = array<i64: 512, 128>}, {transform_indices = @transform_7, window_bounds = array<i64: 512, 128>}]} {
    %get3A = arith.constant 0 : index
    %get3A_0 = arith.constant 0 : index
    %get3A_1 = vector.load %arg1[%get3A, %get3A_0] : memref<512x128xf32, #tpu.memory_space<vmem>>, vector<512x128xf32>
    %get3A_2 = arith.constant 0 : index
    %get3A_3 = arith.constant 0 : index
    %get3A_4 = vector.load %arg2[%get3A_2, %get3A_3] : memref<128x128xf32, #tpu.memory_space<vmem>>, vector<128x128xf32>
    %dot_general3A = arith.constant dense<0.000000e+00> : vector<512x128xf32>
    %dot_general3A_5 = tpu.matmul %get3A_1, %get3A_4, %dot_general3A {dimension_numbers = #tpu.dot_dimension_numbers<[1], [0], [0], [1], [0, 0, 1, 1], [], []>, transpose_lhs_hint = false} : vector<512x128xf32>, vector<128x128xf32>, vector<512x128xf32> -> vector<512x128xf32>
    %get3A_6 = arith.constant 0 : index
    %get3A_7 = arith.constant 0 : index
    %get3A_8 = vector.load %arg3[%get3A_6, %get3A_7] : memref<1x128xf32, #tpu.memory_space<vmem>>, vector<1x128xf32>
    %add3A = vector.broadcast %get3A_8 : vector<1x128xf32> to vector<512x128xf32>
    %add3A_9 = arith.addf %dot_general3A_5, %add3A : vector<512x128xf32>
    %get3A_10 = arith.constant 0 : index
    %get3A_11 = arith.constant 0 : index
    %get3A_12 = vector.load %arg4[%get3A_10, %get3A_11] : memref<128x128xf32, #tpu.memory_space<vmem>>, vector<128x128xf32>
    %dot_general3A_13 = arith.constant dense<0.000000e+00> : vector<512x128xf32>
    %dot_general3A_14 = tpu.matmul %add3A_9, %get3A_12, %dot_general3A_13 {dimension_numbers = #tpu.dot_dimension_numbers<[1], [0], [0], [1], [0, 0, 1, 1], [], []>, transpose_lhs_hint = false} : vector<512x128xf32>, vector<128x128xf32>, vector<512x128xf32> -> vector<512x128xf32>
    %get3A_15 = arith.constant 0 : index
    %get3A_16 = arith.constant 0 : index
    %get3A_17 = vector.load %arg5[%get3A_15, %get3A_16] : memref<1x128xf32, #tpu.memory_space<vmem>>, vector<1x128xf32>
    %add3A_18 = vector.broadcast %get3A_17 : vector<1x128xf32> to vector<512x128xf32>
    %add3A_19 = arith.addf %dot_general3A_14, %add3A_18 : vector<512x128xf32>
    %swap3A = arith.constant 0 : index
    %swap3A_20 = arith.constant 0 : index
    %swap3A_21 = vector.load %arg7[%swap3A, %swap3A_20] : memref<512x128xf32, #tpu.memory_space<vmem>>, vector<512x128xf32>
    tpu.vector_store %arg7[%swap3A, %swap3A_20], %add3A_19 {strides = array<i32>} : memref<512x128xf32, #tpu.memory_space<vmem>>, vector<512x128xf32>,
    %get3A_22 = arith.constant 0 : index
    %get3A_23 = arith.constant 0 : index
    %get3A_24 = vector.load %arg6[%get3A_22, %get3A_23] : memref<128x128xf32, #tpu.memory_space<vmem>>, vector<128x128xf32>
    %dot_general3A_25 = arith.constant dense<0.000000e+00> : vector<512x128xf32>
    %dot_general3A_26 = tpu.matmul %add3A_19, %get3A_24, %dot_general3A_25 {dimension_numbers = #tpu.dot_dimension_numbers<[1], [0], [0], [1], [0, 0, 1, 1], [], []>, transpose_lhs_hint = false} : vector<512x128xf32>, vector<128x128xf32>, vector<512x128xf32> -> vector<512x128xf32>
    %swap3A_27 = arith.constant 0 : index
    %swap3A_28 = arith.constant 0 : index
    %swap3A_29 = vector.load %arg8[%swap3A_27, %swap3A_28] : memref<512x128xf32, #tpu.memory_space<vmem>>, vector<512x128xf32>
    tpu.vector_store %arg8[%swap3A_27, %swap3A_28], %dot_general3A_26 {strides = array<i32>} : memref<512x128xf32, #tpu.memory_space<vmem>>, vector<512x128xf32>,
    return
  }
  func.func @transform_0(%arg0: i32) -> (i32, i32) {
    %c0_i32 = arith.constant 0 : i32
    %c0_i32_0 = arith.constant 0 : i32
    return %arg0, %c0_i32 : i32, i32
  }
  func.func @transform_1(%arg0: i32) -> (i32, i32) {
    %c0_i32 = arith.constant 0 : i32
    %c0_i32_0 = arith.constant 0 : i32
    %c0_i32_1 = arith.constant 0 : i32
    return %c0_i32, %c0_i32_0 : i32, i32
  }
  func.func @transform_2(%arg0: i32) -> (i32, i32) {
    %c0_i32 = arith.constant 0 : i32
    %c0_i32_0 = arith.constant 0 : i32
    %c0_i32_1 = arith.constant 0 : i32
    return %c0_i32, %c0_i32_0 : i32, i32
  }
  func.func @transform_3(%arg0: i32) -> (i32, i32) {
    %c0_i32 = arith.constant 0 : i32
    %c0_i32_0 = arith.constant 0 : i32
    %c0_i32_1 = arith.constant 0 : i32
    return %c0_i32, %c0_i32_0 : i32, i32
  }
  func.func @transform_4(%arg0: i32) -> (i32, i32) {
    %c0_i32 = arith.constant 0 : i32
    %c0_i32_0 = arith.constant 0 : i32
    %c0_i32_1 = arith.constant 0 : i32
    return %c0_i32, %c0_i32_0 : i32, i32
  }
  func.func @transform_5(%arg0: i32) -> (i32, i32) {
    %c0_i32 = arith.constant 0 : i32
    %c0_i32_0 = arith.constant 0 : i32
    %c0_i32_1 = arith.constant 0 : i32
    return %c0_i32, %c0_i32_0 : i32, i32
  }
  func.func @transform_6(%arg0: i32) -> (i32, i32) {
    %c0_i32 = arith.constant 0 : i32
    %c0_i32_0 = arith.constant 0 : i32
    return %arg0, %c0_i32 : i32, i32
  }
  func.func @transform_7(%arg0: i32) -> (i32, i32) {
    %c0_i32 = arith.constant 0 : i32
    %c0_i32_0 = arith.constant 0 : i32
    return %arg0, %c0_i32 : i32, i32
  }
}

module attributes {stable_mosaic.version = 14 : i64} {
  func.func @body(%arg0: i32, %arg1: memref<16x512x128xf32, #tpu.memory_space<vmem>>, %arg2: memref<16x512xf32, #tpu.memory_space<vmem>>, %arg3: memref<512x128xf32, #tpu.memory_space<vmem>>, %arg4: memref<1x128xf32, #tpu.memory_space<vmem>>, %arg5: memref<1x128xf32, #tpu.memory_space<vmem>>, %arg6: memref<128x1xf32, #tpu.memory_space<vmem>>, %arg7: memref<1x1xf32, #tpu.memory_space<smem>>, %arg8: memref<256x128xf32, #tpu.memory_space<vmem>>, %arg9: memref<1x128xf32, #tpu.memory_space<vmem>>, %arg10: memref<512x128xf32, #tpu.memory_space<vmem>>) attributes {dimension_semantics = [#tpu.dimension_semantics<arbitrary>], iteration_bounds = array<i64: 20>, scalar_prefetch = 0 : i64, scratch_operands = 0 : i64, tpu.core_type = #tpu.core_type<tc>, window_params = [{transform_indices = @transform_0, window_bounds = array<i64: 16, 512, 128>}, {transform_indices = @transform_1, window_bounds = array<i64: 16, 512>}, {transform_indices = @transform_2, window_bounds = array<i64: 512, 128>}, {pipeline_mode = #tpu.pipeline_mode<synchronous>, transform_indices = @transform_3, window_bounds = array<i64: 1, 128>}, {pipeline_mode = #tpu.pipeline_mode<synchronous>, transform_indices = @transform_4, window_bounds = array<i64: 1, 128>}, {pipeline_mode = #tpu.pipeline_mode<synchronous>, transform_indices = @transform_5, window_bounds = array<i64: 128, 1>}, {transform_indices = @transform_6, window_bounds = array<i64: 1, 1>}, {pipeline_mode = #tpu.pipeline_mode<synchronous>, transform_indices = @transform_7, window_bounds = array<i64: 256, 128>}, {pipeline_mode = #tpu.pipeline_mode<synchronous>, transform_indices = @transform_8, window_bounds = array<i64: 1, 128>}, {transform_indices = @transform_9, window_bounds = array<i64: 512, 128>}]} {
    %get3A = arith.constant 0 : index
    %get3A_0 = arith.constant 0 : index
    %get3A_1 = vector.load %arg3[%get3A, %get3A_0] : memref<512x128xf32, #tpu.memory_space<vmem>>, vector<512x128xf32>
    %broadcast_in_dim3A = arith.constant 0.000000e+00 : f32
    %broadcast_in_dim3A_2 = vector.broadcast %broadcast_in_dim3A : f32 to vector<512x128xf32>
    %get3A_3 = arith.constant 0 : index
    %get3A_4 = arith.constant 0 : index
    %get3A_5 = memref.load %arg7[%get3A_3, %get3A_4] : memref<1x1xf32, #tpu.memory_space<smem>>
    %get3A_6 = arith.constant 0 : index
    %get3A_7 = arith.constant 0 : index
    %get3A_8 = vector.load %arg2[%get3A_6, %get3A_7] : memref<16x512xf32, #tpu.memory_space<vmem>>, vector<1x512xf32>
    %get3A_9 = vector.shape_cast %get3A_8 : vector<1x512xf32> to vector<512xf32>
    %broadcast_in_dim3A_10 = vector.shape_cast %get3A_9 : vector<512xf32> to vector<512x1xf32>
    %get3A_11 = arith.constant 0 : index
    %get3A_12 = arith.constant 0 : index
    %get3A_13 = vector.load %arg4[%get3A_11, %get3A_12] : memref<1x128xf32, #tpu.memory_space<vmem>>, vector<1x128xf32>
    %mul3A = vector.broadcast %broadcast_in_dim3A_10 : vector<512x1xf32> to vector<512x128xf32>
    %mul3A_14 = vector.broadcast %get3A_13 : vector<1x128xf32> to vector<512x128xf32>
    %mul3A_15 = arith.mulf %mul3A, %mul3A_14 : vector<512x128xf32>
    %get3A_16 = arith.constant 0 : index
    %get3A_17 = arith.constant 0 : index
    %get3A_18 = vector.load %arg5[%get3A_16, %get3A_17] : memref<1x128xf32, #tpu.memory_space<vmem>>, vector<1x128xf32>
    %add3A = vector.broadcast %get3A_18 : vector<1x128xf32> to vector<512x128xf32>
    %add3A_19 = arith.addf %mul3A_15, %add3A : vector<512x128xf32>
    %max3A = arith.constant 0.000000e+00 : f32
    %max3A_20 = vector.broadcast %max3A : f32 to vector<512x128xf32>
    %max3A_21 = arith.maximumf %add3A_19, %max3A_20 : vector<512x128xf32>
    %get3A_22 = arith.constant 0 : index
    %get3A_23 = arith.constant 0 : index
    %get3A_24 = vector.load %arg6[%get3A_22, %get3A_23] : memref<128x1xf32, #tpu.memory_space<vmem>>, vector<128x1xf32>
    %dot_general3A = arith.constant dense<0.000000e+00> : vector<512x1xf32>
    %dot_general3A_25 = tpu.matmul %max3A_21, %get3A_24, %dot_general3A {dimension_numbers = #tpu.dot_dimension_numbers<[1], [0], [0], [1], [0, 0, 1, 1], [], []>, transpose_lhs_hint = false} : vector<512x128xf32>, vector<128x1xf32>, vector<512x1xf32> -> vector<512x1xf32>
    %add3A_26 = vector.broadcast %get3A_5 : f32 to vector<512x1xf32>
    %add3A_27 = arith.addf %dot_general3A_25, %add3A_26 : vector<512x1xf32>
    %get3A_28 = arith.constant 0 : index
    %get3A_29 = arith.constant 0 : index
    %get3A_30 = arith.constant 0 : index
    %get3A_31 = vector.load %arg1[%get3A_28, %get3A_29, %get3A_30] : memref<16x512x128xf32, #tpu.memory_space<vmem>>, vector<1x512x128xf32>
    %get3A_32 = vector.shape_cast %get3A_31 : vector<1x512x128xf32> to vector<512x128xf32>
    %mul3A_33 = vector.broadcast %add3A_27 : vector<512x1xf32> to vector<512x128xf32>
    %mul3A_34 = arith.mulf %get3A_32, %mul3A_33 : vector<512x128xf32>
    %concatenate3A = tpu.concatenate %mul3A_34, %get3A_1 in 1 : vector<512x128xf32>, vector<512x128xf32> -> vector<512x256xf32>
    %get3A_35 = arith.constant 0 : index
    %get3A_36 = arith.constant 0 : index
    %get3A_37 = vector.load %arg8[%get3A_35, %get3A_36] : memref<256x128xf32, #tpu.memory_space<vmem>>, vector<256x128xf32>
    %dot_general3A_38 = arith.constant dense<0.000000e+00> : vector<512x128xf32>
    %dot_general3A_39 = tpu.matmul %concatenate3A, %get3A_37, %dot_general3A_38 {dimension_numbers = #tpu.dot_dimension_numbers<[1], [0], [0], [1], [0, 0, 1, 1], [], []>, transpose_lhs_hint = false} : vector<512x256xf32>, vector<256x128xf32>, vector<512x128xf32> -> vector<512x128xf32>
    %get3A_40 = arith.constant 0 : index
    %get3A_41 = arith.constant 0 : index
    %get3A_42 = vector.load %arg9[%get3A_40, %get3A_41] : memref<1x128xf32, #tpu.memory_space<vmem>>, vector<1x128xf32>
    %add3A_43 = vector.broadcast %get3A_42 : vector<1x128xf32> to vector<512x128xf32>
    %add3A_44 = arith.addf %dot_general3A_39, %add3A_43 : vector<512x128xf32>
    %max3A_45 = arith.constant 0.000000e+00 : f32
    %max3A_46 = vector.broadcast %max3A_45 : f32 to vector<512x128xf32>
    %max3A_47 = arith.maximumf %add3A_44, %max3A_46 : vector<512x128xf32>
    %add3A_48 = arith.addf %broadcast_in_dim3A_2, %max3A_47 : vector<512x128xf32>
    %get3A_49 = arith.constant 0 : index
    %get3A_50 = arith.constant 0 : index
    %get3A_51 = memref.load %arg7[%get3A_49, %get3A_50] : memref<1x1xf32, #tpu.memory_space<smem>>
    %get3A_52 = arith.constant 1 : index
    %get3A_53 = arith.constant 0 : index
    %get3A_54 = vector.load %arg2[%get3A_52, %get3A_53] : memref<16x512xf32, #tpu.memory_space<vmem>>, vector<1x512xf32>
    %get3A_55 = vector.shape_cast %get3A_54 : vector<1x512xf32> to vector<512xf32>
    %broadcast_in_dim3A_56 = vector.shape_cast %get3A_55 : vector<512xf32> to vector<512x1xf32>
    %get3A_57 = arith.constant 0 : index
    %get3A_58 = arith.constant 0 : index
    %get3A_59 = vector.load %arg4[%get3A_57, %get3A_58] : memref<1x128xf32, #tpu.memory_space<vmem>>, vector<1x128xf32>
    %mul3A_60 = vector.broadcast %broadcast_in_dim3A_56 : vector<512x1xf32> to vector<512x128xf32>
    %mul3A_61 = vector.broadcast %get3A_59 : vector<1x128xf32> to vector<512x128xf32>
    %mul3A_62 = arith.mulf %mul3A_60, %mul3A_61 : vector<512x128xf32>
    %get3A_63 = arith.constant 0 : index
    %get3A_64 = arith.constant 0 : index
    %get3A_65 = vector.load %arg5[%get3A_63, %get3A_64] : memref<1x128xf32, #tpu.memory_space<vmem>>, vector<1x128xf32>
    %add3A_66 = vector.broadcast %get3A_65 : vector<1x128xf32> to vector<512x128xf32>
    %add3A_67 = arith.addf %mul3A_62, %add3A_66 : vector<512x128xf32>
    %max3A_68 = arith.constant 0.000000e+00 : f32
    %max3A_69 = vector.broadcast %max3A_68 : f32 to vector<512x128xf32>
    %max3A_70 = arith.maximumf %add3A_67, %max3A_69 : vector<512x128xf32>
    %get3A_71 = arith.constant 0 : index
    %get3A_72 = arith.constant 0 : index
    %get3A_73 = vector.load %arg6[%get3A_71, %get3A_72] : memref<128x1xf32, #tpu.memory_space<vmem>>, vector<128x1xf32>
    %dot_general3A_74 = arith.constant dense<0.000000e+00> : vector<512x1xf32>
    %dot_general3A_75 = tpu.matmul %max3A_70, %get3A_73, %dot_general3A_74 {dimension_numbers = #tpu.dot_dimension_numbers<[1], [0], [0], [1], [0, 0, 1, 1], [], []>, transpose_lhs_hint = false} : vector<512x128xf32>, vector<128x1xf32>, vector<512x1xf32> -> vector<512x1xf32>
    %add3A_76 = vector.broadcast %get3A_51 : f32 to vector<512x1xf32>
    %add3A_77 = arith.addf %dot_general3A_75, %add3A_76 : vector<512x1xf32>
    %get3A_78 = arith.constant 1 : index
    %get3A_79 = arith.constant 0 : index
    %get3A_80 = arith.constant 0 : index
    %get3A_81 = vector.load %arg1[%get3A_78, %get3A_79, %get3A_80] : memref<16x512x128xf32, #tpu.memory_space<vmem>>, vector<1x512x128xf32>
    %get3A_82 = vector.shape_cast %get3A_81 : vector<1x512x128xf32> to vector<512x128xf32>
    %mul3A_83 = vector.broadcast %add3A_77 : vector<512x1xf32> to vector<512x128xf32>
    %mul3A_84 = arith.mulf %get3A_82, %mul3A_83 : vector<512x128xf32>
    %concatenate3A_85 = tpu.concatenate %mul3A_84, %get3A_1 in 1 : vector<512x128xf32>, vector<512x128xf32> -> vector<512x256xf32>
    %get3A_86 = arith.constant 0 : index
    %get3A_87 = arith.constant 0 : index
    %get3A_88 = vector.load %arg8[%get3A_86, %get3A_87] : memref<256x128xf32, #tpu.memory_space<vmem>>, vector<256x128xf32>
    %dot_general3A_89 = arith.constant dense<0.000000e+00> : vector<512x128xf32>
    %dot_general3A_90 = tpu.matmul %concatenate3A_85, %get3A_88, %dot_general3A_89 {dimension_numbers = #tpu.dot_dimension_numbers<[1], [0], [0], [1], [0, 0, 1, 1], [], []>, transpose_lhs_hint = false} : vector<512x256xf32>, vector<256x128xf32>, vector<512x128xf32> -> vector<512x128xf32>
    %get3A_91 = arith.constant 0 : index
    %get3A_92 = arith.constant 0 : index
    %get3A_93 = vector.load %arg9[%get3A_91, %get3A_92] : memref<1x128xf32, #tpu.memory_space<vmem>>, vector<1x128xf32>
    %add3A_94 = vector.broadcast %get3A_93 : vector<1x128xf32> to vector<512x128xf32>
    %add3A_95 = arith.addf %dot_general3A_90, %add3A_94 : vector<512x128xf32>
    %max3A_96 = arith.constant 0.000000e+00 : f32
    %max3A_97 = vector.broadcast %max3A_96 : f32 to vector<512x128xf32>
    %max3A_98 = arith.maximumf %add3A_95, %max3A_97 : vector<512x128xf32>
    %add3A_99 = arith.addf %add3A_48, %max3A_98 : vector<512x128xf32>
    %get3A_100 = arith.constant 0 : index
    %get3A_101 = arith.constant 0 : index
    %get3A_102 = memref.load %arg7[%get3A_100, %get3A_101] : memref<1x1xf32, #tpu.memory_space<smem>>
    %get3A_103 = arith.constant 2 : index
    %get3A_104 = arith.constant 0 : index
    %get3A_105 = vector.load %arg2[%get3A_103, %get3A_104] : memref<16x512xf32, #tpu.memory_space<vmem>>, vector<1x512xf32>
    %get3A_106 = vector.shape_cast %get3A_105 : vector<1x512xf32> to vector<512xf32>
    %broadcast_in_dim3A_107 = vector.shape_cast %get3A_106 : vector<512xf32> to vector<512x1xf32>
    %get3A_108 = arith.constant 0 : index
    %get3A_109 = arith.constant 0 : index
    %get3A_110 = vector.load %arg4[%get3A_108, %get3A_109] : memref<1x128xf32, #tpu.memory_space<vmem>>, vector<1x128xf32>
    %mul3A_111 = vector.broadcast %broadcast_in_dim3A_107 : vector<512x1xf32> to vector<512x128xf32>
    %mul3A_112 = vector.broadcast %get3A_110 : vector<1x128xf32> to vector<512x128xf32>
    %mul3A_113 = arith.mulf %mul3A_111, %mul3A_112 : vector<512x128xf32>
    %get3A_114 = arith.constant 0 : index
    %get3A_115 = arith.constant 0 : index
    %get3A_116 = vector.load %arg5[%get3A_114, %get3A_115] : memref<1x128xf32, #tpu.memory_space<vmem>>, vector<1x128xf32>
    %add3A_117 = vector.broadcast %get3A_116 : vector<1x128xf32> to vector<512x128xf32>
    %add3A_118 = arith.addf %mul3A_113, %add3A_117 : vector<512x128xf32>
    %max3A_119 = arith.constant 0.000000e+00 : f32
    %max3A_120 = vector.broadcast %max3A_119 : f32 to vector<512x128xf32>
    %max3A_121 = arith.maximumf %add3A_118, %max3A_120 : vector<512x128xf32>
    %get3A_122 = arith.constant 0 : index
    %get3A_123 = arith.constant 0 : index
    %get3A_124 = vector.load %arg6[%get3A_122, %get3A_123] : memref<128x1xf32, #tpu.memory_space<vmem>>, vector<128x1xf32>
    %dot_general3A_125 = arith.constant dense<0.000000e+00> : vector<512x1xf32>
    %dot_general3A_126 = tpu.matmul %max3A_121, %get3A_124, %dot_general3A_125 {dimension_numbers = #tpu.dot_dimension_numbers<[1], [0], [0], [1], [0, 0, 1, 1], [], []>, transpose_lhs_hint = false} : vector<512x128xf32>, vector<128x1xf32>, vector<512x1xf32> -> vector<512x1xf32>
    %add3A_127 = vector.broadcast %get3A_102 : f32 to vector<512x1xf32>
    %add3A_128 = arith.addf %dot_general3A_126, %add3A_127 : vector<512x1xf32>
    %get3A_129 = arith.constant 2 : index
    %get3A_130 = arith.constant 0 : index
    %get3A_131 = arith.constant 0 : index
    %get3A_132 = vector.load %arg1[%get3A_129, %get3A_130, %get3A_131] : memref<16x512x128xf32, #tpu.memory_space<vmem>>, vector<1x512x128xf32>
    %get3A_133 = vector.shape_cast %get3A_132 : vector<1x512x128xf32> to vector<512x128xf32>
    %mul3A_134 = vector.broadcast %add3A_128 : vector<512x1xf32> to vector<512x128xf32>
    %mul3A_135 = arith.mulf %get3A_133, %mul3A_134 : vector<512x128xf32>
    %concatenate3A_136 = tpu.concatenate %mul3A_135, %get3A_1 in 1 : vector<512x128xf32>, vector<512x128xf32> -> vector<512x256xf32>
    %get3A_137 = arith.constant 0 : index
    %get3A_138 = arith.constant 0 : index
    %get3A_139 = vector.load %arg8[%get3A_137, %get3A_138] : memref<256x128xf32, #tpu.memory_space<vmem>>, vector<256x128xf32>
    %dot_general3A_140 = arith.constant dense<0.000000e+00> : vector<512x128xf32>
    %dot_general3A_141 = tpu.matmul %concatenate3A_136, %get3A_139, %dot_general3A_140 {dimension_numbers = #tpu.dot_dimension_numbers<[1], [0], [0], [1], [0, 0, 1, 1], [], []>, transpose_lhs_hint = false} : vector<512x256xf32>, vector<256x128xf32>, vector<512x128xf32> -> vector<512x128xf32>
    %get3A_142 = arith.constant 0 : index
    %get3A_143 = arith.constant 0 : index
    %get3A_144 = vector.load %arg9[%get3A_142, %get3A_143] : memref<1x128xf32, #tpu.memory_space<vmem>>, vector<1x128xf32>
    %add3A_145 = vector.broadcast %get3A_144 : vector<1x128xf32> to vector<512x128xf32>
    %add3A_146 = arith.addf %dot_general3A_141, %add3A_145 : vector<512x128xf32>
    %max3A_147 = arith.constant 0.000000e+00 : f32
    %max3A_148 = vector.broadcast %max3A_147 : f32 to vector<512x128xf32>
    %max3A_149 = arith.maximumf %add3A_146, %max3A_148 : vector<512x128xf32>
    %add3A_150 = arith.addf %add3A_99, %max3A_149 : vector<512x128xf32>
    %get3A_151 = arith.constant 0 : index
    %get3A_152 = arith.constant 0 : index
    %get3A_153 = memref.load %arg7[%get3A_151, %get3A_152] : memref<1x1xf32, #tpu.memory_space<smem>>
    %get3A_154 = arith.constant 3 : index
    %get3A_155 = arith.constant 0 : index
    %get3A_156 = vector.load %arg2[%get3A_154, %get3A_155] : memref<16x512xf32, #tpu.memory_space<vmem>>, vector<1x512xf32>
    %get3A_157 = vector.shape_cast %get3A_156 : vector<1x512xf32> to vector<512xf32>
    %broadcast_in_dim3A_158 = vector.shape_cast %get3A_157 : vector<512xf32> to vector<512x1xf32>
    %get3A_159 = arith.constant 0 : index
    %get3A_160 = arith.constant 0 : index
    %get3A_161 = vector.load %arg4[%get3A_159, %get3A_160] : memref<1x128xf32, #tpu.memory_space<vmem>>, vector<1x128xf32>
    %mul3A_162 = vector.broadcast %broadcast_in_dim3A_158 : vector<512x1xf32> to vector<512x128xf32>
    %mul3A_163 = vector.broadcast %get3A_161 : vector<1x128xf32> to vector<512x128xf32>
    %mul3A_164 = arith.mulf %mul3A_162, %mul3A_163 : vector<512x128xf32>
    %get3A_165 = arith.constant 0 : index
    %get3A_166 = arith.constant 0 : index
    %get3A_167 = vector.load %arg5[%get3A_165, %get3A_166] : memref<1x128xf32, #tpu.memory_space<vmem>>, vector<1x128xf32>
    %add3A_168 = vector.broadcast %get3A_167 : vector<1x128xf32> to vector<512x128xf32>
    %add3A_169 = arith.addf %mul3A_164, %add3A_168 : vector<512x128xf32>
    %max3A_170 = arith.constant 0.000000e+00 : f32
    %max3A_171 = vector.broadcast %max3A_170 : f32 to vector<512x128xf32>
    %max3A_172 = arith.maximumf %add3A_169, %max3A_171 : vector<512x128xf32>
    %get3A_173 = arith.constant 0 : index
    %get3A_174 = arith.constant 0 : index
    %get3A_175 = vector.load %arg6[%get3A_173, %get3A_174] : memref<128x1xf32, #tpu.memory_space<vmem>>, vector<128x1xf32>
    %dot_general3A_176 = arith.constant dense<0.000000e+00> : vector<512x1xf32>
    %dot_general3A_177 = tpu.matmul %max3A_172, %get3A_175, %dot_general3A_176 {dimension_numbers = #tpu.dot_dimension_numbers<[1], [0], [0], [1], [0, 0, 1, 1], [], []>, transpose_lhs_hint = false} : vector<512x128xf32>, vector<128x1xf32>, vector<512x1xf32> -> vector<512x1xf32>
    %add3A_178 = vector.broadcast %get3A_153 : f32 to vector<512x1xf32>
    %add3A_179 = arith.addf %dot_general3A_177, %add3A_178 : vector<512x1xf32>
    %get3A_180 = arith.constant 3 : index
    %get3A_181 = arith.constant 0 : index
    %get3A_182 = arith.constant 0 : index
    %get3A_183 = vector.load %arg1[%get3A_180, %get3A_181, %get3A_182] : memref<16x512x128xf32, #tpu.memory_space<vmem>>, vector<1x512x128xf32>
    %get3A_184 = vector.shape_cast %get3A_183 : vector<1x512x128xf32> to vector<512x128xf32>
    %mul3A_185 = vector.broadcast %add3A_179 : vector<512x1xf32> to vector<512x128xf32>
    %mul3A_186 = arith.mulf %get3A_184, %mul3A_185 : vector<512x128xf32>
    %concatenate3A_187 = tpu.concatenate %mul3A_186, %get3A_1 in 1 : vector<512x128xf32>, vector<512x128xf32> -> vector<512x256xf32>
    %get3A_188 = arith.constant 0 : index
    %get3A_189 = arith.constant 0 : index
    %get3A_190 = vector.load %arg8[%get3A_188, %get3A_189] : memref<256x128xf32, #tpu.memory_space<vmem>>, vector<256x128xf32>
    %dot_general3A_191 = arith.constant dense<0.000000e+00> : vector<512x128xf32>
    %dot_general3A_192 = tpu.matmul %concatenate3A_187, %get3A_190, %dot_general3A_191 {dimension_numbers = #tpu.dot_dimension_numbers<[1], [0], [0], [1], [0, 0, 1, 1], [], []>, transpose_lhs_hint = false} : vector<512x256xf32>, vector<256x128xf32>, vector<512x128xf32> -> vector<512x128xf32>
    %get3A_193 = arith.constant 0 : index
    %get3A_194 = arith.constant 0 : index
    %get3A_195 = vector.load %arg9[%get3A_193, %get3A_194] : memref<1x128xf32, #tpu.memory_space<vmem>>, vector<1x128xf32>
    %add3A_196 = vector.broadcast %get3A_195 : vector<1x128xf32> to vector<512x128xf32>
    %add3A_197 = arith.addf %dot_general3A_192, %add3A_196 : vector<512x128xf32>
    %max3A_198 = arith.constant 0.000000e+00 : f32
    %max3A_199 = vector.broadcast %max3A_198 : f32 to vector<512x128xf32>
    %max3A_200 = arith.maximumf %add3A_197, %max3A_199 : vector<512x128xf32>
    %add3A_201 = arith.addf %add3A_150, %max3A_200 : vector<512x128xf32>
    %get3A_202 = arith.constant 0 : index
    %get3A_203 = arith.constant 0 : index
    %get3A_204 = memref.load %arg7[%get3A_202, %get3A_203] : memref<1x1xf32, #tpu.memory_space<smem>>
    %get3A_205 = arith.constant 4 : index
    %get3A_206 = arith.constant 0 : index
    %get3A_207 = vector.load %arg2[%get3A_205, %get3A_206] : memref<16x512xf32, #tpu.memory_space<vmem>>, vector<1x512xf32>
    %get3A_208 = vector.shape_cast %get3A_207 : vector<1x512xf32> to vector<512xf32>
    %broadcast_in_dim3A_209 = vector.shape_cast %get3A_208 : vector<512xf32> to vector<512x1xf32>
    %get3A_210 = arith.constant 0 : index
    %get3A_211 = arith.constant 0 : index
    %get3A_212 = vector.load %arg4[%get3A_210, %get3A_211] : memref<1x128xf32, #tpu.memory_space<vmem>>, vector<1x128xf32>
    %mul3A_213 = vector.broadcast %broadcast_in_dim3A_209 : vector<512x1xf32> to vector<512x128xf32>
    %mul3A_214 = vector.broadcast %get3A_212 : vector<1x128xf32> to vector<512x128xf32>
    %mul3A_215 = arith.mulf %mul3A_213, %mul3A_214 : vector<512x128xf32>
    %get3A_216 = arith.constant 0 : index
    %get3A_217 = arith.constant 0 : index
    %get3A_218 = vector.load %arg5[%get3A_216, %get3A_217] : memref<1x128xf32, #tpu.memory_space<vmem>>, vector<1x128xf32>
    %add3A_219 = vector.broadcast %get3A_218 : vector<1x128xf32> to vector<512x128xf32>
    %add3A_220 = arith.addf %mul3A_215, %add3A_219 : vector<512x128xf32>
    %max3A_221 = arith.constant 0.000000e+00 : f32
    %max3A_222 = vector.broadcast %max3A_221 : f32 to vector<512x128xf32>
    %max3A_223 = arith.maximumf %add3A_220, %max3A_222 : vector<512x128xf32>
    %get3A_224 = arith.constant 0 : index
    %get3A_225 = arith.constant 0 : index
    %get3A_226 = vector.load %arg6[%get3A_224, %get3A_225] : memref<128x1xf32, #tpu.memory_space<vmem>>, vector<128x1xf32>
    %dot_general3A_227 = arith.constant dense<0.000000e+00> : vector<512x1xf32>
    %dot_general3A_228 = tpu.matmul %max3A_223, %get3A_226, %dot_general3A_227 {dimension_numbers = #tpu.dot_dimension_numbers<[1], [0], [0], [1], [0, 0, 1, 1], [], []>, transpose_lhs_hint = false} : vector<512x128xf32>, vector<128x1xf32>, vector<512x1xf32> -> vector<512x1xf32>
    %add3A_229 = vector.broadcast %get3A_204 : f32 to vector<512x1xf32>
    %add3A_230 = arith.addf %dot_general3A_228, %add3A_229 : vector<512x1xf32>
    %get3A_231 = arith.constant 4 : index
    %get3A_232 = arith.constant 0 : index
    %get3A_233 = arith.constant 0 : index
    %get3A_234 = vector.load %arg1[%get3A_231, %get3A_232, %get3A_233] : memref<16x512x128xf32, #tpu.memory_space<vmem>>, vector<1x512x128xf32>
    %get3A_235 = vector.shape_cast %get3A_234 : vector<1x512x128xf32> to vector<512x128xf32>
    %mul3A_236 = vector.broadcast %add3A_230 : vector<512x1xf32> to vector<512x128xf32>
    %mul3A_237 = arith.mulf %get3A_235, %mul3A_236 : vector<512x128xf32>
    %concatenate3A_238 = tpu.concatenate %mul3A_237, %get3A_1 in 1 : vector<512x128xf32>, vector<512x128xf32> -> vector<512x256xf32>
    %get3A_239 = arith.constant 0 : index
    %get3A_240 = arith.constant 0 : index
    %get3A_241 = vector.load %arg8[%get3A_239, %get3A_240] : memref<256x128xf32, #tpu.memory_space<vmem>>, vector<256x128xf32>
    %dot_general3A_242 = arith.constant dense<0.000000e+00> : vector<512x128xf32>
    %dot_general3A_243 = tpu.matmul %concatenate3A_238, %get3A_241, %dot_general3A_242 {dimension_numbers = #tpu.dot_dimension_numbers<[1], [0], [0], [1], [0, 0, 1, 1], [], []>, transpose_lhs_hint = false} : vector<512x256xf32>, vector<256x128xf32>, vector<512x128xf32> -> vector<512x128xf32>
    %get3A_244 = arith.constant 0 : index
    %get3A_245 = arith.constant 0 : index
    %get3A_246 = vector.load %arg9[%get3A_244, %get3A_245] : memref<1x128xf32, #tpu.memory_space<vmem>>, vector<1x128xf32>
    %add3A_247 = vector.broadcast %get3A_246 : vector<1x128xf32> to vector<512x128xf32>
    %add3A_248 = arith.addf %dot_general3A_243, %add3A_247 : vector<512x128xf32>
    %max3A_249 = arith.constant 0.000000e+00 : f32
    %max3A_250 = vector.broadcast %max3A_249 : f32 to vector<512x128xf32>
    %max3A_251 = arith.maximumf %add3A_248, %max3A_250 : vector<512x128xf32>
    %add3A_252 = arith.addf %add3A_201, %max3A_251 : vector<512x128xf32>
    %get3A_253 = arith.constant 0 : index
    %get3A_254 = arith.constant 0 : index
    %get3A_255 = memref.load %arg7[%get3A_253, %get3A_254] : memref<1x1xf32, #tpu.memory_space<smem>>
    %get3A_256 = arith.constant 5 : index
    %get3A_257 = arith.constant 0 : index
    %get3A_258 = vector.load %arg2[%get3A_256, %get3A_257] : memref<16x512xf32, #tpu.memory_space<vmem>>, vector<1x512xf32>
    %get3A_259 = vector.shape_cast %get3A_258 : vector<1x512xf32> to vector<512xf32>
    %broadcast_in_dim3A_260 = vector.shape_cast %get3A_259 : vector<512xf32> to vector<512x1xf32>
    %get3A_261 = arith.constant 0 : index
    %get3A_262 = arith.constant 0 : index
    %get3A_263 = vector.load %arg4[%get3A_261, %get3A_262] : memref<1x128xf32, #tpu.memory_space<vmem>>, vector<1x128xf32>
    %mul3A_264 = vector.broadcast %broadcast_in_dim3A_260 : vector<512x1xf32> to vector<512x128xf32>
    %mul3A_265 = vector.broadcast %get3A_263 : vector<1x128xf32> to vector<512x128xf32>
    %mul3A_266 = arith.mulf %mul3A_264, %mul3A_265 : vector<512x128xf32>
    %get3A_267 = arith.constant 0 : index
    %get3A_268 = arith.constant 0 : index
    %get3A_269 = vector.load %arg5[%get3A_267, %get3A_268] : memref<1x128xf32, #tpu.memory_space<vmem>>, vector<1x128xf32>
    %add3A_270 = vector.broadcast %get3A_269 : vector<1x128xf32> to vector<512x128xf32>
    %add3A_271 = arith.addf %mul3A_266, %add3A_270 : vector<512x128xf32>
    %max3A_272 = arith.constant 0.000000e+00 : f32
    %max3A_273 = vector.broadcast %max3A_272 : f32 to vector<512x128xf32>
    %max3A_274 = arith.maximumf %add3A_271, %max3A_273 : vector<512x128xf32>
    %get3A_275 = arith.constant 0 : index
    %get3A_276 = arith.constant 0 : index
    %get3A_277 = vector.load %arg6[%get3A_275, %get3A_276] : memref<128x1xf32, #tpu.memory_space<vmem>>, vector<128x1xf32>
    %dot_general3A_278 = arith.constant dense<0.000000e+00> : vector<512x1xf32>
    %dot_general3A_279 = tpu.matmul %max3A_274, %get3A_277, %dot_general3A_278 {dimension_numbers = #tpu.dot_dimension_numbers<[1], [0], [0], [1], [0, 0, 1, 1], [], []>, transpose_lhs_hint = false} : vector<512x128xf32>, vector<128x1xf32>, vector<512x1xf32> -> vector<512x1xf32>
    %add3A_280 = vector.broadcast %get3A_255 : f32 to vector<512x1xf32>
    %add3A_281 = arith.addf %dot_general3A_279, %add3A_280 : vector<512x1xf32>
    %get3A_282 = arith.constant 5 : index
    %get3A_283 = arith.constant 0 : index
    %get3A_284 = arith.constant 0 : index
    %get3A_285 = vector.load %arg1[%get3A_282, %get3A_283, %get3A_284] : memref<16x512x128xf32, #tpu.memory_space<vmem>>, vector<1x512x128xf32>
    %get3A_286 = vector.shape_cast %get3A_285 : vector<1x512x128xf32> to vector<512x128xf32>
    %mul3A_287 = vector.broadcast %add3A_281 : vector<512x1xf32> to vector<512x128xf32>
    %mul3A_288 = arith.mulf %get3A_286, %mul3A_287 : vector<512x128xf32>
    %concatenate3A_289 = tpu.concatenate %mul3A_288, %get3A_1 in 1 : vector<512x128xf32>, vector<512x128xf32> -> vector<512x256xf32>
    %get3A_290 = arith.constant 0 : index
    %get3A_291 = arith.constant 0 : index
    %get3A_292 = vector.load %arg8[%get3A_290, %get3A_291] : memref<256x128xf32, #tpu.memory_space<vmem>>, vector<256x128xf32>
    %dot_general3A_293 = arith.constant dense<0.000000e+00> : vector<512x128xf32>
    %dot_general3A_294 = tpu.matmul %concatenate3A_289, %get3A_292, %dot_general3A_293 {dimension_numbers = #tpu.dot_dimension_numbers<[1], [0], [0], [1], [0, 0, 1, 1], [], []>, transpose_lhs_hint = false} : vector<512x256xf32>, vector<256x128xf32>, vector<512x128xf32> -> vector<512x128xf32>
    %get3A_295 = arith.constant 0 : index
    %get3A_296 = arith.constant 0 : index
    %get3A_297 = vector.load %arg9[%get3A_295, %get3A_296] : memref<1x128xf32, #tpu.memory_space<vmem>>, vector<1x128xf32>
    %add3A_298 = vector.broadcast %get3A_297 : vector<1x128xf32> to vector<512x128xf32>
    %add3A_299 = arith.addf %dot_general3A_294, %add3A_298 : vector<512x128xf32>
    %max3A_300 = arith.constant 0.000000e+00 : f32
    %max3A_301 = vector.broadcast %max3A_300 : f32 to vector<512x128xf32>
    %max3A_302 = arith.maximumf %add3A_299, %max3A_301 : vector<512x128xf32>
    %add3A_303 = arith.addf %add3A_252, %max3A_302 : vector<512x128xf32>
    %get3A_304 = arith.constant 0 : index
    %get3A_305 = arith.constant 0 : index
    %get3A_306 = memref.load %arg7[%get3A_304, %get3A_305] : memref<1x1xf32, #tpu.memory_space<smem>>
    %get3A_307 = arith.constant 6 : index
    %get3A_308 = arith.constant 0 : index
    %get3A_309 = vector.load %arg2[%get3A_307, %get3A_308] : memref<16x512xf32, #tpu.memory_space<vmem>>, vector<1x512xf32>
    %get3A_310 = vector.shape_cast %get3A_309 : vector<1x512xf32> to vector<512xf32>
    %broadcast_in_dim3A_311 = vector.shape_cast %get3A_310 : vector<512xf32> to vector<512x1xf32>
    %get3A_312 = arith.constant 0 : index
    %get3A_313 = arith.constant 0 : index
    %get3A_314 = vector.load %arg4[%get3A_312, %get3A_313] : memref<1x128xf32, #tpu.memory_space<vmem>>, vector<1x128xf32>
    %mul3A_315 = vector.broadcast %broadcast_in_dim3A_311 : vector<512x1xf32> to vector<512x128xf32>
    %mul3A_316 = vector.broadcast %get3A_314 : vector<1x128xf32> to vector<512x128xf32>
    %mul3A_317 = arith.mulf %mul3A_315, %mul3A_316 : vector<512x128xf32>
    %get3A_318 = arith.constant 0 : index
    %get3A_319 = arith.constant 0 : index
    %get3A_320 = vector.load %arg5[%get3A_318, %get3A_319] : memref<1x128xf32, #tpu.memory_space<vmem>>, vector<1x128xf32>
    %add3A_321 = vector.broadcast %get3A_320 : vector<1x128xf32> to vector<512x128xf32>
    %add3A_322 = arith.addf %mul3A_317, %add3A_321 : vector<512x128xf32>
    %max3A_323 = arith.constant 0.000000e+00 : f32
    %max3A_324 = vector.broadcast %max3A_323 : f32 to vector<512x128xf32>
    %max3A_325 = arith.maximumf %add3A_322, %max3A_324 : vector<512x128xf32>
    %get3A_326 = arith.constant 0 : index
    %get3A_327 = arith.constant 0 : index
    %get3A_328 = vector.load %arg6[%get3A_326, %get3A_327] : memref<128x1xf32, #tpu.memory_space<vmem>>, vector<128x1xf32>
    %dot_general3A_329 = arith.constant dense<0.000000e+00> : vector<512x1xf32>
    %dot_general3A_330 = tpu.matmul %max3A_325, %get3A_328, %dot_general3A_329 {dimension_numbers = #tpu.dot_dimension_numbers<[1], [0], [0], [1], [0, 0, 1, 1], [], []>, transpose_lhs_hint = false} : vector<512x128xf32>, vector<128x1xf32>, vector<512x1xf32> -> vector<512x1xf32>
    %add3A_331 = vector.broadcast %get3A_306 : f32 to vector<512x1xf32>
    %add3A_332 = arith.addf %dot_general3A_330, %add3A_331 : vector<512x1xf32>
    %get3A_333 = arith.constant 6 : index
    %get3A_334 = arith.constant 0 : index
    %get3A_335 = arith.constant 0 : index
    %get3A_336 = vector.load %arg1[%get3A_333, %get3A_334, %get3A_335] : memref<16x512x128xf32, #tpu.memory_space<vmem>>, vector<1x512x128xf32>
    %get3A_337 = vector.shape_cast %get3A_336 : vector<1x512x128xf32> to vector<512x128xf32>
    %mul3A_338 = vector.broadcast %add3A_332 : vector<512x1xf32> to vector<512x128xf32>
    %mul3A_339 = arith.mulf %get3A_337, %mul3A_338 : vector<512x128xf32>
    %concatenate3A_340 = tpu.concatenate %mul3A_339, %get3A_1 in 1 : vector<512x128xf32>, vector<512x128xf32> -> vector<512x256xf32>
    %get3A_341 = arith.constant 0 : index
    %get3A_342 = arith.constant 0 : index
    %get3A_343 = vector.load %arg8[%get3A_341, %get3A_342] : memref<256x128xf32, #tpu.memory_space<vmem>>, vector<256x128xf32>
    %dot_general3A_344 = arith.constant dense<0.000000e+00> : vector<512x128xf32>
    %dot_general3A_345 = tpu.matmul %concatenate3A_340, %get3A_343, %dot_general3A_344 {dimension_numbers = #tpu.dot_dimension_numbers<[1], [0], [0], [1], [0, 0, 1, 1], [], []>, transpose_lhs_hint = false} : vector<512x256xf32>, vector<256x128xf32>, vector<512x128xf32> -> vector<512x128xf32>
    %get3A_346 = arith.constant 0 : index
    %get3A_347 = arith.constant 0 : index
    %get3A_348 = vector.load %arg9[%get3A_346, %get3A_347] : memref<1x128xf32, #tpu.memory_space<vmem>>, vector<1x128xf32>
    %add3A_349 = vector.broadcast %get3A_348 : vector<1x128xf32> to vector<512x128xf32>
    %add3A_350 = arith.addf %dot_general3A_345, %add3A_349 : vector<512x128xf32>
    %max3A_351 = arith.constant 0.000000e+00 : f32
    %max3A_352 = vector.broadcast %max3A_351 : f32 to vector<512x128xf32>
    %max3A_353 = arith.maximumf %add3A_350, %max3A_352 : vector<512x128xf32>
    %add3A_354 = arith.addf %add3A_303, %max3A_353 : vector<512x128xf32>
    %get3A_355 = arith.constant 0 : index
    %get3A_356 = arith.constant 0 : index
    %get3A_357 = memref.load %arg7[%get3A_355, %get3A_356] : memref<1x1xf32, #tpu.memory_space<smem>>
    %get3A_358 = arith.constant 7 : index
    %get3A_359 = arith.constant 0 : index
    %get3A_360 = vector.load %arg2[%get3A_358, %get3A_359] : memref<16x512xf32, #tpu.memory_space<vmem>>, vector<1x512xf32>
    %get3A_361 = vector.shape_cast %get3A_360 : vector<1x512xf32> to vector<512xf32>
    %broadcast_in_dim3A_362 = vector.shape_cast %get3A_361 : vector<512xf32> to vector<512x1xf32>
    %get3A_363 = arith.constant 0 : index
    %get3A_364 = arith.constant 0 : index
    %get3A_365 = vector.load %arg4[%get3A_363, %get3A_364] : memref<1x128xf32, #tpu.memory_space<vmem>>, vector<1x128xf32>
    %mul3A_366 = vector.broadcast %broadcast_in_dim3A_362 : vector<512x1xf32> to vector<512x128xf32>
    %mul3A_367 = vector.broadcast %get3A_365 : vector<1x128xf32> to vector<512x128xf32>
    %mul3A_368 = arith.mulf %mul3A_366, %mul3A_367 : vector<512x128xf32>
    %get3A_369 = arith.constant 0 : index
    %get3A_370 = arith.constant 0 : index
    %get3A_371 = vector.load %arg5[%get3A_369, %get3A_370] : memref<1x128xf32, #tpu.memory_space<vmem>>, vector<1x128xf32>
    %add3A_372 = vector.broadcast %get3A_371 : vector<1x128xf32> to vector<512x128xf32>
    %add3A_373 = arith.addf %mul3A_368, %add3A_372 : vector<512x128xf32>
    %max3A_374 = arith.constant 0.000000e+00 : f32
    %max3A_375 = vector.broadcast %max3A_374 : f32 to vector<512x128xf32>
    %max3A_376 = arith.maximumf %add3A_373, %max3A_375 : vector<512x128xf32>
    %get3A_377 = arith.constant 0 : index
    %get3A_378 = arith.constant 0 : index
    %get3A_379 = vector.load %arg6[%get3A_377, %get3A_378] : memref<128x1xf32, #tpu.memory_space<vmem>>, vector<128x1xf32>
    %dot_general3A_380 = arith.constant dense<0.000000e+00> : vector<512x1xf32>
    %dot_general3A_381 = tpu.matmul %max3A_376, %get3A_379, %dot_general3A_380 {dimension_numbers = #tpu.dot_dimension_numbers<[1], [0], [0], [1], [0, 0, 1, 1], [], []>, transpose_lhs_hint = false} : vector<512x128xf32>, vector<128x1xf32>, vector<512x1xf32> -> vector<512x1xf32>
    %add3A_382 = vector.broadcast %get3A_357 : f32 to vector<512x1xf32>
    %add3A_383 = arith.addf %dot_general3A_381, %add3A_382 : vector<512x1xf32>
    %get3A_384 = arith.constant 7 : index
    %get3A_385 = arith.constant 0 : index
    %get3A_386 = arith.constant 0 : index
    %get3A_387 = vector.load %arg1[%get3A_384, %get3A_385, %get3A_386] : memref<16x512x128xf32, #tpu.memory_space<vmem>>, vector<1x512x128xf32>
    %get3A_388 = vector.shape_cast %get3A_387 : vector<1x512x128xf32> to vector<512x128xf32>
    %mul3A_389 = vector.broadcast %add3A_383 : vector<512x1xf32> to vector<512x128xf32>
    %mul3A_390 = arith.mulf %get3A_388, %mul3A_389 : vector<512x128xf32>
    %concatenate3A_391 = tpu.concatenate %mul3A_390, %get3A_1 in 1 : vector<512x128xf32>, vector<512x128xf32> -> vector<512x256xf32>
    %get3A_392 = arith.constant 0 : index
    %get3A_393 = arith.constant 0 : index
    %get3A_394 = vector.load %arg8[%get3A_392, %get3A_393] : memref<256x128xf32, #tpu.memory_space<vmem>>, vector<256x128xf32>
    %dot_general3A_395 = arith.constant dense<0.000000e+00> : vector<512x128xf32>
    %dot_general3A_396 = tpu.matmul %concatenate3A_391, %get3A_394, %dot_general3A_395 {dimension_numbers = #tpu.dot_dimension_numbers<[1], [0], [0], [1], [0, 0, 1, 1], [], []>, transpose_lhs_hint = false} : vector<512x256xf32>, vector<256x128xf32>, vector<512x128xf32> -> vector<512x128xf32>
    %get3A_397 = arith.constant 0 : index
    %get3A_398 = arith.constant 0 : index
    %get3A_399 = vector.load %arg9[%get3A_397, %get3A_398] : memref<1x128xf32, #tpu.memory_space<vmem>>, vector<1x128xf32>
    %add3A_400 = vector.broadcast %get3A_399 : vector<1x128xf32> to vector<512x128xf32>
    %add3A_401 = arith.addf %dot_general3A_396, %add3A_400 : vector<512x128xf32>
    %max3A_402 = arith.constant 0.000000e+00 : f32
    %max3A_403 = vector.broadcast %max3A_402 : f32 to vector<512x128xf32>
    %max3A_404 = arith.maximumf %add3A_401, %max3A_403 : vector<512x128xf32>
    %add3A_405 = arith.addf %add3A_354, %max3A_404 : vector<512x128xf32>
    %get3A_406 = arith.constant 0 : index
    %get3A_407 = arith.constant 0 : index
    %get3A_408 = memref.load %arg7[%get3A_406, %get3A_407] : memref<1x1xf32, #tpu.memory_space<smem>>
    %get3A_409 = arith.constant 8 : index
    %get3A_410 = arith.constant 0 : index
    %get3A_411 = vector.load %arg2[%get3A_409, %get3A_410] : memref<16x512xf32, #tpu.memory_space<vmem>>, vector<1x512xf32>
    %get3A_412 = vector.shape_cast %get3A_411 : vector<1x512xf32> to vector<512xf32>
    %broadcast_in_dim3A_413 = vector.shape_cast %get3A_412 : vector<512xf32> to vector<512x1xf32>
    %get3A_414 = arith.constant 0 : index
    %get3A_415 = arith.constant 0 : index
    %get3A_416 = vector.load %arg4[%get3A_414, %get3A_415] : memref<1x128xf32, #tpu.memory_space<vmem>>, vector<1x128xf32>
    %mul3A_417 = vector.broadcast %broadcast_in_dim3A_413 : vector<512x1xf32> to vector<512x128xf32>
    %mul3A_418 = vector.broadcast %get3A_416 : vector<1x128xf32> to vector<512x128xf32>
    %mul3A_419 = arith.mulf %mul3A_417, %mul3A_418 : vector<512x128xf32>
    %get3A_420 = arith.constant 0 : index
    %get3A_421 = arith.constant 0 : index
    %get3A_422 = vector.load %arg5[%get3A_420, %get3A_421] : memref<1x128xf32, #tpu.memory_space<vmem>>, vector<1x128xf32>
    %add3A_423 = vector.broadcast %get3A_422 : vector<1x128xf32> to vector<512x128xf32>
    %add3A_424 = arith.addf %mul3A_419, %add3A_423 : vector<512x128xf32>
    %max3A_425 = arith.constant 0.000000e+00 : f32
    %max3A_426 = vector.broadcast %max3A_425 : f32 to vector<512x128xf32>
    %max3A_427 = arith.maximumf %add3A_424, %max3A_426 : vector<512x128xf32>
    %get3A_428 = arith.constant 0 : index
    %get3A_429 = arith.constant 0 : index
    %get3A_430 = vector.load %arg6[%get3A_428, %get3A_429] : memref<128x1xf32, #tpu.memory_space<vmem>>, vector<128x1xf32>
    %dot_general3A_431 = arith.constant dense<0.000000e+00> : vector<512x1xf32>
    %dot_general3A_432 = tpu.matmul %max3A_427, %get3A_430, %dot_general3A_431 {dimension_numbers = #tpu.dot_dimension_numbers<[1], [0], [0], [1], [0, 0, 1, 1], [], []>, transpose_lhs_hint = false} : vector<512x128xf32>, vector<128x1xf32>, vector<512x1xf32> -> vector<512x1xf32>
    %add3A_433 = vector.broadcast %get3A_408 : f32 to vector<512x1xf32>
    %add3A_434 = arith.addf %dot_general3A_432, %add3A_433 : vector<512x1xf32>
    %get3A_435 = arith.constant 8 : index
    %get3A_436 = arith.constant 0 : index
    %get3A_437 = arith.constant 0 : index
    %get3A_438 = vector.load %arg1[%get3A_435, %get3A_436, %get3A_437] : memref<16x512x128xf32, #tpu.memory_space<vmem>>, vector<1x512x128xf32>
    %get3A_439 = vector.shape_cast %get3A_438 : vector<1x512x128xf32> to vector<512x128xf32>
    %mul3A_440 = vector.broadcast %add3A_434 : vector<512x1xf32> to vector<512x128xf32>
    %mul3A_441 = arith.mulf %get3A_439, %mul3A_440 : vector<512x128xf32>
    %concatenate3A_442 = tpu.concatenate %mul3A_441, %get3A_1 in 1 : vector<512x128xf32>, vector<512x128xf32> -> vector<512x256xf32>
    %get3A_443 = arith.constant 0 : index
    %get3A_444 = arith.constant 0 : index
    %get3A_445 = vector.load %arg8[%get3A_443, %get3A_444] : memref<256x128xf32, #tpu.memory_space<vmem>>, vector<256x128xf32>
    %dot_general3A_446 = arith.constant dense<0.000000e+00> : vector<512x128xf32>
    %dot_general3A_447 = tpu.matmul %concatenate3A_442, %get3A_445, %dot_general3A_446 {dimension_numbers = #tpu.dot_dimension_numbers<[1], [0], [0], [1], [0, 0, 1, 1], [], []>, transpose_lhs_hint = false} : vector<512x256xf32>, vector<256x128xf32>, vector<512x128xf32> -> vector<512x128xf32>
    %get3A_448 = arith.constant 0 : index
    %get3A_449 = arith.constant 0 : index
    %get3A_450 = vector.load %arg9[%get3A_448, %get3A_449] : memref<1x128xf32, #tpu.memory_space<vmem>>, vector<1x128xf32>
    %add3A_451 = vector.broadcast %get3A_450 : vector<1x128xf32> to vector<512x128xf32>
    %add3A_452 = arith.addf %dot_general3A_447, %add3A_451 : vector<512x128xf32>
    %max3A_453 = arith.constant 0.000000e+00 : f32
    %max3A_454 = vector.broadcast %max3A_453 : f32 to vector<512x128xf32>
    %max3A_455 = arith.maximumf %add3A_452, %max3A_454 : vector<512x128xf32>
    %add3A_456 = arith.addf %add3A_405, %max3A_455 : vector<512x128xf32>
    %get3A_457 = arith.constant 0 : index
    %get3A_458 = arith.constant 0 : index
    %get3A_459 = memref.load %arg7[%get3A_457, %get3A_458] : memref<1x1xf32, #tpu.memory_space<smem>>
    %get3A_460 = arith.constant 9 : index
    %get3A_461 = arith.constant 0 : index
    %get3A_462 = vector.load %arg2[%get3A_460, %get3A_461] : memref<16x512xf32, #tpu.memory_space<vmem>>, vector<1x512xf32>
    %get3A_463 = vector.shape_cast %get3A_462 : vector<1x512xf32> to vector<512xf32>
    %broadcast_in_dim3A_464 = vector.shape_cast %get3A_463 : vector<512xf32> to vector<512x1xf32>
    %get3A_465 = arith.constant 0 : index
    %get3A_466 = arith.constant 0 : index
    %get3A_467 = vector.load %arg4[%get3A_465, %get3A_466] : memref<1x128xf32, #tpu.memory_space<vmem>>, vector<1x128xf32>
    %mul3A_468 = vector.broadcast %broadcast_in_dim3A_464 : vector<512x1xf32> to vector<512x128xf32>
    %mul3A_469 = vector.broadcast %get3A_467 : vector<1x128xf32> to vector<512x128xf32>
    %mul3A_470 = arith.mulf %mul3A_468, %mul3A_469 : vector<512x128xf32>
    %get3A_471 = arith.constant 0 : index
    %get3A_472 = arith.constant 0 : index
    %get3A_473 = vector.load %arg5[%get3A_471, %get3A_472] : memref<1x128xf32, #tpu.memory_space<vmem>>, vector<1x128xf32>
    %add3A_474 = vector.broadcast %get3A_473 : vector<1x128xf32> to vector<512x128xf32>
    %add3A_475 = arith.addf %mul3A_470, %add3A_474 : vector<512x128xf32>
    %max3A_476 = arith.constant 0.000000e+00 : f32
    %max3A_477 = vector.broadcast %max3A_476 : f32 to vector<512x128xf32>
    %max3A_478 = arith.maximumf %add3A_475, %max3A_477 : vector<512x128xf32>
    %get3A_479 = arith.constant 0 : index
    %get3A_480 = arith.constant 0 : index
    %get3A_481 = vector.load %arg6[%get3A_479, %get3A_480] : memref<128x1xf32, #tpu.memory_space<vmem>>, vector<128x1xf32>
    %dot_general3A_482 = arith.constant dense<0.000000e+00> : vector<512x1xf32>
    %dot_general3A_483 = tpu.matmul %max3A_478, %get3A_481, %dot_general3A_482 {dimension_numbers = #tpu.dot_dimension_numbers<[1], [0], [0], [1], [0, 0, 1, 1], [], []>, transpose_lhs_hint = false} : vector<512x128xf32>, vector<128x1xf32>, vector<512x1xf32> -> vector<512x1xf32>
    %add3A_484 = vector.broadcast %get3A_459 : f32 to vector<512x1xf32>
    %add3A_485 = arith.addf %dot_general3A_483, %add3A_484 : vector<512x1xf32>
    %get3A_486 = arith.constant 9 : index
    %get3A_487 = arith.constant 0 : index
    %get3A_488 = arith.constant 0 : index
    %get3A_489 = vector.load %arg1[%get3A_486, %get3A_487, %get3A_488] : memref<16x512x128xf32, #tpu.memory_space<vmem>>, vector<1x512x128xf32>
    %get3A_490 = vector.shape_cast %get3A_489 : vector<1x512x128xf32> to vector<512x128xf32>
    %mul3A_491 = vector.broadcast %add3A_485 : vector<512x1xf32> to vector<512x128xf32>
    %mul3A_492 = arith.mulf %get3A_490, %mul3A_491 : vector<512x128xf32>
    %concatenate3A_493 = tpu.concatenate %mul3A_492, %get3A_1 in 1 : vector<512x128xf32>, vector<512x128xf32> -> vector<512x256xf32>
    %get3A_494 = arith.constant 0 : index
    %get3A_495 = arith.constant 0 : index
    %get3A_496 = vector.load %arg8[%get3A_494, %get3A_495] : memref<256x128xf32, #tpu.memory_space<vmem>>, vector<256x128xf32>
    %dot_general3A_497 = arith.constant dense<0.000000e+00> : vector<512x128xf32>
    %dot_general3A_498 = tpu.matmul %concatenate3A_493, %get3A_496, %dot_general3A_497 {dimension_numbers = #tpu.dot_dimension_numbers<[1], [0], [0], [1], [0, 0, 1, 1], [], []>, transpose_lhs_hint = false} : vector<512x256xf32>, vector<256x128xf32>, vector<512x128xf32> -> vector<512x128xf32>
    %get3A_499 = arith.constant 0 : index
    %get3A_500 = arith.constant 0 : index
    %get3A_501 = vector.load %arg9[%get3A_499, %get3A_500] : memref<1x128xf32, #tpu.memory_space<vmem>>, vector<1x128xf32>
    %add3A_502 = vector.broadcast %get3A_501 : vector<1x128xf32> to vector<512x128xf32>
    %add3A_503 = arith.addf %dot_general3A_498, %add3A_502 : vector<512x128xf32>
    %max3A_504 = arith.constant 0.000000e+00 : f32
    %max3A_505 = vector.broadcast %max3A_504 : f32 to vector<512x128xf32>
    %max3A_506 = arith.maximumf %add3A_503, %max3A_505 : vector<512x128xf32>
    %add3A_507 = arith.addf %add3A_456, %max3A_506 : vector<512x128xf32>
    %get3A_508 = arith.constant 0 : index
    %get3A_509 = arith.constant 0 : index
    %get3A_510 = memref.load %arg7[%get3A_508, %get3A_509] : memref<1x1xf32, #tpu.memory_space<smem>>
    %get3A_511 = arith.constant 10 : index
    %get3A_512 = arith.constant 0 : index
    %get3A_513 = vector.load %arg2[%get3A_511, %get3A_512] : memref<16x512xf32, #tpu.memory_space<vmem>>, vector<1x512xf32>
    %get3A_514 = vector.shape_cast %get3A_513 : vector<1x512xf32> to vector<512xf32>
    %broadcast_in_dim3A_515 = vector.shape_cast %get3A_514 : vector<512xf32> to vector<512x1xf32>
    %get3A_516 = arith.constant 0 : index
    %get3A_517 = arith.constant 0 : index
    %get3A_518 = vector.load %arg4[%get3A_516, %get3A_517] : memref<1x128xf32, #tpu.memory_space<vmem>>, vector<1x128xf32>
    %mul3A_519 = vector.broadcast %broadcast_in_dim3A_515 : vector<512x1xf32> to vector<512x128xf32>
    %mul3A_520 = vector.broadcast %get3A_518 : vector<1x128xf32> to vector<512x128xf32>
    %mul3A_521 = arith.mulf %mul3A_519, %mul3A_520 : vector<512x128xf32>
    %get3A_522 = arith.constant 0 : index
    %get3A_523 = arith.constant 0 : index
    %get3A_524 = vector.load %arg5[%get3A_522, %get3A_523] : memref<1x128xf32, #tpu.memory_space<vmem>>, vector<1x128xf32>
    %add3A_525 = vector.broadcast %get3A_524 : vector<1x128xf32> to vector<512x128xf32>
    %add3A_526 = arith.addf %mul3A_521, %add3A_525 : vector<512x128xf32>
    %max3A_527 = arith.constant 0.000000e+00 : f32
    %max3A_528 = vector.broadcast %max3A_527 : f32 to vector<512x128xf32>
    %max3A_529 = arith.maximumf %add3A_526, %max3A_528 : vector<512x128xf32>
    %get3A_530 = arith.constant 0 : index
    %get3A_531 = arith.constant 0 : index
    %get3A_532 = vector.load %arg6[%get3A_530, %get3A_531] : memref<128x1xf32, #tpu.memory_space<vmem>>, vector<128x1xf32>
    %dot_general3A_533 = arith.constant dense<0.000000e+00> : vector<512x1xf32>
    %dot_general3A_534 = tpu.matmul %max3A_529, %get3A_532, %dot_general3A_533 {dimension_numbers = #tpu.dot_dimension_numbers<[1], [0], [0], [1], [0, 0, 1, 1], [], []>, transpose_lhs_hint = false} : vector<512x128xf32>, vector<128x1xf32>, vector<512x1xf32> -> vector<512x1xf32>
    %add3A_535 = vector.broadcast %get3A_510 : f32 to vector<512x1xf32>
    %add3A_536 = arith.addf %dot_general3A_534, %add3A_535 : vector<512x1xf32>
    %get3A_537 = arith.constant 10 : index
    %get3A_538 = arith.constant 0 : index
    %get3A_539 = arith.constant 0 : index
    %get3A_540 = vector.load %arg1[%get3A_537, %get3A_538, %get3A_539] : memref<16x512x128xf32, #tpu.memory_space<vmem>>, vector<1x512x128xf32>
    %get3A_541 = vector.shape_cast %get3A_540 : vector<1x512x128xf32> to vector<512x128xf32>
    %mul3A_542 = vector.broadcast %add3A_536 : vector<512x1xf32> to vector<512x128xf32>
    %mul3A_543 = arith.mulf %get3A_541, %mul3A_542 : vector<512x128xf32>
    %concatenate3A_544 = tpu.concatenate %mul3A_543, %get3A_1 in 1 : vector<512x128xf32>, vector<512x128xf32> -> vector<512x256xf32>
    %get3A_545 = arith.constant 0 : index
    %get3A_546 = arith.constant 0 : index
    %get3A_547 = vector.load %arg8[%get3A_545, %get3A_546] : memref<256x128xf32, #tpu.memory_space<vmem>>, vector<256x128xf32>
    %dot_general3A_548 = arith.constant dense<0.000000e+00> : vector<512x128xf32>
    %dot_general3A_549 = tpu.matmul %concatenate3A_544, %get3A_547, %dot_general3A_548 {dimension_numbers = #tpu.dot_dimension_numbers<[1], [0], [0], [1], [0, 0, 1, 1], [], []>, transpose_lhs_hint = false} : vector<512x256xf32>, vector<256x128xf32>, vector<512x128xf32> -> vector<512x128xf32>
    %get3A_550 = arith.constant 0 : index
    %get3A_551 = arith.constant 0 : index
    %get3A_552 = vector.load %arg9[%get3A_550, %get3A_551] : memref<1x128xf32, #tpu.memory_space<vmem>>, vector<1x128xf32>
    %add3A_553 = vector.broadcast %get3A_552 : vector<1x128xf32> to vector<512x128xf32>
    %add3A_554 = arith.addf %dot_general3A_549, %add3A_553 : vector<512x128xf32>
    %max3A_555 = arith.constant 0.000000e+00 : f32
    %max3A_556 = vector.broadcast %max3A_555 : f32 to vector<512x128xf32>
    %max3A_557 = arith.maximumf %add3A_554, %max3A_556 : vector<512x128xf32>
    %add3A_558 = arith.addf %add3A_507, %max3A_557 : vector<512x128xf32>
    %get3A_559 = arith.constant 0 : index
    %get3A_560 = arith.constant 0 : index
    %get3A_561 = memref.load %arg7[%get3A_559, %get3A_560] : memref<1x1xf32, #tpu.memory_space<smem>>
    %get3A_562 = arith.constant 11 : index
    %get3A_563 = arith.constant 0 : index
    %get3A_564 = vector.load %arg2[%get3A_562, %get3A_563] : memref<16x512xf32, #tpu.memory_space<vmem>>, vector<1x512xf32>
    %get3A_565 = vector.shape_cast %get3A_564 : vector<1x512xf32> to vector<512xf32>
    %broadcast_in_dim3A_566 = vector.shape_cast %get3A_565 : vector<512xf32> to vector<512x1xf32>
    %get3A_567 = arith.constant 0 : index
    %get3A_568 = arith.constant 0 : index
    %get3A_569 = vector.load %arg4[%get3A_567, %get3A_568] : memref<1x128xf32, #tpu.memory_space<vmem>>, vector<1x128xf32>
    %mul3A_570 = vector.broadcast %broadcast_in_dim3A_566 : vector<512x1xf32> to vector<512x128xf32>
    %mul3A_571 = vector.broadcast %get3A_569 : vector<1x128xf32> to vector<512x128xf32>
    %mul3A_572 = arith.mulf %mul3A_570, %mul3A_571 : vector<512x128xf32>
    %get3A_573 = arith.constant 0 : index
    %get3A_574 = arith.constant 0 : index
    %get3A_575 = vector.load %arg5[%get3A_573, %get3A_574] : memref<1x128xf32, #tpu.memory_space<vmem>>, vector<1x128xf32>
    %add3A_576 = vector.broadcast %get3A_575 : vector<1x128xf32> to vector<512x128xf32>
    %add3A_577 = arith.addf %mul3A_572, %add3A_576 : vector<512x128xf32>
    %max3A_578 = arith.constant 0.000000e+00 : f32
    %max3A_579 = vector.broadcast %max3A_578 : f32 to vector<512x128xf32>
    %max3A_580 = arith.maximumf %add3A_577, %max3A_579 : vector<512x128xf32>
    %get3A_581 = arith.constant 0 : index
    %get3A_582 = arith.constant 0 : index
    %get3A_583 = vector.load %arg6[%get3A_581, %get3A_582] : memref<128x1xf32, #tpu.memory_space<vmem>>, vector<128x1xf32>
    %dot_general3A_584 = arith.constant dense<0.000000e+00> : vector<512x1xf32>
    %dot_general3A_585 = tpu.matmul %max3A_580, %get3A_583, %dot_general3A_584 {dimension_numbers = #tpu.dot_dimension_numbers<[1], [0], [0], [1], [0, 0, 1, 1], [], []>, transpose_lhs_hint = false} : vector<512x128xf32>, vector<128x1xf32>, vector<512x1xf32> -> vector<512x1xf32>
    %add3A_586 = vector.broadcast %get3A_561 : f32 to vector<512x1xf32>
    %add3A_587 = arith.addf %dot_general3A_585, %add3A_586 : vector<512x1xf32>
    %get3A_588 = arith.constant 11 : index
    %get3A_589 = arith.constant 0 : index
    %get3A_590 = arith.constant 0 : index
    %get3A_591 = vector.load %arg1[%get3A_588, %get3A_589, %get3A_590] : memref<16x512x128xf32, #tpu.memory_space<vmem>>, vector<1x512x128xf32>
    %get3A_592 = vector.shape_cast %get3A_591 : vector<1x512x128xf32> to vector<512x128xf32>
    %mul3A_593 = vector.broadcast %add3A_587 : vector<512x1xf32> to vector<512x128xf32>
    %mul3A_594 = arith.mulf %get3A_592, %mul3A_593 : vector<512x128xf32>
    %concatenate3A_595 = tpu.concatenate %mul3A_594, %get3A_1 in 1 : vector<512x128xf32>, vector<512x128xf32> -> vector<512x256xf32>
    %get3A_596 = arith.constant 0 : index
    %get3A_597 = arith.constant 0 : index
    %get3A_598 = vector.load %arg8[%get3A_596, %get3A_597] : memref<256x128xf32, #tpu.memory_space<vmem>>, vector<256x128xf32>
    %dot_general3A_599 = arith.constant dense<0.000000e+00> : vector<512x128xf32>
    %dot_general3A_600 = tpu.matmul %concatenate3A_595, %get3A_598, %dot_general3A_599 {dimension_numbers = #tpu.dot_dimension_numbers<[1], [0], [0], [1], [0, 0, 1, 1], [], []>, transpose_lhs_hint = false} : vector<512x256xf32>, vector<256x128xf32>, vector<512x128xf32> -> vector<512x128xf32>
    %get3A_601 = arith.constant 0 : index
    %get3A_602 = arith.constant 0 : index
    %get3A_603 = vector.load %arg9[%get3A_601, %get3A_602] : memref<1x128xf32, #tpu.memory_space<vmem>>, vector<1x128xf32>
    %add3A_604 = vector.broadcast %get3A_603 : vector<1x128xf32> to vector<512x128xf32>
    %add3A_605 = arith.addf %dot_general3A_600, %add3A_604 : vector<512x128xf32>
    %max3A_606 = arith.constant 0.000000e+00 : f32
    %max3A_607 = vector.broadcast %max3A_606 : f32 to vector<512x128xf32>
    %max3A_608 = arith.maximumf %add3A_605, %max3A_607 : vector<512x128xf32>
    %add3A_609 = arith.addf %add3A_558, %max3A_608 : vector<512x128xf32>
    %get3A_610 = arith.constant 0 : index
    %get3A_611 = arith.constant 0 : index
    %get3A_612 = memref.load %arg7[%get3A_610, %get3A_611] : memref<1x1xf32, #tpu.memory_space<smem>>
    %get3A_613 = arith.constant 12 : index
    %get3A_614 = arith.constant 0 : index
    %get3A_615 = vector.load %arg2[%get3A_613, %get3A_614] : memref<16x512xf32, #tpu.memory_space<vmem>>, vector<1x512xf32>
    %get3A_616 = vector.shape_cast %get3A_615 : vector<1x512xf32> to vector<512xf32>
    %broadcast_in_dim3A_617 = vector.shape_cast %get3A_616 : vector<512xf32> to vector<512x1xf32>
    %get3A_618 = arith.constant 0 : index
    %get3A_619 = arith.constant 0 : index
    %get3A_620 = vector.load %arg4[%get3A_618, %get3A_619] : memref<1x128xf32, #tpu.memory_space<vmem>>, vector<1x128xf32>
    %mul3A_621 = vector.broadcast %broadcast_in_dim3A_617 : vector<512x1xf32> to vector<512x128xf32>
    %mul3A_622 = vector.broadcast %get3A_620 : vector<1x128xf32> to vector<512x128xf32>
    %mul3A_623 = arith.mulf %mul3A_621, %mul3A_622 : vector<512x128xf32>
    %get3A_624 = arith.constant 0 : index
    %get3A_625 = arith.constant 0 : index
    %get3A_626 = vector.load %arg5[%get3A_624, %get3A_625] : memref<1x128xf32, #tpu.memory_space<vmem>>, vector<1x128xf32>
    %add3A_627 = vector.broadcast %get3A_626 : vector<1x128xf32> to vector<512x128xf32>
    %add3A_628 = arith.addf %mul3A_623, %add3A_627 : vector<512x128xf32>
    %max3A_629 = arith.constant 0.000000e+00 : f32
    %max3A_630 = vector.broadcast %max3A_629 : f32 to vector<512x128xf32>
    %max3A_631 = arith.maximumf %add3A_628, %max3A_630 : vector<512x128xf32>
    %get3A_632 = arith.constant 0 : index
    %get3A_633 = arith.constant 0 : index
    %get3A_634 = vector.load %arg6[%get3A_632, %get3A_633] : memref<128x1xf32, #tpu.memory_space<vmem>>, vector<128x1xf32>
    %dot_general3A_635 = arith.constant dense<0.000000e+00> : vector<512x1xf32>
    %dot_general3A_636 = tpu.matmul %max3A_631, %get3A_634, %dot_general3A_635 {dimension_numbers = #tpu.dot_dimension_numbers<[1], [0], [0], [1], [0, 0, 1, 1], [], []>, transpose_lhs_hint = false} : vector<512x128xf32>, vector<128x1xf32>, vector<512x1xf32> -> vector<512x1xf32>
    %add3A_637 = vector.broadcast %get3A_612 : f32 to vector<512x1xf32>
    %add3A_638 = arith.addf %dot_general3A_636, %add3A_637 : vector<512x1xf32>
    %get3A_639 = arith.constant 12 : index
    %get3A_640 = arith.constant 0 : index
    %get3A_641 = arith.constant 0 : index
    %get3A_642 = vector.load %arg1[%get3A_639, %get3A_640, %get3A_641] : memref<16x512x128xf32, #tpu.memory_space<vmem>>, vector<1x512x128xf32>
    %get3A_643 = vector.shape_cast %get3A_642 : vector<1x512x128xf32> to vector<512x128xf32>
    %mul3A_644 = vector.broadcast %add3A_638 : vector<512x1xf32> to vector<512x128xf32>
    %mul3A_645 = arith.mulf %get3A_643, %mul3A_644 : vector<512x128xf32>
    %concatenate3A_646 = tpu.concatenate %mul3A_645, %get3A_1 in 1 : vector<512x128xf32>, vector<512x128xf32> -> vector<512x256xf32>
    %get3A_647 = arith.constant 0 : index
    %get3A_648 = arith.constant 0 : index
    %get3A_649 = vector.load %arg8[%get3A_647, %get3A_648] : memref<256x128xf32, #tpu.memory_space<vmem>>, vector<256x128xf32>
    %dot_general3A_650 = arith.constant dense<0.000000e+00> : vector<512x128xf32>
    %dot_general3A_651 = tpu.matmul %concatenate3A_646, %get3A_649, %dot_general3A_650 {dimension_numbers = #tpu.dot_dimension_numbers<[1], [0], [0], [1], [0, 0, 1, 1], [], []>, transpose_lhs_hint = false} : vector<512x256xf32>, vector<256x128xf32>, vector<512x128xf32> -> vector<512x128xf32>
    %get3A_652 = arith.constant 0 : index
    %get3A_653 = arith.constant 0 : index
    %get3A_654 = vector.load %arg9[%get3A_652, %get3A_653] : memref<1x128xf32, #tpu.memory_space<vmem>>, vector<1x128xf32>
    %add3A_655 = vector.broadcast %get3A_654 : vector<1x128xf32> to vector<512x128xf32>
    %add3A_656 = arith.addf %dot_general3A_651, %add3A_655 : vector<512x128xf32>
    %max3A_657 = arith.constant 0.000000e+00 : f32
    %max3A_658 = vector.broadcast %max3A_657 : f32 to vector<512x128xf32>
    %max3A_659 = arith.maximumf %add3A_656, %max3A_658 : vector<512x128xf32>
    %add3A_660 = arith.addf %add3A_609, %max3A_659 : vector<512x128xf32>
    %get3A_661 = arith.constant 0 : index
    %get3A_662 = arith.constant 0 : index
    %get3A_663 = memref.load %arg7[%get3A_661, %get3A_662] : memref<1x1xf32, #tpu.memory_space<smem>>
    %get3A_664 = arith.constant 13 : index
    %get3A_665 = arith.constant 0 : index
    %get3A_666 = vector.load %arg2[%get3A_664, %get3A_665] : memref<16x512xf32, #tpu.memory_space<vmem>>, vector<1x512xf32>
    %get3A_667 = vector.shape_cast %get3A_666 : vector<1x512xf32> to vector<512xf32>
    %broadcast_in_dim3A_668 = vector.shape_cast %get3A_667 : vector<512xf32> to vector<512x1xf32>
    %get3A_669 = arith.constant 0 : index
    %get3A_670 = arith.constant 0 : index
    %get3A_671 = vector.load %arg4[%get3A_669, %get3A_670] : memref<1x128xf32, #tpu.memory_space<vmem>>, vector<1x128xf32>
    %mul3A_672 = vector.broadcast %broadcast_in_dim3A_668 : vector<512x1xf32> to vector<512x128xf32>
    %mul3A_673 = vector.broadcast %get3A_671 : vector<1x128xf32> to vector<512x128xf32>
    %mul3A_674 = arith.mulf %mul3A_672, %mul3A_673 : vector<512x128xf32>
    %get3A_675 = arith.constant 0 : index
    %get3A_676 = arith.constant 0 : index
    %get3A_677 = vector.load %arg5[%get3A_675, %get3A_676] : memref<1x128xf32, #tpu.memory_space<vmem>>, vector<1x128xf32>
    %add3A_678 = vector.broadcast %get3A_677 : vector<1x128xf32> to vector<512x128xf32>
    %add3A_679 = arith.addf %mul3A_674, %add3A_678 : vector<512x128xf32>
    %max3A_680 = arith.constant 0.000000e+00 : f32
    %max3A_681 = vector.broadcast %max3A_680 : f32 to vector<512x128xf32>
    %max3A_682 = arith.maximumf %add3A_679, %max3A_681 : vector<512x128xf32>
    %get3A_683 = arith.constant 0 : index
    %get3A_684 = arith.constant 0 : index
    %get3A_685 = vector.load %arg6[%get3A_683, %get3A_684] : memref<128x1xf32, #tpu.memory_space<vmem>>, vector<128x1xf32>
    %dot_general3A_686 = arith.constant dense<0.000000e+00> : vector<512x1xf32>
    %dot_general3A_687 = tpu.matmul %max3A_682, %get3A_685, %dot_general3A_686 {dimension_numbers = #tpu.dot_dimension_numbers<[1], [0], [0], [1], [0, 0, 1, 1], [], []>, transpose_lhs_hint = false} : vector<512x128xf32>, vector<128x1xf32>, vector<512x1xf32> -> vector<512x1xf32>
    %add3A_688 = vector.broadcast %get3A_663 : f32 to vector<512x1xf32>
    %add3A_689 = arith.addf %dot_general3A_687, %add3A_688 : vector<512x1xf32>
    %get3A_690 = arith.constant 13 : index
    %get3A_691 = arith.constant 0 : index
    %get3A_692 = arith.constant 0 : index
    %get3A_693 = vector.load %arg1[%get3A_690, %get3A_691, %get3A_692] : memref<16x512x128xf32, #tpu.memory_space<vmem>>, vector<1x512x128xf32>
    %get3A_694 = vector.shape_cast %get3A_693 : vector<1x512x128xf32> to vector<512x128xf32>
    %mul3A_695 = vector.broadcast %add3A_689 : vector<512x1xf32> to vector<512x128xf32>
    %mul3A_696 = arith.mulf %get3A_694, %mul3A_695 : vector<512x128xf32>
    %concatenate3A_697 = tpu.concatenate %mul3A_696, %get3A_1 in 1 : vector<512x128xf32>, vector<512x128xf32> -> vector<512x256xf32>
    %get3A_698 = arith.constant 0 : index
    %get3A_699 = arith.constant 0 : index
    %get3A_700 = vector.load %arg8[%get3A_698, %get3A_699] : memref<256x128xf32, #tpu.memory_space<vmem>>, vector<256x128xf32>
    %dot_general3A_701 = arith.constant dense<0.000000e+00> : vector<512x128xf32>
    %dot_general3A_702 = tpu.matmul %concatenate3A_697, %get3A_700, %dot_general3A_701 {dimension_numbers = #tpu.dot_dimension_numbers<[1], [0], [0], [1], [0, 0, 1, 1], [], []>, transpose_lhs_hint = false} : vector<512x256xf32>, vector<256x128xf32>, vector<512x128xf32> -> vector<512x128xf32>
    %get3A_703 = arith.constant 0 : index
    %get3A_704 = arith.constant 0 : index
    %get3A_705 = vector.load %arg9[%get3A_703, %get3A_704] : memref<1x128xf32, #tpu.memory_space<vmem>>, vector<1x128xf32>
    %add3A_706 = vector.broadcast %get3A_705 : vector<1x128xf32> to vector<512x128xf32>
    %add3A_707 = arith.addf %dot_general3A_702, %add3A_706 : vector<512x128xf32>
    %max3A_708 = arith.constant 0.000000e+00 : f32
    %max3A_709 = vector.broadcast %max3A_708 : f32 to vector<512x128xf32>
    %max3A_710 = arith.maximumf %add3A_707, %max3A_709 : vector<512x128xf32>
    %add3A_711 = arith.addf %add3A_660, %max3A_710 : vector<512x128xf32>
    %get3A_712 = arith.constant 0 : index
    %get3A_713 = arith.constant 0 : index
    %get3A_714 = memref.load %arg7[%get3A_712, %get3A_713] : memref<1x1xf32, #tpu.memory_space<smem>>
    %get3A_715 = arith.constant 14 : index
    %get3A_716 = arith.constant 0 : index
    %get3A_717 = vector.load %arg2[%get3A_715, %get3A_716] : memref<16x512xf32, #tpu.memory_space<vmem>>, vector<1x512xf32>
    %get3A_718 = vector.shape_cast %get3A_717 : vector<1x512xf32> to vector<512xf32>
    %broadcast_in_dim3A_719 = vector.shape_cast %get3A_718 : vector<512xf32> to vector<512x1xf32>
    %get3A_720 = arith.constant 0 : index
    %get3A_721 = arith.constant 0 : index
    %get3A_722 = vector.load %arg4[%get3A_720, %get3A_721] : memref<1x128xf32, #tpu.memory_space<vmem>>, vector<1x128xf32>
    %mul3A_723 = vector.broadcast %broadcast_in_dim3A_719 : vector<512x1xf32> to vector<512x128xf32>
    %mul3A_724 = vector.broadcast %get3A_722 : vector<1x128xf32> to vector<512x128xf32>
    %mul3A_725 = arith.mulf %mul3A_723, %mul3A_724 : vector<512x128xf32>
    %get3A_726 = arith.constant 0 : index
    %get3A_727 = arith.constant 0 : index
    %get3A_728 = vector.load %arg5[%get3A_726, %get3A_727] : memref<1x128xf32, #tpu.memory_space<vmem>>, vector<1x128xf32>
    %add3A_729 = vector.broadcast %get3A_728 : vector<1x128xf32> to vector<512x128xf32>
    %add3A_730 = arith.addf %mul3A_725, %add3A_729 : vector<512x128xf32>
    %max3A_731 = arith.constant 0.000000e+00 : f32
    %max3A_732 = vector.broadcast %max3A_731 : f32 to vector<512x128xf32>
    %max3A_733 = arith.maximumf %add3A_730, %max3A_732 : vector<512x128xf32>
    %get3A_734 = arith.constant 0 : index
    %get3A_735 = arith.constant 0 : index
    %get3A_736 = vector.load %arg6[%get3A_734, %get3A_735] : memref<128x1xf32, #tpu.memory_space<vmem>>, vector<128x1xf32>
    %dot_general3A_737 = arith.constant dense<0.000000e+00> : vector<512x1xf32>
    %dot_general3A_738 = tpu.matmul %max3A_733, %get3A_736, %dot_general3A_737 {dimension_numbers = #tpu.dot_dimension_numbers<[1], [0], [0], [1], [0, 0, 1, 1], [], []>, transpose_lhs_hint = false} : vector<512x128xf32>, vector<128x1xf32>, vector<512x1xf32> -> vector<512x1xf32>
    %add3A_739 = vector.broadcast %get3A_714 : f32 to vector<512x1xf32>
    %add3A_740 = arith.addf %dot_general3A_738, %add3A_739 : vector<512x1xf32>
    %get3A_741 = arith.constant 14 : index
    %get3A_742 = arith.constant 0 : index
    %get3A_743 = arith.constant 0 : index
    %get3A_744 = vector.load %arg1[%get3A_741, %get3A_742, %get3A_743] : memref<16x512x128xf32, #tpu.memory_space<vmem>>, vector<1x512x128xf32>
    %get3A_745 = vector.shape_cast %get3A_744 : vector<1x512x128xf32> to vector<512x128xf32>
    %mul3A_746 = vector.broadcast %add3A_740 : vector<512x1xf32> to vector<512x128xf32>
    %mul3A_747 = arith.mulf %get3A_745, %mul3A_746 : vector<512x128xf32>
    %concatenate3A_748 = tpu.concatenate %mul3A_747, %get3A_1 in 1 : vector<512x128xf32>, vector<512x128xf32> -> vector<512x256xf32>
    %get3A_749 = arith.constant 0 : index
    %get3A_750 = arith.constant 0 : index
    %get3A_751 = vector.load %arg8[%get3A_749, %get3A_750] : memref<256x128xf32, #tpu.memory_space<vmem>>, vector<256x128xf32>
    %dot_general3A_752 = arith.constant dense<0.000000e+00> : vector<512x128xf32>
    %dot_general3A_753 = tpu.matmul %concatenate3A_748, %get3A_751, %dot_general3A_752 {dimension_numbers = #tpu.dot_dimension_numbers<[1], [0], [0], [1], [0, 0, 1, 1], [], []>, transpose_lhs_hint = false} : vector<512x256xf32>, vector<256x128xf32>, vector<512x128xf32> -> vector<512x128xf32>
    %get3A_754 = arith.constant 0 : index
    %get3A_755 = arith.constant 0 : index
    %get3A_756 = vector.load %arg9[%get3A_754, %get3A_755] : memref<1x128xf32, #tpu.memory_space<vmem>>, vector<1x128xf32>
    %add3A_757 = vector.broadcast %get3A_756 : vector<1x128xf32> to vector<512x128xf32>
    %add3A_758 = arith.addf %dot_general3A_753, %add3A_757 : vector<512x128xf32>
    %max3A_759 = arith.constant 0.000000e+00 : f32
    %max3A_760 = vector.broadcast %max3A_759 : f32 to vector<512x128xf32>
    %max3A_761 = arith.maximumf %add3A_758, %max3A_760 : vector<512x128xf32>
    %add3A_762 = arith.addf %add3A_711, %max3A_761 : vector<512x128xf32>
    %get3A_763 = arith.constant 0 : index
    %get3A_764 = arith.constant 0 : index
    %get3A_765 = memref.load %arg7[%get3A_763, %get3A_764] : memref<1x1xf32, #tpu.memory_space<smem>>
    %get3A_766 = arith.constant 15 : index
    %get3A_767 = arith.constant 0 : index
    %get3A_768 = vector.load %arg2[%get3A_766, %get3A_767] : memref<16x512xf32, #tpu.memory_space<vmem>>, vector<1x512xf32>
    %get3A_769 = vector.shape_cast %get3A_768 : vector<1x512xf32> to vector<512xf32>
    %broadcast_in_dim3A_770 = vector.shape_cast %get3A_769 : vector<512xf32> to vector<512x1xf32>
    %get3A_771 = arith.constant 0 : index
    %get3A_772 = arith.constant 0 : index
    %get3A_773 = vector.load %arg4[%get3A_771, %get3A_772] : memref<1x128xf32, #tpu.memory_space<vmem>>, vector<1x128xf32>
    %mul3A_774 = vector.broadcast %broadcast_in_dim3A_770 : vector<512x1xf32> to vector<512x128xf32>
    %mul3A_775 = vector.broadcast %get3A_773 : vector<1x128xf32> to vector<512x128xf32>
    %mul3A_776 = arith.mulf %mul3A_774, %mul3A_775 : vector<512x128xf32>
    %get3A_777 = arith.constant 0 : index
    %get3A_778 = arith.constant 0 : index
    %get3A_779 = vector.load %arg5[%get3A_777, %get3A_778] : memref<1x128xf32, #tpu.memory_space<vmem>>, vector<1x128xf32>
    %add3A_780 = vector.broadcast %get3A_779 : vector<1x128xf32> to vector<512x128xf32>
    %add3A_781 = arith.addf %mul3A_776, %add3A_780 : vector<512x128xf32>
    %max3A_782 = arith.constant 0.000000e+00 : f32
    %max3A_783 = vector.broadcast %max3A_782 : f32 to vector<512x128xf32>
    %max3A_784 = arith.maximumf %add3A_781, %max3A_783 : vector<512x128xf32>
    %get3A_785 = arith.constant 0 : index
    %get3A_786 = arith.constant 0 : index
    %get3A_787 = vector.load %arg6[%get3A_785, %get3A_786] : memref<128x1xf32, #tpu.memory_space<vmem>>, vector<128x1xf32>
    %dot_general3A_788 = arith.constant dense<0.000000e+00> : vector<512x1xf32>
    %dot_general3A_789 = tpu.matmul %max3A_784, %get3A_787, %dot_general3A_788 {dimension_numbers = #tpu.dot_dimension_numbers<[1], [0], [0], [1], [0, 0, 1, 1], [], []>, transpose_lhs_hint = false} : vector<512x128xf32>, vector<128x1xf32>, vector<512x1xf32> -> vector<512x1xf32>
    %add3A_790 = vector.broadcast %get3A_765 : f32 to vector<512x1xf32>
    %add3A_791 = arith.addf %dot_general3A_789, %add3A_790 : vector<512x1xf32>
    %get3A_792 = arith.constant 15 : index
    %get3A_793 = arith.constant 0 : index
    %get3A_794 = arith.constant 0 : index
    %get3A_795 = vector.load %arg1[%get3A_792, %get3A_793, %get3A_794] : memref<16x512x128xf32, #tpu.memory_space<vmem>>, vector<1x512x128xf32>
    %get3A_796 = vector.shape_cast %get3A_795 : vector<1x512x128xf32> to vector<512x128xf32>
    %mul3A_797 = vector.broadcast %add3A_791 : vector<512x1xf32> to vector<512x128xf32>
    %mul3A_798 = arith.mulf %get3A_796, %mul3A_797 : vector<512x128xf32>
    %concatenate3A_799 = tpu.concatenate %mul3A_798, %get3A_1 in 1 : vector<512x128xf32>, vector<512x128xf32> -> vector<512x256xf32>
    %get3A_800 = arith.constant 0 : index
    %get3A_801 = arith.constant 0 : index
    %get3A_802 = vector.load %arg8[%get3A_800, %get3A_801] : memref<256x128xf32, #tpu.memory_space<vmem>>, vector<256x128xf32>
    %dot_general3A_803 = arith.constant dense<0.000000e+00> : vector<512x128xf32>
    %dot_general3A_804 = tpu.matmul %concatenate3A_799, %get3A_802, %dot_general3A_803 {dimension_numbers = #tpu.dot_dimension_numbers<[1], [0], [0], [1], [0, 0, 1, 1], [], []>, transpose_lhs_hint = false} : vector<512x256xf32>, vector<256x128xf32>, vector<512x128xf32> -> vector<512x128xf32>
    %get3A_805 = arith.constant 0 : index
    %get3A_806 = arith.constant 0 : index
    %get3A_807 = vector.load %arg9[%get3A_805, %get3A_806] : memref<1x128xf32, #tpu.memory_space<vmem>>, vector<1x128xf32>
    %add3A_808 = vector.broadcast %get3A_807 : vector<1x128xf32> to vector<512x128xf32>
    %add3A_809 = arith.addf %dot_general3A_804, %add3A_808 : vector<512x128xf32>
    %max3A_810 = arith.constant 0.000000e+00 : f32
    %max3A_811 = vector.broadcast %max3A_810 : f32 to vector<512x128xf32>
    %max3A_812 = arith.maximumf %add3A_809, %max3A_811 : vector<512x128xf32>
    %add3A_813 = arith.addf %add3A_762, %max3A_812 : vector<512x128xf32>
    %mul3A_814 = arith.constant 6.250000e-02 : f32
    %mul3A_815 = vector.broadcast %mul3A_814 : f32 to vector<512x128xf32>
    %mul3A_816 = arith.mulf %add3A_813, %mul3A_815 : vector<512x128xf32>
    %swap3A = arith.constant 0 : index
    %swap3A_817 = arith.constant 0 : index
    %swap3A_818 = vector.load %arg10[%swap3A, %swap3A_817] : memref<512x128xf32, #tpu.memory_space<vmem>>, vector<512x128xf32>
    tpu.vector_store %arg10[%swap3A, %swap3A_817], %mul3A_816 {strides = array<i32>} : memref<512x128xf32, #tpu.memory_space<vmem>>, vector<512x128xf32>,
    return
  }
  func.func @transform_0(%arg0: i32) -> (i32, i32, i32) {
    %c0_i32 = arith.constant 0 : i32
    %c0_i32_0 = arith.constant 0 : i32
    %c0_i32_1 = arith.constant 0 : i32
    return %c0_i32, %arg0, %c0_i32_0 : i32, i32, i32
  }
  func.func @transform_1(%arg0: i32) -> (i32, i32) {
    %c0_i32 = arith.constant 0 : i32
    %c0_i32_0 = arith.constant 0 : i32
    return %c0_i32, %arg0 : i32, i32
  }
  func.func @transform_2(%arg0: i32) -> (i32, i32) {
    %c0_i32 = arith.constant 0 : i32
    %c0_i32_0 = arith.constant 0 : i32
    return %arg0, %c0_i32 : i32, i32
  }
  func.func @transform_3(%arg0: i32) -> (i32, i32) {
    %c0_i32 = arith.constant 0 : i32
    %c0_i32_0 = arith.constant 0 : i32
    %c0_i32_1 = arith.constant 0 : i32
    return %c0_i32, %c0_i32_0 : i32, i32
  }
  func.func @transform_4(%arg0: i32) -> (i32, i32) {
    %c0_i32 = arith.constant 0 : i32
    %c0_i32_0 = arith.constant 0 : i32
    %c0_i32_1 = arith.constant 0 : i32
    return %c0_i32, %c0_i32_0 : i32, i32
  }
  func.func @transform_5(%arg0: i32) -> (i32, i32) {
    %c0_i32 = arith.constant 0 : i32
    %c0_i32_0 = arith.constant 0 : i32
    %c0_i32_1 = arith.constant 0 : i32
    return %c0_i32, %c0_i32_0 : i32, i32
  }
  func.func @transform_6(%arg0: i32) -> (i32, i32) {
    %c0_i32 = arith.constant 0 : i32
    %c0_i32_0 = arith.constant 0 : i32
    %c0_i32_1 = arith.constant 0 : i32
    return %c0_i32, %c0_i32_0 : i32, i32
  }
  func.func @transform_7(%arg0: i32) -> (i32, i32) {
    %c0_i32 = arith.constant 0 : i32
    %c0_i32_0 = arith.constant 0 : i32
    %c0_i32_1 = arith.constant 0 : i32
    return %c0_i32, %c0_i32_0 : i32, i32
  }
  func.func @transform_8(%arg0: i32) -> (i32, i32) {
    %c0_i32 = arith.constant 0 : i32
    %c0_i32_0 = arith.constant 0 : i32
    %c0_i32_1 = arith.constant 0 : i32
    return %c0_i32, %c0_i32_0 : i32, i32
  }
  func.func @transform_9(%arg0: i32) -> (i32, i32) {
    %c0_i32 = arith.constant 0 : i32
    %c0_i32_0 = arith.constant 0 : i32
    return %arg0, %c0_i32 : i32, i32
  }
}

module attributes {stable_mosaic.version = 14 : i64} {
  func.func @body(%arg0: i32, %arg1: memref<2x512x128xf32, #tpu.memory_space<vmem>>, %arg2: memref<2x512x128xf32, #tpu.memory_space<vmem>>, %arg3: memref<512x128xf32, #tpu.memory_space<vmem>>, %arg4: memref<128x128xf32, #tpu.memory_space<vmem>>, %arg5: memref<1x128xf32, #tpu.memory_space<vmem>>, %arg6: memref<128x128xf32, #tpu.memory_space<vmem>>, %arg7: memref<512x128xf32, #tpu.memory_space<vmem>>, %arg8: memref<512x128xf32, #tpu.memory_space<vmem>>, %arg9: memref<512x1xf32, #tpu.memory_space<vmem>>) attributes {dimension_semantics = [#tpu.dimension_semantics<arbitrary>], iteration_bounds = array<i64: 20>, scalar_prefetch = 0 : i64, scratch_operands = 0 : i64, tpu.core_type = #tpu.core_type<tc>, window_params = [{transform_indices = @transform_0, window_bounds = array<i64: 2, 512, 128>}, {transform_indices = @transform_1, window_bounds = array<i64: 2, 512, 128>}, {transform_indices = @transform_2, window_bounds = array<i64: 512, 128>}, {pipeline_mode = #tpu.pipeline_mode<synchronous>, transform_indices = @transform_3, window_bounds = array<i64: 128, 128>}, {pipeline_mode = #tpu.pipeline_mode<synchronous>, transform_indices = @transform_4, window_bounds = array<i64: 1, 128>}, {pipeline_mode = #tpu.pipeline_mode<synchronous>, transform_indices = @transform_5, window_bounds = array<i64: 128, 128>}, {transform_indices = @transform_6, window_bounds = array<i64: 512, 128>}, {transform_indices = @transform_7, window_bounds = array<i64: 512, 128>}, {transform_indices = @transform_8, window_bounds = array<i64: 512, 1>}]} {
    %get3A = arith.constant 0 : index
    %get3A_0 = arith.constant 0 : index
    %get3A_1 = arith.constant 0 : index
    %get3A_2 = vector.load %arg1[%get3A, %get3A_0, %get3A_1] : memref<2x512x128xf32, #tpu.memory_space<vmem>>, vector<1x512x128xf32>
    %get3A_3 = vector.shape_cast %get3A_2 : vector<1x512x128xf32> to vector<512x128xf32>
    %get3A_4 = arith.constant 1 : index
    %get3A_5 = arith.constant 0 : index
    %get3A_6 = arith.constant 0 : index
    %get3A_7 = vector.load %arg1[%get3A_4, %get3A_5, %get3A_6] : memref<2x512x128xf32, #tpu.memory_space<vmem>>, vector<1x512x128xf32>
    %get3A_8 = vector.shape_cast %get3A_7 : vector<1x512x128xf32> to vector<512x128xf32>
    %add3A = arith.addf %get3A_3, %get3A_8 : vector<512x128xf32>
    %get3A_9 = arith.constant 0 : index
    %get3A_10 = arith.constant 0 : index
    %get3A_11 = arith.constant 0 : index
    %get3A_12 = vector.load %arg2[%get3A_9, %get3A_10, %get3A_11] : memref<2x512x128xf32, #tpu.memory_space<vmem>>, vector<1x512x128xf32>
    %get3A_13 = vector.shape_cast %get3A_12 : vector<1x512x128xf32> to vector<512x128xf32>
    %slice3A = vector.extract_strided_slice %get3A_13 {offsets = [0, 0], sizes = [512, 1], strides = [1, 1]} : vector<512x128xf32> to vector<512x1xf32>
    %get3A_14 = arith.constant 1 : index
    %get3A_15 = arith.constant 0 : index
    %get3A_16 = arith.constant 0 : index
    %get3A_17 = vector.load %arg2[%get3A_14, %get3A_15, %get3A_16] : memref<2x512x128xf32, #tpu.memory_space<vmem>>, vector<1x512x128xf32>
    %get3A_18 = vector.shape_cast %get3A_17 : vector<1x512x128xf32> to vector<512x128xf32>
    %slice3A_19 = vector.extract_strided_slice %get3A_18 {offsets = [0, 0], sizes = [512, 1], strides = [1, 1]} : vector<512x128xf32> to vector<512x1xf32>
    %add3A_20 = arith.addf %slice3A, %slice3A_19 : vector<512x1xf32>
    %max3A = arith.constant 1.000000e+00 : f32
    %max3A_21 = vector.broadcast %max3A : f32 to vector<512x1xf32>
    %max3A_22 = arith.maximumf %add3A_20, %max3A_21 : vector<512x1xf32>
    %div3A = arith.constant 1.000000e+00 : f32
    %div3A_23 = vector.broadcast %div3A : f32 to vector<512x1xf32>
    %div3A_24 = arith.divf %div3A_23, %max3A_22 : vector<512x1xf32>
    %mul3A = vector.broadcast %div3A_24 : vector<512x1xf32> to vector<512x128xf32>
    %mul3A_25 = arith.mulf %add3A, %mul3A : vector<512x128xf32>
    %get3A_26 = arith.constant 0 : index
    %get3A_27 = arith.constant 0 : index
    %get3A_28 = vector.load %arg4[%get3A_26, %get3A_27] : memref<128x128xf32, #tpu.memory_space<vmem>>, vector<128x128xf32>
    %dot_general3A = arith.constant dense<0.000000e+00> : vector<512x128xf32>
    %dot_general3A_29 = tpu.matmul %mul3A_25, %get3A_28, %dot_general3A {dimension_numbers = #tpu.dot_dimension_numbers<[1], [0], [0], [1], [0, 0, 1, 1], [], []>, transpose_lhs_hint = false} : vector<512x128xf32>, vector<128x128xf32>, vector<512x128xf32> -> vector<512x128xf32>
    %get3A_30 = arith.constant 0 : index
    %get3A_31 = arith.constant 0 : index
    %get3A_32 = vector.load %arg5[%get3A_30, %get3A_31] : memref<1x128xf32, #tpu.memory_space<vmem>>, vector<1x128xf32>
    %add3A_33 = vector.broadcast %get3A_32 : vector<1x128xf32> to vector<512x128xf32>
    %add3A_34 = arith.addf %dot_general3A_29, %add3A_33 : vector<512x128xf32>
    %get3A_35 = arith.constant 0 : index
    %get3A_36 = arith.constant 0 : index
    %get3A_37 = vector.load %arg3[%get3A_35, %get3A_36] : memref<512x128xf32, #tpu.memory_space<vmem>>, vector<512x128xf32>
    %add3A_38 = arith.addf %add3A_34, %get3A_37 : vector<512x128xf32>
    %swap3A = arith.constant 0 : index
    %swap3A_39 = arith.constant 0 : index
    %swap3A_40 = vector.load %arg7[%swap3A, %swap3A_39] : memref<512x128xf32, #tpu.memory_space<vmem>>, vector<512x128xf32>
    tpu.vector_store %arg7[%swap3A, %swap3A_39], %add3A_38 {strides = array<i32>} : memref<512x128xf32, #tpu.memory_space<vmem>>, vector<512x128xf32>,
    %get3A_41 = arith.constant 0 : index
    %get3A_42 = arith.constant 0 : index
    %get3A_43 = vector.load %arg6[%get3A_41, %get3A_42] : memref<128x128xf32, #tpu.memory_space<vmem>>, vector<128x128xf32>
    %dot_general3A_44 = arith.constant dense<0.000000e+00> : vector<512x128xf32>
    %dot_general3A_45 = tpu.matmul %add3A_38, %get3A_43, %dot_general3A_44 {dimension_numbers = #tpu.dot_dimension_numbers<[1], [0], [0], [1], [0, 0, 1, 1], [], []>, transpose_lhs_hint = false} : vector<512x128xf32>, vector<128x128xf32>, vector<512x128xf32> -> vector<512x128xf32>
    %swap3A_46 = arith.constant 0 : index
    %swap3A_47 = arith.constant 0 : index
    %swap3A_48 = vector.load %arg8[%swap3A_46, %swap3A_47] : memref<512x128xf32, #tpu.memory_space<vmem>>, vector<512x128xf32>
    tpu.vector_store %arg8[%swap3A_46, %swap3A_47], %dot_general3A_45 {strides = array<i32>} : memref<512x128xf32, #tpu.memory_space<vmem>>, vector<512x128xf32>,
    %swap3A_49 = arith.constant 0 : index
    %swap3A_50 = arith.constant 0 : index
    %swap3A_51 = vector.load %arg9[%swap3A_49, %swap3A_50] : memref<512x1xf32, #tpu.memory_space<vmem>>, vector<512x1xf32>
    tpu.vector_store %arg9[%swap3A_49, %swap3A_50], %div3A_24 {strides = array<i32>} : memref<512x1xf32, #tpu.memory_space<vmem>>, vector<512x1xf32>,
    return
  }
  func.func @transform_0(%arg0: i32) -> (i32, i32, i32) {
    %c0_i32 = arith.constant 0 : i32
    %c0_i32_0 = arith.constant 0 : i32
    %c0_i32_1 = arith.constant 0 : i32
    return %c0_i32, %arg0, %c0_i32_0 : i32, i32, i32
  }
  func.func @transform_1(%arg0: i32) -> (i32, i32, i32) {
    %c0_i32 = arith.constant 0 : i32
    %c0_i32_0 = arith.constant 0 : i32
    %c0_i32_1 = arith.constant 0 : i32
    return %c0_i32, %arg0, %c0_i32_0 : i32, i32, i32
  }
  func.func @transform_2(%arg0: i32) -> (i32, i32) {
    %c0_i32 = arith.constant 0 : i32
    %c0_i32_0 = arith.constant 0 : i32
    return %arg0, %c0_i32 : i32, i32
  }
  func.func @transform_3(%arg0: i32) -> (i32, i32) {
    %c0_i32 = arith.constant 0 : i32
    %c0_i32_0 = arith.constant 0 : i32
    %c0_i32_1 = arith.constant 0 : i32
    return %c0_i32, %c0_i32_0 : i32, i32
  }
  func.func @transform_4(%arg0: i32) -> (i32, i32) {
    %c0_i32 = arith.constant 0 : i32
    %c0_i32_0 = arith.constant 0 : i32
    %c0_i32_1 = arith.constant 0 : i32
    return %c0_i32, %c0_i32_0 : i32, i32
  }
  func.func @transform_5(%arg0: i32) -> (i32, i32) {
    %c0_i32 = arith.constant 0 : i32
    %c0_i32_0 = arith.constant 0 : i32
    %c0_i32_1 = arith.constant 0 : i32
    return %c0_i32, %c0_i32_0 : i32, i32
  }
  func.func @transform_6(%arg0: i32) -> (i32, i32) {
    %c0_i32 = arith.constant 0 : i32
    %c0_i32_0 = arith.constant 0 : i32
    return %arg0, %c0_i32 : i32, i32
  }
  func.func @transform_7(%arg0: i32) -> (i32, i32) {
    %c0_i32 = arith.constant 0 : i32
    %c0_i32_0 = arith.constant 0 : i32
    return %arg0, %c0_i32 : i32, i32
  }
  func.func @transform_8(%arg0: i32) -> (i32, i32) {
    %c0_i32 = arith.constant 0 : i32
    %c0_i32_0 = arith.constant 0 : i32
    return %arg0, %c0_i32 : i32, i32
  }
}

module attributes {stable_mosaic.version = 14 : i64} {
  func.func @body(%arg0: i32, %arg1: memref<16x512x128xf32, #tpu.memory_space<vmem>>, %arg2: memref<16x512xf32, #tpu.memory_space<vmem>>, %arg3: memref<512x128xf32, #tpu.memory_space<vmem>>, %arg4: memref<1x128xf32, #tpu.memory_space<vmem>>, %arg5: memref<1x128xf32, #tpu.memory_space<vmem>>, %arg6: memref<128x1xf32, #tpu.memory_space<vmem>>, %arg7: memref<1x1xf32, #tpu.memory_space<smem>>, %arg8: memref<256x128xf32, #tpu.memory_space<vmem>>, %arg9: memref<1x128xf32, #tpu.memory_space<vmem>>, %arg10: memref<128x1xf32, #tpu.memory_space<vmem>>, %arg11: memref<1x1xf32, #tpu.memory_space<smem>>, %arg12: memref<512x16xf32, #tpu.memory_space<vmem>>) attributes {dimension_semantics = [#tpu.dimension_semantics<arbitrary>], iteration_bounds = array<i64: 20>, scalar_prefetch = 0 : i64, scratch_operands = 0 : i64, tpu.core_type = #tpu.core_type<tc>, window_params = [{transform_indices = @transform_0, window_bounds = array<i64: 16, 512, 128>}, {transform_indices = @transform_1, window_bounds = array<i64: 16, 512>}, {transform_indices = @transform_2, window_bounds = array<i64: 512, 128>}, {pipeline_mode = #tpu.pipeline_mode<synchronous>, transform_indices = @transform_3, window_bounds = array<i64: 1, 128>}, {pipeline_mode = #tpu.pipeline_mode<synchronous>, transform_indices = @transform_4, window_bounds = array<i64: 1, 128>}, {pipeline_mode = #tpu.pipeline_mode<synchronous>, transform_indices = @transform_5, window_bounds = array<i64: 128, 1>}, {transform_indices = @transform_6, window_bounds = array<i64: 1, 1>}, {pipeline_mode = #tpu.pipeline_mode<synchronous>, transform_indices = @transform_7, window_bounds = array<i64: 256, 128>}, {pipeline_mode = #tpu.pipeline_mode<synchronous>, transform_indices = @transform_8, window_bounds = array<i64: 1, 128>}, {pipeline_mode = #tpu.pipeline_mode<synchronous>, transform_indices = @transform_9, window_bounds = array<i64: 128, 1>}, {transform_indices = @transform_10, window_bounds = array<i64: 1, 1>}, {transform_indices = @transform_11, window_bounds = array<i64: 512, 16>}]} {
    %get3A = arith.constant 0 : index
    %get3A_0 = arith.constant 0 : index
    %get3A_1 = vector.load %arg3[%get3A, %get3A_0] : memref<512x128xf32, #tpu.memory_space<vmem>>, vector<512x128xf32>
    %get3A_2 = arith.constant 0 : index
    %get3A_3 = arith.constant 0 : index
    %get3A_4 = memref.load %arg7[%get3A_2, %get3A_3] : memref<1x1xf32, #tpu.memory_space<smem>>
    %get3A_5 = arith.constant 0 : index
    %get3A_6 = arith.constant 0 : index
    %get3A_7 = vector.load %arg2[%get3A_5, %get3A_6] : memref<16x512xf32, #tpu.memory_space<vmem>>, vector<1x512xf32>
    %get3A_8 = vector.shape_cast %get3A_7 : vector<1x512xf32> to vector<512xf32>
    %broadcast_in_dim3A = vector.shape_cast %get3A_8 : vector<512xf32> to vector<512x1xf32>
    %get3A_9 = arith.constant 0 : index
    %get3A_10 = arith.constant 0 : index
    %get3A_11 = vector.load %arg4[%get3A_9, %get3A_10] : memref<1x128xf32, #tpu.memory_space<vmem>>, vector<1x128xf32>
    %mul3A = vector.broadcast %broadcast_in_dim3A : vector<512x1xf32> to vector<512x128xf32>
    %mul3A_12 = vector.broadcast %get3A_11 : vector<1x128xf32> to vector<512x128xf32>
    %mul3A_13 = arith.mulf %mul3A, %mul3A_12 : vector<512x128xf32>
    %get3A_14 = arith.constant 0 : index
    %get3A_15 = arith.constant 0 : index
    %get3A_16 = vector.load %arg5[%get3A_14, %get3A_15] : memref<1x128xf32, #tpu.memory_space<vmem>>, vector<1x128xf32>
    %add3A = vector.broadcast %get3A_16 : vector<1x128xf32> to vector<512x128xf32>
    %add3A_17 = arith.addf %mul3A_13, %add3A : vector<512x128xf32>
    %max3A = arith.constant 0.000000e+00 : f32
    %max3A_18 = vector.broadcast %max3A : f32 to vector<512x128xf32>
    %max3A_19 = arith.maximumf %add3A_17, %max3A_18 : vector<512x128xf32>
    %get3A_20 = arith.constant 0 : index
    %get3A_21 = arith.constant 0 : index
    %get3A_22 = vector.load %arg6[%get3A_20, %get3A_21] : memref<128x1xf32, #tpu.memory_space<vmem>>, vector<128x1xf32>
    %dot_general3A = arith.constant dense<0.000000e+00> : vector<512x1xf32>
    %dot_general3A_23 = tpu.matmul %max3A_19, %get3A_22, %dot_general3A {dimension_numbers = #tpu.dot_dimension_numbers<[1], [0], [0], [1], [0, 0, 1, 1], [], []>, transpose_lhs_hint = false} : vector<512x128xf32>, vector<128x1xf32>, vector<512x1xf32> -> vector<512x1xf32>
    %add3A_24 = vector.broadcast %get3A_4 : f32 to vector<512x1xf32>
    %add3A_25 = arith.addf %dot_general3A_23, %add3A_24 : vector<512x1xf32>
    %get3A_26 = arith.constant 0 : index
    %get3A_27 = arith.constant 0 : index
    %get3A_28 = arith.constant 0 : index
    %get3A_29 = vector.load %arg1[%get3A_26, %get3A_27, %get3A_28] : memref<16x512x128xf32, #tpu.memory_space<vmem>>, vector<1x512x128xf32>
    %get3A_30 = vector.shape_cast %get3A_29 : vector<1x512x128xf32> to vector<512x128xf32>
    %mul3A_31 = vector.broadcast %add3A_25 : vector<512x1xf32> to vector<512x128xf32>
    %mul3A_32 = arith.mulf %get3A_30, %mul3A_31 : vector<512x128xf32>
    %concatenate3A = tpu.concatenate %mul3A_32, %get3A_1 in 1 : vector<512x128xf32>, vector<512x128xf32> -> vector<512x256xf32>
    %get3A_33 = arith.constant 0 : index
    %get3A_34 = arith.constant 0 : index
    %get3A_35 = vector.load %arg8[%get3A_33, %get3A_34] : memref<256x128xf32, #tpu.memory_space<vmem>>, vector<256x128xf32>
    %dot_general3A_36 = arith.constant dense<0.000000e+00> : vector<512x128xf32>
    %dot_general3A_37 = tpu.matmul %concatenate3A, %get3A_35, %dot_general3A_36 {dimension_numbers = #tpu.dot_dimension_numbers<[1], [0], [0], [1], [0, 0, 1, 1], [], []>, transpose_lhs_hint = false} : vector<512x256xf32>, vector<256x128xf32>, vector<512x128xf32> -> vector<512x128xf32>
    %get3A_38 = arith.constant 0 : index
    %get3A_39 = arith.constant 0 : index
    %get3A_40 = vector.load %arg9[%get3A_38, %get3A_39] : memref<1x128xf32, #tpu.memory_space<vmem>>, vector<1x128xf32>
    %add3A_41 = vector.broadcast %get3A_40 : vector<1x128xf32> to vector<512x128xf32>
    %add3A_42 = arith.addf %dot_general3A_37, %add3A_41 : vector<512x128xf32>
    %max3A_43 = arith.constant 0.000000e+00 : f32
    %max3A_44 = vector.broadcast %max3A_43 : f32 to vector<512x128xf32>
    %max3A_45 = arith.maximumf %add3A_42, %max3A_44 : vector<512x128xf32>
    %get3A_46 = arith.constant 0 : index
    %get3A_47 = arith.constant 0 : index
    %get3A_48 = vector.load %arg10[%get3A_46, %get3A_47] : memref<128x1xf32, #tpu.memory_space<vmem>>, vector<128x1xf32>
    %dot_general3A_49 = arith.constant dense<0.000000e+00> : vector<512x1xf32>
    %dot_general3A_50 = tpu.matmul %max3A_45, %get3A_48, %dot_general3A_49 {dimension_numbers = #tpu.dot_dimension_numbers<[1], [0], [0], [1], [0, 0, 1, 1], [], []>, transpose_lhs_hint = false} : vector<512x128xf32>, vector<128x1xf32>, vector<512x1xf32> -> vector<512x1xf32>
    %get3A_51 = arith.constant 0 : index
    %get3A_52 = arith.constant 0 : index
    %get3A_53 = memref.load %arg11[%get3A_51, %get3A_52] : memref<1x1xf32, #tpu.memory_space<smem>>
    %add3A_54 = vector.broadcast %get3A_53 : f32 to vector<512x1xf32>
    %add3A_55 = arith.addf %dot_general3A_50, %add3A_54 : vector<512x1xf32>
    %get3A_56 = arith.constant 0 : index
    %get3A_57 = arith.constant 0 : index
    %get3A_58 = memref.load %arg7[%get3A_56, %get3A_57] : memref<1x1xf32, #tpu.memory_space<smem>>
    %get3A_59 = arith.constant 1 : index
    %get3A_60 = arith.constant 0 : index
    %get3A_61 = vector.load %arg2[%get3A_59, %get3A_60] : memref<16x512xf32, #tpu.memory_space<vmem>>, vector<1x512xf32>
    %get3A_62 = vector.shape_cast %get3A_61 : vector<1x512xf32> to vector<512xf32>
    %broadcast_in_dim3A_63 = vector.shape_cast %get3A_62 : vector<512xf32> to vector<512x1xf32>
    %get3A_64 = arith.constant 0 : index
    %get3A_65 = arith.constant 0 : index
    %get3A_66 = vector.load %arg4[%get3A_64, %get3A_65] : memref<1x128xf32, #tpu.memory_space<vmem>>, vector<1x128xf32>
    %mul3A_67 = vector.broadcast %broadcast_in_dim3A_63 : vector<512x1xf32> to vector<512x128xf32>
    %mul3A_68 = vector.broadcast %get3A_66 : vector<1x128xf32> to vector<512x128xf32>
    %mul3A_69 = arith.mulf %mul3A_67, %mul3A_68 : vector<512x128xf32>
    %get3A_70 = arith.constant 0 : index
    %get3A_71 = arith.constant 0 : index
    %get3A_72 = vector.load %arg5[%get3A_70, %get3A_71] : memref<1x128xf32, #tpu.memory_space<vmem>>, vector<1x128xf32>
    %add3A_73 = vector.broadcast %get3A_72 : vector<1x128xf32> to vector<512x128xf32>
    %add3A_74 = arith.addf %mul3A_69, %add3A_73 : vector<512x128xf32>
    %max3A_75 = arith.constant 0.000000e+00 : f32
    %max3A_76 = vector.broadcast %max3A_75 : f32 to vector<512x128xf32>
    %max3A_77 = arith.maximumf %add3A_74, %max3A_76 : vector<512x128xf32>
    %get3A_78 = arith.constant 0 : index
    %get3A_79 = arith.constant 0 : index
    %get3A_80 = vector.load %arg6[%get3A_78, %get3A_79] : memref<128x1xf32, #tpu.memory_space<vmem>>, vector<128x1xf32>
    %dot_general3A_81 = arith.constant dense<0.000000e+00> : vector<512x1xf32>
    %dot_general3A_82 = tpu.matmul %max3A_77, %get3A_80, %dot_general3A_81 {dimension_numbers = #tpu.dot_dimension_numbers<[1], [0], [0], [1], [0, 0, 1, 1], [], []>, transpose_lhs_hint = false} : vector<512x128xf32>, vector<128x1xf32>, vector<512x1xf32> -> vector<512x1xf32>
    %add3A_83 = vector.broadcast %get3A_58 : f32 to vector<512x1xf32>
    %add3A_84 = arith.addf %dot_general3A_82, %add3A_83 : vector<512x1xf32>
    %get3A_85 = arith.constant 1 : index
    %get3A_86 = arith.constant 0 : index
    %get3A_87 = arith.constant 0 : index
    %get3A_88 = vector.load %arg1[%get3A_85, %get3A_86, %get3A_87] : memref<16x512x128xf32, #tpu.memory_space<vmem>>, vector<1x512x128xf32>
    %get3A_89 = vector.shape_cast %get3A_88 : vector<1x512x128xf32> to vector<512x128xf32>
    %mul3A_90 = vector.broadcast %add3A_84 : vector<512x1xf32> to vector<512x128xf32>
    %mul3A_91 = arith.mulf %get3A_89, %mul3A_90 : vector<512x128xf32>
    %concatenate3A_92 = tpu.concatenate %mul3A_91, %get3A_1 in 1 : vector<512x128xf32>, vector<512x128xf32> -> vector<512x256xf32>
    %get3A_93 = arith.constant 0 : index
    %get3A_94 = arith.constant 0 : index
    %get3A_95 = vector.load %arg8[%get3A_93, %get3A_94] : memref<256x128xf32, #tpu.memory_space<vmem>>, vector<256x128xf32>
    %dot_general3A_96 = arith.constant dense<0.000000e+00> : vector<512x128xf32>
    %dot_general3A_97 = tpu.matmul %concatenate3A_92, %get3A_95, %dot_general3A_96 {dimension_numbers = #tpu.dot_dimension_numbers<[1], [0], [0], [1], [0, 0, 1, 1], [], []>, transpose_lhs_hint = false} : vector<512x256xf32>, vector<256x128xf32>, vector<512x128xf32> -> vector<512x128xf32>
    %get3A_98 = arith.constant 0 : index
    %get3A_99 = arith.constant 0 : index
    %get3A_100 = vector.load %arg9[%get3A_98, %get3A_99] : memref<1x128xf32, #tpu.memory_space<vmem>>, vector<1x128xf32>
    %add3A_101 = vector.broadcast %get3A_100 : vector<1x128xf32> to vector<512x128xf32>
    %add3A_102 = arith.addf %dot_general3A_97, %add3A_101 : vector<512x128xf32>
    %max3A_103 = arith.constant 0.000000e+00 : f32
    %max3A_104 = vector.broadcast %max3A_103 : f32 to vector<512x128xf32>
    %max3A_105 = arith.maximumf %add3A_102, %max3A_104 : vector<512x128xf32>
    %get3A_106 = arith.constant 0 : index
    %get3A_107 = arith.constant 0 : index
    %get3A_108 = vector.load %arg10[%get3A_106, %get3A_107] : memref<128x1xf32, #tpu.memory_space<vmem>>, vector<128x1xf32>
    %dot_general3A_109 = arith.constant dense<0.000000e+00> : vector<512x1xf32>
    %dot_general3A_110 = tpu.matmul %max3A_105, %get3A_108, %dot_general3A_109 {dimension_numbers = #tpu.dot_dimension_numbers<[1], [0], [0], [1], [0, 0, 1, 1], [], []>, transpose_lhs_hint = false} : vector<512x128xf32>, vector<128x1xf32>, vector<512x1xf32> -> vector<512x1xf32>
    %get3A_111 = arith.constant 0 : index
    %get3A_112 = arith.constant 0 : index
    %get3A_113 = memref.load %arg11[%get3A_111, %get3A_112] : memref<1x1xf32, #tpu.memory_space<smem>>
    %add3A_114 = vector.broadcast %get3A_113 : f32 to vector<512x1xf32>
    %add3A_115 = arith.addf %dot_general3A_110, %add3A_114 : vector<512x1xf32>
    %get3A_116 = arith.constant 0 : index
    %get3A_117 = arith.constant 0 : index
    %get3A_118 = memref.load %arg7[%get3A_116, %get3A_117] : memref<1x1xf32, #tpu.memory_space<smem>>
    %get3A_119 = arith.constant 2 : index
    %get3A_120 = arith.constant 0 : index
    %get3A_121 = vector.load %arg2[%get3A_119, %get3A_120] : memref<16x512xf32, #tpu.memory_space<vmem>>, vector<1x512xf32>
    %get3A_122 = vector.shape_cast %get3A_121 : vector<1x512xf32> to vector<512xf32>
    %broadcast_in_dim3A_123 = vector.shape_cast %get3A_122 : vector<512xf32> to vector<512x1xf32>
    %get3A_124 = arith.constant 0 : index
    %get3A_125 = arith.constant 0 : index
    %get3A_126 = vector.load %arg4[%get3A_124, %get3A_125] : memref<1x128xf32, #tpu.memory_space<vmem>>, vector<1x128xf32>
    %mul3A_127 = vector.broadcast %broadcast_in_dim3A_123 : vector<512x1xf32> to vector<512x128xf32>
    %mul3A_128 = vector.broadcast %get3A_126 : vector<1x128xf32> to vector<512x128xf32>
    %mul3A_129 = arith.mulf %mul3A_127, %mul3A_128 : vector<512x128xf32>
    %get3A_130 = arith.constant 0 : index
    %get3A_131 = arith.constant 0 : index
    %get3A_132 = vector.load %arg5[%get3A_130, %get3A_131] : memref<1x128xf32, #tpu.memory_space<vmem>>, vector<1x128xf32>
    %add3A_133 = vector.broadcast %get3A_132 : vector<1x128xf32> to vector<512x128xf32>
    %add3A_134 = arith.addf %mul3A_129, %add3A_133 : vector<512x128xf32>
    %max3A_135 = arith.constant 0.000000e+00 : f32
    %max3A_136 = vector.broadcast %max3A_135 : f32 to vector<512x128xf32>
    %max3A_137 = arith.maximumf %add3A_134, %max3A_136 : vector<512x128xf32>
    %get3A_138 = arith.constant 0 : index
    %get3A_139 = arith.constant 0 : index
    %get3A_140 = vector.load %arg6[%get3A_138, %get3A_139] : memref<128x1xf32, #tpu.memory_space<vmem>>, vector<128x1xf32>
    %dot_general3A_141 = arith.constant dense<0.000000e+00> : vector<512x1xf32>
    %dot_general3A_142 = tpu.matmul %max3A_137, %get3A_140, %dot_general3A_141 {dimension_numbers = #tpu.dot_dimension_numbers<[1], [0], [0], [1], [0, 0, 1, 1], [], []>, transpose_lhs_hint = false} : vector<512x128xf32>, vector<128x1xf32>, vector<512x1xf32> -> vector<512x1xf32>
    %add3A_143 = vector.broadcast %get3A_118 : f32 to vector<512x1xf32>
    %add3A_144 = arith.addf %dot_general3A_142, %add3A_143 : vector<512x1xf32>
    %get3A_145 = arith.constant 2 : index
    %get3A_146 = arith.constant 0 : index
    %get3A_147 = arith.constant 0 : index
    %get3A_148 = vector.load %arg1[%get3A_145, %get3A_146, %get3A_147] : memref<16x512x128xf32, #tpu.memory_space<vmem>>, vector<1x512x128xf32>
    %get3A_149 = vector.shape_cast %get3A_148 : vector<1x512x128xf32> to vector<512x128xf32>
    %mul3A_150 = vector.broadcast %add3A_144 : vector<512x1xf32> to vector<512x128xf32>
    %mul3A_151 = arith.mulf %get3A_149, %mul3A_150 : vector<512x128xf32>
    %concatenate3A_152 = tpu.concatenate %mul3A_151, %get3A_1 in 1 : vector<512x128xf32>, vector<512x128xf32> -> vector<512x256xf32>
    %get3A_153 = arith.constant 0 : index
    %get3A_154 = arith.constant 0 : index
    %get3A_155 = vector.load %arg8[%get3A_153, %get3A_154] : memref<256x128xf32, #tpu.memory_space<vmem>>, vector<256x128xf32>
    %dot_general3A_156 = arith.constant dense<0.000000e+00> : vector<512x128xf32>
    %dot_general3A_157 = tpu.matmul %concatenate3A_152, %get3A_155, %dot_general3A_156 {dimension_numbers = #tpu.dot_dimension_numbers<[1], [0], [0], [1], [0, 0, 1, 1], [], []>, transpose_lhs_hint = false} : vector<512x256xf32>, vector<256x128xf32>, vector<512x128xf32> -> vector<512x128xf32>
    %get3A_158 = arith.constant 0 : index
    %get3A_159 = arith.constant 0 : index
    %get3A_160 = vector.load %arg9[%get3A_158, %get3A_159] : memref<1x128xf32, #tpu.memory_space<vmem>>, vector<1x128xf32>
    %add3A_161 = vector.broadcast %get3A_160 : vector<1x128xf32> to vector<512x128xf32>
    %add3A_162 = arith.addf %dot_general3A_157, %add3A_161 : vector<512x128xf32>
    %max3A_163 = arith.constant 0.000000e+00 : f32
    %max3A_164 = vector.broadcast %max3A_163 : f32 to vector<512x128xf32>
    %max3A_165 = arith.maximumf %add3A_162, %max3A_164 : vector<512x128xf32>
    %get3A_166 = arith.constant 0 : index
    %get3A_167 = arith.constant 0 : index
    %get3A_168 = vector.load %arg10[%get3A_166, %get3A_167] : memref<128x1xf32, #tpu.memory_space<vmem>>, vector<128x1xf32>
    %dot_general3A_169 = arith.constant dense<0.000000e+00> : vector<512x1xf32>
    %dot_general3A_170 = tpu.matmul %max3A_165, %get3A_168, %dot_general3A_169 {dimension_numbers = #tpu.dot_dimension_numbers<[1], [0], [0], [1], [0, 0, 1, 1], [], []>, transpose_lhs_hint = false} : vector<512x128xf32>, vector<128x1xf32>, vector<512x1xf32> -> vector<512x1xf32>
    %get3A_171 = arith.constant 0 : index
    %get3A_172 = arith.constant 0 : index
    %get3A_173 = memref.load %arg11[%get3A_171, %get3A_172] : memref<1x1xf32, #tpu.memory_space<smem>>
    %add3A_174 = vector.broadcast %get3A_173 : f32 to vector<512x1xf32>
    %add3A_175 = arith.addf %dot_general3A_170, %add3A_174 : vector<512x1xf32>
    %get3A_176 = arith.constant 0 : index
    %get3A_177 = arith.constant 0 : index
    %get3A_178 = memref.load %arg7[%get3A_176, %get3A_177] : memref<1x1xf32, #tpu.memory_space<smem>>
    %get3A_179 = arith.constant 3 : index
    %get3A_180 = arith.constant 0 : index
    %get3A_181 = vector.load %arg2[%get3A_179, %get3A_180] : memref<16x512xf32, #tpu.memory_space<vmem>>, vector<1x512xf32>
    %get3A_182 = vector.shape_cast %get3A_181 : vector<1x512xf32> to vector<512xf32>
    %broadcast_in_dim3A_183 = vector.shape_cast %get3A_182 : vector<512xf32> to vector<512x1xf32>
    %get3A_184 = arith.constant 0 : index
    %get3A_185 = arith.constant 0 : index
    %get3A_186 = vector.load %arg4[%get3A_184, %get3A_185] : memref<1x128xf32, #tpu.memory_space<vmem>>, vector<1x128xf32>
    %mul3A_187 = vector.broadcast %broadcast_in_dim3A_183 : vector<512x1xf32> to vector<512x128xf32>
    %mul3A_188 = vector.broadcast %get3A_186 : vector<1x128xf32> to vector<512x128xf32>
    %mul3A_189 = arith.mulf %mul3A_187, %mul3A_188 : vector<512x128xf32>
    %get3A_190 = arith.constant 0 : index
    %get3A_191 = arith.constant 0 : index
    %get3A_192 = vector.load %arg5[%get3A_190, %get3A_191] : memref<1x128xf32, #tpu.memory_space<vmem>>, vector<1x128xf32>
    %add3A_193 = vector.broadcast %get3A_192 : vector<1x128xf32> to vector<512x128xf32>
    %add3A_194 = arith.addf %mul3A_189, %add3A_193 : vector<512x128xf32>
    %max3A_195 = arith.constant 0.000000e+00 : f32
    %max3A_196 = vector.broadcast %max3A_195 : f32 to vector<512x128xf32>
    %max3A_197 = arith.maximumf %add3A_194, %max3A_196 : vector<512x128xf32>
    %get3A_198 = arith.constant 0 : index
    %get3A_199 = arith.constant 0 : index
    %get3A_200 = vector.load %arg6[%get3A_198, %get3A_199] : memref<128x1xf32, #tpu.memory_space<vmem>>, vector<128x1xf32>
    %dot_general3A_201 = arith.constant dense<0.000000e+00> : vector<512x1xf32>
    %dot_general3A_202 = tpu.matmul %max3A_197, %get3A_200, %dot_general3A_201 {dimension_numbers = #tpu.dot_dimension_numbers<[1], [0], [0], [1], [0, 0, 1, 1], [], []>, transpose_lhs_hint = false} : vector<512x128xf32>, vector<128x1xf32>, vector<512x1xf32> -> vector<512x1xf32>
    %add3A_203 = vector.broadcast %get3A_178 : f32 to vector<512x1xf32>
    %add3A_204 = arith.addf %dot_general3A_202, %add3A_203 : vector<512x1xf32>
    %get3A_205 = arith.constant 3 : index
    %get3A_206 = arith.constant 0 : index
    %get3A_207 = arith.constant 0 : index
    %get3A_208 = vector.load %arg1[%get3A_205, %get3A_206, %get3A_207] : memref<16x512x128xf32, #tpu.memory_space<vmem>>, vector<1x512x128xf32>
    %get3A_209 = vector.shape_cast %get3A_208 : vector<1x512x128xf32> to vector<512x128xf32>
    %mul3A_210 = vector.broadcast %add3A_204 : vector<512x1xf32> to vector<512x128xf32>
    %mul3A_211 = arith.mulf %get3A_209, %mul3A_210 : vector<512x128xf32>
    %concatenate3A_212 = tpu.concatenate %mul3A_211, %get3A_1 in 1 : vector<512x128xf32>, vector<512x128xf32> -> vector<512x256xf32>
    %get3A_213 = arith.constant 0 : index
    %get3A_214 = arith.constant 0 : index
    %get3A_215 = vector.load %arg8[%get3A_213, %get3A_214] : memref<256x128xf32, #tpu.memory_space<vmem>>, vector<256x128xf32>
    %dot_general3A_216 = arith.constant dense<0.000000e+00> : vector<512x128xf32>
    %dot_general3A_217 = tpu.matmul %concatenate3A_212, %get3A_215, %dot_general3A_216 {dimension_numbers = #tpu.dot_dimension_numbers<[1], [0], [0], [1], [0, 0, 1, 1], [], []>, transpose_lhs_hint = false} : vector<512x256xf32>, vector<256x128xf32>, vector<512x128xf32> -> vector<512x128xf32>
    %get3A_218 = arith.constant 0 : index
    %get3A_219 = arith.constant 0 : index
    %get3A_220 = vector.load %arg9[%get3A_218, %get3A_219] : memref<1x128xf32, #tpu.memory_space<vmem>>, vector<1x128xf32>
    %add3A_221 = vector.broadcast %get3A_220 : vector<1x128xf32> to vector<512x128xf32>
    %add3A_222 = arith.addf %dot_general3A_217, %add3A_221 : vector<512x128xf32>
    %max3A_223 = arith.constant 0.000000e+00 : f32
    %max3A_224 = vector.broadcast %max3A_223 : f32 to vector<512x128xf32>
    %max3A_225 = arith.maximumf %add3A_222, %max3A_224 : vector<512x128xf32>
    %get3A_226 = arith.constant 0 : index
    %get3A_227 = arith.constant 0 : index
    %get3A_228 = vector.load %arg10[%get3A_226, %get3A_227] : memref<128x1xf32, #tpu.memory_space<vmem>>, vector<128x1xf32>
    %dot_general3A_229 = arith.constant dense<0.000000e+00> : vector<512x1xf32>
    %dot_general3A_230 = tpu.matmul %max3A_225, %get3A_228, %dot_general3A_229 {dimension_numbers = #tpu.dot_dimension_numbers<[1], [0], [0], [1], [0, 0, 1, 1], [], []>, transpose_lhs_hint = false} : vector<512x128xf32>, vector<128x1xf32>, vector<512x1xf32> -> vector<512x1xf32>
    %get3A_231 = arith.constant 0 : index
    %get3A_232 = arith.constant 0 : index
    %get3A_233 = memref.load %arg11[%get3A_231, %get3A_232] : memref<1x1xf32, #tpu.memory_space<smem>>
    %add3A_234 = vector.broadcast %get3A_233 : f32 to vector<512x1xf32>
    %add3A_235 = arith.addf %dot_general3A_230, %add3A_234 : vector<512x1xf32>
    %get3A_236 = arith.constant 0 : index
    %get3A_237 = arith.constant 0 : index
    %get3A_238 = memref.load %arg7[%get3A_236, %get3A_237] : memref<1x1xf32, #tpu.memory_space<smem>>
    %get3A_239 = arith.constant 4 : index
    %get3A_240 = arith.constant 0 : index
    %get3A_241 = vector.load %arg2[%get3A_239, %get3A_240] : memref<16x512xf32, #tpu.memory_space<vmem>>, vector<1x512xf32>
    %get3A_242 = vector.shape_cast %get3A_241 : vector<1x512xf32> to vector<512xf32>
    %broadcast_in_dim3A_243 = vector.shape_cast %get3A_242 : vector<512xf32> to vector<512x1xf32>
    %get3A_244 = arith.constant 0 : index
    %get3A_245 = arith.constant 0 : index
    %get3A_246 = vector.load %arg4[%get3A_244, %get3A_245] : memref<1x128xf32, #tpu.memory_space<vmem>>, vector<1x128xf32>
    %mul3A_247 = vector.broadcast %broadcast_in_dim3A_243 : vector<512x1xf32> to vector<512x128xf32>
    %mul3A_248 = vector.broadcast %get3A_246 : vector<1x128xf32> to vector<512x128xf32>
    %mul3A_249 = arith.mulf %mul3A_247, %mul3A_248 : vector<512x128xf32>
    %get3A_250 = arith.constant 0 : index
    %get3A_251 = arith.constant 0 : index
    %get3A_252 = vector.load %arg5[%get3A_250, %get3A_251] : memref<1x128xf32, #tpu.memory_space<vmem>>, vector<1x128xf32>
    %add3A_253 = vector.broadcast %get3A_252 : vector<1x128xf32> to vector<512x128xf32>
    %add3A_254 = arith.addf %mul3A_249, %add3A_253 : vector<512x128xf32>
    %max3A_255 = arith.constant 0.000000e+00 : f32
    %max3A_256 = vector.broadcast %max3A_255 : f32 to vector<512x128xf32>
    %max3A_257 = arith.maximumf %add3A_254, %max3A_256 : vector<512x128xf32>
    %get3A_258 = arith.constant 0 : index
    %get3A_259 = arith.constant 0 : index
    %get3A_260 = vector.load %arg6[%get3A_258, %get3A_259] : memref<128x1xf32, #tpu.memory_space<vmem>>, vector<128x1xf32>
    %dot_general3A_261 = arith.constant dense<0.000000e+00> : vector<512x1xf32>
    %dot_general3A_262 = tpu.matmul %max3A_257, %get3A_260, %dot_general3A_261 {dimension_numbers = #tpu.dot_dimension_numbers<[1], [0], [0], [1], [0, 0, 1, 1], [], []>, transpose_lhs_hint = false} : vector<512x128xf32>, vector<128x1xf32>, vector<512x1xf32> -> vector<512x1xf32>
    %add3A_263 = vector.broadcast %get3A_238 : f32 to vector<512x1xf32>
    %add3A_264 = arith.addf %dot_general3A_262, %add3A_263 : vector<512x1xf32>
    %get3A_265 = arith.constant 4 : index
    %get3A_266 = arith.constant 0 : index
    %get3A_267 = arith.constant 0 : index
    %get3A_268 = vector.load %arg1[%get3A_265, %get3A_266, %get3A_267] : memref<16x512x128xf32, #tpu.memory_space<vmem>>, vector<1x512x128xf32>
    %get3A_269 = vector.shape_cast %get3A_268 : vector<1x512x128xf32> to vector<512x128xf32>
    %mul3A_270 = vector.broadcast %add3A_264 : vector<512x1xf32> to vector<512x128xf32>
    %mul3A_271 = arith.mulf %get3A_269, %mul3A_270 : vector<512x128xf32>
    %concatenate3A_272 = tpu.concatenate %mul3A_271, %get3A_1 in 1 : vector<512x128xf32>, vector<512x128xf32> -> vector<512x256xf32>
    %get3A_273 = arith.constant 0 : index
    %get3A_274 = arith.constant 0 : index
    %get3A_275 = vector.load %arg8[%get3A_273, %get3A_274] : memref<256x128xf32, #tpu.memory_space<vmem>>, vector<256x128xf32>
    %dot_general3A_276 = arith.constant dense<0.000000e+00> : vector<512x128xf32>
    %dot_general3A_277 = tpu.matmul %concatenate3A_272, %get3A_275, %dot_general3A_276 {dimension_numbers = #tpu.dot_dimension_numbers<[1], [0], [0], [1], [0, 0, 1, 1], [], []>, transpose_lhs_hint = false} : vector<512x256xf32>, vector<256x128xf32>, vector<512x128xf32> -> vector<512x128xf32>
    %get3A_278 = arith.constant 0 : index
    %get3A_279 = arith.constant 0 : index
    %get3A_280 = vector.load %arg9[%get3A_278, %get3A_279] : memref<1x128xf32, #tpu.memory_space<vmem>>, vector<1x128xf32>
    %add3A_281 = vector.broadcast %get3A_280 : vector<1x128xf32> to vector<512x128xf32>
    %add3A_282 = arith.addf %dot_general3A_277, %add3A_281 : vector<512x128xf32>
    %max3A_283 = arith.constant 0.000000e+00 : f32
    %max3A_284 = vector.broadcast %max3A_283 : f32 to vector<512x128xf32>
    %max3A_285 = arith.maximumf %add3A_282, %max3A_284 : vector<512x128xf32>
    %get3A_286 = arith.constant 0 : index
    %get3A_287 = arith.constant 0 : index
    %get3A_288 = vector.load %arg10[%get3A_286, %get3A_287] : memref<128x1xf32, #tpu.memory_space<vmem>>, vector<128x1xf32>
    %dot_general3A_289 = arith.constant dense<0.000000e+00> : vector<512x1xf32>
    %dot_general3A_290 = tpu.matmul %max3A_285, %get3A_288, %dot_general3A_289 {dimension_numbers = #tpu.dot_dimension_numbers<[1], [0], [0], [1], [0, 0, 1, 1], [], []>, transpose_lhs_hint = false} : vector<512x128xf32>, vector<128x1xf32>, vector<512x1xf32> -> vector<512x1xf32>
    %get3A_291 = arith.constant 0 : index
    %get3A_292 = arith.constant 0 : index
    %get3A_293 = memref.load %arg11[%get3A_291, %get3A_292] : memref<1x1xf32, #tpu.memory_space<smem>>
    %add3A_294 = vector.broadcast %get3A_293 : f32 to vector<512x1xf32>
    %add3A_295 = arith.addf %dot_general3A_290, %add3A_294 : vector<512x1xf32>
    %get3A_296 = arith.constant 0 : index
    %get3A_297 = arith.constant 0 : index
    %get3A_298 = memref.load %arg7[%get3A_296, %get3A_297] : memref<1x1xf32, #tpu.memory_space<smem>>
    %get3A_299 = arith.constant 5 : index
    %get3A_300 = arith.constant 0 : index
    %get3A_301 = vector.load %arg2[%get3A_299, %get3A_300] : memref<16x512xf32, #tpu.memory_space<vmem>>, vector<1x512xf32>
    %get3A_302 = vector.shape_cast %get3A_301 : vector<1x512xf32> to vector<512xf32>
    %broadcast_in_dim3A_303 = vector.shape_cast %get3A_302 : vector<512xf32> to vector<512x1xf32>
    %get3A_304 = arith.constant 0 : index
    %get3A_305 = arith.constant 0 : index
    %get3A_306 = vector.load %arg4[%get3A_304, %get3A_305] : memref<1x128xf32, #tpu.memory_space<vmem>>, vector<1x128xf32>
    %mul3A_307 = vector.broadcast %broadcast_in_dim3A_303 : vector<512x1xf32> to vector<512x128xf32>
    %mul3A_308 = vector.broadcast %get3A_306 : vector<1x128xf32> to vector<512x128xf32>
    %mul3A_309 = arith.mulf %mul3A_307, %mul3A_308 : vector<512x128xf32>
    %get3A_310 = arith.constant 0 : index
    %get3A_311 = arith.constant 0 : index
    %get3A_312 = vector.load %arg5[%get3A_310, %get3A_311] : memref<1x128xf32, #tpu.memory_space<vmem>>, vector<1x128xf32>
    %add3A_313 = vector.broadcast %get3A_312 : vector<1x128xf32> to vector<512x128xf32>
    %add3A_314 = arith.addf %mul3A_309, %add3A_313 : vector<512x128xf32>
    %max3A_315 = arith.constant 0.000000e+00 : f32
    %max3A_316 = vector.broadcast %max3A_315 : f32 to vector<512x128xf32>
    %max3A_317 = arith.maximumf %add3A_314, %max3A_316 : vector<512x128xf32>
    %get3A_318 = arith.constant 0 : index
    %get3A_319 = arith.constant 0 : index
    %get3A_320 = vector.load %arg6[%get3A_318, %get3A_319] : memref<128x1xf32, #tpu.memory_space<vmem>>, vector<128x1xf32>
    %dot_general3A_321 = arith.constant dense<0.000000e+00> : vector<512x1xf32>
    %dot_general3A_322 = tpu.matmul %max3A_317, %get3A_320, %dot_general3A_321 {dimension_numbers = #tpu.dot_dimension_numbers<[1], [0], [0], [1], [0, 0, 1, 1], [], []>, transpose_lhs_hint = false} : vector<512x128xf32>, vector<128x1xf32>, vector<512x1xf32> -> vector<512x1xf32>
    %add3A_323 = vector.broadcast %get3A_298 : f32 to vector<512x1xf32>
    %add3A_324 = arith.addf %dot_general3A_322, %add3A_323 : vector<512x1xf32>
    %get3A_325 = arith.constant 5 : index
    %get3A_326 = arith.constant 0 : index
    %get3A_327 = arith.constant 0 : index
    %get3A_328 = vector.load %arg1[%get3A_325, %get3A_326, %get3A_327] : memref<16x512x128xf32, #tpu.memory_space<vmem>>, vector<1x512x128xf32>
    %get3A_329 = vector.shape_cast %get3A_328 : vector<1x512x128xf32> to vector<512x128xf32>
    %mul3A_330 = vector.broadcast %add3A_324 : vector<512x1xf32> to vector<512x128xf32>
    %mul3A_331 = arith.mulf %get3A_329, %mul3A_330 : vector<512x128xf32>
    %concatenate3A_332 = tpu.concatenate %mul3A_331, %get3A_1 in 1 : vector<512x128xf32>, vector<512x128xf32> -> vector<512x256xf32>
    %get3A_333 = arith.constant 0 : index
    %get3A_334 = arith.constant 0 : index
    %get3A_335 = vector.load %arg8[%get3A_333, %get3A_334] : memref<256x128xf32, #tpu.memory_space<vmem>>, vector<256x128xf32>
    %dot_general3A_336 = arith.constant dense<0.000000e+00> : vector<512x128xf32>
    %dot_general3A_337 = tpu.matmul %concatenate3A_332, %get3A_335, %dot_general3A_336 {dimension_numbers = #tpu.dot_dimension_numbers<[1], [0], [0], [1], [0, 0, 1, 1], [], []>, transpose_lhs_hint = false} : vector<512x256xf32>, vector<256x128xf32>, vector<512x128xf32> -> vector<512x128xf32>
    %get3A_338 = arith.constant 0 : index
    %get3A_339 = arith.constant 0 : index
    %get3A_340 = vector.load %arg9[%get3A_338, %get3A_339] : memref<1x128xf32, #tpu.memory_space<vmem>>, vector<1x128xf32>
    %add3A_341 = vector.broadcast %get3A_340 : vector<1x128xf32> to vector<512x128xf32>
    %add3A_342 = arith.addf %dot_general3A_337, %add3A_341 : vector<512x128xf32>
    %max3A_343 = arith.constant 0.000000e+00 : f32
    %max3A_344 = vector.broadcast %max3A_343 : f32 to vector<512x128xf32>
    %max3A_345 = arith.maximumf %add3A_342, %max3A_344 : vector<512x128xf32>
    %get3A_346 = arith.constant 0 : index
    %get3A_347 = arith.constant 0 : index
    %get3A_348 = vector.load %arg10[%get3A_346, %get3A_347] : memref<128x1xf32, #tpu.memory_space<vmem>>, vector<128x1xf32>
    %dot_general3A_349 = arith.constant dense<0.000000e+00> : vector<512x1xf32>
    %dot_general3A_350 = tpu.matmul %max3A_345, %get3A_348, %dot_general3A_349 {dimension_numbers = #tpu.dot_dimension_numbers<[1], [0], [0], [1], [0, 0, 1, 1], [], []>, transpose_lhs_hint = false} : vector<512x128xf32>, vector<128x1xf32>, vector<512x1xf32> -> vector<512x1xf32>
    %get3A_351 = arith.constant 0 : index
    %get3A_352 = arith.constant 0 : index
    %get3A_353 = memref.load %arg11[%get3A_351, %get3A_352] : memref<1x1xf32, #tpu.memory_space<smem>>
    %add3A_354 = vector.broadcast %get3A_353 : f32 to vector<512x1xf32>
    %add3A_355 = arith.addf %dot_general3A_350, %add3A_354 : vector<512x1xf32>
    %get3A_356 = arith.constant 0 : index
    %get3A_357 = arith.constant 0 : index
    %get3A_358 = memref.load %arg7[%get3A_356, %get3A_357] : memref<1x1xf32, #tpu.memory_space<smem>>
    %get3A_359 = arith.constant 6 : index
    %get3A_360 = arith.constant 0 : index
    %get3A_361 = vector.load %arg2[%get3A_359, %get3A_360] : memref<16x512xf32, #tpu.memory_space<vmem>>, vector<1x512xf32>
    %get3A_362 = vector.shape_cast %get3A_361 : vector<1x512xf32> to vector<512xf32>
    %broadcast_in_dim3A_363 = vector.shape_cast %get3A_362 : vector<512xf32> to vector<512x1xf32>
    %get3A_364 = arith.constant 0 : index
    %get3A_365 = arith.constant 0 : index
    %get3A_366 = vector.load %arg4[%get3A_364, %get3A_365] : memref<1x128xf32, #tpu.memory_space<vmem>>, vector<1x128xf32>
    %mul3A_367 = vector.broadcast %broadcast_in_dim3A_363 : vector<512x1xf32> to vector<512x128xf32>
    %mul3A_368 = vector.broadcast %get3A_366 : vector<1x128xf32> to vector<512x128xf32>
    %mul3A_369 = arith.mulf %mul3A_367, %mul3A_368 : vector<512x128xf32>
    %get3A_370 = arith.constant 0 : index
    %get3A_371 = arith.constant 0 : index
    %get3A_372 = vector.load %arg5[%get3A_370, %get3A_371] : memref<1x128xf32, #tpu.memory_space<vmem>>, vector<1x128xf32>
    %add3A_373 = vector.broadcast %get3A_372 : vector<1x128xf32> to vector<512x128xf32>
    %add3A_374 = arith.addf %mul3A_369, %add3A_373 : vector<512x128xf32>
    %max3A_375 = arith.constant 0.000000e+00 : f32
    %max3A_376 = vector.broadcast %max3A_375 : f32 to vector<512x128xf32>
    %max3A_377 = arith.maximumf %add3A_374, %max3A_376 : vector<512x128xf32>
    %get3A_378 = arith.constant 0 : index
    %get3A_379 = arith.constant 0 : index
    %get3A_380 = vector.load %arg6[%get3A_378, %get3A_379] : memref<128x1xf32, #tpu.memory_space<vmem>>, vector<128x1xf32>
    %dot_general3A_381 = arith.constant dense<0.000000e+00> : vector<512x1xf32>
    %dot_general3A_382 = tpu.matmul %max3A_377, %get3A_380, %dot_general3A_381 {dimension_numbers = #tpu.dot_dimension_numbers<[1], [0], [0], [1], [0, 0, 1, 1], [], []>, transpose_lhs_hint = false} : vector<512x128xf32>, vector<128x1xf32>, vector<512x1xf32> -> vector<512x1xf32>
    %add3A_383 = vector.broadcast %get3A_358 : f32 to vector<512x1xf32>
    %add3A_384 = arith.addf %dot_general3A_382, %add3A_383 : vector<512x1xf32>
    %get3A_385 = arith.constant 6 : index
    %get3A_386 = arith.constant 0 : index
    %get3A_387 = arith.constant 0 : index
    %get3A_388 = vector.load %arg1[%get3A_385, %get3A_386, %get3A_387] : memref<16x512x128xf32, #tpu.memory_space<vmem>>, vector<1x512x128xf32>
    %get3A_389 = vector.shape_cast %get3A_388 : vector<1x512x128xf32> to vector<512x128xf32>
    %mul3A_390 = vector.broadcast %add3A_384 : vector<512x1xf32> to vector<512x128xf32>
    %mul3A_391 = arith.mulf %get3A_389, %mul3A_390 : vector<512x128xf32>
    %concatenate3A_392 = tpu.concatenate %mul3A_391, %get3A_1 in 1 : vector<512x128xf32>, vector<512x128xf32> -> vector<512x256xf32>
    %get3A_393 = arith.constant 0 : index
    %get3A_394 = arith.constant 0 : index
    %get3A_395 = vector.load %arg8[%get3A_393, %get3A_394] : memref<256x128xf32, #tpu.memory_space<vmem>>, vector<256x128xf32>
    %dot_general3A_396 = arith.constant dense<0.000000e+00> : vector<512x128xf32>
    %dot_general3A_397 = tpu.matmul %concatenate3A_392, %get3A_395, %dot_general3A_396 {dimension_numbers = #tpu.dot_dimension_numbers<[1], [0], [0], [1], [0, 0, 1, 1], [], []>, transpose_lhs_hint = false} : vector<512x256xf32>, vector<256x128xf32>, vector<512x128xf32> -> vector<512x128xf32>
    %get3A_398 = arith.constant 0 : index
    %get3A_399 = arith.constant 0 : index
    %get3A_400 = vector.load %arg9[%get3A_398, %get3A_399] : memref<1x128xf32, #tpu.memory_space<vmem>>, vector<1x128xf32>
    %add3A_401 = vector.broadcast %get3A_400 : vector<1x128xf32> to vector<512x128xf32>
    %add3A_402 = arith.addf %dot_general3A_397, %add3A_401 : vector<512x128xf32>
    %max3A_403 = arith.constant 0.000000e+00 : f32
    %max3A_404 = vector.broadcast %max3A_403 : f32 to vector<512x128xf32>
    %max3A_405 = arith.maximumf %add3A_402, %max3A_404 : vector<512x128xf32>
    %get3A_406 = arith.constant 0 : index
    %get3A_407 = arith.constant 0 : index
    %get3A_408 = vector.load %arg10[%get3A_406, %get3A_407] : memref<128x1xf32, #tpu.memory_space<vmem>>, vector<128x1xf32>
    %dot_general3A_409 = arith.constant dense<0.000000e+00> : vector<512x1xf32>
    %dot_general3A_410 = tpu.matmul %max3A_405, %get3A_408, %dot_general3A_409 {dimension_numbers = #tpu.dot_dimension_numbers<[1], [0], [0], [1], [0, 0, 1, 1], [], []>, transpose_lhs_hint = false} : vector<512x128xf32>, vector<128x1xf32>, vector<512x1xf32> -> vector<512x1xf32>
    %get3A_411 = arith.constant 0 : index
    %get3A_412 = arith.constant 0 : index
    %get3A_413 = memref.load %arg11[%get3A_411, %get3A_412] : memref<1x1xf32, #tpu.memory_space<smem>>
    %add3A_414 = vector.broadcast %get3A_413 : f32 to vector<512x1xf32>
    %add3A_415 = arith.addf %dot_general3A_410, %add3A_414 : vector<512x1xf32>
    %get3A_416 = arith.constant 0 : index
    %get3A_417 = arith.constant 0 : index
    %get3A_418 = memref.load %arg7[%get3A_416, %get3A_417] : memref<1x1xf32, #tpu.memory_space<smem>>
    %get3A_419 = arith.constant 7 : index
    %get3A_420 = arith.constant 0 : index
    %get3A_421 = vector.load %arg2[%get3A_419, %get3A_420] : memref<16x512xf32, #tpu.memory_space<vmem>>, vector<1x512xf32>
    %get3A_422 = vector.shape_cast %get3A_421 : vector<1x512xf32> to vector<512xf32>
    %broadcast_in_dim3A_423 = vector.shape_cast %get3A_422 : vector<512xf32> to vector<512x1xf32>
    %get3A_424 = arith.constant 0 : index
    %get3A_425 = arith.constant 0 : index
    %get3A_426 = vector.load %arg4[%get3A_424, %get3A_425] : memref<1x128xf32, #tpu.memory_space<vmem>>, vector<1x128xf32>
    %mul3A_427 = vector.broadcast %broadcast_in_dim3A_423 : vector<512x1xf32> to vector<512x128xf32>
    %mul3A_428 = vector.broadcast %get3A_426 : vector<1x128xf32> to vector<512x128xf32>
    %mul3A_429 = arith.mulf %mul3A_427, %mul3A_428 : vector<512x128xf32>
    %get3A_430 = arith.constant 0 : index
    %get3A_431 = arith.constant 0 : index
    %get3A_432 = vector.load %arg5[%get3A_430, %get3A_431] : memref<1x128xf32, #tpu.memory_space<vmem>>, vector<1x128xf32>
    %add3A_433 = vector.broadcast %get3A_432 : vector<1x128xf32> to vector<512x128xf32>
    %add3A_434 = arith.addf %mul3A_429, %add3A_433 : vector<512x128xf32>
    %max3A_435 = arith.constant 0.000000e+00 : f32
    %max3A_436 = vector.broadcast %max3A_435 : f32 to vector<512x128xf32>
    %max3A_437 = arith.maximumf %add3A_434, %max3A_436 : vector<512x128xf32>
    %get3A_438 = arith.constant 0 : index
    %get3A_439 = arith.constant 0 : index
    %get3A_440 = vector.load %arg6[%get3A_438, %get3A_439] : memref<128x1xf32, #tpu.memory_space<vmem>>, vector<128x1xf32>
    %dot_general3A_441 = arith.constant dense<0.000000e+00> : vector<512x1xf32>
    %dot_general3A_442 = tpu.matmul %max3A_437, %get3A_440, %dot_general3A_441 {dimension_numbers = #tpu.dot_dimension_numbers<[1], [0], [0], [1], [0, 0, 1, 1], [], []>, transpose_lhs_hint = false} : vector<512x128xf32>, vector<128x1xf32>, vector<512x1xf32> -> vector<512x1xf32>
    %add3A_443 = vector.broadcast %get3A_418 : f32 to vector<512x1xf32>
    %add3A_444 = arith.addf %dot_general3A_442, %add3A_443 : vector<512x1xf32>
    %get3A_445 = arith.constant 7 : index
    %get3A_446 = arith.constant 0 : index
    %get3A_447 = arith.constant 0 : index
    %get3A_448 = vector.load %arg1[%get3A_445, %get3A_446, %get3A_447] : memref<16x512x128xf32, #tpu.memory_space<vmem>>, vector<1x512x128xf32>
    %get3A_449 = vector.shape_cast %get3A_448 : vector<1x512x128xf32> to vector<512x128xf32>
    %mul3A_450 = vector.broadcast %add3A_444 : vector<512x1xf32> to vector<512x128xf32>
    %mul3A_451 = arith.mulf %get3A_449, %mul3A_450 : vector<512x128xf32>
    %concatenate3A_452 = tpu.concatenate %mul3A_451, %get3A_1 in 1 : vector<512x128xf32>, vector<512x128xf32> -> vector<512x256xf32>
    %get3A_453 = arith.constant 0 : index
    %get3A_454 = arith.constant 0 : index
    %get3A_455 = vector.load %arg8[%get3A_453, %get3A_454] : memref<256x128xf32, #tpu.memory_space<vmem>>, vector<256x128xf32>
    %dot_general3A_456 = arith.constant dense<0.000000e+00> : vector<512x128xf32>
    %dot_general3A_457 = tpu.matmul %concatenate3A_452, %get3A_455, %dot_general3A_456 {dimension_numbers = #tpu.dot_dimension_numbers<[1], [0], [0], [1], [0, 0, 1, 1], [], []>, transpose_lhs_hint = false} : vector<512x256xf32>, vector<256x128xf32>, vector<512x128xf32> -> vector<512x128xf32>
    %get3A_458 = arith.constant 0 : index
    %get3A_459 = arith.constant 0 : index
    %get3A_460 = vector.load %arg9[%get3A_458, %get3A_459] : memref<1x128xf32, #tpu.memory_space<vmem>>, vector<1x128xf32>
    %add3A_461 = vector.broadcast %get3A_460 : vector<1x128xf32> to vector<512x128xf32>
    %add3A_462 = arith.addf %dot_general3A_457, %add3A_461 : vector<512x128xf32>
    %max3A_463 = arith.constant 0.000000e+00 : f32
    %max3A_464 = vector.broadcast %max3A_463 : f32 to vector<512x128xf32>
    %max3A_465 = arith.maximumf %add3A_462, %max3A_464 : vector<512x128xf32>
    %get3A_466 = arith.constant 0 : index
    %get3A_467 = arith.constant 0 : index
    %get3A_468 = vector.load %arg10[%get3A_466, %get3A_467] : memref<128x1xf32, #tpu.memory_space<vmem>>, vector<128x1xf32>
    %dot_general3A_469 = arith.constant dense<0.000000e+00> : vector<512x1xf32>
    %dot_general3A_470 = tpu.matmul %max3A_465, %get3A_468, %dot_general3A_469 {dimension_numbers = #tpu.dot_dimension_numbers<[1], [0], [0], [1], [0, 0, 1, 1], [], []>, transpose_lhs_hint = false} : vector<512x128xf32>, vector<128x1xf32>, vector<512x1xf32> -> vector<512x1xf32>
    %get3A_471 = arith.constant 0 : index
    %get3A_472 = arith.constant 0 : index
    %get3A_473 = memref.load %arg11[%get3A_471, %get3A_472] : memref<1x1xf32, #tpu.memory_space<smem>>
    %add3A_474 = vector.broadcast %get3A_473 : f32 to vector<512x1xf32>
    %add3A_475 = arith.addf %dot_general3A_470, %add3A_474 : vector<512x1xf32>
    %get3A_476 = arith.constant 0 : index
    %get3A_477 = arith.constant 0 : index
    %get3A_478 = memref.load %arg7[%get3A_476, %get3A_477] : memref<1x1xf32, #tpu.memory_space<smem>>
    %get3A_479 = arith.constant 8 : index
    %get3A_480 = arith.constant 0 : index
    %get3A_481 = vector.load %arg2[%get3A_479, %get3A_480] : memref<16x512xf32, #tpu.memory_space<vmem>>, vector<1x512xf32>
    %get3A_482 = vector.shape_cast %get3A_481 : vector<1x512xf32> to vector<512xf32>
    %broadcast_in_dim3A_483 = vector.shape_cast %get3A_482 : vector<512xf32> to vector<512x1xf32>
    %get3A_484 = arith.constant 0 : index
    %get3A_485 = arith.constant 0 : index
    %get3A_486 = vector.load %arg4[%get3A_484, %get3A_485] : memref<1x128xf32, #tpu.memory_space<vmem>>, vector<1x128xf32>
    %mul3A_487 = vector.broadcast %broadcast_in_dim3A_483 : vector<512x1xf32> to vector<512x128xf32>
    %mul3A_488 = vector.broadcast %get3A_486 : vector<1x128xf32> to vector<512x128xf32>
    %mul3A_489 = arith.mulf %mul3A_487, %mul3A_488 : vector<512x128xf32>
    %get3A_490 = arith.constant 0 : index
    %get3A_491 = arith.constant 0 : index
    %get3A_492 = vector.load %arg5[%get3A_490, %get3A_491] : memref<1x128xf32, #tpu.memory_space<vmem>>, vector<1x128xf32>
    %add3A_493 = vector.broadcast %get3A_492 : vector<1x128xf32> to vector<512x128xf32>
    %add3A_494 = arith.addf %mul3A_489, %add3A_493 : vector<512x128xf32>
    %max3A_495 = arith.constant 0.000000e+00 : f32
    %max3A_496 = vector.broadcast %max3A_495 : f32 to vector<512x128xf32>
    %max3A_497 = arith.maximumf %add3A_494, %max3A_496 : vector<512x128xf32>
    %get3A_498 = arith.constant 0 : index
    %get3A_499 = arith.constant 0 : index
    %get3A_500 = vector.load %arg6[%get3A_498, %get3A_499] : memref<128x1xf32, #tpu.memory_space<vmem>>, vector<128x1xf32>
    %dot_general3A_501 = arith.constant dense<0.000000e+00> : vector<512x1xf32>
    %dot_general3A_502 = tpu.matmul %max3A_497, %get3A_500, %dot_general3A_501 {dimension_numbers = #tpu.dot_dimension_numbers<[1], [0], [0], [1], [0, 0, 1, 1], [], []>, transpose_lhs_hint = false} : vector<512x128xf32>, vector<128x1xf32>, vector<512x1xf32> -> vector<512x1xf32>
    %add3A_503 = vector.broadcast %get3A_478 : f32 to vector<512x1xf32>
    %add3A_504 = arith.addf %dot_general3A_502, %add3A_503 : vector<512x1xf32>
    %get3A_505 = arith.constant 8 : index
    %get3A_506 = arith.constant 0 : index
    %get3A_507 = arith.constant 0 : index
    %get3A_508 = vector.load %arg1[%get3A_505, %get3A_506, %get3A_507] : memref<16x512x128xf32, #tpu.memory_space<vmem>>, vector<1x512x128xf32>
    %get3A_509 = vector.shape_cast %get3A_508 : vector<1x512x128xf32> to vector<512x128xf32>
    %mul3A_510 = vector.broadcast %add3A_504 : vector<512x1xf32> to vector<512x128xf32>
    %mul3A_511 = arith.mulf %get3A_509, %mul3A_510 : vector<512x128xf32>
    %concatenate3A_512 = tpu.concatenate %mul3A_511, %get3A_1 in 1 : vector<512x128xf32>, vector<512x128xf32> -> vector<512x256xf32>
    %get3A_513 = arith.constant 0 : index
    %get3A_514 = arith.constant 0 : index
    %get3A_515 = vector.load %arg8[%get3A_513, %get3A_514] : memref<256x128xf32, #tpu.memory_space<vmem>>, vector<256x128xf32>
    %dot_general3A_516 = arith.constant dense<0.000000e+00> : vector<512x128xf32>
    %dot_general3A_517 = tpu.matmul %concatenate3A_512, %get3A_515, %dot_general3A_516 {dimension_numbers = #tpu.dot_dimension_numbers<[1], [0], [0], [1], [0, 0, 1, 1], [], []>, transpose_lhs_hint = false} : vector<512x256xf32>, vector<256x128xf32>, vector<512x128xf32> -> vector<512x128xf32>
    %get3A_518 = arith.constant 0 : index
    %get3A_519 = arith.constant 0 : index
    %get3A_520 = vector.load %arg9[%get3A_518, %get3A_519] : memref<1x128xf32, #tpu.memory_space<vmem>>, vector<1x128xf32>
    %add3A_521 = vector.broadcast %get3A_520 : vector<1x128xf32> to vector<512x128xf32>
    %add3A_522 = arith.addf %dot_general3A_517, %add3A_521 : vector<512x128xf32>
    %max3A_523 = arith.constant 0.000000e+00 : f32
    %max3A_524 = vector.broadcast %max3A_523 : f32 to vector<512x128xf32>
    %max3A_525 = arith.maximumf %add3A_522, %max3A_524 : vector<512x128xf32>
    %get3A_526 = arith.constant 0 : index
    %get3A_527 = arith.constant 0 : index
    %get3A_528 = vector.load %arg10[%get3A_526, %get3A_527] : memref<128x1xf32, #tpu.memory_space<vmem>>, vector<128x1xf32>
    %dot_general3A_529 = arith.constant dense<0.000000e+00> : vector<512x1xf32>
    %dot_general3A_530 = tpu.matmul %max3A_525, %get3A_528, %dot_general3A_529 {dimension_numbers = #tpu.dot_dimension_numbers<[1], [0], [0], [1], [0, 0, 1, 1], [], []>, transpose_lhs_hint = false} : vector<512x128xf32>, vector<128x1xf32>, vector<512x1xf32> -> vector<512x1xf32>
    %get3A_531 = arith.constant 0 : index
    %get3A_532 = arith.constant 0 : index
    %get3A_533 = memref.load %arg11[%get3A_531, %get3A_532] : memref<1x1xf32, #tpu.memory_space<smem>>
    %add3A_534 = vector.broadcast %get3A_533 : f32 to vector<512x1xf32>
    %add3A_535 = arith.addf %dot_general3A_530, %add3A_534 : vector<512x1xf32>
    %get3A_536 = arith.constant 0 : index
    %get3A_537 = arith.constant 0 : index
    %get3A_538 = memref.load %arg7[%get3A_536, %get3A_537] : memref<1x1xf32, #tpu.memory_space<smem>>
    %get3A_539 = arith.constant 9 : index
    %get3A_540 = arith.constant 0 : index
    %get3A_541 = vector.load %arg2[%get3A_539, %get3A_540] : memref<16x512xf32, #tpu.memory_space<vmem>>, vector<1x512xf32>
    %get3A_542 = vector.shape_cast %get3A_541 : vector<1x512xf32> to vector<512xf32>
    %broadcast_in_dim3A_543 = vector.shape_cast %get3A_542 : vector<512xf32> to vector<512x1xf32>
    %get3A_544 = arith.constant 0 : index
    %get3A_545 = arith.constant 0 : index
    %get3A_546 = vector.load %arg4[%get3A_544, %get3A_545] : memref<1x128xf32, #tpu.memory_space<vmem>>, vector<1x128xf32>
    %mul3A_547 = vector.broadcast %broadcast_in_dim3A_543 : vector<512x1xf32> to vector<512x128xf32>
    %mul3A_548 = vector.broadcast %get3A_546 : vector<1x128xf32> to vector<512x128xf32>
    %mul3A_549 = arith.mulf %mul3A_547, %mul3A_548 : vector<512x128xf32>
    %get3A_550 = arith.constant 0 : index
    %get3A_551 = arith.constant 0 : index
    %get3A_552 = vector.load %arg5[%get3A_550, %get3A_551] : memref<1x128xf32, #tpu.memory_space<vmem>>, vector<1x128xf32>
    %add3A_553 = vector.broadcast %get3A_552 : vector<1x128xf32> to vector<512x128xf32>
    %add3A_554 = arith.addf %mul3A_549, %add3A_553 : vector<512x128xf32>
    %max3A_555 = arith.constant 0.000000e+00 : f32
    %max3A_556 = vector.broadcast %max3A_555 : f32 to vector<512x128xf32>
    %max3A_557 = arith.maximumf %add3A_554, %max3A_556 : vector<512x128xf32>
    %get3A_558 = arith.constant 0 : index
    %get3A_559 = arith.constant 0 : index
    %get3A_560 = vector.load %arg6[%get3A_558, %get3A_559] : memref<128x1xf32, #tpu.memory_space<vmem>>, vector<128x1xf32>
    %dot_general3A_561 = arith.constant dense<0.000000e+00> : vector<512x1xf32>
    %dot_general3A_562 = tpu.matmul %max3A_557, %get3A_560, %dot_general3A_561 {dimension_numbers = #tpu.dot_dimension_numbers<[1], [0], [0], [1], [0, 0, 1, 1], [], []>, transpose_lhs_hint = false} : vector<512x128xf32>, vector<128x1xf32>, vector<512x1xf32> -> vector<512x1xf32>
    %add3A_563 = vector.broadcast %get3A_538 : f32 to vector<512x1xf32>
    %add3A_564 = arith.addf %dot_general3A_562, %add3A_563 : vector<512x1xf32>
    %get3A_565 = arith.constant 9 : index
    %get3A_566 = arith.constant 0 : index
    %get3A_567 = arith.constant 0 : index
    %get3A_568 = vector.load %arg1[%get3A_565, %get3A_566, %get3A_567] : memref<16x512x128xf32, #tpu.memory_space<vmem>>, vector<1x512x128xf32>
    %get3A_569 = vector.shape_cast %get3A_568 : vector<1x512x128xf32> to vector<512x128xf32>
    %mul3A_570 = vector.broadcast %add3A_564 : vector<512x1xf32> to vector<512x128xf32>
    %mul3A_571 = arith.mulf %get3A_569, %mul3A_570 : vector<512x128xf32>
    %concatenate3A_572 = tpu.concatenate %mul3A_571, %get3A_1 in 1 : vector<512x128xf32>, vector<512x128xf32> -> vector<512x256xf32>
    %get3A_573 = arith.constant 0 : index
    %get3A_574 = arith.constant 0 : index
    %get3A_575 = vector.load %arg8[%get3A_573, %get3A_574] : memref<256x128xf32, #tpu.memory_space<vmem>>, vector<256x128xf32>
    %dot_general3A_576 = arith.constant dense<0.000000e+00> : vector<512x128xf32>
    %dot_general3A_577 = tpu.matmul %concatenate3A_572, %get3A_575, %dot_general3A_576 {dimension_numbers = #tpu.dot_dimension_numbers<[1], [0], [0], [1], [0, 0, 1, 1], [], []>, transpose_lhs_hint = false} : vector<512x256xf32>, vector<256x128xf32>, vector<512x128xf32> -> vector<512x128xf32>
    %get3A_578 = arith.constant 0 : index
    %get3A_579 = arith.constant 0 : index
    %get3A_580 = vector.load %arg9[%get3A_578, %get3A_579] : memref<1x128xf32, #tpu.memory_space<vmem>>, vector<1x128xf32>
    %add3A_581 = vector.broadcast %get3A_580 : vector<1x128xf32> to vector<512x128xf32>
    %add3A_582 = arith.addf %dot_general3A_577, %add3A_581 : vector<512x128xf32>
    %max3A_583 = arith.constant 0.000000e+00 : f32
    %max3A_584 = vector.broadcast %max3A_583 : f32 to vector<512x128xf32>
    %max3A_585 = arith.maximumf %add3A_582, %max3A_584 : vector<512x128xf32>
    %get3A_586 = arith.constant 0 : index
    %get3A_587 = arith.constant 0 : index
    %get3A_588 = vector.load %arg10[%get3A_586, %get3A_587] : memref<128x1xf32, #tpu.memory_space<vmem>>, vector<128x1xf32>
    %dot_general3A_589 = arith.constant dense<0.000000e+00> : vector<512x1xf32>
    %dot_general3A_590 = tpu.matmul %max3A_585, %get3A_588, %dot_general3A_589 {dimension_numbers = #tpu.dot_dimension_numbers<[1], [0], [0], [1], [0, 0, 1, 1], [], []>, transpose_lhs_hint = false} : vector<512x128xf32>, vector<128x1xf32>, vector<512x1xf32> -> vector<512x1xf32>
    %get3A_591 = arith.constant 0 : index
    %get3A_592 = arith.constant 0 : index
    %get3A_593 = memref.load %arg11[%get3A_591, %get3A_592] : memref<1x1xf32, #tpu.memory_space<smem>>
    %add3A_594 = vector.broadcast %get3A_593 : f32 to vector<512x1xf32>
    %add3A_595 = arith.addf %dot_general3A_590, %add3A_594 : vector<512x1xf32>
    %get3A_596 = arith.constant 0 : index
    %get3A_597 = arith.constant 0 : index
    %get3A_598 = memref.load %arg7[%get3A_596, %get3A_597] : memref<1x1xf32, #tpu.memory_space<smem>>
    %get3A_599 = arith.constant 10 : index
    %get3A_600 = arith.constant 0 : index
    %get3A_601 = vector.load %arg2[%get3A_599, %get3A_600] : memref<16x512xf32, #tpu.memory_space<vmem>>, vector<1x512xf32>
    %get3A_602 = vector.shape_cast %get3A_601 : vector<1x512xf32> to vector<512xf32>
    %broadcast_in_dim3A_603 = vector.shape_cast %get3A_602 : vector<512xf32> to vector<512x1xf32>
    %get3A_604 = arith.constant 0 : index
    %get3A_605 = arith.constant 0 : index
    %get3A_606 = vector.load %arg4[%get3A_604, %get3A_605] : memref<1x128xf32, #tpu.memory_space<vmem>>, vector<1x128xf32>
    %mul3A_607 = vector.broadcast %broadcast_in_dim3A_603 : vector<512x1xf32> to vector<512x128xf32>
    %mul3A_608 = vector.broadcast %get3A_606 : vector<1x128xf32> to vector<512x128xf32>
    %mul3A_609 = arith.mulf %mul3A_607, %mul3A_608 : vector<512x128xf32>
    %get3A_610 = arith.constant 0 : index
    %get3A_611 = arith.constant 0 : index
    %get3A_612 = vector.load %arg5[%get3A_610, %get3A_611] : memref<1x128xf32, #tpu.memory_space<vmem>>, vector<1x128xf32>
    %add3A_613 = vector.broadcast %get3A_612 : vector<1x128xf32> to vector<512x128xf32>
    %add3A_614 = arith.addf %mul3A_609, %add3A_613 : vector<512x128xf32>
    %max3A_615 = arith.constant 0.000000e+00 : f32
    %max3A_616 = vector.broadcast %max3A_615 : f32 to vector<512x128xf32>
    %max3A_617 = arith.maximumf %add3A_614, %max3A_616 : vector<512x128xf32>
    %get3A_618 = arith.constant 0 : index
    %get3A_619 = arith.constant 0 : index
    %get3A_620 = vector.load %arg6[%get3A_618, %get3A_619] : memref<128x1xf32, #tpu.memory_space<vmem>>, vector<128x1xf32>
    %dot_general3A_621 = arith.constant dense<0.000000e+00> : vector<512x1xf32>
    %dot_general3A_622 = tpu.matmul %max3A_617, %get3A_620, %dot_general3A_621 {dimension_numbers = #tpu.dot_dimension_numbers<[1], [0], [0], [1], [0, 0, 1, 1], [], []>, transpose_lhs_hint = false} : vector<512x128xf32>, vector<128x1xf32>, vector<512x1xf32> -> vector<512x1xf32>
    %add3A_623 = vector.broadcast %get3A_598 : f32 to vector<512x1xf32>
    %add3A_624 = arith.addf %dot_general3A_622, %add3A_623 : vector<512x1xf32>
    %get3A_625 = arith.constant 10 : index
    %get3A_626 = arith.constant 0 : index
    %get3A_627 = arith.constant 0 : index
    %get3A_628 = vector.load %arg1[%get3A_625, %get3A_626, %get3A_627] : memref<16x512x128xf32, #tpu.memory_space<vmem>>, vector<1x512x128xf32>
    %get3A_629 = vector.shape_cast %get3A_628 : vector<1x512x128xf32> to vector<512x128xf32>
    %mul3A_630 = vector.broadcast %add3A_624 : vector<512x1xf32> to vector<512x128xf32>
    %mul3A_631 = arith.mulf %get3A_629, %mul3A_630 : vector<512x128xf32>
    %concatenate3A_632 = tpu.concatenate %mul3A_631, %get3A_1 in 1 : vector<512x128xf32>, vector<512x128xf32> -> vector<512x256xf32>
    %get3A_633 = arith.constant 0 : index
    %get3A_634 = arith.constant 0 : index
    %get3A_635 = vector.load %arg8[%get3A_633, %get3A_634] : memref<256x128xf32, #tpu.memory_space<vmem>>, vector<256x128xf32>
    %dot_general3A_636 = arith.constant dense<0.000000e+00> : vector<512x128xf32>
    %dot_general3A_637 = tpu.matmul %concatenate3A_632, %get3A_635, %dot_general3A_636 {dimension_numbers = #tpu.dot_dimension_numbers<[1], [0], [0], [1], [0, 0, 1, 1], [], []>, transpose_lhs_hint = false} : vector<512x256xf32>, vector<256x128xf32>, vector<512x128xf32> -> vector<512x128xf32>
    %get3A_638 = arith.constant 0 : index
    %get3A_639 = arith.constant 0 : index
    %get3A_640 = vector.load %arg9[%get3A_638, %get3A_639] : memref<1x128xf32, #tpu.memory_space<vmem>>, vector<1x128xf32>
    %add3A_641 = vector.broadcast %get3A_640 : vector<1x128xf32> to vector<512x128xf32>
    %add3A_642 = arith.addf %dot_general3A_637, %add3A_641 : vector<512x128xf32>
    %max3A_643 = arith.constant 0.000000e+00 : f32
    %max3A_644 = vector.broadcast %max3A_643 : f32 to vector<512x128xf32>
    %max3A_645 = arith.maximumf %add3A_642, %max3A_644 : vector<512x128xf32>
    %get3A_646 = arith.constant 0 : index
    %get3A_647 = arith.constant 0 : index
    %get3A_648 = vector.load %arg10[%get3A_646, %get3A_647] : memref<128x1xf32, #tpu.memory_space<vmem>>, vector<128x1xf32>
    %dot_general3A_649 = arith.constant dense<0.000000e+00> : vector<512x1xf32>
    %dot_general3A_650 = tpu.matmul %max3A_645, %get3A_648, %dot_general3A_649 {dimension_numbers = #tpu.dot_dimension_numbers<[1], [0], [0], [1], [0, 0, 1, 1], [], []>, transpose_lhs_hint = false} : vector<512x128xf32>, vector<128x1xf32>, vector<512x1xf32> -> vector<512x1xf32>
    %get3A_651 = arith.constant 0 : index
    %get3A_652 = arith.constant 0 : index
    %get3A_653 = memref.load %arg11[%get3A_651, %get3A_652] : memref<1x1xf32, #tpu.memory_space<smem>>
    %add3A_654 = vector.broadcast %get3A_653 : f32 to vector<512x1xf32>
    %add3A_655 = arith.addf %dot_general3A_650, %add3A_654 : vector<512x1xf32>
    %get3A_656 = arith.constant 0 : index
    %get3A_657 = arith.constant 0 : index
    %get3A_658 = memref.load %arg7[%get3A_656, %get3A_657] : memref<1x1xf32, #tpu.memory_space<smem>>
    %get3A_659 = arith.constant 11 : index
    %get3A_660 = arith.constant 0 : index
    %get3A_661 = vector.load %arg2[%get3A_659, %get3A_660] : memref<16x512xf32, #tpu.memory_space<vmem>>, vector<1x512xf32>
    %get3A_662 = vector.shape_cast %get3A_661 : vector<1x512xf32> to vector<512xf32>
    %broadcast_in_dim3A_663 = vector.shape_cast %get3A_662 : vector<512xf32> to vector<512x1xf32>
    %get3A_664 = arith.constant 0 : index
    %get3A_665 = arith.constant 0 : index
    %get3A_666 = vector.load %arg4[%get3A_664, %get3A_665] : memref<1x128xf32, #tpu.memory_space<vmem>>, vector<1x128xf32>
    %mul3A_667 = vector.broadcast %broadcast_in_dim3A_663 : vector<512x1xf32> to vector<512x128xf32>
    %mul3A_668 = vector.broadcast %get3A_666 : vector<1x128xf32> to vector<512x128xf32>
    %mul3A_669 = arith.mulf %mul3A_667, %mul3A_668 : vector<512x128xf32>
    %get3A_670 = arith.constant 0 : index
    %get3A_671 = arith.constant 0 : index
    %get3A_672 = vector.load %arg5[%get3A_670, %get3A_671] : memref<1x128xf32, #tpu.memory_space<vmem>>, vector<1x128xf32>
    %add3A_673 = vector.broadcast %get3A_672 : vector<1x128xf32> to vector<512x128xf32>
    %add3A_674 = arith.addf %mul3A_669, %add3A_673 : vector<512x128xf32>
    %max3A_675 = arith.constant 0.000000e+00 : f32
    %max3A_676 = vector.broadcast %max3A_675 : f32 to vector<512x128xf32>
    %max3A_677 = arith.maximumf %add3A_674, %max3A_676 : vector<512x128xf32>
    %get3A_678 = arith.constant 0 : index
    %get3A_679 = arith.constant 0 : index
    %get3A_680 = vector.load %arg6[%get3A_678, %get3A_679] : memref<128x1xf32, #tpu.memory_space<vmem>>, vector<128x1xf32>
    %dot_general3A_681 = arith.constant dense<0.000000e+00> : vector<512x1xf32>
    %dot_general3A_682 = tpu.matmul %max3A_677, %get3A_680, %dot_general3A_681 {dimension_numbers = #tpu.dot_dimension_numbers<[1], [0], [0], [1], [0, 0, 1, 1], [], []>, transpose_lhs_hint = false} : vector<512x128xf32>, vector<128x1xf32>, vector<512x1xf32> -> vector<512x1xf32>
    %add3A_683 = vector.broadcast %get3A_658 : f32 to vector<512x1xf32>
    %add3A_684 = arith.addf %dot_general3A_682, %add3A_683 : vector<512x1xf32>
    %get3A_685 = arith.constant 11 : index
    %get3A_686 = arith.constant 0 : index
    %get3A_687 = arith.constant 0 : index
    %get3A_688 = vector.load %arg1[%get3A_685, %get3A_686, %get3A_687] : memref<16x512x128xf32, #tpu.memory_space<vmem>>, vector<1x512x128xf32>
    %get3A_689 = vector.shape_cast %get3A_688 : vector<1x512x128xf32> to vector<512x128xf32>
    %mul3A_690 = vector.broadcast %add3A_684 : vector<512x1xf32> to vector<512x128xf32>
    %mul3A_691 = arith.mulf %get3A_689, %mul3A_690 : vector<512x128xf32>
    %concatenate3A_692 = tpu.concatenate %mul3A_691, %get3A_1 in 1 : vector<512x128xf32>, vector<512x128xf32> -> vector<512x256xf32>
    %get3A_693 = arith.constant 0 : index
    %get3A_694 = arith.constant 0 : index
    %get3A_695 = vector.load %arg8[%get3A_693, %get3A_694] : memref<256x128xf32, #tpu.memory_space<vmem>>, vector<256x128xf32>
    %dot_general3A_696 = arith.constant dense<0.000000e+00> : vector<512x128xf32>
    %dot_general3A_697 = tpu.matmul %concatenate3A_692, %get3A_695, %dot_general3A_696 {dimension_numbers = #tpu.dot_dimension_numbers<[1], [0], [0], [1], [0, 0, 1, 1], [], []>, transpose_lhs_hint = false} : vector<512x256xf32>, vector<256x128xf32>, vector<512x128xf32> -> vector<512x128xf32>
    %get3A_698 = arith.constant 0 : index
    %get3A_699 = arith.constant 0 : index
    %get3A_700 = vector.load %arg9[%get3A_698, %get3A_699] : memref<1x128xf32, #tpu.memory_space<vmem>>, vector<1x128xf32>
    %add3A_701 = vector.broadcast %get3A_700 : vector<1x128xf32> to vector<512x128xf32>
    %add3A_702 = arith.addf %dot_general3A_697, %add3A_701 : vector<512x128xf32>
    %max3A_703 = arith.constant 0.000000e+00 : f32
    %max3A_704 = vector.broadcast %max3A_703 : f32 to vector<512x128xf32>
    %max3A_705 = arith.maximumf %add3A_702, %max3A_704 : vector<512x128xf32>
    %get3A_706 = arith.constant 0 : index
    %get3A_707 = arith.constant 0 : index
    %get3A_708 = vector.load %arg10[%get3A_706, %get3A_707] : memref<128x1xf32, #tpu.memory_space<vmem>>, vector<128x1xf32>
    %dot_general3A_709 = arith.constant dense<0.000000e+00> : vector<512x1xf32>
    %dot_general3A_710 = tpu.matmul %max3A_705, %get3A_708, %dot_general3A_709 {dimension_numbers = #tpu.dot_dimension_numbers<[1], [0], [0], [1], [0, 0, 1, 1], [], []>, transpose_lhs_hint = false} : vector<512x128xf32>, vector<128x1xf32>, vector<512x1xf32> -> vector<512x1xf32>
    %get3A_711 = arith.constant 0 : index
    %get3A_712 = arith.constant 0 : index
    %get3A_713 = memref.load %arg11[%get3A_711, %get3A_712] : memref<1x1xf32, #tpu.memory_space<smem>>
    %add3A_714 = vector.broadcast %get3A_713 : f32 to vector<512x1xf32>
    %add3A_715 = arith.addf %dot_general3A_710, %add3A_714 : vector<512x1xf32>
    %get3A_716 = arith.constant 0 : index
    %get3A_717 = arith.constant 0 : index
    %get3A_718 = memref.load %arg7[%get3A_716, %get3A_717] : memref<1x1xf32, #tpu.memory_space<smem>>
    %get3A_719 = arith.constant 12 : index
    %get3A_720 = arith.constant 0 : index
    %get3A_721 = vector.load %arg2[%get3A_719, %get3A_720] : memref<16x512xf32, #tpu.memory_space<vmem>>, vector<1x512xf32>
    %get3A_722 = vector.shape_cast %get3A_721 : vector<1x512xf32> to vector<512xf32>
    %broadcast_in_dim3A_723 = vector.shape_cast %get3A_722 : vector<512xf32> to vector<512x1xf32>
    %get3A_724 = arith.constant 0 : index
    %get3A_725 = arith.constant 0 : index
    %get3A_726 = vector.load %arg4[%get3A_724, %get3A_725] : memref<1x128xf32, #tpu.memory_space<vmem>>, vector<1x128xf32>
    %mul3A_727 = vector.broadcast %broadcast_in_dim3A_723 : vector<512x1xf32> to vector<512x128xf32>
    %mul3A_728 = vector.broadcast %get3A_726 : vector<1x128xf32> to vector<512x128xf32>
    %mul3A_729 = arith.mulf %mul3A_727, %mul3A_728 : vector<512x128xf32>
    %get3A_730 = arith.constant 0 : index
    %get3A_731 = arith.constant 0 : index
    %get3A_732 = vector.load %arg5[%get3A_730, %get3A_731] : memref<1x128xf32, #tpu.memory_space<vmem>>, vector<1x128xf32>
    %add3A_733 = vector.broadcast %get3A_732 : vector<1x128xf32> to vector<512x128xf32>
    %add3A_734 = arith.addf %mul3A_729, %add3A_733 : vector<512x128xf32>
    %max3A_735 = arith.constant 0.000000e+00 : f32
    %max3A_736 = vector.broadcast %max3A_735 : f32 to vector<512x128xf32>
    %max3A_737 = arith.maximumf %add3A_734, %max3A_736 : vector<512x128xf32>
    %get3A_738 = arith.constant 0 : index
    %get3A_739 = arith.constant 0 : index
    %get3A_740 = vector.load %arg6[%get3A_738, %get3A_739] : memref<128x1xf32, #tpu.memory_space<vmem>>, vector<128x1xf32>
    %dot_general3A_741 = arith.constant dense<0.000000e+00> : vector<512x1xf32>
    %dot_general3A_742 = tpu.matmul %max3A_737, %get3A_740, %dot_general3A_741 {dimension_numbers = #tpu.dot_dimension_numbers<[1], [0], [0], [1], [0, 0, 1, 1], [], []>, transpose_lhs_hint = false} : vector<512x128xf32>, vector<128x1xf32>, vector<512x1xf32> -> vector<512x1xf32>
    %add3A_743 = vector.broadcast %get3A_718 : f32 to vector<512x1xf32>
    %add3A_744 = arith.addf %dot_general3A_742, %add3A_743 : vector<512x1xf32>
    %get3A_745 = arith.constant 12 : index
    %get3A_746 = arith.constant 0 : index
    %get3A_747 = arith.constant 0 : index
    %get3A_748 = vector.load %arg1[%get3A_745, %get3A_746, %get3A_747] : memref<16x512x128xf32, #tpu.memory_space<vmem>>, vector<1x512x128xf32>
    %get3A_749 = vector.shape_cast %get3A_748 : vector<1x512x128xf32> to vector<512x128xf32>
    %mul3A_750 = vector.broadcast %add3A_744 : vector<512x1xf32> to vector<512x128xf32>
    %mul3A_751 = arith.mulf %get3A_749, %mul3A_750 : vector<512x128xf32>
    %concatenate3A_752 = tpu.concatenate %mul3A_751, %get3A_1 in 1 : vector<512x128xf32>, vector<512x128xf32> -> vector<512x256xf32>
    %get3A_753 = arith.constant 0 : index
    %get3A_754 = arith.constant 0 : index
    %get3A_755 = vector.load %arg8[%get3A_753, %get3A_754] : memref<256x128xf32, #tpu.memory_space<vmem>>, vector<256x128xf32>
    %dot_general3A_756 = arith.constant dense<0.000000e+00> : vector<512x128xf32>
    %dot_general3A_757 = tpu.matmul %concatenate3A_752, %get3A_755, %dot_general3A_756 {dimension_numbers = #tpu.dot_dimension_numbers<[1], [0], [0], [1], [0, 0, 1, 1], [], []>, transpose_lhs_hint = false} : vector<512x256xf32>, vector<256x128xf32>, vector<512x128xf32> -> vector<512x128xf32>
    %get3A_758 = arith.constant 0 : index
    %get3A_759 = arith.constant 0 : index
    %get3A_760 = vector.load %arg9[%get3A_758, %get3A_759] : memref<1x128xf32, #tpu.memory_space<vmem>>, vector<1x128xf32>
    %add3A_761 = vector.broadcast %get3A_760 : vector<1x128xf32> to vector<512x128xf32>
    %add3A_762 = arith.addf %dot_general3A_757, %add3A_761 : vector<512x128xf32>
    %max3A_763 = arith.constant 0.000000e+00 : f32
    %max3A_764 = vector.broadcast %max3A_763 : f32 to vector<512x128xf32>
    %max3A_765 = arith.maximumf %add3A_762, %max3A_764 : vector<512x128xf32>
    %get3A_766 = arith.constant 0 : index
    %get3A_767 = arith.constant 0 : index
    %get3A_768 = vector.load %arg10[%get3A_766, %get3A_767] : memref<128x1xf32, #tpu.memory_space<vmem>>, vector<128x1xf32>
    %dot_general3A_769 = arith.constant dense<0.000000e+00> : vector<512x1xf32>
    %dot_general3A_770 = tpu.matmul %max3A_765, %get3A_768, %dot_general3A_769 {dimension_numbers = #tpu.dot_dimension_numbers<[1], [0], [0], [1], [0, 0, 1, 1], [], []>, transpose_lhs_hint = false} : vector<512x128xf32>, vector<128x1xf32>, vector<512x1xf32> -> vector<512x1xf32>
    %get3A_771 = arith.constant 0 : index
    %get3A_772 = arith.constant 0 : index
    %get3A_773 = memref.load %arg11[%get3A_771, %get3A_772] : memref<1x1xf32, #tpu.memory_space<smem>>
    %add3A_774 = vector.broadcast %get3A_773 : f32 to vector<512x1xf32>
    %add3A_775 = arith.addf %dot_general3A_770, %add3A_774 : vector<512x1xf32>
    %get3A_776 = arith.constant 0 : index
    %get3A_777 = arith.constant 0 : index
    %get3A_778 = memref.load %arg7[%get3A_776, %get3A_777] : memref<1x1xf32, #tpu.memory_space<smem>>
    %get3A_779 = arith.constant 13 : index
    %get3A_780 = arith.constant 0 : index
    %get3A_781 = vector.load %arg2[%get3A_779, %get3A_780] : memref<16x512xf32, #tpu.memory_space<vmem>>, vector<1x512xf32>
    %get3A_782 = vector.shape_cast %get3A_781 : vector<1x512xf32> to vector<512xf32>
    %broadcast_in_dim3A_783 = vector.shape_cast %get3A_782 : vector<512xf32> to vector<512x1xf32>
    %get3A_784 = arith.constant 0 : index
    %get3A_785 = arith.constant 0 : index
    %get3A_786 = vector.load %arg4[%get3A_784, %get3A_785] : memref<1x128xf32, #tpu.memory_space<vmem>>, vector<1x128xf32>
    %mul3A_787 = vector.broadcast %broadcast_in_dim3A_783 : vector<512x1xf32> to vector<512x128xf32>
    %mul3A_788 = vector.broadcast %get3A_786 : vector<1x128xf32> to vector<512x128xf32>
    %mul3A_789 = arith.mulf %mul3A_787, %mul3A_788 : vector<512x128xf32>
    %get3A_790 = arith.constant 0 : index
    %get3A_791 = arith.constant 0 : index
    %get3A_792 = vector.load %arg5[%get3A_790, %get3A_791] : memref<1x128xf32, #tpu.memory_space<vmem>>, vector<1x128xf32>
    %add3A_793 = vector.broadcast %get3A_792 : vector<1x128xf32> to vector<512x128xf32>
    %add3A_794 = arith.addf %mul3A_789, %add3A_793 : vector<512x128xf32>
    %max3A_795 = arith.constant 0.000000e+00 : f32
    %max3A_796 = vector.broadcast %max3A_795 : f32 to vector<512x128xf32>
    %max3A_797 = arith.maximumf %add3A_794, %max3A_796 : vector<512x128xf32>
    %get3A_798 = arith.constant 0 : index
    %get3A_799 = arith.constant 0 : index
    %get3A_800 = vector.load %arg6[%get3A_798, %get3A_799] : memref<128x1xf32, #tpu.memory_space<vmem>>, vector<128x1xf32>
    %dot_general3A_801 = arith.constant dense<0.000000e+00> : vector<512x1xf32>
    %dot_general3A_802 = tpu.matmul %max3A_797, %get3A_800, %dot_general3A_801 {dimension_numbers = #tpu.dot_dimension_numbers<[1], [0], [0], [1], [0, 0, 1, 1], [], []>, transpose_lhs_hint = false} : vector<512x128xf32>, vector<128x1xf32>, vector<512x1xf32> -> vector<512x1xf32>
    %add3A_803 = vector.broadcast %get3A_778 : f32 to vector<512x1xf32>
    %add3A_804 = arith.addf %dot_general3A_802, %add3A_803 : vector<512x1xf32>
    %get3A_805 = arith.constant 13 : index
    %get3A_806 = arith.constant 0 : index
    %get3A_807 = arith.constant 0 : index
    %get3A_808 = vector.load %arg1[%get3A_805, %get3A_806, %get3A_807] : memref<16x512x128xf32, #tpu.memory_space<vmem>>, vector<1x512x128xf32>
    %get3A_809 = vector.shape_cast %get3A_808 : vector<1x512x128xf32> to vector<512x128xf32>
    %mul3A_810 = vector.broadcast %add3A_804 : vector<512x1xf32> to vector<512x128xf32>
    %mul3A_811 = arith.mulf %get3A_809, %mul3A_810 : vector<512x128xf32>
    %concatenate3A_812 = tpu.concatenate %mul3A_811, %get3A_1 in 1 : vector<512x128xf32>, vector<512x128xf32> -> vector<512x256xf32>
    %get3A_813 = arith.constant 0 : index
    %get3A_814 = arith.constant 0 : index
    %get3A_815 = vector.load %arg8[%get3A_813, %get3A_814] : memref<256x128xf32, #tpu.memory_space<vmem>>, vector<256x128xf32>
    %dot_general3A_816 = arith.constant dense<0.000000e+00> : vector<512x128xf32>
    %dot_general3A_817 = tpu.matmul %concatenate3A_812, %get3A_815, %dot_general3A_816 {dimension_numbers = #tpu.dot_dimension_numbers<[1], [0], [0], [1], [0, 0, 1, 1], [], []>, transpose_lhs_hint = false} : vector<512x256xf32>, vector<256x128xf32>, vector<512x128xf32> -> vector<512x128xf32>
    %get3A_818 = arith.constant 0 : index
    %get3A_819 = arith.constant 0 : index
    %get3A_820 = vector.load %arg9[%get3A_818, %get3A_819] : memref<1x128xf32, #tpu.memory_space<vmem>>, vector<1x128xf32>
    %add3A_821 = vector.broadcast %get3A_820 : vector<1x128xf32> to vector<512x128xf32>
    %add3A_822 = arith.addf %dot_general3A_817, %add3A_821 : vector<512x128xf32>
    %max3A_823 = arith.constant 0.000000e+00 : f32
    %max3A_824 = vector.broadcast %max3A_823 : f32 to vector<512x128xf32>
    %max3A_825 = arith.maximumf %add3A_822, %max3A_824 : vector<512x128xf32>
    %get3A_826 = arith.constant 0 : index
    %get3A_827 = arith.constant 0 : index
    %get3A_828 = vector.load %arg10[%get3A_826, %get3A_827] : memref<128x1xf32, #tpu.memory_space<vmem>>, vector<128x1xf32>
    %dot_general3A_829 = arith.constant dense<0.000000e+00> : vector<512x1xf32>
    %dot_general3A_830 = tpu.matmul %max3A_825, %get3A_828, %dot_general3A_829 {dimension_numbers = #tpu.dot_dimension_numbers<[1], [0], [0], [1], [0, 0, 1, 1], [], []>, transpose_lhs_hint = false} : vector<512x128xf32>, vector<128x1xf32>, vector<512x1xf32> -> vector<512x1xf32>
    %get3A_831 = arith.constant 0 : index
    %get3A_832 = arith.constant 0 : index
    %get3A_833 = memref.load %arg11[%get3A_831, %get3A_832] : memref<1x1xf32, #tpu.memory_space<smem>>
    %add3A_834 = vector.broadcast %get3A_833 : f32 to vector<512x1xf32>
    %add3A_835 = arith.addf %dot_general3A_830, %add3A_834 : vector<512x1xf32>
    %get3A_836 = arith.constant 0 : index
    %get3A_837 = arith.constant 0 : index
    %get3A_838 = memref.load %arg7[%get3A_836, %get3A_837] : memref<1x1xf32, #tpu.memory_space<smem>>
    %get3A_839 = arith.constant 14 : index
    %get3A_840 = arith.constant 0 : index
    %get3A_841 = vector.load %arg2[%get3A_839, %get3A_840] : memref<16x512xf32, #tpu.memory_space<vmem>>, vector<1x512xf32>
    %get3A_842 = vector.shape_cast %get3A_841 : vector<1x512xf32> to vector<512xf32>
    %broadcast_in_dim3A_843 = vector.shape_cast %get3A_842 : vector<512xf32> to vector<512x1xf32>
    %get3A_844 = arith.constant 0 : index
    %get3A_845 = arith.constant 0 : index
    %get3A_846 = vector.load %arg4[%get3A_844, %get3A_845] : memref<1x128xf32, #tpu.memory_space<vmem>>, vector<1x128xf32>
    %mul3A_847 = vector.broadcast %broadcast_in_dim3A_843 : vector<512x1xf32> to vector<512x128xf32>
    %mul3A_848 = vector.broadcast %get3A_846 : vector<1x128xf32> to vector<512x128xf32>
    %mul3A_849 = arith.mulf %mul3A_847, %mul3A_848 : vector<512x128xf32>
    %get3A_850 = arith.constant 0 : index
    %get3A_851 = arith.constant 0 : index
    %get3A_852 = vector.load %arg5[%get3A_850, %get3A_851] : memref<1x128xf32, #tpu.memory_space<vmem>>, vector<1x128xf32>
    %add3A_853 = vector.broadcast %get3A_852 : vector<1x128xf32> to vector<512x128xf32>
    %add3A_854 = arith.addf %mul3A_849, %add3A_853 : vector<512x128xf32>
    %max3A_855 = arith.constant 0.000000e+00 : f32
    %max3A_856 = vector.broadcast %max3A_855 : f32 to vector<512x128xf32>
    %max3A_857 = arith.maximumf %add3A_854, %max3A_856 : vector<512x128xf32>
    %get3A_858 = arith.constant 0 : index
    %get3A_859 = arith.constant 0 : index
    %get3A_860 = vector.load %arg6[%get3A_858, %get3A_859] : memref<128x1xf32, #tpu.memory_space<vmem>>, vector<128x1xf32>
    %dot_general3A_861 = arith.constant dense<0.000000e+00> : vector<512x1xf32>
    %dot_general3A_862 = tpu.matmul %max3A_857, %get3A_860, %dot_general3A_861 {dimension_numbers = #tpu.dot_dimension_numbers<[1], [0], [0], [1], [0, 0, 1, 1], [], []>, transpose_lhs_hint = false} : vector<512x128xf32>, vector<128x1xf32>, vector<512x1xf32> -> vector<512x1xf32>
    %add3A_863 = vector.broadcast %get3A_838 : f32 to vector<512x1xf32>
    %add3A_864 = arith.addf %dot_general3A_862, %add3A_863 : vector<512x1xf32>
    %get3A_865 = arith.constant 14 : index
    %get3A_866 = arith.constant 0 : index
    %get3A_867 = arith.constant 0 : index
    %get3A_868 = vector.load %arg1[%get3A_865, %get3A_866, %get3A_867] : memref<16x512x128xf32, #tpu.memory_space<vmem>>, vector<1x512x128xf32>
    %get3A_869 = vector.shape_cast %get3A_868 : vector<1x512x128xf32> to vector<512x128xf32>
    %mul3A_870 = vector.broadcast %add3A_864 : vector<512x1xf32> to vector<512x128xf32>
    %mul3A_871 = arith.mulf %get3A_869, %mul3A_870 : vector<512x128xf32>
    %concatenate3A_872 = tpu.concatenate %mul3A_871, %get3A_1 in 1 : vector<512x128xf32>, vector<512x128xf32> -> vector<512x256xf32>
    %get3A_873 = arith.constant 0 : index
    %get3A_874 = arith.constant 0 : index
    %get3A_875 = vector.load %arg8[%get3A_873, %get3A_874] : memref<256x128xf32, #tpu.memory_space<vmem>>, vector<256x128xf32>
    %dot_general3A_876 = arith.constant dense<0.000000e+00> : vector<512x128xf32>
    %dot_general3A_877 = tpu.matmul %concatenate3A_872, %get3A_875, %dot_general3A_876 {dimension_numbers = #tpu.dot_dimension_numbers<[1], [0], [0], [1], [0, 0, 1, 1], [], []>, transpose_lhs_hint = false} : vector<512x256xf32>, vector<256x128xf32>, vector<512x128xf32> -> vector<512x128xf32>
    %get3A_878 = arith.constant 0 : index
    %get3A_879 = arith.constant 0 : index
    %get3A_880 = vector.load %arg9[%get3A_878, %get3A_879] : memref<1x128xf32, #tpu.memory_space<vmem>>, vector<1x128xf32>
    %add3A_881 = vector.broadcast %get3A_880 : vector<1x128xf32> to vector<512x128xf32>
    %add3A_882 = arith.addf %dot_general3A_877, %add3A_881 : vector<512x128xf32>
    %max3A_883 = arith.constant 0.000000e+00 : f32
    %max3A_884 = vector.broadcast %max3A_883 : f32 to vector<512x128xf32>
    %max3A_885 = arith.maximumf %add3A_882, %max3A_884 : vector<512x128xf32>
    %get3A_886 = arith.constant 0 : index
    %get3A_887 = arith.constant 0 : index
    %get3A_888 = vector.load %arg10[%get3A_886, %get3A_887] : memref<128x1xf32, #tpu.memory_space<vmem>>, vector<128x1xf32>
    %dot_general3A_889 = arith.constant dense<0.000000e+00> : vector<512x1xf32>
    %dot_general3A_890 = tpu.matmul %max3A_885, %get3A_888, %dot_general3A_889 {dimension_numbers = #tpu.dot_dimension_numbers<[1], [0], [0], [1], [0, 0, 1, 1], [], []>, transpose_lhs_hint = false} : vector<512x128xf32>, vector<128x1xf32>, vector<512x1xf32> -> vector<512x1xf32>
    %get3A_891 = arith.constant 0 : index
    %get3A_892 = arith.constant 0 : index
    %get3A_893 = memref.load %arg11[%get3A_891, %get3A_892] : memref<1x1xf32, #tpu.memory_space<smem>>
    %add3A_894 = vector.broadcast %get3A_893 : f32 to vector<512x1xf32>
    %add3A_895 = arith.addf %dot_general3A_890, %add3A_894 : vector<512x1xf32>
    %get3A_896 = arith.constant 0 : index
    %get3A_897 = arith.constant 0 : index
    %get3A_898 = memref.load %arg7[%get3A_896, %get3A_897] : memref<1x1xf32, #tpu.memory_space<smem>>
    %get3A_899 = arith.constant 15 : index
    %get3A_900 = arith.constant 0 : index
    %get3A_901 = vector.load %arg2[%get3A_899, %get3A_900] : memref<16x512xf32, #tpu.memory_space<vmem>>, vector<1x512xf32>
    %get3A_902 = vector.shape_cast %get3A_901 : vector<1x512xf32> to vector<512xf32>
    %broadcast_in_dim3A_903 = vector.shape_cast %get3A_902 : vector<512xf32> to vector<512x1xf32>
    %get3A_904 = arith.constant 0 : index
    %get3A_905 = arith.constant 0 : index
    %get3A_906 = vector.load %arg4[%get3A_904, %get3A_905] : memref<1x128xf32, #tpu.memory_space<vmem>>, vector<1x128xf32>
    %mul3A_907 = vector.broadcast %broadcast_in_dim3A_903 : vector<512x1xf32> to vector<512x128xf32>
    %mul3A_908 = vector.broadcast %get3A_906 : vector<1x128xf32> to vector<512x128xf32>
    %mul3A_909 = arith.mulf %mul3A_907, %mul3A_908 : vector<512x128xf32>
    %get3A_910 = arith.constant 0 : index
    %get3A_911 = arith.constant 0 : index
    %get3A_912 = vector.load %arg5[%get3A_910, %get3A_911] : memref<1x128xf32, #tpu.memory_space<vmem>>, vector<1x128xf32>
    %add3A_913 = vector.broadcast %get3A_912 : vector<1x128xf32> to vector<512x128xf32>
    %add3A_914 = arith.addf %mul3A_909, %add3A_913 : vector<512x128xf32>
    %max3A_915 = arith.constant 0.000000e+00 : f32
    %max3A_916 = vector.broadcast %max3A_915 : f32 to vector<512x128xf32>
    %max3A_917 = arith.maximumf %add3A_914, %max3A_916 : vector<512x128xf32>
    %get3A_918 = arith.constant 0 : index
    %get3A_919 = arith.constant 0 : index
    %get3A_920 = vector.load %arg6[%get3A_918, %get3A_919] : memref<128x1xf32, #tpu.memory_space<vmem>>, vector<128x1xf32>
    %dot_general3A_921 = arith.constant dense<0.000000e+00> : vector<512x1xf32>
    %dot_general3A_922 = tpu.matmul %max3A_917, %get3A_920, %dot_general3A_921 {dimension_numbers = #tpu.dot_dimension_numbers<[1], [0], [0], [1], [0, 0, 1, 1], [], []>, transpose_lhs_hint = false} : vector<512x128xf32>, vector<128x1xf32>, vector<512x1xf32> -> vector<512x1xf32>
    %add3A_923 = vector.broadcast %get3A_898 : f32 to vector<512x1xf32>
    %add3A_924 = arith.addf %dot_general3A_922, %add3A_923 : vector<512x1xf32>
    %get3A_925 = arith.constant 15 : index
    %get3A_926 = arith.constant 0 : index
    %get3A_927 = arith.constant 0 : index
    %get3A_928 = vector.load %arg1[%get3A_925, %get3A_926, %get3A_927] : memref<16x512x128xf32, #tpu.memory_space<vmem>>, vector<1x512x128xf32>
    %get3A_929 = vector.shape_cast %get3A_928 : vector<1x512x128xf32> to vector<512x128xf32>
    %mul3A_930 = vector.broadcast %add3A_924 : vector<512x1xf32> to vector<512x128xf32>
    %mul3A_931 = arith.mulf %get3A_929, %mul3A_930 : vector<512x128xf32>
    %concatenate3A_932 = tpu.concatenate %mul3A_931, %get3A_1 in 1 : vector<512x128xf32>, vector<512x128xf32> -> vector<512x256xf32>
    %get3A_933 = arith.constant 0 : index
    %get3A_934 = arith.constant 0 : index
    %get3A_935 = vector.load %arg8[%get3A_933, %get3A_934] : memref<256x128xf32, #tpu.memory_space<vmem>>, vector<256x128xf32>
    %dot_general3A_936 = arith.constant dense<0.000000e+00> : vector<512x128xf32>
    %dot_general3A_937 = tpu.matmul %concatenate3A_932, %get3A_935, %dot_general3A_936 {dimension_numbers = #tpu.dot_dimension_numbers<[1], [0], [0], [1], [0, 0, 1, 1], [], []>, transpose_lhs_hint = false} : vector<512x256xf32>, vector<256x128xf32>, vector<512x128xf32> -> vector<512x128xf32>
    %get3A_938 = arith.constant 0 : index
    %get3A_939 = arith.constant 0 : index
    %get3A_940 = vector.load %arg9[%get3A_938, %get3A_939] : memref<1x128xf32, #tpu.memory_space<vmem>>, vector<1x128xf32>
    %add3A_941 = vector.broadcast %get3A_940 : vector<1x128xf32> to vector<512x128xf32>
    %add3A_942 = arith.addf %dot_general3A_937, %add3A_941 : vector<512x128xf32>
    %max3A_943 = arith.constant 0.000000e+00 : f32
    %max3A_944 = vector.broadcast %max3A_943 : f32 to vector<512x128xf32>
    %max3A_945 = arith.maximumf %add3A_942, %max3A_944 : vector<512x128xf32>
    %get3A_946 = arith.constant 0 : index
    %get3A_947 = arith.constant 0 : index
    %get3A_948 = vector.load %arg10[%get3A_946, %get3A_947] : memref<128x1xf32, #tpu.memory_space<vmem>>, vector<128x1xf32>
    %dot_general3A_949 = arith.constant dense<0.000000e+00> : vector<512x1xf32>
    %dot_general3A_950 = tpu.matmul %max3A_945, %get3A_948, %dot_general3A_949 {dimension_numbers = #tpu.dot_dimension_numbers<[1], [0], [0], [1], [0, 0, 1, 1], [], []>, transpose_lhs_hint = false} : vector<512x128xf32>, vector<128x1xf32>, vector<512x1xf32> -> vector<512x1xf32>
    %get3A_951 = arith.constant 0 : index
    %get3A_952 = arith.constant 0 : index
    %get3A_953 = memref.load %arg11[%get3A_951, %get3A_952] : memref<1x1xf32, #tpu.memory_space<smem>>
    %add3A_954 = vector.broadcast %get3A_953 : f32 to vector<512x1xf32>
    %add3A_955 = arith.addf %dot_general3A_950, %add3A_954 : vector<512x1xf32>
    %concatenate3A_956 = tpu.concatenate %add3A_55, %add3A_115, %add3A_175, %add3A_235, %add3A_295, %add3A_355, %add3A_415, %add3A_475, %add3A_535, %add3A_595, %add3A_655, %add3A_715, %add3A_775, %add3A_835, %add3A_895, %add3A_955 in 1 : vector<512x1xf32>, vector<512x1xf32>, vector<512x1xf32>, vector<512x1xf32>, vector<512x1xf32>, vector<512x1xf32>, vector<512x1xf32>, vector<512x1xf32>, vector<512x1xf32>, vector<512x1xf32>, vector<512x1xf32>, vector<512x1xf32>, vector<512x1xf32>, vector<512x1xf32>, vector<512x1xf32>, vector<512x1xf32> -> vector<512x16xf32>
    %mul3A_957 = arith.mulf %concatenate3A_956, %concatenate3A_956 : vector<512x16xf32>
    %reduce_sum3A = arith.constant dense<0.000000e+00> : vector<512xf32>
    %reduce_sum3A_958 = vector.multi_reduction <add>, %mul3A_957, %reduce_sum3A [1] : vector<512x16xf32> to vector<512xf32>
    %broadcast_in_dim3A_959 = vector.shape_cast %reduce_sum3A_958 : vector<512xf32> to vector<512x1xf32>
    %sqrt3A = math.sqrt %broadcast_in_dim3A_959 : vector<512x1xf32>
    %max3A_960 = arith.constant 9.99999996E-13 : f32
    %max3A_961 = vector.broadcast %max3A_960 : f32 to vector<512x1xf32>
    %max3A_962 = arith.maximumf %sqrt3A, %max3A_961 : vector<512x1xf32>
    %div3A = vector.broadcast %max3A_962 : vector<512x1xf32> to vector<512x16xf32>
    %div3A_963 = arith.divf %concatenate3A_956, %div3A : vector<512x16xf32>
    %swap3A = arith.constant 0 : index
    %swap3A_964 = arith.constant 0 : index
    %swap3A_965 = vector.load %arg12[%swap3A, %swap3A_964] : memref<512x16xf32, #tpu.memory_space<vmem>>, vector<512x16xf32>
    tpu.vector_store %arg12[%swap3A, %swap3A_964], %div3A_963 {strides = array<i32>} : memref<512x16xf32, #tpu.memory_space<vmem>>, vector<512x16xf32>,
    return
  }
  func.func @transform_0(%arg0: i32) -> (i32, i32, i32) {
    %c0_i32 = arith.constant 0 : i32
    %c0_i32_0 = arith.constant 0 : i32
    %c0_i32_1 = arith.constant 0 : i32
    return %c0_i32, %arg0, %c0_i32_0 : i32, i32, i32
  }
  func.func @transform_1(%arg0: i32) -> (i32, i32) {
    %c0_i32 = arith.constant 0 : i32
    %c0_i32_0 = arith.constant 0 : i32
    return %c0_i32, %arg0 : i32, i32
  }
  func.func @transform_2(%arg0: i32) -> (i32, i32) {
    %c0_i32 = arith.constant 0 : i32
    %c0_i32_0 = arith.constant 0 : i32
    return %arg0, %c0_i32 : i32, i32
  }
  func.func @transform_3(%arg0: i32) -> (i32, i32) {
    %c0_i32 = arith.constant 0 : i32
    %c0_i32_0 = arith.constant 0 : i32
    %c0_i32_1 = arith.constant 0 : i32
    return %c0_i32, %c0_i32_0 : i32, i32
  }
  func.func @transform_4(%arg0: i32) -> (i32, i32) {
    %c0_i32 = arith.constant 0 : i32
    %c0_i32_0 = arith.constant 0 : i32
    %c0_i32_1 = arith.constant 0 : i32
    return %c0_i32, %c0_i32_0 : i32, i32
  }
  func.func @transform_5(%arg0: i32) -> (i32, i32) {
    %c0_i32 = arith.constant 0 : i32
    %c0_i32_0 = arith.constant 0 : i32
    %c0_i32_1 = arith.constant 0 : i32
    return %c0_i32, %c0_i32_0 : i32, i32
  }
  func.func @transform_6(%arg0: i32) -> (i32, i32) {
    %c0_i32 = arith.constant 0 : i32
    %c0_i32_0 = arith.constant 0 : i32
    %c0_i32_1 = arith.constant 0 : i32
    return %c0_i32, %c0_i32_0 : i32, i32
  }
  func.func @transform_7(%arg0: i32) -> (i32, i32) {
    %c0_i32 = arith.constant 0 : i32
    %c0_i32_0 = arith.constant 0 : i32
    %c0_i32_1 = arith.constant 0 : i32
    return %c0_i32, %c0_i32_0 : i32, i32
  }
  func.func @transform_8(%arg0: i32) -> (i32, i32) {
    %c0_i32 = arith.constant 0 : i32
    %c0_i32_0 = arith.constant 0 : i32
    %c0_i32_1 = arith.constant 0 : i32
    return %c0_i32, %c0_i32_0 : i32, i32
  }
  func.func @transform_9(%arg0: i32) -> (i32, i32) {
    %c0_i32 = arith.constant 0 : i32
    %c0_i32_0 = arith.constant 0 : i32
    %c0_i32_1 = arith.constant 0 : i32
    return %c0_i32, %c0_i32_0 : i32, i32
  }
  func.func @transform_10(%arg0: i32) -> (i32, i32) {
    %c0_i32 = arith.constant 0 : i32
    %c0_i32_0 = arith.constant 0 : i32
    %c0_i32_1 = arith.constant 0 : i32
    return %c0_i32, %c0_i32_0 : i32, i32
  }
  func.func @transform_11(%arg0: i32) -> (i32, i32) {
    %c0_i32 = arith.constant 0 : i32
    %c0_i32_0 = arith.constant 0 : i32
    return %arg0, %c0_i32 : i32, i32
  }
}

module attributes {stable_mosaic.version = 14 : i64} {
  func.func @body(%arg0: i32, %arg1: memref<2x512x128xf32, #tpu.memory_space<vmem>>, %arg2: memref<512x1xf32, #tpu.memory_space<vmem>>, %arg3: memref<512x128xf32, #tpu.memory_space<vmem>>, %arg4: memref<128x128xf32, #tpu.memory_space<vmem>>, %arg5: memref<1x128xf32, #tpu.memory_space<vmem>>, %arg6: memref<512x128xf32, #tpu.memory_space<vmem>>) attributes {dimension_semantics = [#tpu.dimension_semantics<arbitrary>], iteration_bounds = array<i64: 20>, scalar_prefetch = 0 : i64, scratch_operands = 0 : i64, tpu.core_type = #tpu.core_type<tc>, window_params = [{transform_indices = @transform_0, window_bounds = array<i64: 2, 512, 128>}, {transform_indices = @transform_1, window_bounds = array<i64: 512, 1>}, {transform_indices = @transform_2, window_bounds = array<i64: 512, 128>}, {pipeline_mode = #tpu.pipeline_mode<synchronous>, transform_indices = @transform_3, window_bounds = array<i64: 128, 128>}, {pipeline_mode = #tpu.pipeline_mode<synchronous>, transform_indices = @transform_4, window_bounds = array<i64: 1, 128>}, {transform_indices = @transform_5, window_bounds = array<i64: 512, 128>}]} {
    %get3A = arith.constant 0 : index
    %get3A_0 = arith.constant 0 : index
    %get3A_1 = arith.constant 0 : index
    %get3A_2 = vector.load %arg1[%get3A, %get3A_0, %get3A_1] : memref<2x512x128xf32, #tpu.memory_space<vmem>>, vector<1x512x128xf32>
    %get3A_3 = vector.shape_cast %get3A_2 : vector<1x512x128xf32> to vector<512x128xf32>
    %get3A_4 = arith.constant 1 : index
    %get3A_5 = arith.constant 0 : index
    %get3A_6 = arith.constant 0 : index
    %get3A_7 = vector.load %arg1[%get3A_4, %get3A_5, %get3A_6] : memref<2x512x128xf32, #tpu.memory_space<vmem>>, vector<1x512x128xf32>
    %get3A_8 = vector.shape_cast %get3A_7 : vector<1x512x128xf32> to vector<512x128xf32>
    %add3A = arith.addf %get3A_3, %get3A_8 : vector<512x128xf32>
    %get3A_9 = arith.constant 0 : index
    %get3A_10 = arith.constant 0 : index
    %get3A_11 = vector.load %arg2[%get3A_9, %get3A_10] : memref<512x1xf32, #tpu.memory_space<vmem>>, vector<512x1xf32>
    %mul3A = vector.broadcast %get3A_11 : vector<512x1xf32> to vector<512x128xf32>
    %mul3A_12 = arith.mulf %add3A, %mul3A : vector<512x128xf32>
    %get3A_13 = arith.constant 0 : index
    %get3A_14 = arith.constant 0 : index
    %get3A_15 = vector.load %arg4[%get3A_13, %get3A_14] : memref<128x128xf32, #tpu.memory_space<vmem>>, vector<128x128xf32>
    %dot_general3A = arith.constant dense<0.000000e+00> : vector<512x128xf32>
    %dot_general3A_16 = tpu.matmul %mul3A_12, %get3A_15, %dot_general3A {dimension_numbers = #tpu.dot_dimension_numbers<[1], [0], [0], [1], [0, 0, 1, 1], [], []>, transpose_lhs_hint = false} : vector<512x128xf32>, vector<128x128xf32>, vector<512x128xf32> -> vector<512x128xf32>
    %get3A_17 = arith.constant 0 : index
    %get3A_18 = arith.constant 0 : index
    %get3A_19 = vector.load %arg5[%get3A_17, %get3A_18] : memref<1x128xf32, #tpu.memory_space<vmem>>, vector<1x128xf32>
    %add3A_20 = vector.broadcast %get3A_19 : vector<1x128xf32> to vector<512x128xf32>
    %add3A_21 = arith.addf %dot_general3A_16, %add3A_20 : vector<512x128xf32>
    %get3A_22 = arith.constant 0 : index
    %get3A_23 = arith.constant 0 : index
    %get3A_24 = vector.load %arg3[%get3A_22, %get3A_23] : memref<512x128xf32, #tpu.memory_space<vmem>>, vector<512x128xf32>
    %add3A_25 = arith.addf %add3A_21, %get3A_24 : vector<512x128xf32>
    %mul3A_26 = arith.mulf %add3A_25, %add3A_25 : vector<512x128xf32>
    %reduce_sum3A = arith.constant dense<0.000000e+00> : vector<512xf32>
    %reduce_sum3A_27 = vector.multi_reduction <add>, %mul3A_26, %reduce_sum3A [1] : vector<512x128xf32> to vector<512xf32>
    %broadcast_in_dim3A = vector.shape_cast %reduce_sum3A_27 : vector<512xf32> to vector<512x1xf32>
    %sqrt3A = math.sqrt %broadcast_in_dim3A : vector<512x1xf32>
    %max3A = arith.constant 9.99999996E-13 : f32
    %max3A_28 = vector.broadcast %max3A : f32 to vector<512x1xf32>
    %max3A_29 = arith.maximumf %sqrt3A, %max3A_28 : vector<512x1xf32>
    %div3A = vector.broadcast %max3A_29 : vector<512x1xf32> to vector<512x128xf32>
    %div3A_30 = arith.divf %add3A_25, %div3A : vector<512x128xf32>
    %swap3A = arith.constant 0 : index
    %swap3A_31 = arith.constant 0 : index
    %swap3A_32 = vector.load %arg6[%swap3A, %swap3A_31] : memref<512x128xf32, #tpu.memory_space<vmem>>, vector<512x128xf32>
    tpu.vector_store %arg6[%swap3A, %swap3A_31], %div3A_30 {strides = array<i32>} : memref<512x128xf32, #tpu.memory_space<vmem>>, vector<512x128xf32>,
    return
  }
  func.func @transform_0(%arg0: i32) -> (i32, i32, i32) {
    %c0_i32 = arith.constant 0 : i32
    %c0_i32_0 = arith.constant 0 : i32
    %c0_i32_1 = arith.constant 0 : i32
    return %c0_i32, %arg0, %c0_i32_0 : i32, i32, i32
  }
  func.func @transform_1(%arg0: i32) -> (i32, i32) {
    %c0_i32 = arith.constant 0 : i32
    %c0_i32_0 = arith.constant 0 : i32
    return %arg0, %c0_i32 : i32, i32
  }
  func.func @transform_2(%arg0: i32) -> (i32, i32) {
    %c0_i32 = arith.constant 0 : i32
    %c0_i32_0 = arith.constant 0 : i32
    return %arg0, %c0_i32 : i32, i32
  }
  func.func @transform_3(%arg0: i32) -> (i32, i32) {
    %c0_i32 = arith.constant 0 : i32
    %c0_i32_0 = arith.constant 0 : i32
    %c0_i32_1 = arith.constant 0 : i32
    return %c0_i32, %c0_i32_0 : i32, i32
  }
  func.func @transform_4(%arg0: i32) -> (i32, i32) {
    %c0_i32 = arith.constant 0 : i32
    %c0_i32_0 = arith.constant 0 : i32
    %c0_i32_1 = arith.constant 0 : i32
    return %c0_i32, %c0_i32_0 : i32, i32
  }
  func.func @transform_5(%arg0: i32) -> (i32, i32) {
    %c0_i32 = arith.constant 0 : i32
    %c0_i32_0 = arith.constant 0 : i32
    return %arg0, %c0_i32 : i32, i32
  }
}

</mosaic_0001>

<sc_bundles>
// kernel: kernel.11.cloned.1.call-start
scs
__scs_entry_jumppad:
0x0: {  	(pc) =	sbr.rel $0x88, $3  }
0x1: {  	(tag) =	ssettag $0x0;
	lr =	simm.s32 $0x1  }
0x2: {  	[smem:$0x3F85] =	sst lr;
	_ =	strace $0xD0000000  }
0x3: {  	_ = 	snop  }
0x4: {  	_ = 	snop  }
0x5: {  	_ = 	snop  }
0x6: {  	_ = 	snop  }
0x7: {  	_ = 	snop  }
__scs_overlays_trampoline_lowered:
0x8: {  	[smem:$0x3F94] =	sst s0  }
0x9: {  	[smem:$0x3F95] =	sst s1  }
0xa: {  	[smem:$0x3F96] =	sst s2  }
0xb: {  	[smem:$0x3F97] =	sst s3  }
0xc: {  	[smem:$0x3F98] =	sst s4  }
0xd: {  	[smem:$0x3F99] =	sst s5  }
0xe: {  	[smem:$0x3F9A] =	sst s6  }
0xf: {  	[smem:$0x3F9B] =	sst s7  }
0x10: {  	[smem:$0x3F9C] =	sst s8  }
0x11: {  	[smem:$0x3F9D] =	sst s9;
	s0 =	simm.s32 @!p0 $0x0  }
0x12: {  	s1 =	sld [smem:$0x3F83];
	s0 =	simm.s32 @p0 $0x1  }
0x13: {  	[smem:$0x3F9E] =	sst s0;
	s0 =	simm.s32 @!p1 $0x0  }
0x14: {  	s2 =	sld [smem:$0x3F82];
	s0 =	simm.s32 @p1 $0x1  }
0x15: {  	[smem:$0x3F9F] =	sst s0;
	s0 =	simm.s32 @!p2 $0x0  }
0x16: {  	s3 =	sld [smem:$0x3FDB];
	s0 =	simm.s32 @p2 $0x1  }
0x17: {  	s4 =	simm.s32 $0x1BF5;
	[smem:$0x3FA1] =	sst s0  }
0x18: {  	s0 =	sld [smem:$0x3F84];
	_ =	swait.ge [sflag:s4], $0x0  }
0x19: {  	s7 =	sld [smem:$0x3F85]  }
0x1a: {  	s8 =	sadd.s32 $0xFFFFE003, lr  }
0x1b: {  	s9 =	sadd.s32 $0xFFFFFEF7, lr;
	s5 =	simm.s32 $0xFFFFFFFF;
	p2 =	slt.u32 s8, $0xFFFFF086  }
0x1c: {  	p1 =	slt.u32 s9, $0xF7A;
	s5 =	simm.s32 @!p2 $0x0  }
0x1d: {  	s5 =	simm.s32 @p1 $0x1;
	p0 =	seq.s32 s7, s2  }
0x1e: {  	s7 =	smul.u32 @!p0 $0xF7A, s2;
	p2 =	seq.s32 @!p0 s5, $0x0  }
0x1f: {  	s9 =	smul.u32 $0xF7A, s1;
	s8 =	simm.s32 @!p0 $0x1BF5;
	p2 =	por !p2, p0  }
0x20: {  	[sflag:s8] =	ssyncset.s32 @!p0 $0xFFFFF086;
	s6 =	sadd.s32 @!p0 s3, s7;
	s7 =	simm.s32 @!p0 $0x108  }
0x21: {  	s3 =	sadd.s32 s3, s9;
	s6 =	sadd.s32 @!p0 $0x88, s6;
	s7 =	simm.s32 @p2 $0x1082  }
0x22: {  	[simem:s7], [sflag:s8] =	dma.local @!p0 [hbm:s6], $0xF7A  }
0x23: {  	s9 =	sor.u32 $0xD0000000, s2;
	s6 =	simm.s32 $0x108;
	_ =	swait.ge @!p0 [sflag:s8], $0x0  }
0x24: {  	s3 =	sadd.s32 $0x88, s3;
	s6 =	simm.s32 @!p1 $0x1082;
	[sflag:s4] =	ssyncset.s32 $0xFFFFF086  }
0x25: {  	[simem:s6], [sflag:s4] =	dma.local [hbm:s3], $0xF7A  }
0x26: {  	[smem:$0x3F85] =	sst s1;
	(tag) =	ssettag s2;
	_ =	strace s9  }
0x27: {  	s1 =	sld [smem:$0x3F95]  }
0x28: {  	s2 =	sld [smem:$0x3F96]  }
0x29: {  	s4 =	sld [smem:$0x3F98]  }
0x2a: {  	p0 =	seq.s32 s5, $0x0;
	s5 =	sld [smem:$0x3F99]  }
0x2b: {  	s6 =	sld [smem:$0x3F9A]  }
0x2c: {  	s7 =	sld [smem:$0x3F9B]  }
0x2d: {  	s3 =	simm.s32 $0x108;
	s8 =	sld [smem:$0x3F9C]  }
0x2e: {  	s3 =	simm.s32 @!p0 $0x1082;
	s9 =	sld [smem:$0x3F9D]  }
0x2f: {  	lr =	sadd.s32 s0, s3;
	s0 =	sld [smem:$0x3F94]  }
0x30: {  	s3 =	sld [smem:$0x3F97]  }
0x31: {  	[smem:$0x3FA0] =	sst s10  }
0x32: {  	s10 =	sld [smem:$0x3F9E];
	_ =	sdelay $0x3  }
0x33: {  	p0 =	seq.s32 s10, $0x1;
	s10 =	sld [smem:$0x3FA0];
	_ =	sdelay $0x3  }
0x34: {  	[smem:$0x3FA0] =	sst s10  }
0x35: {  	s10 =	sld [smem:$0x3F9F];
	_ =	sdelay $0x3  }
0x36: {  	p1 =	seq.s32 s10, $0x1;
	s10 =	sld [smem:$0x3FA0];
	_ =	sdelay $0x3  }
0x37: {  	[smem:$0x3FA0] =	sst s10  }
0x38: {  	s10 =	sld [smem:$0x3FA1]  }
0x39: {  	_ = 	snop;
	(pc) =	sbr.ind lr, $3  }
0x3a: {  	_ = 	snop  }
0x3b: {  	_ = 	snop  }
0x3c: {  	p2 =	seq.s32 s10, $0x1;
	s10 =	sld [smem:$0x3FA0]  }
0x3d: {  	_ =	shalt  }
0x3e: {  	_ =	shalt  }
0x3f: {  	_ =	shalt  }
0x40: {  	_ =	shalt  }
0x41: {  	_ =	shalt  }
0x42: {  	_ =	shalt  }
0x43: {  	_ =	shalt  }
0x44: {  	_ =	shalt  }
0x45: {  	_ =	shalt  }
0x46: {  	_ =	shalt  }
0x47: {  	_ =	shalt  }
0x48: {  	_ =	shalt  }
0x49: {  	_ =	shalt  }
0x4a: {  	_ =	shalt  }
0x4b: {  	_ =	shalt  }
0x4c: {  	_ =	shalt  }
0x4d: {  	_ =	shalt  }
0x4e: {  	_ =	shalt  }
0x4f: {  	_ =	shalt  }
0x50: {  	_ =	shalt  }
0x51: {  	_ =	shalt  }
0x52: {  	_ =	shalt  }
0x53: {  	_ =	shalt  }
0x54: {  	_ =	shalt  }
0x55: {  	_ =	shalt  }
0x56: {  	_ =	shalt  }
0x57: {  	_ =	shalt  }
0x58: {  	_ =	shalt  }
0x59: {  	_ =	shalt  }
0x5a: {  	_ =	shalt  }
0x5b: {  	_ =	shalt  }
0x5c: {  	_ =	shalt  }
0x5d: {  	_ =	shalt  }
0x5e: {  	_ =	shalt  }
0x5f: {  	_ =	shalt  }
0x60: {  	_ =	shalt  }
0x61: {  	_ =	shalt  }
0x62: {  	_ =	shalt  }
0x63: {  	_ =	shalt  }
0x64: {  	_ =	shalt  }
0x65: {  	_ =	shalt  }
0x66: {  	_ =	shalt  }
0x67: {  	_ =	shalt  }
0x68: {  	_ =	shalt  }
0x69: {  	_ =	shalt  }
0x6a: {  	_ =	shalt  }
0x6b: {  	_ =	shalt  }
0x6c: {  	_ =	shalt  }
0x6d: {  	_ =	shalt  }
0x6e: {  	_ =	shalt  }
0x6f: {  	_ =	shalt  }
0x70: {  	_ =	shalt  }
0x71: {  	_ =	shalt  }
0x72: {  	_ =	shalt  }
0x73: {  	_ =	shalt  }
0x74: {  	_ =	shalt  }
0x75: {  	_ =	shalt  }
0x76: {  	_ =	shalt  }
0x77: {  	_ =	shalt  }
0x78: {  	_ =	shalt  }
0x79: {  	_ =	shalt  }
0x7a: {  	_ =	shalt  }
0x7b: {  	_ =	shalt  }
0x7c: {  	_ =	shalt  }
0x7d: {  	_ =	shalt  }
0x7e: {  	_ =	shalt  }
0x7f: {  	_ =	shalt  }
0x80: {  	_ =	shalt  }
0x81: {  	_ =	shalt  }
0x82: {  	_ =	shalt  }
0x83: {  	_ =	shalt  }
0x84: {  	_ =	shalt  }
0x85: {  	_ =	shalt  }
0x86: {  	_ =	shalt  }
0x87: {  	_ =	shalt  }
.Lfunc_end0:
.L_simem_size_0:
called_computation_lowered:
.L_overlay_start_0:
0x88: {  	s2 =	sld [smem:$0x3FD9]  }
0x89: {  	s3 =	sld [smem:$0x3FFE];
	_ =	sdelay $0x1  }
0x8a: {  	s1 =	srdreg.scid  }
0x8b: {  	s0 =	sand.u32 $0x1, s1  }
0x8c: {  	s17 =	sshll.u32 s0, $0xA;
	s2 =	sadd.s32 s3, s2  }
0x8d: {  	s2 =	sadd.s32 s2, s17  }
0x8e: {  	[smem:$0x3FAC] =	sst s2  }
0x8f: {  	_ = 	snop  }
0x90: {  	s18 =	sld [smem:$0x3FC8]  }
0x91: {  	s4 =	sld [smem:$0x3FD0];
	(tm) =	ssettm $0x1  }
0x92: {  	s19 =	sld [smem:$0x3FFB];
	_ =	sdelay $0x3  }
0x93: {  	_ =	strace s19  }
0x94: {  	s2 =	sld [smem:$0x3FFC];
	_ =	sdelay $0x3  }
0x95: {  	_ =	strace s2  }
0x96: {  	s2 =	sld [smem:$0x3FFD];
	_ =	sdelay $0x3  }
0x97: {  	_ =	strace s2  }
0x98: {  	_ =	strace $0x8FFFFFFF  }
0x99: {  	s20 =	sld [smem:$0x3FDB];
	_ =	sdelay $0x1  }
0x9a: {  	s5 =	simm.s32 $_scs_section_size  }
0x9b: {  	s6 =	simm.s32 $_size__tile_overlayer_lowered;
	s7 =	simm.s32 $_tile_overlayer_lowered  }
0x9c: {  	s8 =	simm.s32 $0x1BFF;
	s21 =	sshll.u32 s7, $0x1;
	s5 =	sadd.s32 s5, s20  }
0x9d: {  	s22 =	simm.s32 $0x0;
	s6 =	sshll.u32 s6, $0x1;
	s7 =	sadd.s32 s21, s5  }
0x9e: {  	[timem:s22], [sflag:s8] =	dma.local [hbm:s7], s6  }
0x9f: {  	_ =	swait.ge [sflag:s8], s6  }
0xa0: {  	s6 =	ssub.s32 $0x0, s6;
	[sflag:s8] =	ssyncset.done $0x0  }
0xa1: {  	[sflag:s8] =	ssyncadd.s32 s6;
	_ =	sdelay $0x1  }
0xa2: {  	s23 =	simm.s32 $0x1B8B  }
0xa3: {  	_ =	swait.ge [sflag:s23], $0x1  }
0xa4: {  	[sflag:s23] =	ssyncset.done $0x0  }
0xa5: {  	[sflag:s23] =	ssyncadd.s32 $0xFFFFFFFF  }
0xa6: {  	s6 =	sld [smem:$0x0]  }
0xa7: {  	s7 =	sand.u32 $0xFFFFFFFE, s1  }
0xa8: {  	p0 =	sne.s32 s1, s7  }
0xa9: {  	s7 =	sshll.u32 @p0 s7, $0xE  }
0xaa: {  	s7 =	sadd.s32 @p0 $0x11B8D, s7;
	s8 =	sshll.u32 @p0 s6, $0x11  }
0xab: {  	s7 =	sor.u32 @p0 s8, s7  }
0xac: {  	[sflag:s7] =	ssyncadd.remote.s32 @p0 $0x1;
	_ =	sdelay $0x1  }
0xad: {  	s7 =	simm.s32 @p0 $0x1B8D  }
0xae: {  	_ =	swait.eq @p0 [sflag:s7], $0x1  }
0xaf: {  	[sflag:s7] =	ssyncadd.s32 @p0 $0xFFFFFFFF  }
0xb0: {  	s8 =	sshll.u32 @!p0 s1, $0xE  }
0xb1: {  	s8 =	sor.u32 @!p0 $0x4000, s8;
	s7 =	simm.s32 @!p0 $0x1B8D  }
0xb2: {  	s6 =	sshll.u32 @!p0 s6, $0x11;
	s8 =	sadd.s32 @!p0 $0x11B8D, s8;
	_ =	swait.eq @!p0 [sflag:s7], $0x1  }
0xb3: {  	s6 =	sor.u32 @!p0 s6, s8;
	[sflag:s7] =	ssyncadd.s32 @!p0 $0xFFFFFFFF  }
0xb4: {  	s25 =	simm.s32 $0x1B8E;
	s24 =	sld [smem:$0x3FFE];
	[sflag:s6] =	ssyncadd.remote.s32 @!p0 $0x1  }
0xb5: {  	s26 =	simm.s32 $execute0_lowered;
	[smem:$0x3FD2] =	sst s25  }
0xb6: {  	s7 =	sshll.u32 s26, $0x1;
	_ =	strace $0x80000049;
	[dreg:$0x1] =	wrdreg $0xFFFFFFFF  }
0xb7: {  	s28 =	simm.s32 $_size_execute0_lowered;
	s5 =	sadd.s32 s5, s7;
	[dreg:$0x0] =	wrdreg $0x0  }
0xb8: {  	s7 =	sshll.u32 s28, $0x1;
	[dreg:$0x2] =	wrdreg s5  }
0xb9: {  	[dreg:$0x3] =	wrdreg s7  }
0xba: {  	[dreg:$0x4] =	wrdreg $0xC0  }
0xbb: {  	_ =	task [dreg:s22], $0x5FFFF  }
0xbc: {  	[dreg:$0x1] =	wrdreg $0xFFFFFFFF  }
0xbd: {  	[dreg:$0x0] =	wrdreg $0x60  }
0xbe: {  	[dreg:$0x2] =	wrdreg s4  }
0xbf: {  	[dreg:$0x3] =	wrdreg s18  }
0xc0: {  	[dreg:$0x4] =	wrdreg s24  }
0xc1: {  	[dreg:$0x5] =	wrdreg $0x82000  }
0xc2: {  	[dreg:$0x6] =	wrdreg $0x9  }
0xc3: {  	_ =	task.clear_ibuf [dreg:s22], $0x7FFFF;
	_ =	strace $0x90000049  }
0xc4: {  	s29 =	simm.s32 $0x9;
	_ =	strace $0x8000004B  }
0xc5: {  	_ =	swait.ge [sflag:s29], $0x1  }
0xc6: {  	[sflag:s29] =	ssyncadd.s32 $0xFFFFFFFF  }
0xc7: {  	_ =	strace $0x9000004B  }
0xc8: {  	_ =	sfence  }
0xc9: {  	s30 =	sld [smem:$0x0];
	_ =	sdelay $0x2  }
0xca: {  	s31 =	sshll.u32 s1, $0xD;
	s1 =	sshrl.u32 s1, $0x2  }
0xcb: {  	s4 =	sand.u32 $0x4000, s31;
	s1 =	sadd.s32 s1, s30  }
0xcc: {  	s0 =	sor.u32 s4, s0;
	s1 =	sshll.u32 s1, $0x11  }
0xcd: {  	s0 =	sor.u32 s1, s0  }
0xce: {  	s0 =	sadd.s32 $0x8F2B, s0  }
0xcf: {  	[sflag:s0] =	ssyncadd.remote.s32 $0x1  }
0xd0: {  	_ =	sfence.sel $0xFFFF  }
0xd1: {  	[dreg:$0x0] =	wrdreg $0xFFFFFFFF;
	(pc) =	sbr.abs _section_cstart, $3  }
0xd2: {  	[dreg:$0x1] =	wrdreg $0xFFFFFFFF  }
0xd3: {  	_ =	task.clear_ibuf [dreg:s22], $0x2FFFF;
	_ =	strace $0x9FFFFFFF  }
0xd4: {  	(tm) =	ssettm $0x7FFFFFFF  }
0xd5: {  	_ =	shalt  }
tec
execute0_lowered:
.L_overlay_start_1:
0x0: {  	(tag) =	ssettag $0x1  }
0x1: {  	s0 =	rddreg [dreg:$0x0]  }
0x2: {  	s1 =	rddreg [dreg:$0x1]  }
0x3: {  	s6 =	rddreg [dreg:$0x2]  }
0x4: {  	s2 =	srdreg.scid;
	s4 =	rddreg [dreg:$0x3]  }
0x5: {  	s3 =	stileid.u32;
	s5 =	simm.s32 $0x0;
	s19 =	simm.s32 $0x3  }
0x6: {  	s20 =	simm.s32 $0x80;
	s21 =	simm.s32 $0x100;
	s22 =	simm.s32 $0x4200  }
0x7: {  	s23 =	simm.s32 $0x1;
	s24 =	simm.s32 $0x2;
	s25 =	simm.s32 $0x180  }
0x8: {  	s9 =	sand.u32 $0x1, s2;
	s2 =	rddreg [dreg:$0x4];
	s8 =	smul.u32 $0x13800, s3  }
0x9: {  	s26 =	simm.s32 $0x0;
	[smem:$0x7FF] =	sst s5;
	s10 =	smul.u32 $0x4E000, s3  }
0xa: {  	s28 =	sshll.u32 s3, $0x1;
	s13 =	smul.u32 $0x4E00, s3;
	p0 =	sgt.u32 s3, $0x1  }
0xb: {  	s7 =	smul.u32 $0x138800, s9;
	_ =	strace $0x8000004A;
	s29 =	ssub.s32 $0x2, s9  }
0xc: {  	s11 =	sor.u32 s9, s28;
	s16 =	smul.u32 $0x2700, s9;
	s30 =	sshrl.u32 s29, $0x1  }
0xd: {  	s31 =	sshrl.u32 s10, $0x2;
	s12 =	smul.u32 $0x9C0, s11;
	s17 =	sshll.u32 s11, $0x5  }
0xe: {  	s7 =	sadd.s32 s8, s7;
	s15 =	ssub.s32 s29, s30;
	s17 =	sadd.s32 s17, s1  }
0xf: {  	s18 =	sadd.s32 s16, s13;
	s7 =	sshrl.u32 s7, $0x3;
	s11 =	sadd.s32 s1, s12  }
0x10: {  	s13 =	sadd.s32 $0x13800, s17;
	s16 =	sadd.s32 $0x180, s18;
	s15 =	smax.u32 s15, $0x1  }
0x11: {  	s17 =	sadd.s32 $0x100, s18;
	s18 =	simm.s32 $0x200;
	s14 =	sadd.s32 s7, s6  }
0x12: {  	s6 =	sadd.s32 s31, s4;
	s12 =	sadd.s32 $0x20, s11;
	s16 =	sshrl.u32 s16, $0x2  }
0x13: {  	s7 =	sadd.s32 $0x4000, s6;
	s8 =	sadd.s32 $0x8000, s6;
	s9 =	sadd.s32 $0xC000, s6  }
0x14: {  	v0 =	vimm.f32 $0.0e+00;
	s10 =	sadd.s32 $0x10000, s6;
	s14 =	sadd.s32 $0x2D3600, s14;
	s16 =	sadd.s32 s16, s1  }
.LBB2_1:
0x15: {  	s28 =	simm.s32 $0x0;
	s29 =	simm.s32 $0x200  }
.LBB2_2:
0x16: {  	p1 =	sne.s32 s29, $0xFE00;
	[tilespmem:s28+$0x270] =	vst v0  }
0x17: {  	[tilespmem:s28+$0x200] =	vst v0  }
0x18: {  	[tilespmem:s28+$0x210] =	vst v0  }
.Ltmp0:
0x19: {  	[tilespmem:s28+$0x220] =	vst v0;
	(pc) =	sbr.rel @p1 .LBB2_2-.Ltmp0, $4  }
0x1a: {  	[tilespmem:s28+$0x230] =	vst v0  }
0x1b: {  	[tilespmem:s28+$0x240] =	vst v0  }
0x1c: {  	[tilespmem:s28+$0x250] =	vst v0  }
0x1d: {  	[tilespmem:s28+$0x260] =	vst v0;
	s28 =	sshra.s32 s29, $0x2;
	s29 =	sadd.s32 $0x200, s29  }
0x1e: {  	[tilespmem:s28+$0x270] =	vst v0  }
0x1f: {  	[tilespmem:s28+$0x200] =	vst v0  }
0x20: {  	[tilespmem:s28+$0x210] =	vst v0  }
0x21: {  	[tilespmem:s28+$0x220] =	vst v0  }
0x22: {  	[tilespmem:s28+$0x230] =	vst v0  }
0x23: {  	[tilespmem:s28+$0x240] =	vst v0  }
0x24: {  	[tilespmem:s28+$0x250] =	vst v0  }
0x25: {  	[tilespmem:s28+$0x260] =	vst v0  }
0x26: {  	[spmem:s6] =	stream.linear.scatter [tilespmem:s18], [sflag:$0x3], $0x4000, $0x38;
	[tilespmem:$0x1BA80] =	vst v63  }
0x27: {  	_ =	swait.ge [sflag:s19], $0x4000  }
0x28: {  	[sflag:s19] =	ssyncset.done $0x0  }
0x29: {  	[sflag:s19] =	ssyncadd.s32 $0xFFFFC000  }
0x2a: {  	[spmem:s7] =	stream.linear.scatter [tilespmem:s18], [sflag:$0x3], $0x4000, $0x38;
	[tilespmem:$0x1BA80] =	vst v63  }
0x2b: {  	_ =	swait.ge [sflag:s19], $0x4000  }
0x2c: {  	[sflag:s19] =	ssyncset.done $0x0  }
0x2d: {  	[sflag:s19] =	ssyncadd.s32 $0xFFFFC000  }
0x2e: {  	[spmem:s8] =	stream.linear.scatter [tilespmem:s18], [sflag:$0x3], $0x4000, $0x38;
	[tilespmem:$0x1BA80] =	vst v63  }
0x2f: {  	_ =	swait.ge [sflag:s19], $0x4000  }
0x30: {  	[sflag:s19] =	ssyncset.done $0x0  }
0x31: {  	[sflag:s19] =	ssyncadd.s32 $0xFFFFC000  }
0x32: {  	[spmem:s9] =	stream.linear.scatter [tilespmem:s18], [sflag:$0x3], $0x4000, $0x38;
	[tilespmem:$0x1BA80] =	vst v63  }
0x33: {  	_ =	swait.ge [sflag:s19], $0x4000  }
0x34: {  	[sflag:s19] =	ssyncset.done $0x0  }
0x35: {  	[sflag:s19] =	ssyncadd.s32 $0xFFFFC000  }
0x36: {  	[spmem:s10] =	stream.linear.scatter [tilespmem:s18], [sflag:$0x3], $0x4000, $0x38;
	[tilespmem:$0x1BA80] =	vst v63  }
0x37: {  	_ =	swait.ge [sflag:s19], $0x4000  }
0x38: {  	[sflag:s19] =	ssyncset.done $0x0  }
0x39: {  	[sflag:s19] =	ssyncadd.s32 $0xFFFFC000  }
0x3a: {  	s28 =	simm.s32 $0x0;
	[bflag:$0x0] =	sbarrier.arrive $0xFFFF  }
0x3b: {  	[tilespmem:s28], [sflag:$0x3] =	stream.linear.gather [hbm4b:s11+s28], $0x100, $0x38;
	[tilespmem:$0x1BA80] =	vst v63  }
0x3c: {  	_ =	swait.ge [sflag:s19], $0x100  }
0x3d: {  	[sflag:s19] =	ssyncset.done $0x0  }
0x3e: {  	[sflag:s19] =	ssyncadd.s32 $0xFFFFFF00  }
0x3f: {  	[tilespmem:s18], [sflag:$0x1] =	stream.indirect.gather [hbm4b:s0+s20], $0x80, s28, s20, $0xb8;
	[tilespmem:$0x1BA80] =	vst v63  }
0x40: {  	_ = 	snop  }
0x41: {  	[tilespmem:s21], [sflag:$0x3] =	stream.linear.gather [hbm4b:s12+s28], $0x100, $0x38;
	[tilespmem:$0x1BA80] =	vst v63  }
0x42: {  	_ =	swait.ge [sflag:s19], $0x100  }
0x43: {  	[sflag:s19] =	ssyncset.done $0x0  }
0x44: {  	[sflag:s19] =	ssyncadd.s32 $0xFFFFFF00  }
0x45: {  	[tilespmem:s22], [sflag:$0x2] =	stream.indirect.gather [hbm4b:s0+s20], $0x80, s21, s20, $0xb8;
	[tilespmem:$0x1BA80] =	vst v63  }
0x46: {  	_ =	swait.ge [sflag:s23], $0x4000  }
0x47: {  	[sflag:s23] =	ssyncset.done $0x0  }
0x48: {  	[sflag:s23] =	ssyncadd.s32 $0xFFFFC000  }
0x49: {  	[spmem:s4] =	stream.indirect.scatter.add.f32 [tilespmem:s18], [sflag:$0x3], $0x80, s20, s20, $0xb8;
	[tilespmem:$0x1BA80] =	vst v63  }
0x4a: {  	_ =	swait.ge [sflag:s19], $0x4000  }
0x4b: {  	s28 =	sshrl.u32 s17, $0x2;
	[sflag:s19] =	ssyncset.done $0x0  }
0x4c: {  	s28 =	sadd.s32 s1, s28;
	[sflag:s19] =	ssyncadd.s32 $0xFFFFC000  }
0x4d: {  	[tilespmem:s5], [sflag:$0x3] =	stream.linear.gather [hbm4b:s28+s5], $0x100, $0x38;
	[tilespmem:$0x1BA80] =	vst v63  }
0x4e: {  	_ =	swait.ge [sflag:s19], $0x100  }
0x4f: {  	[sflag:s19] =	ssyncset.done $0x0  }
0x50: {  	[sflag:s19] =	ssyncadd.s32 $0xFFFFFF00  }
0x51: {  	[tilespmem:s18], [sflag:$0x1] =	stream.indirect.gather [hbm4b:s0+s20], $0x80, s5, s20, $0xb8;
	[tilespmem:$0x1BA80] =	vst v63  }
0x52: {  	_ =	swait.ge [sflag:s24], $0x4000  }
0x53: {  	[sflag:s24] =	ssyncset.done $0x0  }
0x54: {  	[sflag:s24] =	ssyncadd.s32 $0xFFFFC000  }
0x55: {  	[spmem:s4] =	stream.indirect.scatter.add.f32 [tilespmem:s22], [sflag:$0x3], $0x80, s25, s20, $0xb8;
	[tilespmem:$0x1BA80] =	vst v63  }
0x56: {  	_ =	swait.ge [sflag:s19], $0x4000  }
0x57: {  	[sflag:s19] =	ssyncset.done $0x0  }
0x58: {  	s28 =	sadd.s32 $0x0, s16;
	[sflag:s19] =	ssyncadd.s32 $0xFFFFC000  }
0x59: {  	[tilespmem:s21], [sflag:$0x3] =	stream.linear.gather [hbm4b:s28+s5], $0x100, $0x38;
	[tilespmem:$0x1BA80] =	vst v63  }
0x5a: {  	_ =	swait.ge [sflag:s19], $0x100  }
0x5b: {  	[sflag:s19] =	ssyncset.done $0x0  }
0x5c: {  	s29 =	sadd.s32 $0x100, s17;
	s28 =	simm.s32 $0x40;
	[sflag:s19] =	ssyncadd.s32 $0xFFFFFF00  }
.LBB2_4:
0x5d: {  	[tilespmem:s22], [sflag:$0x2] =	stream.indirect.gather [hbm4b:s0+s20], $0x80, s21, s20, $0xb8;
	[tilespmem:$0x1BA80] =	vst v63  }
0x5e: {  	s30 =	smov.u32 s28  }
0x5f: {  	p1 =	sne.s32 s28, $0x940;
	s28 =	sadd.s32 $0x40, s28;
	_ =	swait.ge [sflag:s23], $0x4000  }
0x60: {  	[sflag:s23] =	ssyncset.done $0x0  }
0x61: {  	[sflag:s23] =	ssyncadd.s32 $0xFFFFC000  }
0x62: {  	[spmem:s4] =	stream.indirect.scatter.add.f32 [tilespmem:s18], [sflag:$0x3], $0x80, s20, s20, $0xb8;
	[tilespmem:$0x1BA80] =	vst v63  }
0x63: {  	_ =	swait.ge [sflag:s19], $0x4000  }
0x64: {  	s31 =	sshrl.u32 s29, $0x2;
	[sflag:s19] =	ssyncset.done $0x0  }
0x65: {  	s31 =	sadd.s32 s1, s31;
	[sflag:s19] =	ssyncadd.s32 $0xFFFFC000  }
0x66: {  	[tilespmem:s5], [sflag:$0x3] =	stream.linear.gather [hbm4b:s31+s5], $0x100, $0x38;
	[tilespmem:$0x1BA80] =	vst v63  }
0x67: {  	_ =	swait.ge [sflag:s19], $0x100  }
0x68: {  	[sflag:s19] =	ssyncset.done $0x0  }
0x69: {  	[sflag:s19] =	ssyncadd.s32 $0xFFFFFF00  }
0x6a: {  	[tilespmem:s18], [sflag:$0x1] =	stream.indirect.gather [hbm4b:s0+s20], $0x80, s5, s20, $0xb8;
	[tilespmem:$0x1BA80] =	vst v63  }
0x6b: {  	_ =	swait.ge [sflag:s24], $0x4000  }
0x6c: {  	[sflag:s24] =	ssyncset.done $0x0  }
0x6d: {  	[sflag:s24] =	ssyncadd.s32 $0xFFFFC000  }
0x6e: {  	[spmem:s4] =	stream.indirect.scatter.add.f32 [tilespmem:s22], [sflag:$0x3], $0x80, s25, s20, $0xb8;
	[tilespmem:$0x1BA80] =	vst v63  }
0x6f: {  	_ =	swait.ge [sflag:s19], $0x4000  }
0x70: {  	[sflag:s19] =	ssyncset.done $0x0  }
.Ltmp1:
0x71: {  	s30 =	sadd.s32 s30, s16;
	[sflag:s19] =	ssyncadd.s32 $0xFFFFC000;
	(pc) =	sbr.rel @p1 .LBB2_4-.Ltmp1, $4  }
0x72: {  	[tilespmem:s21], [sflag:$0x3] =	stream.linear.gather [hbm4b:s30+s5], $0x100, $0x38;
	[tilespmem:$0x1BA80] =	vst v63  }
0x73: {  	_ =	swait.ge [sflag:s19], $0x100  }
0x74: {  	[sflag:s19] =	ssyncset.done $0x0  }
0x75: {  	s29 =	sadd.s32 $0x100, s29;
	[sflag:s19] =	ssyncadd.s32 $0xFFFFFF00  }
0x76: {  	[tilespmem:s22], [sflag:$0x2] =	stream.indirect.gather [hbm4b:s0+s20], $0x80, s21, s20, $0xb8;
	[tilespmem:$0x1BA80] =	vst v63  }
0x77: {  	_ =	swait.ge [sflag:s23], $0x4000  }
0x78: {  	[sflag:s23] =	ssyncset.done $0x0  }
0x79: {  	[sflag:s23] =	ssyncadd.s32 $0xFFFFC000  }
0x7a: {  	[spmem:s4] =	stream.indirect.scatter.add.f32 [tilespmem:s18], [sflag:$0x3], $0x80, s20, s20, $0xb8;
	[tilespmem:$0x1BA80] =	vst v63  }
0x7b: {  	_ =	swait.ge [sflag:s19], $0x4000  }
0x7c: {  	[sflag:s19] =	ssyncset.done $0x0  }
0x7d: {  	[sflag:s19] =	ssyncadd.s32 $0xFFFFC000  }
0x7e: {  	_ =	swait.ge [sflag:s24], $0x4000  }
0x7f: {  	[sflag:s24] =	ssyncset.done $0x0  }
0x80: {  	[sflag:s24] =	ssyncadd.s32 $0xFFFFC000  }
0x81: {  	[spmem:s4] =	stream.indirect.scatter.add.f32 [tilespmem:s22], [sflag:$0x3], $0x80, s25, s20, $0xb8;
	[tilespmem:$0x1BA80] =	vst v63  }
0x82: {  	_ =	swait.ge [sflag:s19], $0x4000  }
0x83: {  	[sflag:s19] =	ssyncset.done $0x0  }
0x84: {  	s28 =	simm.s32 @!p0 $0x0;
	s29 =	simm.s32 @!p0 $0x3;
	[sflag:s19] =	ssyncadd.s32 $0xFFFFC000  }
0x85: {  	[tilespmem:s28], [sflag:$0x3] =	stream.linear.gather @!p0 [hbm4b:s13+s28], $0x100, $0x38;
	[tilespmem:$0x1BA80] =	vst v63  }
0x86: {  	_ =	swait.ge @!p0 [sflag:s29], $0x100  }
0x87: {  	[sflag:s29] =	ssyncset.done @!p0 $0x0  }
0x88: {  	s30 =	simm.s32 @!p0 $0x80;
	s31 =	simm.s32 @!p0 $0x200;
	[sflag:s29] =	ssyncadd.s32 @!p0 $0xFFFFFF00  }
0x89: {  	[tilespmem:s31], [sflag:$0x1] =	stream.indirect.gather @!p0 [hbm4b:s0+s30], $0x80, s28, s30, $0xb8;
	[tilespmem:$0x1BA80] =	vst v63  }
0x8a: {  	s28 =	simm.s32 @!p0 $0x1  }
0x8b: {  	_ =	swait.ge @!p0 [sflag:s28], $0x4000  }
0x8c: {  	[sflag:s28] =	ssyncset.done @!p0 $0x0  }
0x8d: {  	[sflag:s28] =	ssyncadd.s32 @!p0 $0xFFFFC000  }
0x8e: {  	[spmem:s4] =	stream.indirect.scatter.add.f32 @!p0 [tilespmem:s31], [sflag:$0x3], $0x80, s30, s30, $0xb8;
	[tilespmem:$0x1BA80] =	vst v63  }
0x8f: {  	s26 =	sadd.s32 $0x1, s26;
	_ =	swait.ge @!p0 [sflag:s29], $0x4000  }
0x90: {  	p1 =	sne.s32 s26, s15;
	[sflag:s29] =	ssyncset.done @!p0 $0x0  }
0x91: {  	s30 =	sshll.u32 s3, $0x6;
	s31 =	sshrl.u32 s6, $0x3;
	[sflag:s29] =	ssyncadd.s32 @!p0 $0xFFFFC000  }
.Ltmp2:
0x92: {  	s28 =	sor.u32 $0x1C03, s30;
	[bflag:$0x0] =	sbarrier.arrive $0xFFFF;
	(pc) =	sbr.rel @p1 .LBB2_1-.Ltmp2, $4  }
0x93: {  	[hbm:s14], [sflag:s28] =	dma.local [spmem:s31], $0x2800  }
0x94: {  	_ =	swait.ge [sflag:s19], $0x2800  }
0x95: {  	[sflag:s19] =	ssyncset.done $0x0  }
0x96: {  	[sflag:s19] =	ssyncadd.s32 $0xFFFFD800  }
0x97: {  	_ =	sfence.sel $0x180000  }
0x98: {  	[bflag:$0x0] =	sbarrier.arrive $0xFFFF  }
0x99: {  	p0 =	sne.s32 s3, $0x0;
	_ =	strace $0x9000004A  }
0x9a: {  	s0 =	sadd.s32 @!p0 $0x100000, s2;
	[bflag:$0x2] =	sbarrier.arrive $0xFFFF  }
0x9b: {  	[sflag:s0] =	ssyncadd.tile.s32 @!p0 $0x1;
	_ =	shalt  }
.Lfunc_end2:
_tile_overlayer_lowered:
.L_overlay_start_2:
0x9c: {  	(tag) =	ssettag $0x2  }
0x9d: {  	s0 =	rddreg [dreg:$0x0];
	s2 =	stileid.u32  }
0x9e: {  	s1 =	rddreg [dreg:$0x1];
	p0 =	sne.s32 s2, $0x0  }
0x9f: {  	s3 =	rddreg [dreg:$0x2];
	[bflag:$0x3] =	sbarrier.arrive $0xFFFF;
	s2 =	simm.s32 @!p0 $0x1C03  }
0xa0: {  	[timem:s3], [sflag:s2] =	dma.local @!p0 [hbm:s0], s1  }
0xa1: {  	s0 =	simm.s32 @!p0 $0x3  }
0xa2: {  	_ =	swait.ge @!p0 [sflag:s0], s1  }
0xa3: {  	s1 =	ssub.s32 @!p0 $0x0, s1;
	[sflag:s0] =	ssyncset.done @!p0 $0x0  }
0xa4: {  	[sflag:s0] =	ssyncadd.s32 @!p0 s1  }
0xa5: {  	[bflag:$0x3] =	sbarrier.arrive $0xFFFF  }
0xa6: {  	_ =	shalt  }

// kernel: kernel.14.cloned.1.call-start
scs
__scs_entry_jumppad:
0x0: {  	(pc) =	sbr.rel $0x88, $3  }
0x1: {  	(tag) =	ssettag $0x0;
	lr =	simm.s32 $0x1  }
0x2: {  	[smem:$0x3F85] =	sst lr;
	_ =	strace $0xD0000000  }
0x3: {  	_ = 	snop  }
0x4: {  	_ = 	snop  }
0x5: {  	_ = 	snop  }
0x6: {  	_ = 	snop  }
0x7: {  	_ = 	snop  }
__scs_overlays_trampoline_lowered:
0x8: {  	[smem:$0x3F94] =	sst s0  }
0x9: {  	[smem:$0x3F95] =	sst s1  }
0xa: {  	[smem:$0x3F96] =	sst s2  }
0xb: {  	[smem:$0x3F97] =	sst s3  }
0xc: {  	[smem:$0x3F98] =	sst s4  }
0xd: {  	[smem:$0x3F99] =	sst s5  }
0xe: {  	[smem:$0x3F9A] =	sst s6  }
0xf: {  	[smem:$0x3F9B] =	sst s7  }
0x10: {  	[smem:$0x3F9C] =	sst s8  }
0x11: {  	[smem:$0x3F9D] =	sst s9;
	s0 =	simm.s32 @!p0 $0x0  }
0x12: {  	s1 =	sld [smem:$0x3F83];
	s0 =	simm.s32 @p0 $0x1  }
0x13: {  	[smem:$0x3F9E] =	sst s0;
	s0 =	simm.s32 @!p1 $0x0  }
0x14: {  	s2 =	sld [smem:$0x3F82];
	s0 =	simm.s32 @p1 $0x1  }
0x15: {  	[smem:$0x3F9F] =	sst s0;
	s0 =	simm.s32 @!p2 $0x0  }
0x16: {  	s3 =	sld [smem:$0x3FDB];
	s0 =	simm.s32 @p2 $0x1  }
0x17: {  	s4 =	simm.s32 $0x1BF5;
	[smem:$0x3FA1] =	sst s0  }
0x18: {  	s0 =	sld [smem:$0x3F84];
	_ =	swait.ge [sflag:s4], $0x0  }
0x19: {  	s7 =	sld [smem:$0x3F85]  }
0x1a: {  	s8 =	sadd.s32 $0xFFFFE003, lr  }
0x1b: {  	s9 =	sadd.s32 $0xFFFFFEF7, lr;
	s5 =	simm.s32 $0xFFFFFFFF;
	p2 =	slt.u32 s8, $0xFFFFF086  }
0x1c: {  	p1 =	slt.u32 s9, $0xF7A;
	s5 =	simm.s32 @!p2 $0x0  }
0x1d: {  	s5 =	simm.s32 @p1 $0x1;
	p0 =	seq.s32 s7, s2  }
0x1e: {  	s7 =	smul.u32 @!p0 $0xF7A, s2;
	p2 =	seq.s32 @!p0 s5, $0x0  }
0x1f: {  	s9 =	smul.u32 $0xF7A, s1;
	s8 =	simm.s32 @!p0 $0x1BF5;
	p2 =	por !p2, p0  }
0x20: {  	[sflag:s8] =	ssyncset.s32 @!p0 $0xFFFFF086;
	s6 =	sadd.s32 @!p0 s3, s7;
	s7 =	simm.s32 @!p0 $0x108  }
0x21: {  	s3 =	sadd.s32 s3, s9;
	s6 =	sadd.s32 @!p0 $0x88, s6;
	s7 =	simm.s32 @p2 $0x1082  }
0x22: {  	[simem:s7], [sflag:s8] =	dma.local @!p0 [hbm:s6], $0xF7A  }
0x23: {  	s9 =	sor.u32 $0xD0000000, s2;
	s6 =	simm.s32 $0x108;
	_ =	swait.ge @!p0 [sflag:s8], $0x0  }
0x24: {  	s3 =	sadd.s32 $0x88, s3;
	s6 =	simm.s32 @!p1 $0x1082;
	[sflag:s4] =	ssyncset.s32 $0xFFFFF086  }
0x25: {  	[simem:s6], [sflag:s4] =	dma.local [hbm:s3], $0xF7A  }
0x26: {  	[smem:$0x3F85] =	sst s1;
	(tag) =	ssettag s2;
	_ =	strace s9  }
0x27: {  	s1 =	sld [smem:$0x3F95]  }
0x28: {  	s2 =	sld [smem:$0x3F96]  }
0x29: {  	s4 =	sld [smem:$0x3F98]  }
0x2a: {  	p0 =	seq.s32 s5, $0x0;
	s5 =	sld [smem:$0x3F99]  }
0x2b: {  	s6 =	sld [smem:$0x3F9A]  }
0x2c: {  	s7 =	sld [smem:$0x3F9B]  }
0x2d: {  	s3 =	simm.s32 $0x108;
	s8 =	sld [smem:$0x3F9C]  }
0x2e: {  	s3 =	simm.s32 @!p0 $0x1082;
	s9 =	sld [smem:$0x3F9D]  }
0x2f: {  	lr =	sadd.s32 s0, s3;
	s0 =	sld [smem:$0x3F94]  }
0x30: {  	s3 =	sld [smem:$0x3F97]  }
0x31: {  	[smem:$0x3FA0] =	sst s10  }
0x32: {  	s10 =	sld [smem:$0x3F9E];
	_ =	sdelay $0x3  }
0x33: {  	p0 =	seq.s32 s10, $0x1;
	s10 =	sld [smem:$0x3FA0];
	_ =	sdelay $0x3  }
0x34: {  	[smem:$0x3FA0] =	sst s10  }
0x35: {  	s10 =	sld [smem:$0x3F9F];
	_ =	sdelay $0x3  }
0x36: {  	p1 =	seq.s32 s10, $0x1;
	s10 =	sld [smem:$0x3FA0];
	_ =	sdelay $0x3  }
0x37: {  	[smem:$0x3FA0] =	sst s10  }
0x38: {  	s10 =	sld [smem:$0x3FA1]  }
0x39: {  	_ = 	snop;
	(pc) =	sbr.ind lr, $3  }
0x3a: {  	_ = 	snop  }
0x3b: {  	_ = 	snop  }
0x3c: {  	p2 =	seq.s32 s10, $0x1;
	s10 =	sld [smem:$0x3FA0]  }
0x3d: {  	_ =	shalt  }
0x3e: {  	_ =	shalt  }
0x3f: {  	_ =	shalt  }
0x40: {  	_ =	shalt  }
0x41: {  	_ =	shalt  }
0x42: {  	_ =	shalt  }
0x43: {  	_ =	shalt  }
0x44: {  	_ =	shalt  }
0x45: {  	_ =	shalt  }
0x46: {  	_ =	shalt  }
0x47: {  	_ =	shalt  }
0x48: {  	_ =	shalt  }
0x49: {  	_ =	shalt  }
0x4a: {  	_ =	shalt  }
0x4b: {  	_ =	shalt  }
0x4c: {  	_ =	shalt  }
0x4d: {  	_ =	shalt  }
0x4e: {  	_ =	shalt  }
0x4f: {  	_ =	shalt  }
0x50: {  	_ =	shalt  }
0x51: {  	_ =	shalt  }
0x52: {  	_ =	shalt  }
0x53: {  	_ =	shalt  }
0x54: {  	_ =	shalt  }
0x55: {  	_ =	shalt  }
0x56: {  	_ =	shalt  }
0x57: {  	_ =	shalt  }
0x58: {  	_ =	shalt  }
0x59: {  	_ =	shalt  }
0x5a: {  	_ =	shalt  }
0x5b: {  	_ =	shalt  }
0x5c: {  	_ =	shalt  }
0x5d: {  	_ =	shalt  }
0x5e: {  	_ =	shalt  }
0x5f: {  	_ =	shalt  }
0x60: {  	_ =	shalt  }
0x61: {  	_ =	shalt  }
0x62: {  	_ =	shalt  }
0x63: {  	_ =	shalt  }
0x64: {  	_ =	shalt  }
0x65: {  	_ =	shalt  }
0x66: {  	_ =	shalt  }
0x67: {  	_ =	shalt  }
0x68: {  	_ =	shalt  }
0x69: {  	_ =	shalt  }
0x6a: {  	_ =	shalt  }
0x6b: {  	_ =	shalt  }
0x6c: {  	_ =	shalt  }
0x6d: {  	_ =	shalt  }
0x6e: {  	_ =	shalt  }
0x6f: {  	_ =	shalt  }
0x70: {  	_ =	shalt  }
0x71: {  	_ =	shalt  }
0x72: {  	_ =	shalt  }
0x73: {  	_ =	shalt  }
0x74: {  	_ =	shalt  }
0x75: {  	_ =	shalt  }
0x76: {  	_ =	shalt  }
0x77: {  	_ =	shalt  }
0x78: {  	_ =	shalt  }
0x79: {  	_ =	shalt  }
0x7a: {  	_ =	shalt  }
0x7b: {  	_ =	shalt  }
0x7c: {  	_ =	shalt  }
0x7d: {  	_ =	shalt  }
0x7e: {  	_ =	shalt  }
0x7f: {  	_ =	shalt  }
0x80: {  	_ =	shalt  }
0x81: {  	_ =	shalt  }
0x82: {  	_ =	shalt  }
0x83: {  	_ =	shalt  }
0x84: {  	_ =	shalt  }
0x85: {  	_ =	shalt  }
0x86: {  	_ =	shalt  }
0x87: {  	_ =	shalt  }
.Lfunc_end0:
.L_simem_size_0:
called_computation.1_lowered:
.L_overlay_start_0:
0x88: {  	s2 =	sld [smem:$0x3FD9]  }
0x89: {  	s3 =	sld [smem:$0x3FFE];
	_ =	sdelay $0x1  }
0x8a: {  	s1 =	srdreg.scid  }
0x8b: {  	s0 =	sand.u32 $0x1, s1  }
0x8c: {  	s17 =	sshll.u32 s0, $0xA;
	s2 =	sadd.s32 s3, s2  }
0x8d: {  	s2 =	sadd.s32 s2, s17  }
0x8e: {  	[smem:$0x3FAC] =	sst s2  }
0x8f: {  	_ = 	snop  }
0x90: {  	s2 =	sld [smem:$0x3FD0];
	(tm) =	ssettm $0x1  }
0x91: {  	s18 =	sld [smem:$0x3FFB];
	_ =	sdelay $0x3  }
0x92: {  	_ =	strace s18  }
0x93: {  	s3 =	sld [smem:$0x3FFC];
	_ =	sdelay $0x3  }
0x94: {  	_ =	strace s3  }
0x95: {  	s3 =	sld [smem:$0x3FFD];
	_ =	sdelay $0x3  }
0x96: {  	_ =	strace s3  }
0x97: {  	_ =	strace $0x8FFFFFFF  }
0x98: {  	s19 =	sld [smem:$0x3FDB];
	_ =	sdelay $0x1  }
0x99: {  	s4 =	simm.s32 $_scs_section_size  }
0x9a: {  	s5 =	simm.s32 $_size__tile_overlayer_lowered;
	s6 =	simm.s32 $_tile_overlayer_lowered  }
0x9b: {  	s22 =	simm.s32 $0x1BFF;
	s21 =	sshll.u32 s6, $0x1;
	s3 =	sadd.s32 s4, s19  }
0x9c: {  	s7 =	simm.s32 $0x0;
	s20 =	sshll.u32 s5, $0x1;
	s5 =	sadd.s32 s21, s3  }
0x9d: {  	[timem:s7], [sflag:s22] =	dma.local [hbm:s5], s20  }
0x9e: {  	_ =	swait.ge [sflag:s22], s20  }
0x9f: {  	s4 =	ssub.s32 $0x0, s20;
	[sflag:s22] =	ssyncset.done $0x0  }
0xa0: {  	[sflag:s22] =	ssyncadd.s32 s4;
	_ =	sdelay $0x1  }
0xa1: {  	s23 =	simm.s32 $0x1B8B  }
0xa2: {  	_ =	swait.ge [sflag:s23], $0x1  }
0xa3: {  	[sflag:s23] =	ssyncset.done $0x0  }
0xa4: {  	s25 =	simm.s32 $0x1B8E;
	s24 =	sld [smem:$0x3FFE];
	[sflag:s23] =	ssyncadd.s32 $0xFFFFFFFF  }
0xa5: {  	s26 =	simm.s32 $execute0_lowered;
	[smem:$0x3FD2] =	sst s25  }
0xa6: {  	s5 =	sshll.u32 s26, $0x1;
	_ =	strace $0x80000046;
	[dreg:$0x1] =	wrdreg $0xFFFFFFFF  }
0xa7: {  	s28 =	simm.s32 $_size_execute0_lowered;
	s3 =	sadd.s32 s3, s5;
	[dreg:$0x0] =	wrdreg $0x0  }
0xa8: {  	s5 =	sshll.u32 s28, $0x1;
	[dreg:$0x2] =	wrdreg s3  }
0xa9: {  	[dreg:$0x3] =	wrdreg s5  }
0xaa: {  	[dreg:$0x4] =	wrdreg $0xC0  }
0xab: {  	_ =	task [dreg:s7], $0x5FFFF  }
0xac: {  	[dreg:$0x1] =	wrdreg $0xFFFFFFFF  }
0xad: {  	[dreg:$0x0] =	wrdreg $0x60  }
0xae: {  	[dreg:$0x2] =	wrdreg s2  }
0xaf: {  	[dreg:$0x3] =	wrdreg s24  }
0xb0: {  	[dreg:$0x4] =	wrdreg $0xC3000  }
0xb1: {  	[dreg:$0x5] =	wrdreg $0xA  }
0xb2: {  	_ =	task.clear_ibuf [dreg:s7], $0x6FFFF;
	_ =	strace $0x90000046  }
0xb3: {  	s29 =	simm.s32 $0xA;
	_ =	strace $0x80000048  }
0xb4: {  	_ =	swait.ge [sflag:s29], $0x1  }
0xb5: {  	[sflag:s29] =	ssyncadd.s32 $0xFFFFFFFF  }
0xb6: {  	_ =	strace $0x90000048  }
0xb7: {  	_ =	sfence  }
0xb8: {  	s30 =	sld [smem:$0x0];
	_ =	sdelay $0x2  }
0xb9: {  	s31 =	sshll.u32 s1, $0xD;
	s1 =	sshrl.u32 s1, $0x2  }
0xba: {  	s3 =	sand.u32 $0x4000, s31;
	s1 =	sadd.s32 s1, s30  }
0xbb: {  	s0 =	sor.u32 s3, s0;
	s1 =	sshll.u32 s1, $0x11  }
0xbc: {  	s0 =	sor.u32 s1, s0  }
0xbd: {  	s0 =	sadd.s32 $0x8F2B, s0  }
0xbe: {  	[sflag:s0] =	ssyncadd.remote.s32 $0x1  }
0xbf: {  	_ =	sfence.sel $0xFFFF  }
0xc0: {  	[dreg:$0x0] =	wrdreg $0xFFFFFFFF;
	(pc) =	sbr.abs _section_cstart, $3  }
0xc1: {  	[dreg:$0x1] =	wrdreg $0xFFFFFFFF  }
0xc2: {  	_ =	task.clear_ibuf [dreg:s7], $0x2FFFF;
	_ =	strace $0x9FFFFFFF  }
0xc3: {  	(tm) =	ssettm $0x7FFFFFFF  }
tec
execute0_lowered:
.L_overlay_start_1:
0x0: {  	(tag) =	ssettag $0x1  }
0x1: {  	s1 =	rddreg [dreg:$0x0]  }
0x2: {  	s0 =	rddreg [dreg:$0x1]  }
0x3: {  	s2 =	rddreg [dreg:$0x2]  }
0x4: {  	s3 =	srdreg.scid;
	s4 =	simm.s32 $0x0;
	s18 =	stileid.u32  }
0x5: {  	s28 =	simm.s32 $0x5;
	s29 =	simm.s32 $0x80;
	s8 =	smul.u32 $0x13800, s18  }
0x6: {  	s30 =	simm.s32 $0x4100;
	s31 =	simm.s32 $0x8100;
	s9 =	smul.u32 $0x4E000, s18  }
0x7: {  	s3 =	sand.u32 $0x1, s3;
	[smem:$0x7FF] =	sst s4;
	s21 =	smul.u32 $0x138800, s18  }
0x8: {  	s5 =	sadd.s32 $0x5600, s0;
	s6 =	sadd.s32 $0xA600, s0;
	s22 =	smul.u32 $0x4E20, s18  }
0x9: {  	s24 =	sshll.u32 s18, $0x1;
	s10 =	sadd.s32 $0x14400, s0;
	s7 =	smul.u32 $0x138800, s3  }
0xa: {  	_ =	strace $0x80000047;
	s11 =	ssub.s32 $0x2, s3;
	s19 =	smul.u32 $0x1388, s3  }
0xb: {  	s25 =	sshrl.u32 s9, $0x2;
	s7 =	sadd.s32 s8, s7;
	s8 =	sor.u32 s3, s24  }
0xc: {  	s26 =	sshrl.u32 s11, $0x1;
	s20 =	sadd.s32 s25, s2;
	s12 =	smul.u32 $0x1388, s8  }
0xd: {  	s7 =	sshrl.u32 s7, $0x3;
	s13 =	smul.u32 $0x2710, s8;
	s14 =	sadd.s32 $0x8000, s20  }
0xe: {  	s8 =	smul.u32 $0x9C400, s8;
	s16 =	sadd.s32 $0xC000, s20;
	[dreg:$0x9] =	wrdreg s14  }
0xf: {  	s0 =	sadd.s32 s7, s0;
	s7 =	sadd.s32 $0x4000, s20;
	[dreg:$0xa] =	wrdreg s16  }
0x10: {  	s9 =	ssub.s32 s11, s26;
	s14 =	smul.u32 $0x2710, s18;
	[dreg:$0x8] =	wrdreg s7  }
0x11: {  	s15 =	sshrl.u32 s12, $0x3;
	s16 =	sadd.s32 $0x180, s12;
	s8 =	sshrl.u32 s8, $0x3  }
0x12: {  	s12 =	sadd.s32 $0x1380, s12;
	s13 =	sshrl.u32 s13, $0x3;
	s0 =	sadd.s32 $0x285400, s0  }
0x13: {  	s17 =	sadd.s32 s5, s15;
	s15 =	sadd.s32 $0x10000, s20;
	[dreg:$0x4] =	wrdreg s16  }
0x14: {  	s8 =	sadd.s32 s10, s8;
	s23 =	sshll.u32 s12, $0x4;
	[dreg:$0x14] =	wrdreg s0  }
0x15: {  	s11 =	sadd.s32 s19, s14;
	s12 =	sshrl.u32 s12, $0x3;
	[dreg:$0xc] =	wrdreg s15  }
0x16: {  	s0 =	simm.s32 $0x8300;
	[dreg:$0xb] =	wrdreg s17;
	s7 =	sadd.s32 $0x10, s17  }
0x17: {  	s17 =	smul.u32 $0x9C400, s3;
	s25 =	sadd.s32 s10, s23;
	[dreg:$0xd] =	wrdreg s7  }
0x18: {  	s3 =	smul.u32 $0x2710, s3;
	s23 =	sadd.s32 s6, s13;
	[dreg:$0xe] =	wrdreg s25  }
0x19: {  	s13 =	sadd.s32 $0x10, s23;
	s25 =	sadd.s32 s5, s12;
	[dreg:$0x10] =	wrdreg s23  }
0x1a: {  	s12 =	simm.s32 $0x2;
	s17 =	sadd.s32 s17, s21;
	[dreg:$0x11] =	wrdreg s13  }
0x1b: {  	s3 =	sadd.s32 s3, s22;
	[dreg:$0x12] =	wrdreg s25;
	s24 =	sadd.s32 $0x4000, s17  }
0x1c: {  	s7 =	sshrl.u32 s17, $0x3;
	s15 =	sadd.s32 $0x280, s3;
	s19 =	sadd.s32 $0x180, s3  }
0x1d: {  	s22 =	sadd.s32 $0x100, s3;
	s25 =	sadd.s32 $0x200, s3;
	s3 =	simm.s32 $0x8180  }
0x1e: {  	s14 =	sshrl.u32 s24, $0x3;
	s16 =	sadd.s32 s7, s10;
	s18 =	sshrl.u32 s15, $0x3  }
0x1f: {  	s24 =	sshrl.u32 s22, $0x3;
	s7 =	sadd.s32 $0x4E0, s23;
	s26 =	sadd.s32 s14, s10  }
0x20: {  	s10 =	sadd.s32 s18, s6;
	s14 =	sshrl.u32 s19, $0x3;
	[dreg:$0x13] =	wrdreg s7  }
0x21: {  	s19 =	sadd.s32 $0x13000, s8;
	s8 =	simm.s32 $0x1;
	[dreg:$0xf] =	wrdreg s26  }
0x22: {  	[dreg:$0x5] =	wrdreg s10;
	s21 =	sadd.s32 s14, s6;
	s10 =	sadd.s32 s24, s6  }
0x23: {  	s26 =	smax.u32 s9, $0x1;
	s24 =	sadd.s32 $0x100, s11;
	[dreg:$0x6] =	wrdreg s21  }
0x24: {  	s9 =	simm.s32 $0x3;
	s14 =	simm.s32 $0x0;
	[dreg:$0x7] =	wrdreg s10  }
0x25: {  	v0 =	vimm.f32 $0.0e+00;
	v1 =	vimm.f32 $1.000000000e+00;
	[dreg:$0x15] =	wrdreg s26;
	s26 =	simm.s32 $0x100;
	s10 =	simm.s32 $0x4  }
.LBB2_1:
0x26: {  	s11 =	simm.s32 $0x0;
	s13 =	simm.s32 $0x200  }
.LBB2_2:
0x27: {  	p0 =	sne.s32 s13, $0xFE00;
	[tilespmem:s11+$0x8370] =	vst v1  }
0x28: {  	[tilespmem:s11+$0x100] =	vst v0  }
0x29: {  	[tilespmem:s11+$0x110] =	vst v0  }
0x2a: {  	[tilespmem:s11+$0x120] =	vst v0  }
0x2b: {  	[tilespmem:s11+$0x130] =	vst v0  }
0x2c: {  	[tilespmem:s11+$0x140] =	vst v0  }
0x2d: {  	[tilespmem:s11+$0x150] =	vst v0  }
0x2e: {  	[tilespmem:s11+$0x160] =	vst v0  }
0x2f: {  	[tilespmem:s11+$0x170] =	vst v0  }
0x30: {  	[tilespmem:s11+$0x8300] =	vst v1  }
0x31: {  	[tilespmem:s11+$0x8310] =	vst v1  }
.Ltmp0:
0x32: {  	[tilespmem:s11+$0x8320] =	vst v1;
	(pc) =	sbr.rel @p0 .LBB2_2-.Ltmp0, $4  }
0x33: {  	[tilespmem:s11+$0x8330] =	vst v1  }
0x34: {  	[tilespmem:s11+$0x8340] =	vst v1  }
0x35: {  	[tilespmem:s11+$0x8350] =	vst v1  }
0x36: {  	[tilespmem:s11+$0x8360] =	vst v1;
	s11 =	sshra.s32 s13, $0x2;
	s13 =	sadd.s32 $0x200, s13  }
0x37: {  	[tilespmem:s11+$0x8370] =	vst v1  }
0x38: {  	[tilespmem:s11+$0x100] =	vst v0  }
0x39: {  	[tilespmem:s11+$0x110] =	vst v0  }
0x3a: {  	[tilespmem:s11+$0x120] =	vst v0  }
0x3b: {  	[tilespmem:s11+$0x130] =	vst v0  }
0x3c: {  	[tilespmem:s11+$0x140] =	vst v0  }
0x3d: {  	[tilespmem:s11+$0x150] =	vst v0  }
0x3e: {  	[tilespmem:s11+$0x160] =	vst v0  }
0x3f: {  	[tilespmem:s11+$0x170] =	vst v0  }
0x40: {  	[tilespmem:s11+$0x8300] =	vst v1  }
0x41: {  	[tilespmem:s11+$0x8310] =	vst v1  }
0x42: {  	[tilespmem:s11+$0x8320] =	vst v1  }
0x43: {  	[tilespmem:s11+$0x8330] =	vst v1  }
0x44: {  	[tilespmem:s11+$0x8340] =	vst v1  }
0x45: {  	[tilespmem:s11+$0x8350] =	vst v1  }
0x46: {  	[tilespmem:s11+$0x8360] =	vst v1  }
0x47: {  	[spmem:s20] =	stream.linear.scatter [tilespmem:s26], [sflag:$0x5], $0x4000, $0x38;
	[tilespmem:$0x1FB80] =	vst v63  }
0x48: {  	_ =	swait.ge [sflag:s28], $0x4000  }
0x49: {  	[sflag:s28] =	ssyncset.done $0x0  }
0x4a: {  	s7 =	rddreg [dreg:$0x8];
	[sflag:s28] =	ssyncadd.s32 $0xFFFFC000  }
0x4b: {  	[spmem:s7] =	stream.linear.scatter [tilespmem:s26], [sflag:$0x5], $0x4000, $0x38;
	[tilespmem:$0x1FB80] =	vst v63  }
0x4c: {  	_ =	swait.ge [sflag:s28], $0x4000  }
0x4d: {  	[sflag:s28] =	ssyncset.done $0x0  }
0x4e: {  	s11 =	rddreg [dreg:$0x9];
	[sflag:s28] =	ssyncadd.s32 $0xFFFFC000  }
0x4f: {  	[spmem:s11] =	stream.linear.scatter [tilespmem:s26], [sflag:$0x5], $0x4000, $0x38;
	[tilespmem:$0x1FB80] =	vst v63  }
0x50: {  	_ =	swait.ge [sflag:s28], $0x4000  }
0x51: {  	[sflag:s28] =	ssyncset.done $0x0  }
0x52: {  	s13 =	rddreg [dreg:$0xa];
	[sflag:s28] =	ssyncadd.s32 $0xFFFFC000  }
0x53: {  	[spmem:s13] =	stream.linear.scatter [tilespmem:s26], [sflag:$0x5], $0x4000, $0x38;
	[tilespmem:$0x1FB80] =	vst v63  }
0x54: {  	_ =	swait.ge [sflag:s28], $0x4000  }
0x55: {  	[sflag:s28] =	ssyncset.done $0x0  }
0x56: {  	s17 =	rddreg [dreg:$0xc];
	[sflag:s28] =	ssyncadd.s32 $0xFFFFC000  }
0x57: {  	[spmem:s17] =	stream.linear.scatter [tilespmem:s26], [sflag:$0x5], $0x4000, $0x38;
	[tilespmem:$0x1FB80] =	vst v63  }
0x58: {  	_ =	swait.ge [sflag:s28], $0x4000  }
0x59: {  	[sflag:s28] =	ssyncset.done $0x0  }
0x5a: {  	[sflag:s28] =	ssyncadd.s32 $0xFFFFC000  }
0x5b: {  	[bflag:$0x0] =	sbarrier.arrive $0xFFFF  }
0x5c: {  	s11 =	simm.s32 $0x0;
	s18 =	rddreg [dreg:$0xb]  }
0x5d: {  	[tilespmem:s11], [sflag:$0x5] =	stream.linear.gather [hbm4b:s18+s11], $0x80, $0x38;
	[tilespmem:$0x1FB80] =	vst v63  }
0x5e: {  	_ =	swait.ge [sflag:s28], $0x80  }
0x5f: {  	[sflag:s28] =	ssyncset.done $0x0  }
0x60: {  	[sflag:s28] =	ssyncadd.s32 $0xFFFFFF80  }
0x61: {  	[tilespmem:s26], [sflag:$0x1] =	stream.indirect.gather [hbm4b:s1+s29], $0x80, s11, s29, $0xb8;
	[tilespmem:$0x1FB80] =	vst v63  }
0x62: {  	s15 =	smov.u32 s20;
	s20 =	rddreg [dreg:$0xd]  }
0x63: {  	[tilespmem:s29], [sflag:$0x5] =	stream.linear.gather [hbm4b:s20+s11], $0x80, $0x38;
	[tilespmem:$0x1FB80] =	vst v63  }
0x64: {  	_ =	swait.ge [sflag:s28], $0x80  }
0x65: {  	[sflag:s28] =	ssyncset.done $0x0  }
0x66: {  	[sflag:s28] =	ssyncadd.s32 $0xFFFFFF80  }
0x67: {  	[tilespmem:s30], [sflag:$0x2] =	stream.indirect.gather [hbm4b:s1+s29], $0x80, s29, s29, $0xb8;
	[tilespmem:$0x1FB80] =	vst v63  }
0x68: {  	s21 =	rddreg [dreg:$0x10]  }
0x69: {  	[tilespmem:s31], [sflag:$0x5] =	stream.linear.gather [hbm4b:s21+s11], $0x80, $0x38;
	[tilespmem:$0x1FB80] =	vst v63  }
0x6a: {  	_ =	swait.ge [sflag:s28], $0x80  }
0x6b: {  	[sflag:s28] =	ssyncset.done $0x0  }
0x6c: {  	[sflag:s28] =	ssyncadd.s32 $0xFFFFFF80  }
0x6d: {  	[spmem:s2] =	stream.indirect.scatter.add.f32 [tilespmem:s0], [sflag:$0x3], $0x80, s31, s29, $0xb8;
	[tilespmem:$0x1FB80] =	vst v63  }
0x6e: {  	s22 =	rddreg [dreg:$0x11]  }
0x6f: {  	[tilespmem:s3], [sflag:$0x5] =	stream.linear.gather [hbm4b:s22+s11], $0x80, $0x38;
	[tilespmem:$0x1FB80] =	vst v63  }
0x70: {  	_ =	swait.ge [sflag:s28], $0x80  }
0x71: {  	[sflag:s28] =	ssyncset.done $0x0  }
0x72: {  	[sflag:s28] =	ssyncadd.s32 $0xFFFFFF80  }
0x73: {  	[spmem:s2] =	stream.indirect.scatter.add.f32 [tilespmem:s0], [sflag:$0x4], $0x80, s3, s29, $0xb8;
	[tilespmem:$0x1FB80] =	vst v63  }
0x74: {  	_ =	swait.ge [sflag:s8], $0x4000  }
0x75: {  	[sflag:s8] =	ssyncset.done $0x0  }
0x76: {  	[sflag:s8] =	ssyncadd.s32 $0xFFFFC000  }
0x77: {  	[hbm4b:s16+s4] =	stream.linear.scatter [tilespmem:s26], [sflag:$0x5], $0x4000, $0x38;
	[tilespmem:$0x1FB80] =	vst v63  }
0x78: {  	_ =	swait.ge [sflag:s28], $0x4000  }
0x79: {  	s13 =	sshrl.u32 s24, $0x3;
	[sflag:s28] =	ssyncset.done $0x0  }
0x7a: {  	s13 =	sadd.s32 s5, s13;
	[sflag:s28] =	ssyncadd.s32 $0xFFFFC000  }
0x7b: {  	[tilespmem:s4], [sflag:$0x5] =	stream.linear.gather [hbm4b:s13+s4], $0x80, $0x38;
	[tilespmem:$0x1FB80] =	vst v63  }
0x7c: {  	_ =	swait.ge [sflag:s28], $0x80  }
0x7d: {  	[sflag:s28] =	ssyncset.done $0x0  }
0x7e: {  	[sflag:s28] =	ssyncadd.s32 $0xFFFFFF80  }
0x7f: {  	[tilespmem:s26], [sflag:$0x1] =	stream.indirect.gather [hbm4b:s1+s29], $0x80, s4, s29, $0xb8;
	[tilespmem:$0x1FB80] =	vst v63  }
0x80: {  	_ =	swait.ge [sflag:s9], $0x4000  }
0x81: {  	s23 =	rddreg [dreg:$0x7];
	[sflag:s9] =	ssyncset.done $0x0  }
0x82: {  	[sflag:s9] =	ssyncadd.s32 $0xFFFFC000;
	s13 =	sadd.s32 $0x0, s23  }
0x83: {  	[tilespmem:s31], [sflag:$0x5] =	stream.linear.gather [hbm4b:s13+s4], $0x80, $0x38;
	[tilespmem:$0x1FB80] =	vst v63  }
0x84: {  	_ =	swait.ge [sflag:s28], $0x80  }
0x85: {  	[sflag:s28] =	ssyncset.done $0x0  }
0x86: {  	[sflag:s28] =	ssyncadd.s32 $0xFFFFFF80  }
0x87: {  	[spmem:s2] =	stream.indirect.scatter.add.f32 [tilespmem:s0], [sflag:$0x3], $0x80, s31, s29, $0xb8;
	[tilespmem:$0x1FB80] =	vst v63  }
0x88: {  	_ =	swait.ge [sflag:s10], $0x4000  }
0x89: {  	s7 =	rddreg [dreg:$0x6];
	[sflag:s10] =	ssyncset.done $0x0  }
0x8a: {  	[sflag:s10] =	ssyncadd.s32 $0xFFFFC000;
	s13 =	sadd.s32 $0x0, s7  }
0x8b: {  	[tilespmem:s3], [sflag:$0x5] =	stream.linear.gather [hbm4b:s13+s4], $0x80, $0x38;
	[tilespmem:$0x1FB80] =	vst v63  }
0x8c: {  	_ =	swait.ge [sflag:s28], $0x80  }
0x8d: {  	[sflag:s28] =	ssyncset.done $0x0  }
0x8e: {  	[sflag:s28] =	ssyncadd.s32 $0xFFFFFF80  }
0x8f: {  	[spmem:s2] =	stream.indirect.scatter.add.f32 [tilespmem:s0], [sflag:$0x4], $0x80, s3, s29, $0xb8;
	[tilespmem:$0x1FB80] =	vst v63  }
0x90: {  	_ =	swait.ge [sflag:s12], $0x4000  }
0x91: {  	[sflag:s12] =	ssyncset.done $0x0  }
0x92: {  	s17 =	rddreg [dreg:$0xf];
	[sflag:s12] =	ssyncadd.s32 $0xFFFFC000  }
0x93: {  	[hbm4b:s17+s4] =	stream.linear.scatter [tilespmem:s30], [sflag:$0x5], $0x4000, $0x38;
	[tilespmem:$0x1FB80] =	vst v63  }
0x94: {  	s11 =	smin.u32 s11, $0x23;
	_ =	swait.ge [sflag:s28], $0x4000  }
0x95: {  	s11 =	sshll.u32 s11, $0x7;
	s21 =	rddreg [dreg:$0x4]  }
0x96: {  	s11 =	sadd.s32 s11, s21  }
0x97: {  	[sflag:s28] =	ssyncset.done $0x0;
	s11 =	sshrl.u32 s11, $0x3  }
0x98: {  	[sflag:s28] =	ssyncadd.s32 $0xFFFFC000;
	s11 =	sadd.s32 s5, s11  }
0x99: {  	[tilespmem:s29], [sflag:$0x5] =	stream.linear.gather [hbm4b:s11+s4], $0x80, $0x38;
	[tilespmem:$0x1FB80] =	vst v63  }
0x9a: {  	_ =	swait.ge [sflag:s28], $0x80  }
0x9b: {  	[sflag:s28] =	ssyncset.done $0x0  }
0x9c: {  	[sflag:s28] =	ssyncadd.s32 $0xFFFFFF80  }
0x9d: {  	[tilespmem:s30], [sflag:$0x2] =	stream.indirect.gather [hbm4b:s1+s29], $0x80, s29, s29, $0xb8;
	[tilespmem:$0x1FB80] =	vst v63  }
0x9e: {  	_ =	swait.ge [sflag:s9], $0x4000  }
0x9f: {  	s22 =	sshrl.u32 s25, $0x3;
	[sflag:s9] =	ssyncset.done $0x0  }
0xa0: {  	s11 =	sadd.s32 s6, s22;
	[sflag:s9] =	ssyncadd.s32 $0xFFFFC000  }
0xa1: {  	[tilespmem:s31], [sflag:$0x5] =	stream.linear.gather [hbm4b:s11+s4], $0x80, $0x38;
	[tilespmem:$0x1FB80] =	vst v63  }
0xa2: {  	_ =	swait.ge [sflag:s28], $0x80  }
0xa3: {  	[sflag:s28] =	ssyncset.done $0x0  }
0xa4: {  	[sflag:s28] =	ssyncadd.s32 $0xFFFFFF80  }
0xa5: {  	[spmem:s2] =	stream.indirect.scatter.add.f32 [tilespmem:s0], [sflag:$0x3], $0x80, s31, s29, $0xb8;
	[tilespmem:$0x1FB80] =	vst v63  }
0xa6: {  	_ =	swait.ge [sflag:s10], $0x4000  }
0xa7: {  	s23 =	rddreg [dreg:$0x5];
	[sflag:s10] =	ssyncset.done $0x0  }
0xa8: {  	[sflag:s10] =	ssyncadd.s32 $0xFFFFC000;
	s11 =	sadd.s32 $0x0, s23  }
0xa9: {  	[tilespmem:s3], [sflag:$0x5] =	stream.linear.gather [hbm4b:s11+s4], $0x80, $0x38;
	[tilespmem:$0x1FB80] =	vst v63  }
0xaa: {  	s18 =	simm.s32 $0x40;
	s20 =	simm.s32 $0x2;
	_ =	swait.ge [sflag:s28], $0x80  }
0xab: {  	s13 =	sadd.s32 $0x1000, s17;
	s21 =	sadd.s32 $0x1000, s16;
	[sflag:s28] =	ssyncset.done $0x0  }
0xac: {  	s22 =	sadd.s32 $0x200, s25;
	s23 =	sadd.s32 $0x100, s24;
	[sflag:s28] =	ssyncadd.s32 $0xFFFFFF80  }
.LBB2_4:
0xad: {  	[spmem:s2] =	stream.indirect.scatter.add.f32 [tilespmem:s0], [sflag:$0x4], $0x80, s3, s29, $0xb8;
	[tilespmem:$0x1FB80] =	vst v63  }
0xae: {  	_ =	swait.ge [sflag:s8], $0x4000  }
0xaf: {  	[sflag:s8] =	ssyncset.done $0x0  }
0xb0: {  	[sflag:s8] =	ssyncadd.s32 $0xFFFFC000  }
0xb1: {  	[hbm4b:s21+s4] =	stream.linear.scatter [tilespmem:s26], [sflag:$0x5], $0x4000, $0x38;
	[tilespmem:$0x1FB80] =	vst v63  }
0xb2: {  	_ =	swait.ge [sflag:s28], $0x4000  }
0xb3: {  	s17 =	sshrl.u32 s23, $0x3;
	[sflag:s28] =	ssyncset.done $0x0  }
0xb4: {  	s17 =	sadd.s32 s5, s17;
	[sflag:s28] =	ssyncadd.s32 $0xFFFFC000  }
0xb5: {  	[tilespmem:s4], [sflag:$0x5] =	stream.linear.gather [hbm4b:s17+s4], $0x80, $0x38;
	[tilespmem:$0x1FB80] =	vst v63  }
0xb6: {  	_ =	swait.ge [sflag:s28], $0x80  }
0xb7: {  	[sflag:s28] =	ssyncset.done $0x0  }
0xb8: {  	[sflag:s28] =	ssyncadd.s32 $0xFFFFFF80  }
0xb9: {  	[tilespmem:s26], [sflag:$0x1] =	stream.indirect.gather [hbm4b:s1+s29], $0x80, s4, s29, $0xb8;
	[tilespmem:$0x1FB80] =	vst v63  }
0xba: {  	_ =	swait.ge [sflag:s9], $0x4000  }
0xbb: {  	s11 =	smov.u32 s18;
	s7 =	rddreg [dreg:$0x7];
	[sflag:s9] =	ssyncset.done $0x0  }
0xbc: {  	[sflag:s9] =	ssyncadd.s32 $0xFFFFC000;
	s17 =	sadd.s32 s11, s7  }
0xbd: {  	[tilespmem:s31], [sflag:$0x5] =	stream.linear.gather [hbm4b:s17+s4], $0x80, $0x38;
	[tilespmem:$0x1FB80] =	vst v63  }
0xbe: {  	_ =	swait.ge [sflag:s28], $0x80  }
0xbf: {  	[sflag:s28] =	ssyncset.done $0x0  }
0xc0: {  	[sflag:s28] =	ssyncadd.s32 $0xFFFFFF80  }
0xc1: {  	[spmem:s2] =	stream.indirect.scatter.add.f32 [tilespmem:s0], [sflag:$0x3], $0x80, s31, s29, $0xb8;
	[tilespmem:$0x1FB80] =	vst v63  }
0xc2: {  	_ =	swait.ge [sflag:s10], $0x4000  }
0xc3: {  	s7 =	rddreg [dreg:$0x6];
	[sflag:s10] =	ssyncset.done $0x0  }
0xc4: {  	[sflag:s10] =	ssyncadd.s32 $0xFFFFC000;
	s17 =	sadd.s32 s11, s7  }
0xc5: {  	[tilespmem:s3], [sflag:$0x5] =	stream.linear.gather [hbm4b:s17+s4], $0x80, $0x38;
	[tilespmem:$0x1FB80] =	vst v63  }
0xc6: {  	_ =	swait.ge [sflag:s28], $0x80  }
0xc7: {  	[sflag:s28] =	ssyncset.done $0x0  }
0xc8: {  	[sflag:s28] =	ssyncadd.s32 $0xFFFFFF80  }
0xc9: {  	[spmem:s2] =	stream.indirect.scatter.add.f32 [tilespmem:s0], [sflag:$0x4], $0x80, s3, s29, $0xb8;
	[tilespmem:$0x1FB80] =	vst v63  }
0xca: {  	_ =	swait.ge [sflag:s12], $0x4000  }
0xcb: {  	[sflag:s12] =	ssyncset.done $0x0  }
0xcc: {  	[sflag:s12] =	ssyncadd.s32 $0xFFFFC000  }
0xcd: {  	[hbm4b:s13+s4] =	stream.linear.scatter [tilespmem:s30], [sflag:$0x5], $0x4000, $0x38;
	[tilespmem:$0x1FB80] =	vst v63  }
0xce: {  	s7 =	smin.u32 s20, $0x23;
	_ =	swait.ge [sflag:s28], $0x4000  }
0xcf: {  	s7 =	sshll.u32 s7, $0x7;
	s17 =	rddreg [dreg:$0x4]  }
0xd0: {  	s7 =	sadd.s32 s7, s17  }
0xd1: {  	[sflag:s28] =	ssyncset.done $0x0;
	s7 =	sshrl.u32 s7, $0x3  }
0xd2: {  	[sflag:s28] =	ssyncadd.s32 $0xFFFFC000;
	s7 =	sadd.s32 s5, s7  }
0xd3: {  	[tilespmem:s29], [sflag:$0x5] =	stream.linear.gather [hbm4b:s7+s4], $0x80, $0x38;
	[tilespmem:$0x1FB80] =	vst v63  }
0xd4: {  	_ =	swait.ge [sflag:s28], $0x80  }
0xd5: {  	[sflag:s28] =	ssyncset.done $0x0  }
0xd6: {  	[sflag:s28] =	ssyncadd.s32 $0xFFFFFF80  }
0xd7: {  	[tilespmem:s30], [sflag:$0x2] =	stream.indirect.gather [hbm4b:s1+s29], $0x80, s29, s29, $0xb8;
	[tilespmem:$0x1FB80] =	vst v63  }
0xd8: {  	_ =	swait.ge [sflag:s9], $0x4000  }
0xd9: {  	s17 =	sshrl.u32 s22, $0x3;
	[sflag:s9] =	ssyncset.done $0x0  }
0xda: {  	s7 =	sadd.s32 s6, s17;
	[sflag:s9] =	ssyncadd.s32 $0xFFFFC000  }
0xdb: {  	[tilespmem:s31], [sflag:$0x5] =	stream.linear.gather [hbm4b:s7+s4], $0x80, $0x38;
	[tilespmem:$0x1FB80] =	vst v63  }
0xdc: {  	_ =	swait.ge [sflag:s28], $0x80  }
0xdd: {  	[sflag:s28] =	ssyncset.done $0x0  }
0xde: {  	[sflag:s28] =	ssyncadd.s32 $0xFFFFFF80  }
0xdf: {  	[spmem:s2] =	stream.indirect.scatter.add.f32 [tilespmem:s0], [sflag:$0x3], $0x80, s31, s29, $0xb8;
	[tilespmem:$0x1FB80] =	vst v63  }
0xe0: {  	_ =	swait.ge [sflag:s10], $0x4000  }
0xe1: {  	p0 =	sne.s32 s18, $0x480;
	s17 =	rddreg [dreg:$0x5];
	[sflag:s10] =	ssyncset.done $0x0  }
.Ltmp1:
0xe2: {  	[sflag:s10] =	ssyncadd.s32 $0xFFFFC000;
	s7 =	sadd.s32 s11, s17;
	(pc) =	sbr.rel @p0 .LBB2_4-.Ltmp1, $4  }
0xe3: {  	[tilespmem:s3], [sflag:$0x5] =	stream.linear.gather [hbm4b:s7+s4], $0x80, $0x38;
	[tilespmem:$0x1FB80] =	vst v63  }
0xe4: {  	s18 =	sadd.s32 $0x40, s18;
	s23 =	sadd.s32 $0x100, s23;
	_ =	swait.ge [sflag:s28], $0x80  }
0xe5: {  	s21 =	sadd.s32 $0x1000, s21;
	s20 =	sadd.s32 $0x2, s20;
	[sflag:s28] =	ssyncset.done $0x0  }
0xe6: {  	s13 =	sadd.s32 $0x1000, s13;
	s22 =	sadd.s32 $0x200, s22;
	[sflag:s28] =	ssyncadd.s32 $0xFFFFFF80  }
0xe7: {  	[spmem:s2] =	stream.indirect.scatter.add.f32 [tilespmem:s0], [sflag:$0x4], $0x80, s3, s29, $0xb8;
	[tilespmem:$0x1FB80] =	vst v63  }
0xe8: {  	_ =	swait.ge [sflag:s8], $0x4000  }
0xe9: {  	[sflag:s8] =	ssyncset.done $0x0  }
0xea: {  	[sflag:s8] =	ssyncadd.s32 $0xFFFFC000  }
0xeb: {  	[hbm4b:s19+s4] =	stream.linear.scatter [tilespmem:s26], [sflag:$0x5], $0x4000, $0x38;
	[tilespmem:$0x1FB80] =	vst v63  }
0xec: {  	_ =	swait.ge [sflag:s28], $0x4000  }
0xed: {  	[sflag:s28] =	ssyncset.done $0x0  }
0xee: {  	[sflag:s28] =	ssyncadd.s32 $0xFFFFC000  }
0xef: {  	_ =	swait.ge [sflag:s12], $0x4000  }
0xf0: {  	[sflag:s12] =	ssyncset.done $0x0  }
0xf1: {  	[sflag:s12] =	ssyncadd.s32 $0xFFFFC000  }
0xf2: {  	[hbm4b:s19+s4] =	stream.linear.scatter [tilespmem:s30], [sflag:$0x5], $0x4000, $0x38;
	[tilespmem:$0x1FB80] =	vst v63  }
0xf3: {  	_ =	swait.ge [sflag:s28], $0x4000  }
0xf4: {  	[sflag:s28] =	ssyncset.done $0x0  }
0xf5: {  	[sflag:s28] =	ssyncadd.s32 $0xFFFFC000  }
0xf6: {  	_ =	swait.ge [sflag:s9], $0x4000  }
0xf7: {  	[sflag:s9] =	ssyncset.done $0x0  }
0xf8: {  	[sflag:s9] =	ssyncadd.s32 $0xFFFFC000  }
0xf9: {  	_ =	swait.ge [sflag:s10], $0x4000  }
0xfa: {  	[sflag:s10] =	ssyncset.done $0x0  }
0xfb: {  	s11 =	simm.s32 $0x8280;
	s7 =	rddreg [dreg:$0x12];
	[sflag:s10] =	ssyncadd.s32 $0xFFFFC000  }
0xfc: {  	[tilespmem:s11], [sflag:$0x5] =	stream.linear.gather [hbm4b:s7+s4], $0x8, $0x38;
	[tilespmem:$0x1FB80] =	vst v63  }
0xfd: {  	_ =	swait.ge [sflag:s28], $0x8  }
0xfe: {  	[sflag:s28] =	ssyncset.done $0x0  }
0xff: {  	s23 =	simm.s32 $0x8;
	[sflag:s28] =	ssyncadd.s32 $0xFFFFFFF8  }
0x100: {  	[tilespmem:s26], [sflag:$0x1] =	stream.indirect.gather [hbm4b:s1+s23], $0x80, s11, s23, $0xb8;
	[tilespmem:$0x1FB80] =	vst v63  }
0x101: {  	_ =	swait.ge [sflag:s8], $0x400  }
0x102: {  	[sflag:s8] =	ssyncset.done $0x0  }
0x103: {  	s13 =	rddreg [dreg:$0xe];
	[sflag:s8] =	ssyncadd.s32 $0xFFFFFC00  }
0x104: {  	[hbm4b:s13+s4] =	stream.linear.scatter [tilespmem:s26], [sflag:$0x5], $0x400, $0x38;
	[tilespmem:$0x1FB80] =	vst v63  }
0x105: {  	_ =	swait.ge [sflag:s28], $0x400  }
0x106: {  	[sflag:s28] =	ssyncset.done $0x0  }
0x107: {  	s18 =	simm.s32 $0x8200;
	s17 =	rddreg [dreg:$0x13];
	[sflag:s28] =	ssyncadd.s32 $0xFFFFFC00  }
0x108: {  	[tilespmem:s18], [sflag:$0x5] =	stream.linear.gather [hbm4b:s17+s4], $0x10, $0x38;
	[tilespmem:$0x1FB80] =	vst v63  }
0x109: {  	_ =	swait.ge [sflag:s28], $0x10  }
0x10a: {  	[sflag:s28] =	ssyncset.done $0x0  }
0x10b: {  	s20 =	simm.s32 $0x10;
	[sflag:s28] =	ssyncadd.s32 $0xFFFFFFF0  }
0x10c: {  	[spmem:s2] =	stream.indirect.scatter.add.f32 [tilespmem:s0], [sflag:$0x3], $0x80, s18, s20, $0xb8;
	[tilespmem:$0x1FB80] =	vst v63  }
0x10d: {  	_ =	swait.ge [sflag:s9], $0x800  }
0x10e: {  	[sflag:s9] =	ssyncset.done $0x0  }
0x10f: {  	s21 =	stileid.u32;
	[sflag:s9] =	ssyncadd.s32 $0xFFFFF800  }
0x110: {  	s7 =	sshll.u32 s21, $0x6;
	[bflag:$0x0] =	sbarrier.arrive $0xFFFF  }
0x111: {  	s22 =	sshrl.u32 s15, $0x3;
	s7 =	sor.u32 $0x1C05, s7;
	s13 =	rddreg [dreg:$0x14]  }
0x112: {  	[hbm:s13], [sflag:s7] =	dma.local [spmem:s22], $0x2800  }
0x113: {  	_ =	swait.ge [sflag:s28], $0x2800  }
0x114: {  	s14 =	sadd.s32 $0x1, s14;
	s23 =	rddreg [dreg:$0x15]  }
0x115: {  	p0 =	sne.s32 s14, s23  }
.Ltmp2:
0x116: {  	_ = 	snop;
	(pc) =	sbr.rel @p0 .LBB2_1-.Ltmp2, $3  }
0x117: {  	_ =	sdelay $0x1  }
0x118: {  	[sflag:s28] =	ssyncset.done $0x0  }
0x119: {  	s20 =	smov.u32 s15;
	[sflag:s28] =	ssyncadd.s32 $0xFFFFD800  }
0x11a: {  	_ =	sfence.sel $0x180000  }
0x11b: {  	[bflag:$0x0] =	sbarrier.arrive $0xFFFF  }
0x11c: {  	_ =	strace $0x90000047  }
0x11d: {  	s0 =	stileid.u32;
	[bflag:$0x2] =	sbarrier.arrive $0xFFFF  }
0x11e: {  	p0 =	sne.s32 s0, $0x0;
	s0 =	rddreg [dreg:$0x3]  }
0x11f: {  	s0 =	sadd.s32 @!p0 $0x100000, s0  }
0x120: {  	[sflag:s0] =	ssyncadd.tile.s32 @!p0 $0x1;
	_ =	shalt  }
.Lfunc_end2:
_tile_overlayer_lowered:
.L_overlay_start_2:
0x121: {  	(tag) =	ssettag $0x2  }
0x122: {  	s0 =	rddreg [dreg:$0x0];
	s2 =	stileid.u32  }
0x123: {  	s1 =	rddreg [dreg:$0x1];
	p0 =	sne.s32 s2, $0x0  }
0x124: {  	s3 =	rddreg [dreg:$0x2];
	[bflag:$0x3] =	sbarrier.arrive $0xFFFF;
	s2 =	simm.s32 @!p0 $0x1C05  }
0x125: {  	[timem:s3], [sflag:s2] =	dma.local @!p0 [hbm:s0], s1  }
0x126: {  	s0 =	simm.s32 @!p0 $0x5  }
0x127: {  	_ =	swait.ge @!p0 [sflag:s0], s1  }
0x128: {  	s1 =	ssub.s32 @!p0 $0x0, s1;
	[sflag:s0] =	ssyncset.done @!p0 $0x0  }
0x129: {  	[sflag:s0] =	ssyncadd.s32 @!p0 s1  }
0x12a: {  	[bflag:$0x3] =	sbarrier.arrive $0xFFFF  }
0x12b: {  	_ =	shalt  }

// kernel: kernel.17.cloned.1.call-start
scs
__scs_entry_jumppad:
0x0: {  	(pc) =	sbr.rel $0x88, $3  }
0x1: {  	(tag) =	ssettag $0x0;
	lr =	simm.s32 $0x1  }
0x2: {  	[smem:$0x3F85] =	sst lr;
	_ =	strace $0xD0000000  }
0x3: {  	_ = 	snop  }
0x4: {  	_ = 	snop  }
0x5: {  	_ = 	snop  }
0x6: {  	_ = 	snop  }
0x7: {  	_ = 	snop  }
__scs_overlays_trampoline_lowered:
0x8: {  	[smem:$0x3F94] =	sst s0  }
0x9: {  	[smem:$0x3F95] =	sst s1  }
0xa: {  	[smem:$0x3F96] =	sst s2  }
0xb: {  	[smem:$0x3F97] =	sst s3  }
0xc: {  	[smem:$0x3F98] =	sst s4  }
0xd: {  	[smem:$0x3F99] =	sst s5  }
0xe: {  	[smem:$0x3F9A] =	sst s6  }
0xf: {  	[smem:$0x3F9B] =	sst s7  }
0x10: {  	[smem:$0x3F9C] =	sst s8  }
0x11: {  	[smem:$0x3F9D] =	sst s9;
	s0 =	simm.s32 @!p0 $0x0  }
0x12: {  	s1 =	sld [smem:$0x3F83];
	s0 =	simm.s32 @p0 $0x1  }
0x13: {  	[smem:$0x3F9E] =	sst s0;
	s0 =	simm.s32 @!p1 $0x0  }
0x14: {  	s2 =	sld [smem:$0x3F82];
	s0 =	simm.s32 @p1 $0x1  }
0x15: {  	[smem:$0x3F9F] =	sst s0;
	s0 =	simm.s32 @!p2 $0x0  }
0x16: {  	s3 =	sld [smem:$0x3FDB];
	s0 =	simm.s32 @p2 $0x1  }
0x17: {  	s4 =	simm.s32 $0x1BF5;
	[smem:$0x3FA1] =	sst s0  }
0x18: {  	s0 =	sld [smem:$0x3F84];
	_ =	swait.ge [sflag:s4], $0x0  }
0x19: {  	s7 =	sld [smem:$0x3F85]  }
0x1a: {  	s8 =	sadd.s32 $0xFFFFE003, lr  }
0x1b: {  	s9 =	sadd.s32 $0xFFFFFEF7, lr;
	s5 =	simm.s32 $0xFFFFFFFF;
	p2 =	slt.u32 s8, $0xFFFFF086  }
0x1c: {  	p1 =	slt.u32 s9, $0xF7A;
	s5 =	simm.s32 @!p2 $0x0  }
0x1d: {  	s5 =	simm.s32 @p1 $0x1;
	p0 =	seq.s32 s7, s2  }
0x1e: {  	s7 =	smul.u32 @!p0 $0xF7A, s2;
	p2 =	seq.s32 @!p0 s5, $0x0  }
0x1f: {  	s9 =	smul.u32 $0xF7A, s1;
	s8 =	simm.s32 @!p0 $0x1BF5;
	p2 =	por !p2, p0  }
0x20: {  	[sflag:s8] =	ssyncset.s32 @!p0 $0xFFFFF086;
	s6 =	sadd.s32 @!p0 s3, s7;
	s7 =	simm.s32 @!p0 $0x108  }
0x21: {  	s3 =	sadd.s32 s3, s9;
	s6 =	sadd.s32 @!p0 $0x88, s6;
	s7 =	simm.s32 @p2 $0x1082  }
0x22: {  	[simem:s7], [sflag:s8] =	dma.local @!p0 [hbm:s6], $0xF7A  }
0x23: {  	s9 =	sor.u32 $0xD0000000, s2;
	s6 =	simm.s32 $0x108;
	_ =	swait.ge @!p0 [sflag:s8], $0x0  }
0x24: {  	s3 =	sadd.s32 $0x88, s3;
	s6 =	simm.s32 @!p1 $0x1082;
	[sflag:s4] =	ssyncset.s32 $0xFFFFF086  }
0x25: {  	[simem:s6], [sflag:s4] =	dma.local [hbm:s3], $0xF7A  }
0x26: {  	[smem:$0x3F85] =	sst s1;
	(tag) =	ssettag s2;
	_ =	strace s9  }
0x27: {  	s1 =	sld [smem:$0x3F95]  }
0x28: {  	s2 =	sld [smem:$0x3F96]  }
0x29: {  	s4 =	sld [smem:$0x3F98]  }
0x2a: {  	p0 =	seq.s32 s5, $0x0;
	s5 =	sld [smem:$0x3F99]  }
0x2b: {  	s6 =	sld [smem:$0x3F9A]  }
0x2c: {  	s7 =	sld [smem:$0x3F9B]  }
0x2d: {  	s3 =	simm.s32 $0x108;
	s8 =	sld [smem:$0x3F9C]  }
0x2e: {  	s3 =	simm.s32 @!p0 $0x1082;
	s9 =	sld [smem:$0x3F9D]  }
0x2f: {  	lr =	sadd.s32 s0, s3;
	s0 =	sld [smem:$0x3F94]  }
0x30: {  	s3 =	sld [smem:$0x3F97]  }
0x31: {  	[smem:$0x3FA0] =	sst s10  }
0x32: {  	s10 =	sld [smem:$0x3F9E];
	_ =	sdelay $0x3  }
0x33: {  	p0 =	seq.s32 s10, $0x1;
	s10 =	sld [smem:$0x3FA0];
	_ =	sdelay $0x3  }
0x34: {  	[smem:$0x3FA0] =	sst s10  }
0x35: {  	s10 =	sld [smem:$0x3F9F];
	_ =	sdelay $0x3  }
0x36: {  	p1 =	seq.s32 s10, $0x1;
	s10 =	sld [smem:$0x3FA0];
	_ =	sdelay $0x3  }
0x37: {  	[smem:$0x3FA0] =	sst s10  }
0x38: {  	s10 =	sld [smem:$0x3FA1]  }
0x39: {  	_ = 	snop;
	(pc) =	sbr.ind lr, $3  }
0x3a: {  	_ = 	snop  }
0x3b: {  	_ = 	snop  }
0x3c: {  	p2 =	seq.s32 s10, $0x1;
	s10 =	sld [smem:$0x3FA0]  }
0x3d: {  	_ =	shalt  }
0x3e: {  	_ =	shalt  }
0x3f: {  	_ =	shalt  }
0x40: {  	_ =	shalt  }
0x41: {  	_ =	shalt  }
0x42: {  	_ =	shalt  }
0x43: {  	_ =	shalt  }
0x44: {  	_ =	shalt  }
0x45: {  	_ =	shalt  }
0x46: {  	_ =	shalt  }
0x47: {  	_ =	shalt  }
0x48: {  	_ =	shalt  }
0x49: {  	_ =	shalt  }
0x4a: {  	_ =	shalt  }
0x4b: {  	_ =	shalt  }
0x4c: {  	_ =	shalt  }
0x4d: {  	_ =	shalt  }
0x4e: {  	_ =	shalt  }
0x4f: {  	_ =	shalt  }
0x50: {  	_ =	shalt  }
0x51: {  	_ =	shalt  }
0x52: {  	_ =	shalt  }
0x53: {  	_ =	shalt  }
0x54: {  	_ =	shalt  }
0x55: {  	_ =	shalt  }
0x56: {  	_ =	shalt  }
0x57: {  	_ =	shalt  }
0x58: {  	_ =	shalt  }
0x59: {  	_ =	shalt  }
0x5a: {  	_ =	shalt  }
0x5b: {  	_ =	shalt  }
0x5c: {  	_ =	shalt  }
0x5d: {  	_ =	shalt  }
0x5e: {  	_ =	shalt  }
0x5f: {  	_ =	shalt  }
0x60: {  	_ =	shalt  }
0x61: {  	_ =	shalt  }
0x62: {  	_ =	shalt  }
0x63: {  	_ =	shalt  }
0x64: {  	_ =	shalt  }
0x65: {  	_ =	shalt  }
0x66: {  	_ =	shalt  }
0x67: {  	_ =	shalt  }
0x68: {  	_ =	shalt  }
0x69: {  	_ =	shalt  }
0x6a: {  	_ =	shalt  }
0x6b: {  	_ =	shalt  }
0x6c: {  	_ =	shalt  }
0x6d: {  	_ =	shalt  }
0x6e: {  	_ =	shalt  }
0x6f: {  	_ =	shalt  }
0x70: {  	_ =	shalt  }
0x71: {  	_ =	shalt  }
0x72: {  	_ =	shalt  }
0x73: {  	_ =	shalt  }
0x74: {  	_ =	shalt  }
0x75: {  	_ =	shalt  }
0x76: {  	_ =	shalt  }
0x77: {  	_ =	shalt  }
0x78: {  	_ =	shalt  }
0x79: {  	_ =	shalt  }
0x7a: {  	_ =	shalt  }
0x7b: {  	_ =	shalt  }
0x7c: {  	_ =	shalt  }
0x7d: {  	_ =	shalt  }
0x7e: {  	_ =	shalt  }
0x7f: {  	_ =	shalt  }
0x80: {  	_ =	shalt  }
0x81: {  	_ =	shalt  }
0x82: {  	_ =	shalt  }
0x83: {  	_ =	shalt  }
0x84: {  	_ =	shalt  }
0x85: {  	_ =	shalt  }
0x86: {  	_ =	shalt  }
0x87: {  	_ =	shalt  }
.Lfunc_end0:
.L_simem_size_0:
called_computation.2_lowered:
.L_overlay_start_0:
0x88: {  	s2 =	sld [smem:$0x3FD9]  }
0x89: {  	s3 =	sld [smem:$0x3FFE];
	_ =	sdelay $0x1  }
0x8a: {  	s1 =	srdreg.scid  }
0x8b: {  	s0 =	sand.u32 $0x1, s1  }
0x8c: {  	s17 =	sshll.u32 s0, $0xA;
	s2 =	sadd.s32 s3, s2  }
0x8d: {  	s2 =	sadd.s32 s2, s17  }
0x8e: {  	[smem:$0x3FAC] =	sst s2  }
0x8f: {  	_ = 	snop  }
0x90: {  	(tm) =	ssettm $0x1  }
0x91: {  	s18 =	sld [smem:$0x3FFB];
	_ =	sdelay $0x3  }
0x92: {  	_ =	strace s18  }
0x93: {  	s2 =	sld [smem:$0x3FFC];
	_ =	sdelay $0x3  }
0x94: {  	_ =	strace s2  }
0x95: {  	s2 =	sld [smem:$0x3FFD];
	_ =	sdelay $0x3  }
0x96: {  	_ =	strace s2  }
0x97: {  	_ =	strace $0x8FFFFFFF  }
0x98: {  	s19 =	sld [smem:$0x3FDB];
	_ =	sdelay $0x1  }
0x99: {  	s20 =	simm.s32 $_scs_section_size  }
0x9a: {  	s4 =	simm.s32 $_size__tile_overlayer_lowered;
	s5 =	simm.s32 $_tile_overlayer_lowered  }
0x9b: {  	s6 =	simm.s32 $0x1BFF;
	s21 =	sshll.u32 s5, $0x1;
	s3 =	sadd.s32 s20, s19  }
0x9c: {  	s22 =	simm.s32 $0x0;
	s4 =	sshll.u32 s4, $0x1;
	s5 =	sadd.s32 s21, s3  }
0x9d: {  	[timem:s22], [sflag:s6] =	dma.local [hbm:s5], s4  }
0x9e: {  	_ =	swait.ge [sflag:s6], s4  }
0x9f: {  	s4 =	ssub.s32 $0x0, s4;
	[sflag:s6] =	ssyncset.done $0x0  }
0xa0: {  	[sflag:s6] =	ssyncadd.s32 s4;
	_ =	sdelay $0x1  }
0xa1: {  	s23 =	simm.s32 $0x1B8B  }
0xa2: {  	_ =	swait.ge [sflag:s23], $0x1  }
0xa3: {  	[sflag:s23] =	ssyncset.done $0x0  }
0xa4: {  	[sflag:s23] =	ssyncadd.s32 $0xFFFFFFFF  }
0xa5: {  	s4 =	sld [smem:$0x0]  }
0xa6: {  	s5 =	sand.u32 $0xFFFFFFFE, s1  }
0xa7: {  	p0 =	sne.s32 s1, s5  }
0xa8: {  	s5 =	sshll.u32 @p0 s5, $0xE  }
0xa9: {  	s5 =	sadd.s32 @p0 $0x11B8D, s5;
	s6 =	sshll.u32 @p0 s4, $0x11  }
0xaa: {  	s5 =	sor.u32 @p0 s6, s5  }
0xab: {  	[sflag:s5] =	ssyncadd.remote.s32 @p0 $0x1;
	_ =	sdelay $0x1  }
0xac: {  	s5 =	simm.s32 @p0 $0x1B8D  }
0xad: {  	_ =	swait.eq @p0 [sflag:s5], $0x1  }
0xae: {  	[sflag:s5] =	ssyncadd.s32 @p0 $0xFFFFFFFF  }
0xaf: {  	s6 =	sshll.u32 @!p0 s1, $0xE  }
0xb0: {  	s6 =	sor.u32 @!p0 $0x4000, s6;
	s5 =	simm.s32 @!p0 $0x1B8D  }
0xb1: {  	s4 =	sshll.u32 @!p0 s4, $0x11;
	s6 =	sadd.s32 @!p0 $0x11B8D, s6;
	_ =	swait.eq @!p0 [sflag:s5], $0x1  }
0xb2: {  	s4 =	sor.u32 @!p0 s4, s6;
	[sflag:s5] =	ssyncadd.s32 @!p0 $0xFFFFFFFF  }
0xb3: {  	s25 =	simm.s32 $0x1B8E;
	s24 =	sld [smem:$0x3FFE];
	[sflag:s4] =	ssyncadd.remote.s32 @!p0 $0x1  }
0xb4: {  	s26 =	simm.s32 $execute0_lowered;
	[smem:$0x3FD2] =	sst s25  }
0xb5: {  	s5 =	sshll.u32 s26, $0x1;
	_ =	strace $0x8000004C;
	[dreg:$0x1] =	wrdreg $0xFFFFFFFF  }
0xb6: {  	s28 =	simm.s32 $_size_execute0_lowered;
	s3 =	sadd.s32 s3, s5;
	[dreg:$0x0] =	wrdreg $0x0  }
0xb7: {  	s5 =	sshll.u32 s28, $0x1;
	[dreg:$0x2] =	wrdreg s3  }
0xb8: {  	[dreg:$0x3] =	wrdreg s5  }
0xb9: {  	[dreg:$0x4] =	wrdreg $0xC0  }
0xba: {  	_ =	task [dreg:s22], $0x5FFFF  }
0xbb: {  	[dreg:$0x1] =	wrdreg $0xFFFFFFFF  }
0xbc: {  	[dreg:$0x0] =	wrdreg $0x60  }
0xbd: {  	[dreg:$0x2] =	wrdreg s24  }
0xbe: {  	[dreg:$0x3] =	wrdreg $0xA  }
0xbf: {  	_ =	task.clear_ibuf [dreg:s22], $0x4FFFF;
	_ =	strace $0x9000004C  }
0xc0: {  	s29 =	simm.s32 $0xA;
	_ =	strace $0x8000004E  }
0xc1: {  	_ =	swait.ge [sflag:s29], $0x1  }
0xc2: {  	[sflag:s29] =	ssyncadd.s32 $0xFFFFFFFF  }
0xc3: {  	_ =	strace $0x9000004E  }
0xc4: {  	_ =	sfence  }
0xc5: {  	s30 =	sld [smem:$0x0];
	_ =	sdelay $0x2  }
0xc6: {  	s31 =	sshll.u32 s1, $0xD;
	s1 =	sshrl.u32 s1, $0x2  }
0xc7: {  	s4 =	sand.u32 $0x4000, s31;
	s1 =	sadd.s32 s1, s30  }
0xc8: {  	s0 =	sor.u32 s4, s0;
	s1 =	sshll.u32 s1, $0x11  }
0xc9: {  	s0 =	sor.u32 s1, s0  }
0xca: {  	s0 =	sadd.s32 $0x8F2B, s0  }
0xcb: {  	[sflag:s0] =	ssyncadd.remote.s32 $0x1  }
0xcc: {  	_ =	sfence.sel $0xFFFF  }
0xcd: {  	[dreg:$0x0] =	wrdreg $0xFFFFFFFF;
	(pc) =	sbr.abs _section_cstart, $3  }
0xce: {  	[dreg:$0x1] =	wrdreg $0xFFFFFFFF  }
0xcf: {  	_ =	task.clear_ibuf [dreg:s22], $0x2FFFF;
	_ =	strace $0x9FFFFFFF  }
0xd0: {  	(tm) =	ssettm $0x7FFFFFFF  }
0xd1: {  	_ =	shalt  }
tec
execute0_lowered:
.L_overlay_start_1:
0x0: {  	(tag) =	ssettag $0x1  }
0x1: {  	s0 =	rddreg [dreg:$0x0];
	s1 =	srdreg.scid  }
0x2: {  	s16 =	stileid.u32;
	s2 =	simm.s32 $0x0;
	s18 =	simm.s32 $0x4  }
0x3: {  	s19 =	simm.s32 $0x80;
	s20 =	simm.s32 $0x200;
	s21 =	simm.s32 $0x4200  }
0x4: {  	s22 =	simm.s32 $0x100;
	s28 =	simm.s32 $0x180;
	s30 =	simm.s32 $0x0  }
0x5: {  	s1 =	sand.u32 $0x1, s1;
	s3 =	sshll.u32 s16, $0x1;
	s14 =	smul.u32 $0x2710, s16  }
0x6: {  	[smem:$0x7FF] =	sst s2;
	s4 =	sadd.s32 $0x5600, s0;
	s29 =	smul.u32 $0x27100, s16  }
0x7: {  	s5 =	sor.u32 s1, s3;
	_ =	strace $0x8000004D;
	s15 =	smul.u32 $0x1388, s1  }
0x8: {  	s3 =	sadd.s32 $0xA600, s0;
	s7 =	ssub.s32 $0x2, s1;
	s10 =	smul.u32 $0x1388, s5  }
0x9: {  	s0 =	sadd.s32 $0x321800, s0;
	s6 =	smul.u32 $0x9C400, s5;
	s8 =	sshrl.u32 s7, $0x1  }
0xa: {  	s1 =	smul.u32 $0x13880, s1;
	s13 =	ssub.s32 s7, s8;
	s17 =	sadd.s32 s15, s14  }
0xb: {  	s23 =	sshrl.u32 s10, $0x3;
	s9 =	sshrl.u32 s6, $0x3;
	s12 =	sadd.s32 $0x1380, s10  }
0xc: {  	s13 =	smax.u32 s13, $0x1;
	s14 =	sadd.s32 $0x280, s17;
	s31 =	sadd.s32 $0x200, s17  }
0xd: {  	s17 =	sadd.s32 $0x180, s17;
	s5 =	sadd.s32 s4, s23;
	s11 =	sadd.s32 s0, s9  }
0xe: {  	s26 =	sshrl.u32 s12, $0x3;
	s12 =	sshll.u32 s12, $0x4;
	s14 =	sshrl.u32 s14, $0x3  }
0xf: {  	s16 =	sshrl.u32 s31, $0x3;
	s23 =	simm.s32 $0x8200;
	s24 =	sadd.s32 $0x10, s5  }
0x10: {  	s25 =	sadd.s32 $0x20, s5;
	s8 =	sadd.s32 $0x12000, s11;
	s9 =	sadd.s32 $0x12800, s11  }
0x11: {  	s10 =	sadd.s32 $0x13000, s11;
	s11 =	sadd.s32 s4, s26;
	s12 =	sadd.s32 s0, s12  }
0x12: {  	s14 =	sadd.s32 s14, s4;
	s0 =	sadd.s32 s29, s0;
	[dreg:$0x2] =	wrdreg s24  }
0x13: {  	s16 =	sadd.s32 s16, s4;
	s26 =	simm.s32 $0x3;
	[dreg:$0x3] =	wrdreg s25  }
0x14: {  	s15 =	sadd.s32 s1, s0;
	s24 =	simm.s32 $0x1;
	s25 =	simm.s32 $0x2  }
.LBB2_1:
0x15: {  	[tilespmem:s2], [sflag:$0x4] =	stream.linear.gather [hbm4b:s5+s2], $0x80, $0x38;
	[tilespmem:$0xC200] =	vst v63  }
0x16: {  	_ =	swait.ge [sflag:s18], $0x80  }
0x17: {  	[sflag:s18] =	ssyncset.done $0x0  }
0x18: {  	[sflag:s18] =	ssyncadd.s32 $0xFFFFFF80  }
0x19: {  	[tilespmem:s20], [sflag:$0x1] =	stream.indirect.gather [hbm4b:s3+s19], $0x80, s2, s19, $0xb8;
	[tilespmem:$0xC200] =	vst v63  }
0x1a: {  	s0 =	rddreg [dreg:$0x2]  }
0x1b: {  	[tilespmem:s19], [sflag:$0x4] =	stream.linear.gather [hbm4b:s0+s2], $0x80, $0x38;
	[tilespmem:$0xC200] =	vst v63  }
0x1c: {  	_ =	swait.ge [sflag:s18], $0x80  }
0x1d: {  	[sflag:s18] =	ssyncset.done $0x0  }
0x1e: {  	[sflag:s18] =	ssyncadd.s32 $0xFFFFFF80  }
0x1f: {  	[tilespmem:s21], [sflag:$0x2] =	stream.indirect.gather [hbm4b:s3+s19], $0x80, s19, s19, $0xb8;
	[tilespmem:$0xC200] =	vst v63  }
0x20: {  	s1 =	rddreg [dreg:$0x3]  }
0x21: {  	[tilespmem:s22], [sflag:$0x4] =	stream.linear.gather [hbm4b:s1+s2], $0x80, $0x38;
	[tilespmem:$0xC200] =	vst v63  }
0x22: {  	_ =	swait.ge [sflag:s18], $0x80  }
0x23: {  	[sflag:s18] =	ssyncset.done $0x0  }
0x24: {  	[sflag:s18] =	ssyncadd.s32 $0xFFFFFF80  }
0x25: {  	[tilespmem:s23], [sflag:$0x3] =	stream.indirect.gather [hbm4b:s3+s19], $0x80, s22, s19, $0xb8;
	[tilespmem:$0xC200] =	vst v63  }
0x26: {  	_ =	swait.ge [sflag:s24], $0x4000  }
0x27: {  	[sflag:s24] =	ssyncset.done $0x0  }
0x28: {  	s6 =	sadd.s32 $0x0, s15;
	[sflag:s24] =	ssyncadd.s32 $0xFFFFC000  }
0x29: {  	[hbm4b:s6+s2] =	stream.linear.scatter [tilespmem:s20], [sflag:$0x4], $0x4000, $0x38;
	[tilespmem:$0xC200] =	vst v63  }
0x2a: {  	_ =	swait.ge [sflag:s18], $0x4000  }
0x2b: {  	s1 =	sshrl.u32 s17, $0x3;
	[sflag:s18] =	ssyncset.done $0x0  }
0x2c: {  	s1 =	sadd.s32 s4, s1;
	[sflag:s18] =	ssyncadd.s32 $0xFFFFC000  }
0x2d: {  	[tilespmem:s2], [sflag:$0x4] =	stream.linear.gather [hbm4b:s1+s2], $0x80, $0x38;
	[tilespmem:$0xC200] =	vst v63  }
0x2e: {  	_ =	swait.ge [sflag:s18], $0x80  }
0x2f: {  	[sflag:s18] =	ssyncset.done $0x0  }
0x30: {  	[sflag:s18] =	ssyncadd.s32 $0xFFFFFF80  }
0x31: {  	[tilespmem:s20], [sflag:$0x1] =	stream.indirect.gather [hbm4b:s3+s19], $0x80, s2, s19, $0xb8;
	[tilespmem:$0xC200] =	vst v63  }
0x32: {  	_ =	swait.ge [sflag:s25], $0x4000  }
0x33: {  	[sflag:s25] =	ssyncset.done $0x0  }
0x34: {  	s7 =	sadd.s32 $0x800, s6;
	[sflag:s25] =	ssyncadd.s32 $0xFFFFC000  }
0x35: {  	[hbm4b:s7+s2] =	stream.linear.scatter [tilespmem:s21], [sflag:$0x4], $0x4000, $0x38;
	[tilespmem:$0xC200] =	vst v63  }
0x36: {  	_ =	swait.ge [sflag:s18], $0x4000  }
0x37: {  	[sflag:s18] =	ssyncset.done $0x0  }
0x38: {  	[sflag:s18] =	ssyncadd.s32 $0xFFFFC000  }
0x39: {  	[tilespmem:s19], [sflag:$0x4] =	stream.linear.gather [hbm4b:s16+s2], $0x80, $0x38;
	[tilespmem:$0xC200] =	vst v63  }
0x3a: {  	_ =	swait.ge [sflag:s18], $0x80  }
0x3b: {  	[sflag:s18] =	ssyncset.done $0x0  }
0x3c: {  	[sflag:s18] =	ssyncadd.s32 $0xFFFFFF80  }
0x3d: {  	[tilespmem:s21], [sflag:$0x2] =	stream.indirect.gather [hbm4b:s3+s19], $0x80, s19, s19, $0xb8;
	[tilespmem:$0xC200] =	vst v63  }
0x3e: {  	_ =	swait.ge [sflag:s26], $0x4000  }
0x3f: {  	[sflag:s26] =	ssyncset.done $0x0  }
0x40: {  	s0 =	sadd.s32 $0x1000, s6;
	[sflag:s26] =	ssyncadd.s32 $0xFFFFC000  }
0x41: {  	[hbm4b:s0+s2] =	stream.linear.scatter [tilespmem:s23], [sflag:$0x4], $0x4000, $0x38;
	[tilespmem:$0xC200] =	vst v63  }
0x42: {  	_ =	swait.ge [sflag:s18], $0x4000  }
0x43: {  	[sflag:s18] =	ssyncset.done $0x0  }
0x44: {  	[sflag:s18] =	ssyncadd.s32 $0xFFFFC000  }
0x45: {  	[tilespmem:s22], [sflag:$0x4] =	stream.linear.gather [hbm4b:s14+s2], $0x80, $0x38;
	[tilespmem:$0xC200] =	vst v63  }
0x46: {  	_ =	swait.ge [sflag:s18], $0x80  }
0x47: {  	s31 =	simm.s32 $0x1800;
	s29 =	sadd.s32 $0x30, s16;
	[sflag:s18] =	ssyncset.done $0x0  }
0x48: {  	s1 =	sadd.s32 $0x30, s14;
	s0 =	sadd.s32 $0x180, s17;
	[sflag:s18] =	ssyncadd.s32 $0xFFFFFF80  }
.LBB2_2:
0x49: {  	[tilespmem:s23], [sflag:$0x3] =	stream.indirect.gather [hbm4b:s3+s19], $0x80, s22, s19, $0xb8;
	[tilespmem:$0xC200] =	vst v63  }
0x4a: {  	s6 =	smov.u32 s31  }
0x4b: {  	p0 =	sne.s32 s31, $0x10800;
	s31 =	sadd.s32 $0x1800, s31;
	_ =	swait.ge [sflag:s24], $0x4000  }
0x4c: {  	[sflag:s24] =	ssyncset.done $0x0  }
0x4d: {  	s6 =	sadd.s32 s6, s15;
	[sflag:s24] =	ssyncadd.s32 $0xFFFFC000  }
0x4e: {  	[hbm4b:s6+s2] =	stream.linear.scatter [tilespmem:s20], [sflag:$0x4], $0x4000, $0x38;
	[tilespmem:$0xC200] =	vst v63  }
0x4f: {  	_ =	swait.ge [sflag:s18], $0x4000  }
0x50: {  	s7 =	sshrl.u32 s0, $0x3;
	[sflag:s18] =	ssyncset.done $0x0  }
0x51: {  	s7 =	sadd.s32 s4, s7;
	[sflag:s18] =	ssyncadd.s32 $0xFFFFC000  }
0x52: {  	[tilespmem:s2], [sflag:$0x4] =	stream.linear.gather [hbm4b:s7+s2], $0x80, $0x38;
	[tilespmem:$0xC200] =	vst v63  }
0x53: {  	_ =	swait.ge [sflag:s18], $0x80  }
0x54: {  	[sflag:s18] =	ssyncset.done $0x0  }
0x55: {  	[sflag:s18] =	ssyncadd.s32 $0xFFFFFF80  }
0x56: {  	[tilespmem:s20], [sflag:$0x1] =	stream.indirect.gather [hbm4b:s3+s19], $0x80, s2, s19, $0xb8;
	[tilespmem:$0xC200] =	vst v63  }
0x57: {  	_ =	swait.ge [sflag:s25], $0x4000  }
0x58: {  	[sflag:s25] =	ssyncset.done $0x0  }
0x59: {  	s7 =	sadd.s32 $0x800, s6;
	[sflag:s25] =	ssyncadd.s32 $0xFFFFC000  }
0x5a: {  	[hbm4b:s7+s2] =	stream.linear.scatter [tilespmem:s21], [sflag:$0x4], $0x4000, $0x38;
	[tilespmem:$0xC200] =	vst v63  }
0x5b: {  	_ =	swait.ge [sflag:s18], $0x4000  }
0x5c: {  	[sflag:s18] =	ssyncset.done $0x0  }
0x5d: {  	[sflag:s18] =	ssyncadd.s32 $0xFFFFC000  }
0x5e: {  	[tilespmem:s19], [sflag:$0x4] =	stream.linear.gather [hbm4b:s29+s2], $0x80, $0x38;
	[tilespmem:$0xC200] =	vst v63  }
0x5f: {  	_ =	swait.ge [sflag:s18], $0x80  }
0x60: {  	[sflag:s18] =	ssyncset.done $0x0  }
0x61: {  	[sflag:s18] =	ssyncadd.s32 $0xFFFFFF80  }
0x62: {  	[tilespmem:s21], [sflag:$0x2] =	stream.indirect.gather [hbm4b:s3+s19], $0x80, s19, s19, $0xb8;
	[tilespmem:$0xC200] =	vst v63  }
0x63: {  	_ =	swait.ge [sflag:s26], $0x4000  }
0x64: {  	[sflag:s26] =	ssyncset.done $0x0  }
0x65: {  	s6 =	sadd.s32 $0x1000, s6;
	[sflag:s26] =	ssyncadd.s32 $0xFFFFC000  }
0x66: {  	[hbm4b:s6+s2] =	stream.linear.scatter [tilespmem:s23], [sflag:$0x4], $0x4000, $0x38;
	[tilespmem:$0xC200] =	vst v63  }
0x67: {  	_ =	swait.ge [sflag:s18], $0x4000  }
0x68: {  	[sflag:s18] =	ssyncset.done $0x0  }
.Ltmp0:
0x69: {  	[sflag:s18] =	ssyncadd.s32 $0xFFFFC000;
	(pc) =	sbr.rel @p0 .LBB2_2-.Ltmp0, $4  }
0x6a: {  	[tilespmem:s22], [sflag:$0x4] =	stream.linear.gather [hbm4b:s1+s2], $0x80, $0x38;
	[tilespmem:$0xC200] =	vst v63  }
0x6b: {  	_ =	swait.ge [sflag:s18], $0x80  }
0x6c: {  	s0 =	sadd.s32 $0x180, s0;
	[sflag:s18] =	ssyncset.done $0x0  }
0x6d: {  	s29 =	sadd.s32 $0x30, s29;
	s1 =	sadd.s32 $0x30, s1;
	[sflag:s18] =	ssyncadd.s32 $0xFFFFFF80  }
0x6e: {  	[tilespmem:s23], [sflag:$0x3] =	stream.indirect.gather [hbm4b:s3+s19], $0x80, s22, s19, $0xb8;
	[tilespmem:$0xC200] =	vst v63  }
0x6f: {  	_ =	swait.ge [sflag:s24], $0x4000  }
0x70: {  	[sflag:s24] =	ssyncset.done $0x0  }
0x71: {  	[sflag:s24] =	ssyncadd.s32 $0xFFFFC000  }
0x72: {  	[hbm4b:s8+s2] =	stream.linear.scatter [tilespmem:s20], [sflag:$0x4], $0x4000, $0x38;
	[tilespmem:$0xC200] =	vst v63  }
0x73: {  	_ =	swait.ge [sflag:s18], $0x4000  }
0x74: {  	[sflag:s18] =	ssyncset.done $0x0  }
0x75: {  	[sflag:s18] =	ssyncadd.s32 $0xFFFFC000  }
0x76: {  	_ =	swait.ge [sflag:s25], $0x4000  }
0x77: {  	[sflag:s25] =	ssyncset.done $0x0  }
0x78: {  	[sflag:s25] =	ssyncadd.s32 $0xFFFFC000  }
0x79: {  	[hbm4b:s9+s2] =	stream.linear.scatter [tilespmem:s21], [sflag:$0x4], $0x4000, $0x38;
	[tilespmem:$0xC200] =	vst v63  }
0x7a: {  	_ =	swait.ge [sflag:s18], $0x4000  }
0x7b: {  	[sflag:s18] =	ssyncset.done $0x0  }
0x7c: {  	[sflag:s18] =	ssyncadd.s32 $0xFFFFC000  }
0x7d: {  	_ =	swait.ge [sflag:s26], $0x4000  }
0x7e: {  	[sflag:s26] =	ssyncset.done $0x0  }
0x7f: {  	[sflag:s26] =	ssyncadd.s32 $0xFFFFC000  }
0x80: {  	[hbm4b:s10+s2] =	stream.linear.scatter [tilespmem:s23], [sflag:$0x4], $0x4000, $0x38;
	[tilespmem:$0xC200] =	vst v63  }
0x81: {  	_ =	swait.ge [sflag:s18], $0x4000  }
0x82: {  	[sflag:s18] =	ssyncset.done $0x0  }
0x83: {  	[sflag:s18] =	ssyncadd.s32 $0xFFFFC000  }
0x84: {  	[tilespmem:s28], [sflag:$0x4] =	stream.linear.gather [hbm4b:s11+s2], $0x8, $0x38;
	[tilespmem:$0xC200] =	vst v63  }
0x85: {  	_ =	swait.ge [sflag:s18], $0x8  }
0x86: {  	[sflag:s18] =	ssyncset.done $0x0  }
0x87: {  	s0 =	simm.s32 $0x8;
	[sflag:s18] =	ssyncadd.s32 $0xFFFFFFF8  }
0x88: {  	[tilespmem:s20], [sflag:$0x1] =	stream.indirect.gather [hbm4b:s3+s0], $0x80, s28, s0, $0xb8;
	[tilespmem:$0xC200] =	vst v63  }
0x89: {  	s30 =	sadd.s32 $0x1, s30;
	_ =	swait.ge [sflag:s24], $0x400  }
0x8a: {  	p0 =	sne.s32 s30, s13;
	[sflag:s24] =	ssyncset.done $0x0  }
.Ltmp1:
0x8b: {  	[sflag:s24] =	ssyncadd.s32 $0xFFFFFC00;
	(pc) =	sbr.rel @p0 .LBB2_1-.Ltmp1, $4  }
0x8c: {  	[hbm4b:s12+s2] =	stream.linear.scatter [tilespmem:s20], [sflag:$0x4], $0x400, $0x38;
	[tilespmem:$0xC200] =	vst v63  }
0x8d: {  	_ =	swait.ge [sflag:s18], $0x400  }
0x8e: {  	[sflag:s18] =	ssyncset.done $0x0  }
0x8f: {  	[sflag:s18] =	ssyncadd.s32 $0xFFFFFC00  }
0x90: {  	_ =	sfence.sel $0x180000  }
0x91: {  	[bflag:$0x0] =	sbarrier.arrive $0xFFFF  }
0x92: {  	_ =	strace $0x9000004D  }
0x93: {  	s0 =	stileid.u32;
	[bflag:$0x2] =	sbarrier.arrive $0xFFFF  }
0x94: {  	p0 =	sne.s32 s0, $0x0;
	s0 =	rddreg [dreg:$0x1]  }
0x95: {  	s0 =	sadd.s32 @!p0 $0x100000, s0  }
0x96: {  	[sflag:s0] =	ssyncadd.tile.s32 @!p0 $0x1;
	_ =	shalt  }
.Lfunc_end2:
_tile_overlayer_lowered:
.L_overlay_start_2:
0x97: {  	(tag) =	ssettag $0x2  }
0x98: {  	s0 =	rddreg [dreg:$0x0];
	s2 =	stileid.u32  }
0x99: {  	s1 =	rddreg [dreg:$0x1];
	p0 =	sne.s32 s2, $0x0  }
0x9a: {  	s3 =	rddreg [dreg:$0x2];
	[bflag:$0x3] =	sbarrier.arrive $0xFFFF;
	s2 =	simm.s32 @!p0 $0x1C04  }
0x9b: {  	[timem:s3], [sflag:s2] =	dma.local @!p0 [hbm:s0], s1  }
0x9c: {  	s0 =	simm.s32 @!p0 $0x4  }
0x9d: {  	_ =	swait.ge @!p0 [sflag:s0], s1  }
0x9e: {  	s1 =	ssub.s32 @!p0 $0x0, s1;
	[sflag:s0] =	ssyncset.done @!p0 $0x0  }
0x9f: {  	[sflag:s0] =	ssyncadd.s32 @!p0 s1  }
0xa0: {  	[bflag:$0x3] =	sbarrier.arrive $0xFFFF  }
0xa1: {  	_ =	shalt  }

// kernel: kernel.20.cloned.1.call-start
scs
__scs_entry_jumppad:
0x0: {  	(pc) =	sbr.rel $0x88, $3  }
0x1: {  	(tag) =	ssettag $0x0;
	lr =	simm.s32 $0x1  }
0x2: {  	[smem:$0x3F85] =	sst lr;
	_ =	strace $0xD0000000  }
0x3: {  	_ = 	snop  }
0x4: {  	_ = 	snop  }
0x5: {  	_ = 	snop  }
0x6: {  	_ = 	snop  }
0x7: {  	_ = 	snop  }
__scs_overlays_trampoline_lowered:
0x8: {  	[smem:$0x3F94] =	sst s0  }
0x9: {  	[smem:$0x3F95] =	sst s1  }
0xa: {  	[smem:$0x3F96] =	sst s2  }
0xb: {  	[smem:$0x3F97] =	sst s3  }
0xc: {  	[smem:$0x3F98] =	sst s4  }
0xd: {  	[smem:$0x3F99] =	sst s5  }
0xe: {  	[smem:$0x3F9A] =	sst s6  }
0xf: {  	[smem:$0x3F9B] =	sst s7  }
0x10: {  	[smem:$0x3F9C] =	sst s8  }
0x11: {  	[smem:$0x3F9D] =	sst s9;
	s0 =	simm.s32 @!p0 $0x0  }
0x12: {  	s1 =	sld [smem:$0x3F83];
	s0 =	simm.s32 @p0 $0x1  }
0x13: {  	[smem:$0x3F9E] =	sst s0;
	s0 =	simm.s32 @!p1 $0x0  }
0x14: {  	s2 =	sld [smem:$0x3F82];
	s0 =	simm.s32 @p1 $0x1  }
0x15: {  	[smem:$0x3F9F] =	sst s0;
	s0 =	simm.s32 @!p2 $0x0  }
0x16: {  	s3 =	sld [smem:$0x3FDB];
	s0 =	simm.s32 @p2 $0x1  }
0x17: {  	s4 =	simm.s32 $0x1BF5;
	[smem:$0x3FA1] =	sst s0  }
0x18: {  	s0 =	sld [smem:$0x3F84];
	_ =	swait.ge [sflag:s4], $0x0  }
0x19: {  	s7 =	sld [smem:$0x3F85]  }
0x1a: {  	s8 =	sadd.s32 $0xFFFFE003, lr  }
0x1b: {  	s9 =	sadd.s32 $0xFFFFFEF7, lr;
	s5 =	simm.s32 $0xFFFFFFFF;
	p2 =	slt.u32 s8, $0xFFFFF086  }
0x1c: {  	p1 =	slt.u32 s9, $0xF7A;
	s5 =	simm.s32 @!p2 $0x0  }
0x1d: {  	s5 =	simm.s32 @p1 $0x1;
	p0 =	seq.s32 s7, s2  }
0x1e: {  	s7 =	smul.u32 @!p0 $0xF7A, s2;
	p2 =	seq.s32 @!p0 s5, $0x0  }
0x1f: {  	s9 =	smul.u32 $0xF7A, s1;
	s8 =	simm.s32 @!p0 $0x1BF5;
	p2 =	por !p2, p0  }
0x20: {  	[sflag:s8] =	ssyncset.s32 @!p0 $0xFFFFF086;
	s6 =	sadd.s32 @!p0 s3, s7;
	s7 =	simm.s32 @!p0 $0x108  }
0x21: {  	s3 =	sadd.s32 s3, s9;
	s6 =	sadd.s32 @!p0 $0x88, s6;
	s7 =	simm.s32 @p2 $0x1082  }
0x22: {  	[simem:s7], [sflag:s8] =	dma.local @!p0 [hbm:s6], $0xF7A  }
0x23: {  	s9 =	sor.u32 $0xD0000000, s2;
	s6 =	simm.s32 $0x108;
	_ =	swait.ge @!p0 [sflag:s8], $0x0  }
0x24: {  	s3 =	sadd.s32 $0x88, s3;
	s6 =	simm.s32 @!p1 $0x1082;
	[sflag:s4] =	ssyncset.s32 $0xFFFFF086  }
0x25: {  	[simem:s6], [sflag:s4] =	dma.local [hbm:s3], $0xF7A  }
0x26: {  	[smem:$0x3F85] =	sst s1;
	(tag) =	ssettag s2;
	_ =	strace s9  }
0x27: {  	s1 =	sld [smem:$0x3F95]  }
0x28: {  	s2 =	sld [smem:$0x3F96]  }
0x29: {  	s4 =	sld [smem:$0x3F98]  }
0x2a: {  	p0 =	seq.s32 s5, $0x0;
	s5 =	sld [smem:$0x3F99]  }
0x2b: {  	s6 =	sld [smem:$0x3F9A]  }
0x2c: {  	s7 =	sld [smem:$0x3F9B]  }
0x2d: {  	s3 =	simm.s32 $0x108;
	s8 =	sld [smem:$0x3F9C]  }
0x2e: {  	s3 =	simm.s32 @!p0 $0x1082;
	s9 =	sld [smem:$0x3F9D]  }
0x2f: {  	lr =	sadd.s32 s0, s3;
	s0 =	sld [smem:$0x3F94]  }
0x30: {  	s3 =	sld [smem:$0x3F97]  }
0x31: {  	[smem:$0x3FA0] =	sst s10  }
0x32: {  	s10 =	sld [smem:$0x3F9E];
	_ =	sdelay $0x3  }
0x33: {  	p0 =	seq.s32 s10, $0x1;
	s10 =	sld [smem:$0x3FA0];
	_ =	sdelay $0x3  }
0x34: {  	[smem:$0x3FA0] =	sst s10  }
0x35: {  	s10 =	sld [smem:$0x3F9F];
	_ =	sdelay $0x3  }
0x36: {  	p1 =	seq.s32 s10, $0x1;
	s10 =	sld [smem:$0x3FA0];
	_ =	sdelay $0x3  }
0x37: {  	[smem:$0x3FA0] =	sst s10  }
0x38: {  	s10 =	sld [smem:$0x3FA1]  }
0x39: {  	_ = 	snop;
	(pc) =	sbr.ind lr, $3  }
0x3a: {  	_ = 	snop  }
0x3b: {  	_ = 	snop  }
0x3c: {  	p2 =	seq.s32 s10, $0x1;
	s10 =	sld [smem:$0x3FA0]  }
0x3d: {  	_ =	shalt  }
0x3e: {  	_ =	shalt  }
0x3f: {  	_ =	shalt  }
0x40: {  	_ =	shalt  }
0x41: {  	_ =	shalt  }
0x42: {  	_ =	shalt  }
0x43: {  	_ =	shalt  }
0x44: {  	_ =	shalt  }
0x45: {  	_ =	shalt  }
0x46: {  	_ =	shalt  }
0x47: {  	_ =	shalt  }
0x48: {  	_ =	shalt  }
0x49: {  	_ =	shalt  }
0x4a: {  	_ =	shalt  }
0x4b: {  	_ =	shalt  }
0x4c: {  	_ =	shalt  }
0x4d: {  	_ =	shalt  }
0x4e: {  	_ =	shalt  }
0x4f: {  	_ =	shalt  }
0x50: {  	_ =	shalt  }
0x51: {  	_ =	shalt  }
0x52: {  	_ =	shalt  }
0x53: {  	_ =	shalt  }
0x54: {  	_ =	shalt  }
0x55: {  	_ =	shalt  }
0x56: {  	_ =	shalt  }
0x57: {  	_ =	shalt  }
0x58: {  	_ =	shalt  }
0x59: {  	_ =	shalt  }
0x5a: {  	_ =	shalt  }
0x5b: {  	_ =	shalt  }
0x5c: {  	_ =	shalt  }
0x5d: {  	_ =	shalt  }
0x5e: {  	_ =	shalt  }
0x5f: {  	_ =	shalt  }
0x60: {  	_ =	shalt  }
0x61: {  	_ =	shalt  }
0x62: {  	_ =	shalt  }
0x63: {  	_ =	shalt  }
0x64: {  	_ =	shalt  }
0x65: {  	_ =	shalt  }
0x66: {  	_ =	shalt  }
0x67: {  	_ =	shalt  }
0x68: {  	_ =	shalt  }
0x69: {  	_ =	shalt  }
0x6a: {  	_ =	shalt  }
0x6b: {  	_ =	shalt  }
0x6c: {  	_ =	shalt  }
0x6d: {  	_ =	shalt  }
0x6e: {  	_ =	shalt  }
0x6f: {  	_ =	shalt  }
0x70: {  	_ =	shalt  }
0x71: {  	_ =	shalt  }
0x72: {  	_ =	shalt  }
0x73: {  	_ =	shalt  }
0x74: {  	_ =	shalt  }
0x75: {  	_ =	shalt  }
0x76: {  	_ =	shalt  }
0x77: {  	_ =	shalt  }
0x78: {  	_ =	shalt  }
0x79: {  	_ =	shalt  }
0x7a: {  	_ =	shalt  }
0x7b: {  	_ =	shalt  }
0x7c: {  	_ =	shalt  }
0x7d: {  	_ =	shalt  }
0x7e: {  	_ =	shalt  }
0x7f: {  	_ =	shalt  }
0x80: {  	_ =	shalt  }
0x81: {  	_ =	shalt  }
0x82: {  	_ =	shalt  }
0x83: {  	_ =	shalt  }
0x84: {  	_ =	shalt  }
0x85: {  	_ =	shalt  }
0x86: {  	_ =	shalt  }
0x87: {  	_ =	shalt  }
.Lfunc_end0:
.L_simem_size_0:
called_computation.3_lowered:
.L_overlay_start_0:
0x88: {  	s2 =	sld [smem:$0x3FD9]  }
0x89: {  	s3 =	sld [smem:$0x3FFE];
	_ =	sdelay $0x1  }
0x8a: {  	s1 =	srdreg.scid  }
0x8b: {  	s0 =	sand.u32 $0x1, s1  }
0x8c: {  	s17 =	sshll.u32 s0, $0xA;
	s2 =	sadd.s32 s3, s2  }
0x8d: {  	s2 =	sadd.s32 s2, s17  }
0x8e: {  	[smem:$0x3FAC] =	sst s2  }
0x8f: {  	_ = 	snop  }
0x90: {  	s18 =	sld [smem:$0x3FC8]  }
0x91: {  	s4 =	sld [smem:$0x3FD0];
	(tm) =	ssettm $0x1  }
0x92: {  	s19 =	sld [smem:$0x3FFB];
	_ =	sdelay $0x3  }
0x93: {  	_ =	strace s19  }
0x94: {  	s2 =	sld [smem:$0x3FFC];
	_ =	sdelay $0x3  }
0x95: {  	_ =	strace s2  }
0x96: {  	s2 =	sld [smem:$0x3FFD];
	_ =	sdelay $0x3  }
0x97: {  	_ =	strace s2  }
0x98: {  	_ =	strace $0x8FFFFFFF  }
0x99: {  	s20 =	sld [smem:$0x3FDB];
	_ =	sdelay $0x1  }
0x9a: {  	s5 =	simm.s32 $_scs_section_size  }
0x9b: {  	s6 =	simm.s32 $_size__tile_overlayer_lowered;
	s7 =	simm.s32 $_tile_overlayer_lowered  }
0x9c: {  	s8 =	simm.s32 $0x1BFF;
	s21 =	sshll.u32 s7, $0x1;
	s5 =	sadd.s32 s5, s20  }
0x9d: {  	s22 =	simm.s32 $0x0;
	s6 =	sshll.u32 s6, $0x1;
	s7 =	sadd.s32 s21, s5  }
0x9e: {  	[timem:s22], [sflag:s8] =	dma.local [hbm:s7], s6  }
0x9f: {  	_ =	swait.ge [sflag:s8], s6  }
0xa0: {  	s6 =	ssub.s32 $0x0, s6;
	[sflag:s8] =	ssyncset.done $0x0  }
0xa1: {  	[sflag:s8] =	ssyncadd.s32 s6;
	_ =	sdelay $0x1  }
0xa2: {  	s23 =	simm.s32 $0x1B8B  }
0xa3: {  	_ =	swait.ge [sflag:s23], $0x1  }
0xa4: {  	[sflag:s23] =	ssyncset.done $0x0  }
0xa5: {  	[sflag:s23] =	ssyncadd.s32 $0xFFFFFFFF  }
0xa6: {  	s6 =	sld [smem:$0x0]  }
0xa7: {  	s7 =	sand.u32 $0xFFFFFFFE, s1  }
0xa8: {  	p0 =	sne.s32 s1, s7  }
0xa9: {  	s7 =	sshll.u32 @p0 s7, $0xE  }
0xaa: {  	s7 =	sadd.s32 @p0 $0x11B8D, s7;
	s8 =	sshll.u32 @p0 s6, $0x11  }
0xab: {  	s7 =	sor.u32 @p0 s8, s7  }
0xac: {  	[sflag:s7] =	ssyncadd.remote.s32 @p0 $0x1;
	_ =	sdelay $0x1  }
0xad: {  	s7 =	simm.s32 @p0 $0x1B8D  }
0xae: {  	_ =	swait.eq @p0 [sflag:s7], $0x1  }
0xaf: {  	[sflag:s7] =	ssyncadd.s32 @p0 $0xFFFFFFFF  }
0xb0: {  	s8 =	sshll.u32 @!p0 s1, $0xE  }
0xb1: {  	s8 =	sor.u32 @!p0 $0x4000, s8;
	s7 =	simm.s32 @!p0 $0x1B8D  }
0xb2: {  	s6 =	sshll.u32 @!p0 s6, $0x11;
	s8 =	sadd.s32 @!p0 $0x11B8D, s8;
	_ =	swait.eq @!p0 [sflag:s7], $0x1  }
0xb3: {  	s6 =	sor.u32 @!p0 s6, s8;
	[sflag:s7] =	ssyncadd.s32 @!p0 $0xFFFFFFFF  }
0xb4: {  	s25 =	simm.s32 $0x1B8E;
	s24 =	sld [smem:$0x3FFE];
	[sflag:s6] =	ssyncadd.remote.s32 @!p0 $0x1  }
0xb5: {  	s26 =	simm.s32 $execute0_lowered;
	[smem:$0x3FD2] =	sst s25  }
0xb6: {  	s7 =	sshll.u32 s26, $0x1;
	_ =	strace $0x8000004F;
	[dreg:$0x1] =	wrdreg $0xFFFFFFFF  }
0xb7: {  	s28 =	simm.s32 $_size_execute0_lowered;
	s5 =	sadd.s32 s5, s7;
	[dreg:$0x0] =	wrdreg $0x0  }
0xb8: {  	s7 =	sshll.u32 s28, $0x1;
	[dreg:$0x2] =	wrdreg s5  }
0xb9: {  	[dreg:$0x3] =	wrdreg s7  }
0xba: {  	[dreg:$0x4] =	wrdreg $0xC0  }
0xbb: {  	_ =	task [dreg:s22], $0x5FFFF  }
0xbc: {  	[dreg:$0x1] =	wrdreg $0xFFFFFFFF  }
0xbd: {  	[dreg:$0x0] =	wrdreg $0x60  }
0xbe: {  	[dreg:$0x2] =	wrdreg s4  }
0xbf: {  	[dreg:$0x3] =	wrdreg s18  }
0xc0: {  	[dreg:$0x4] =	wrdreg s24  }
0xc1: {  	[dreg:$0x5] =	wrdreg $0x82000  }
0xc2: {  	[dreg:$0x6] =	wrdreg $0x9  }
0xc3: {  	_ =	task.clear_ibuf [dreg:s22], $0x7FFFF;
	_ =	strace $0x9000004F  }
0xc4: {  	s29 =	simm.s32 $0x9;
	_ =	strace $0x80000051  }
0xc5: {  	_ =	swait.ge [sflag:s29], $0x1  }
0xc6: {  	[sflag:s29] =	ssyncadd.s32 $0xFFFFFFFF  }
0xc7: {  	_ =	strace $0x90000051  }
0xc8: {  	_ =	sfence  }
0xc9: {  	s30 =	sld [smem:$0x0];
	_ =	sdelay $0x2  }
0xca: {  	s31 =	sshll.u32 s1, $0xD;
	s1 =	sshrl.u32 s1, $0x2  }
0xcb: {  	s4 =	sand.u32 $0x4000, s31;
	s1 =	sadd.s32 s1, s30  }
0xcc: {  	s0 =	sor.u32 s4, s0;
	s1 =	sshll.u32 s1, $0x11  }
0xcd: {  	s0 =	sor.u32 s1, s0  }
0xce: {  	s0 =	sadd.s32 $0x8F2B, s0  }
0xcf: {  	[sflag:s0] =	ssyncadd.remote.s32 $0x1  }
0xd0: {  	_ =	sfence.sel $0xFFFF  }
0xd1: {  	[dreg:$0x0] =	wrdreg $0xFFFFFFFF;
	(pc) =	sbr.abs _section_cstart, $3  }
0xd2: {  	[dreg:$0x1] =	wrdreg $0xFFFFFFFF  }
0xd3: {  	_ =	task.clear_ibuf [dreg:s22], $0x2FFFF;
	_ =	strace $0x9FFFFFFF  }
0xd4: {  	(tm) =	ssettm $0x7FFFFFFF  }
0xd5: {  	_ =	shalt  }
tec
execute0_lowered:
.L_overlay_start_1:
0x0: {  	(tag) =	ssettag $0x1  }
0x1: {  	s0 =	rddreg [dreg:$0x0]  }
0x2: {  	s1 =	rddreg [dreg:$0x1]  }
0x3: {  	s6 =	rddreg [dreg:$0x2]  }
0x4: {  	s2 =	srdreg.scid;
	s4 =	rddreg [dreg:$0x3]  }
0x5: {  	s3 =	stileid.u32;
	s5 =	simm.s32 $0x0;
	s19 =	simm.s32 $0x3  }
0x6: {  	s20 =	simm.s32 $0x80;
	s21 =	simm.s32 $0x100;
	s22 =	simm.s32 $0x4200  }
0x7: {  	s23 =	simm.s32 $0x1;
	s24 =	simm.s32 $0x2;
	s25 =	simm.s32 $0x180  }
0x8: {  	s9 =	sand.u32 $0x1, s2;
	s2 =	rddreg [dreg:$0x4];
	s8 =	smul.u32 $0x13800, s3  }
0x9: {  	s26 =	simm.s32 $0x0;
	[smem:$0x7FF] =	sst s5;
	s10 =	smul.u32 $0x4E000, s3  }
0xa: {  	s28 =	sshll.u32 s3, $0x1;
	s13 =	smul.u32 $0x4E00, s3;
	p0 =	sgt.u32 s3, $0x1  }
0xb: {  	s7 =	smul.u32 $0x138800, s9;
	_ =	strace $0x80000050;
	s29 =	ssub.s32 $0x2, s9  }
0xc: {  	s11 =	sor.u32 s9, s28;
	s16 =	smul.u32 $0x2700, s9;
	s30 =	sshrl.u32 s29, $0x1  }
0xd: {  	s31 =	sshrl.u32 s10, $0x2;
	s12 =	smul.u32 $0x9C0, s11;
	s17 =	sshll.u32 s11, $0x5  }
0xe: {  	s7 =	sadd.s32 s8, s7;
	s15 =	ssub.s32 s29, s30;
	s17 =	sadd.s32 s17, s1  }
0xf: {  	s18 =	sadd.s32 s16, s13;
	s7 =	sshrl.u32 s7, $0x3;
	s11 =	sadd.s32 s1, s12  }
0x10: {  	s13 =	sadd.s32 $0x13800, s17;
	s16 =	sadd.s32 $0x180, s18;
	s15 =	smax.u32 s15, $0x1  }
0x11: {  	s17 =	sadd.s32 $0x100, s18;
	s18 =	simm.s32 $0x200;
	s14 =	sadd.s32 s7, s6  }
0x12: {  	s6 =	sadd.s32 s31, s4;
	s12 =	sadd.s32 $0x20, s11;
	s16 =	sshrl.u32 s16, $0x2  }
0x13: {  	s7 =	sadd.s32 $0x4000, s6;
	s8 =	sadd.s32 $0x8000, s6;
	s9 =	sadd.s32 $0xC000, s6  }
0x14: {  	v0 =	vimm.f32 $0.0e+00;
	s10 =	sadd.s32 $0x10000, s6;
	s14 =	sadd.s32 $0x58A00, s14;
	s16 =	sadd.s32 s16, s1  }
.LBB2_1:
0x15: {  	s28 =	simm.s32 $0x0;
	s29 =	simm.s32 $0x200  }
.LBB2_2:
0x16: {  	p1 =	sne.s32 s29, $0xFE00;
	[tilespmem:s28+$0x270] =	vst v0  }
0x17: {  	[tilespmem:s28+$0x200] =	vst v0  }
0x18: {  	[tilespmem:s28+$0x210] =	vst v0  }
.Ltmp0:
0x19: {  	[tilespmem:s28+$0x220] =	vst v0;
	(pc) =	sbr.rel @p1 .LBB2_2-.Ltmp0, $4  }
0x1a: {  	[tilespmem:s28+$0x230] =	vst v0  }
0x1b: {  	[tilespmem:s28+$0x240] =	vst v0  }
0x1c: {  	[tilespmem:s28+$0x250] =	vst v0  }
0x1d: {  	[tilespmem:s28+$0x260] =	vst v0;
	s28 =	sshra.s32 s29, $0x2;
	s29 =	sadd.s32 $0x200, s29  }
0x1e: {  	[tilespmem:s28+$0x270] =	vst v0  }
0x1f: {  	[tilespmem:s28+$0x200] =	vst v0  }
0x20: {  	[tilespmem:s28+$0x210] =	vst v0  }
0x21: {  	[tilespmem:s28+$0x220] =	vst v0  }
0x22: {  	[tilespmem:s28+$0x230] =	vst v0  }
0x23: {  	[tilespmem:s28+$0x240] =	vst v0  }
0x24: {  	[tilespmem:s28+$0x250] =	vst v0  }
0x25: {  	[tilespmem:s28+$0x260] =	vst v0  }
0x26: {  	[spmem:s6] =	stream.linear.scatter [tilespmem:s18], [sflag:$0x3], $0x4000, $0x38;
	[tilespmem:$0x1BA80] =	vst v63  }
0x27: {  	_ =	swait.ge [sflag:s19], $0x4000  }
0x28: {  	[sflag:s19] =	ssyncset.done $0x0  }
0x29: {  	[sflag:s19] =	ssyncadd.s32 $0xFFFFC000  }
0x2a: {  	[spmem:s7] =	stream.linear.scatter [tilespmem:s18], [sflag:$0x3], $0x4000, $0x38;
	[tilespmem:$0x1BA80] =	vst v63  }
0x2b: {  	_ =	swait.ge [sflag:s19], $0x4000  }
0x2c: {  	[sflag:s19] =	ssyncset.done $0x0  }
0x2d: {  	[sflag:s19] =	ssyncadd.s32 $0xFFFFC000  }
0x2e: {  	[spmem:s8] =	stream.linear.scatter [tilespmem:s18], [sflag:$0x3], $0x4000, $0x38;
	[tilespmem:$0x1BA80] =	vst v63  }
0x2f: {  	_ =	swait.ge [sflag:s19], $0x4000  }
0x30: {  	[sflag:s19] =	ssyncset.done $0x0  }
0x31: {  	[sflag:s19] =	ssyncadd.s32 $0xFFFFC000  }
0x32: {  	[spmem:s9] =	stream.linear.scatter [tilespmem:s18], [sflag:$0x3], $0x4000, $0x38;
	[tilespmem:$0x1BA80] =	vst v63  }
0x33: {  	_ =	swait.ge [sflag:s19], $0x4000  }
0x34: {  	[sflag:s19] =	ssyncset.done $0x0  }
0x35: {  	[sflag:s19] =	ssyncadd.s32 $0xFFFFC000  }
0x36: {  	[spmem:s10] =	stream.linear.scatter [tilespmem:s18], [sflag:$0x3], $0x4000, $0x38;
	[tilespmem:$0x1BA80] =	vst v63  }
0x37: {  	_ =	swait.ge [sflag:s19], $0x4000  }
0x38: {  	[sflag:s19] =	ssyncset.done $0x0  }
0x39: {  	[sflag:s19] =	ssyncadd.s32 $0xFFFFC000  }
0x3a: {  	s28 =	simm.s32 $0x0;
	[bflag:$0x0] =	sbarrier.arrive $0xFFFF  }
0x3b: {  	[tilespmem:s28], [sflag:$0x3] =	stream.linear.gather [hbm4b:s11+s28], $0x100, $0x38;
	[tilespmem:$0x1BA80] =	vst v63  }
0x3c: {  	_ =	swait.ge [sflag:s19], $0x100  }
0x3d: {  	[sflag:s19] =	ssyncset.done $0x0  }
0x3e: {  	[sflag:s19] =	ssyncadd.s32 $0xFFFFFF00  }
0x3f: {  	[tilespmem:s18], [sflag:$0x1] =	stream.indirect.gather [hbm4b:s0+s20], $0x80, s28, s20, $0xb8;
	[tilespmem:$0x1BA80] =	vst v63  }
0x40: {  	_ = 	snop  }
0x41: {  	[tilespmem:s21], [sflag:$0x3] =	stream.linear.gather [hbm4b:s12+s28], $0x100, $0x38;
	[tilespmem:$0x1BA80] =	vst v63  }
0x42: {  	_ =	swait.ge [sflag:s19], $0x100  }
0x43: {  	[sflag:s19] =	ssyncset.done $0x0  }
0x44: {  	[sflag:s19] =	ssyncadd.s32 $0xFFFFFF00  }
0x45: {  	[tilespmem:s22], [sflag:$0x2] =	stream.indirect.gather [hbm4b:s0+s20], $0x80, s21, s20, $0xb8;
	[tilespmem:$0x1BA80] =	vst v63  }
0x46: {  	_ =	swait.ge [sflag:s23], $0x4000  }
0x47: {  	[sflag:s23] =	ssyncset.done $0x0  }
0x48: {  	[sflag:s23] =	ssyncadd.s32 $0xFFFFC000  }
0x49: {  	[spmem:s4] =	stream.indirect.scatter.add.f32 [tilespmem:s18], [sflag:$0x3], $0x80, s20, s20, $0xb8;
	[tilespmem:$0x1BA80] =	vst v63  }
0x4a: {  	_ =	swait.ge [sflag:s19], $0x4000  }
0x4b: {  	s28 =	sshrl.u32 s17, $0x2;
	[sflag:s19] =	ssyncset.done $0x0  }
0x4c: {  	s28 =	sadd.s32 s1, s28;
	[sflag:s19] =	ssyncadd.s32 $0xFFFFC000  }
0x4d: {  	[tilespmem:s5], [sflag:$0x3] =	stream.linear.gather [hbm4b:s28+s5], $0x100, $0x38;
	[tilespmem:$0x1BA80] =	vst v63  }
0x4e: {  	_ =	swait.ge [sflag:s19], $0x100  }
0x4f: {  	[sflag:s19] =	ssyncset.done $0x0  }
0x50: {  	[sflag:s19] =	ssyncadd.s32 $0xFFFFFF00  }
0x51: {  	[tilespmem:s18], [sflag:$0x1] =	stream.indirect.gather [hbm4b:s0+s20], $0x80, s5, s20, $0xb8;
	[tilespmem:$0x1BA80] =	vst v63  }
0x52: {  	_ =	swait.ge [sflag:s24], $0x4000  }
0x53: {  	[sflag:s24] =	ssyncset.done $0x0  }
0x54: {  	[sflag:s24] =	ssyncadd.s32 $0xFFFFC000  }
0x55: {  	[spmem:s4] =	stream.indirect.scatter.add.f32 [tilespmem:s22], [sflag:$0x3], $0x80, s25, s20, $0xb8;
	[tilespmem:$0x1BA80] =	vst v63  }
0x56: {  	_ =	swait.ge [sflag:s19], $0x4000  }
0x57: {  	[sflag:s19] =	ssyncset.done $0x0  }
0x58: {  	s28 =	sadd.s32 $0x0, s16;
	[sflag:s19] =	ssyncadd.s32 $0xFFFFC000  }
0x59: {  	[tilespmem:s21], [sflag:$0x3] =	stream.linear.gather [hbm4b:s28+s5], $0x100, $0x38;
	[tilespmem:$0x1BA80] =	vst v63  }
0x5a: {  	_ =	swait.ge [sflag:s19], $0x100  }
0x5b: {  	[sflag:s19] =	ssyncset.done $0x0  }
0x5c: {  	s29 =	sadd.s32 $0x100, s17;
	s28 =	simm.s32 $0x40;
	[sflag:s19] =	ssyncadd.s32 $0xFFFFFF00  }
.LBB2_4:
0x5d: {  	[tilespmem:s22], [sflag:$0x2] =	stream.indirect.gather [hbm4b:s0+s20], $0x80, s21, s20, $0xb8;
	[tilespmem:$0x1BA80] =	vst v63  }
0x5e: {  	s30 =	smov.u32 s28  }
0x5f: {  	p1 =	sne.s32 s28, $0x940;
	s28 =	sadd.s32 $0x40, s28;
	_ =	swait.ge [sflag:s23], $0x4000  }
0x60: {  	[sflag:s23] =	ssyncset.done $0x0  }
0x61: {  	[sflag:s23] =	ssyncadd.s32 $0xFFFFC000  }
0x62: {  	[spmem:s4] =	stream.indirect.scatter.add.f32 [tilespmem:s18], [sflag:$0x3], $0x80, s20, s20, $0xb8;
	[tilespmem:$0x1BA80] =	vst v63  }
0x63: {  	_ =	swait.ge [sflag:s19], $0x4000  }
0x64: {  	s31 =	sshrl.u32 s29, $0x2;
	[sflag:s19] =	ssyncset.done $0x0  }
0x65: {  	s31 =	sadd.s32 s1, s31;
	[sflag:s19] =	ssyncadd.s32 $0xFFFFC000  }
0x66: {  	[tilespmem:s5], [sflag:$0x3] =	stream.linear.gather [hbm4b:s31+s5], $0x100, $0x38;
	[tilespmem:$0x1BA80] =	vst v63  }
0x67: {  	_ =	swait.ge [sflag:s19], $0x100  }
0x68: {  	[sflag:s19] =	ssyncset.done $0x0  }
0x69: {  	[sflag:s19] =	ssyncadd.s32 $0xFFFFFF00  }
0x6a: {  	[tilespmem:s18], [sflag:$0x1] =	stream.indirect.gather [hbm4b:s0+s20], $0x80, s5, s20, $0xb8;
	[tilespmem:$0x1BA80] =	vst v63  }
0x6b: {  	_ =	swait.ge [sflag:s24], $0x4000  }
0x6c: {  	[sflag:s24] =	ssyncset.done $0x0  }
0x6d: {  	[sflag:s24] =	ssyncadd.s32 $0xFFFFC000  }
0x6e: {  	[spmem:s4] =	stream.indirect.scatter.add.f32 [tilespmem:s22], [sflag:$0x3], $0x80, s25, s20, $0xb8;
	[tilespmem:$0x1BA80] =	vst v63  }
0x6f: {  	_ =	swait.ge [sflag:s19], $0x4000  }
0x70: {  	[sflag:s19] =	ssyncset.done $0x0  }
.Ltmp1:
0x71: {  	s30 =	sadd.s32 s30, s16;
	[sflag:s19] =	ssyncadd.s32 $0xFFFFC000;
	(pc) =	sbr.rel @p1 .LBB2_4-.Ltmp1, $4  }
0x72: {  	[tilespmem:s21], [sflag:$0x3] =	stream.linear.gather [hbm4b:s30+s5], $0x100, $0x38;
	[tilespmem:$0x1BA80] =	vst v63  }
0x73: {  	_ =	swait.ge [sflag:s19], $0x100  }
0x74: {  	[sflag:s19] =	ssyncset.done $0x0  }
0x75: {  	s29 =	sadd.s32 $0x100, s29;
	[sflag:s19] =	ssyncadd.s32 $0xFFFFFF00  }
0x76: {  	[tilespmem:s22], [sflag:$0x2] =	stream.indirect.gather [hbm4b:s0+s20], $0x80, s21, s20, $0xb8;
	[tilespmem:$0x1BA80] =	vst v63  }
0x77: {  	_ =	swait.ge [sflag:s23], $0x4000  }
0x78: {  	[sflag:s23] =	ssyncset.done $0x0  }
0x79: {  	[sflag:s23] =	ssyncadd.s32 $0xFFFFC000  }
0x7a: {  	[spmem:s4] =	stream.indirect.scatter.add.f32 [tilespmem:s18], [sflag:$0x3], $0x80, s20, s20, $0xb8;
	[tilespmem:$0x1BA80] =	vst v63  }
0x7b: {  	_ =	swait.ge [sflag:s19], $0x4000  }
0x7c: {  	[sflag:s19] =	ssyncset.done $0x0  }
0x7d: {  	[sflag:s19] =	ssyncadd.s32 $0xFFFFC000  }
0x7e: {  	_ =	swait.ge [sflag:s24], $0x4000  }
0x7f: {  	[sflag:s24] =	ssyncset.done $0x0  }
0x80: {  	[sflag:s24] =	ssyncadd.s32 $0xFFFFC000  }
0x81: {  	[spmem:s4] =	stream.indirect.scatter.add.f32 [tilespmem:s22], [sflag:$0x3], $0x80, s25, s20, $0xb8;
	[tilespmem:$0x1BA80] =	vst v63  }
0x82: {  	_ =	swait.ge [sflag:s19], $0x4000  }
0x83: {  	[sflag:s19] =	ssyncset.done $0x0  }
0x84: {  	s28 =	simm.s32 @!p0 $0x0;
	s29 =	simm.s32 @!p0 $0x3;
	[sflag:s19] =	ssyncadd.s32 $0xFFFFC000  }
0x85: {  	[tilespmem:s28], [sflag:$0x3] =	stream.linear.gather @!p0 [hbm4b:s13+s28], $0x100, $0x38;
	[tilespmem:$0x1BA80] =	vst v63  }
0x86: {  	_ =	swait.ge @!p0 [sflag:s29], $0x100  }
0x87: {  	[sflag:s29] =	ssyncset.done @!p0 $0x0  }
0x88: {  	s30 =	simm.s32 @!p0 $0x80;
	s31 =	simm.s32 @!p0 $0x200;
	[sflag:s29] =	ssyncadd.s32 @!p0 $0xFFFFFF00  }
0x89: {  	[tilespmem:s31], [sflag:$0x1] =	stream.indirect.gather @!p0 [hbm4b:s0+s30], $0x80, s28, s30, $0xb8;
	[tilespmem:$0x1BA80] =	vst v63  }
0x8a: {  	s28 =	simm.s32 @!p0 $0x1  }
0x8b: {  	_ =	swait.ge @!p0 [sflag:s28], $0x4000  }
0x8c: {  	[sflag:s28] =	ssyncset.done @!p0 $0x0  }
0x8d: {  	[sflag:s28] =	ssyncadd.s32 @!p0 $0xFFFFC000  }
0x8e: {  	[spmem:s4] =	stream.indirect.scatter.add.f32 @!p0 [tilespmem:s31], [sflag:$0x3], $0x80, s30, s30, $0xb8;
	[tilespmem:$0x1BA80] =	vst v63  }
0x8f: {  	s26 =	sadd.s32 $0x1, s26;
	_ =	swait.ge @!p0 [sflag:s29], $0x4000  }
0x90: {  	p1 =	sne.s32 s26, s15;
	[sflag:s29] =	ssyncset.done @!p0 $0x0  }
0x91: {  	s30 =	sshll.u32 s3, $0x6;
	s31 =	sshrl.u32 s6, $0x3;
	[sflag:s29] =	ssyncadd.s32 @!p0 $0xFFFFC000  }
.Ltmp2:
0x92: {  	s28 =	sor.u32 $0x1C03, s30;
	[bflag:$0x0] =	sbarrier.arrive $0xFFFF;
	(pc) =	sbr.rel @p1 .LBB2_1-.Ltmp2, $4  }
0x93: {  	[hbm:s14], [sflag:s28] =	dma.local [spmem:s31], $0x2800  }
0x94: {  	_ =	swait.ge [sflag:s19], $0x2800  }
0x95: {  	[sflag:s19] =	ssyncset.done $0x0  }
0x96: {  	[sflag:s19] =	ssyncadd.s32 $0xFFFFD800  }
0x97: {  	_ =	sfence.sel $0x180000  }
0x98: {  	[bflag:$0x0] =	sbarrier.arrive $0xFFFF  }
0x99: {  	p0 =	sne.s32 s3, $0x0;
	_ =	strace $0x90000050  }
0x9a: {  	s0 =	sadd.s32 @!p0 $0x100000, s2;
	[bflag:$0x2] =	sbarrier.arrive $0xFFFF  }
0x9b: {  	[sflag:s0] =	ssyncadd.tile.s32 @!p0 $0x1;
	_ =	shalt  }
.Lfunc_end2:
_tile_overlayer_lowered:
.L_overlay_start_2:
0x9c: {  	(tag) =	ssettag $0x2  }
0x9d: {  	s0 =	rddreg [dreg:$0x0];
	s2 =	stileid.u32  }
0x9e: {  	s1 =	rddreg [dreg:$0x1];
	p0 =	sne.s32 s2, $0x0  }
0x9f: {  	s3 =	rddreg [dreg:$0x2];
	[bflag:$0x3] =	sbarrier.arrive $0xFFFF;
	s2 =	simm.s32 @!p0 $0x1C03  }
0xa0: {  	[timem:s3], [sflag:s2] =	dma.local @!p0 [hbm:s0], s1  }
0xa1: {  	s0 =	simm.s32 @!p0 $0x3  }
0xa2: {  	_ =	swait.ge @!p0 [sflag:s0], s1  }
0xa3: {  	s1 =	ssub.s32 @!p0 $0x0, s1;
	[sflag:s0] =	ssyncset.done @!p0 $0x0  }
0xa4: {  	[sflag:s0] =	ssyncadd.s32 @!p0 s1  }
0xa5: {  	[bflag:$0x3] =	sbarrier.arrive $0xFFFF  }
0xa6: {  	_ =	shalt  }

</sc_bundles>
